<compile_context>
chip_gen: v7x
topology: tpu7x:2x2x1
jax: 0.10.2.dev20260603
libtpu: 0.0.44.dev20260713+nightly
codegen_flags: <defaults>
</compile_context>

<pallas_src>
import jax
import jax.numpy as jnp
from jax import lax
from jax.experimental import pallas as pl
from jax.experimental.pallas import tpu as pltpu
from jax.experimental.pallas import tpu_sc as plsc

B = 16384
D = 32
NC = 2
NS = 16
NW = NC * NS
BPW = B // NW
NCHUNK = BPW // 16
K = 8


def _sc_body(uidx_hbm, iidx_hbm, utab_hbm, itab_hbm, out_hbm,
             uvm, ivm, ovm, ubuf, ibuf, usems, isems):
    c = lax.axis_index("c")
    s = lax.axis_index("s")
    wid = s * NC + c
    base = wid * BPW

    pltpu.sync_copy(uidx_hbm.at[pl.ds(base, BPW)], uvm)
    pltpu.sync_copy(iidx_hbm.at[pl.ds(base, BPW)], ivm)

    lanes = lax.iota(jnp.int32, 16)
    rows0 = lanes
    rows1 = lanes + 16

    def issue(u, i, slot):
        uoff = pl.multiple_of((u >> 7) << 7, 128)
        ioff = pl.multiple_of((i >> 7) << 7, 128)
        pltpu.async_copy(utab_hbm.at[:, pl.ds(uoff, 128)],
                         ubuf.at[slot], usems.at[slot])
        pltpu.async_copy(itab_hbm.at[:, pl.ds(ioff, 128)],
                         ibuf.at[slot], isems.at[slot])

    def compute(u, i, slot):
        pltpu.make_async_copy(utab_hbm.at[:, pl.ds(0, 128)],
                              ubuf.at[slot], usems.at[slot]).wait()
        pltpu.make_async_copy(itab_hbm.at[:, pl.ds(0, 128)],
                              ibuf.at[slot], isems.at[slot]).wait()
        slotv = jnp.full((16,), slot, jnp.int32)
        ucol = jnp.full((16,), u & 127, jnp.int32)
        icol = jnp.full((16,), i & 127, jnp.int32)
        u0 = plsc.load_gather(ubuf, [slotv, rows0, ucol])
        u1 = plsc.load_gather(ubuf, [slotv, rows1, ucol])
        i0 = plsc.load_gather(ibuf, [slotv, rows0, icol])
        i1 = plsc.load_gather(ibuf, [slotv, rows1, icol])
        return jnp.sum(u0 * i0 + u1 * i1)

    uvec0 = uvm[pl.ds(0, 16)]
    ivec0 = ivm[pl.ds(0, 16)]
    for k in range(K):
        issue(uvec0[k], ivec0[k], k)

    @pl.loop(0, NCHUNK)
    def _chunk(ci):
        uvec = uvm[pl.ds(ci * 16, 16)]
        ivec = ivm[pl.ds(ci * 16, 16)]
        acc = jnp.zeros((16,), jnp.float32)
        for k in range(16):
            slot = k & (K - 1)
            s_k = compute(uvec[k], ivec[k], slot)
            acc = jnp.where(lanes == k, jnp.full((16,), s_k, jnp.float32),
                            acc)
            if k < 16 - K:
                issue(uvec[k + K], ivec[k + K], slot)
            else:
                @pl.when(ci < NCHUNK - 1)
                def _prefetch_next():
                    nuvec = uvm[pl.ds((ci + 1) * 16, 16)]
                    nivec = ivm[pl.ds((ci + 1) * 16, 16)]
                    issue(nuvec[k + K - 16], nivec[k + K - 16], slot)
        ovm[pl.ds(ci * 16, 16)] = acc

    pltpu.sync_copy(ovm, out_hbm.at[pl.ds(base, BPW)])


@jax.jit
def _score(user_indices, item_indices, user_table_t, item_table_t):
    mesh = plsc.VectorSubcoreMesh(core_axis_name="c", subcore_axis_name="s",
                                  num_cores=NC, num_subcores=NS)
    run = pl.kernel(
        _sc_body,
        out_type=jax.ShapeDtypeStruct((B,), jnp.float32),
        mesh=mesh,
        compiler_params=pltpu.CompilerParams(needs_layout_passes=False),
        scratch_types=[
            pltpu.VMEM((BPW,), jnp.int32),
            pltpu.VMEM((BPW,), jnp.int32),
            pltpu.VMEM((BPW,), jnp.float32),
            pltpu.VMEM((K, D, 128), jnp.float32),
            pltpu.VMEM((K, D, 128), jnp.float32),
            pltpu.SemaphoreType.DMA((K,)),
            pltpu.SemaphoreType.DMA((K,)),
        ],
    )
    return run(user_indices, item_indices, user_table_t, item_table_t)


def kernel(user_indices, item_indices, user_table, item_table):
    return _score(user_indices.astype(jnp.int32),
                  item_indices.astype(jnp.int32),
                  user_table.T, item_table.T)

# --- scband reference (transcript-rebuilt; emitter-appended) ---
"""Pipeline reference for scband-model-51565377356419 (READ-ONLY COPY).

The authoritative reference and input builder live on the scoring server;
editing this copy changes nothing except your own understanding.
"""

import jax, jax.numpy as jnp
import numpy as np

N_USERS = 1000000
N_ITEMS = 1000000
EMBED = 32
BATCH = 16384

def setup_inputs(seed: int = 0) -> dict:
    key = jax.random.key(seed)
    k1, k2, k3, k4 = jax.random.split(key, 4)
    user_indices = jax.random.randint(k1, (BATCH,), 0, N_USERS, dtype=jnp.int64) if jax.config.jax_enable_x64 else jax.random.randint(k1, (BATCH,), 0, N_USERS, dtype=jnp.int32)
    item_indices = jax.random.randint(k2, (BATCH,), 0, N_ITEMS, dtype=jnp.int32)
    user_table = jax.random.normal(k3, (N_USERS, EMBED), dtype=jnp.float32)
    item_table = jax.random.normal(k4, (N_ITEMS, EMBED), dtype=jnp.float32)
    return {
        "user_indices": user_indices,
        "item_indices": item_indices,
        "user_table": user_table,
        "item_table": item_table,
    }

def reference(user_indices, item_indices, user_table, item_table):
    # Embedding lookups (gather)
    user_vectors = jnp.take(user_table, user_indices, axis=0)
    item_vectors = jnp.take(item_table, item_indices, axis=0)
    # Elementwise product + sum along embedding dim (dot-product score)
    score_pred = (user_vectors * item_vectors).sum(axis=-1)
    return score_pred

if __name__ == "__main__":
    import jax
    _d = setup_inputs()
    print(jax.jit(kernel)(*tuple(_d.values())))

</pallas_src>

<mosaic_0001>
#map = affine_map<(d0, d1) -> (0)>
#map1 = affine_map<(d0, d1) -> (0, 0)>
module attributes {stable_mosaic.version = 14 : i64} {
  func.func @_sc_body(%arg0: i32, %arg1: i32, %arg2: memref<16384xi32, #tpu.memory_space<hbm>>, %arg3: memref<16384xi32, #tpu.memory_space<hbm>>, %arg4: memref<32x1000000xf32, #tpu.memory_space<hbm>>, %arg5: memref<32x1000000xf32, #tpu.memory_space<hbm>>, %arg6: memref<16384xf32, #tpu.memory_space<hbm>>, %arg7: memref<512xi32, #tpu.memory_space<vmem>>, %arg8: memref<512xi32, #tpu.memory_space<vmem>>, %arg9: memref<512xf32, #tpu.memory_space<vmem>>, %arg10: memref<8x32x128xf32, #tpu.memory_space<vmem>>, %arg11: memref<8x32x128xf32, #tpu.memory_space<vmem>>, %arg12: memref<8x!tpu.dma_semaphore, #tpu.memory_space<semaphore_mem>>, %arg13: memref<8x!tpu.dma_semaphore, #tpu.memory_space<semaphore_mem>>) attributes {dimension_semantics = [#tpu.dimension_semantics<core_parallel>, #tpu.dimension_semantics<subcore_parallel>], iteration_bounds = array<i64: 2, 16>, scalar_prefetch = 0 : i64, scratch_operands = 7 : i64, tpu.core_type = #tpu.core_type<sc_vector_subcore>, window_params = [{transform_indices = #map}, {transform_indices = #map}, {transform_indices = #map1}, {transform_indices = #map1}, {transform_indices = #map}]} {
    %mul3A = arith.constant 2 : i32
    %mul3A_0 = arith.muli %arg1, %mul3A : i32
    %add3A = arith.addi %mul3A_0, %arg0 : i32
    %mul3A_1 = arith.constant 512 : i32
    %mul3A_2 = arith.muli %add3A, %mul3A_1 : i32
    "tpu.region"() ({
      %run_scoped3A = tpu.sem_alloc : memref<!tpu.dma_semaphore, #tpu.memory_space<semaphore_mem>>
      %dma_start3A_375 = tpu.memref_slice %arg2[%mul3A_2] : memref<16384xi32, #tpu.memory_space<hbm>> -> memref<512xi32, #tpu.memory_space<hbm>>
      %dma_start3A_376 = tpu.memref_slice %arg2[%mul3A_2] : memref<16384xi32, #tpu.memory_space<hbm>> -> memref<512xi32, #tpu.memory_space<hbm>>
      tpu.enqueue_dma source(%dma_start3A_376 : memref<512xi32, #tpu.memory_space<hbm>>) target(%arg7 : memref<512xi32, #tpu.memory_space<vmem>>) target_semaphore(%run_scoped3A : memref<!tpu.dma_semaphore, #tpu.memory_space<semaphore_mem>>)
      %dma_wait3A = tpu.memref_slice %arg2[%mul3A_2] : memref<16384xi32, #tpu.memory_space<hbm>> -> memref<512xi32, #tpu.memory_space<hbm>>
      %dma_wait3A_377 = tpu.memref_slice %arg2[%mul3A_2] : memref<16384xi32, #tpu.memory_space<hbm>> -> memref<512xi32, #tpu.memory_space<hbm>>
      tpu.wait_dma2 semaphore(%run_scoped3A : memref<!tpu.dma_semaphore, #tpu.memory_space<semaphore_mem>>) src(%dma_wait3A_377 : memref<512xi32, #tpu.memory_space<hbm>>) dst(%arg7 : memref<512xi32, #tpu.memory_space<vmem>>)
      tpu.yield
    }) : () -> ()
    "tpu.region"() ({
      %run_scoped3A = tpu.sem_alloc : memref<!tpu.dma_semaphore, #tpu.memory_space<semaphore_mem>>
      %dma_start3A_375 = tpu.memref_slice %arg3[%mul3A_2] : memref<16384xi32, #tpu.memory_space<hbm>> -> memref<512xi32, #tpu.memory_space<hbm>>
      %dma_start3A_376 = tpu.memref_slice %arg3[%mul3A_2] : memref<16384xi32, #tpu.memory_space<hbm>> -> memref<512xi32, #tpu.memory_space<hbm>>
      tpu.enqueue_dma source(%dma_start3A_376 : memref<512xi32, #tpu.memory_space<hbm>>) target(%arg8 : memref<512xi32, #tpu.memory_space<vmem>>) target_semaphore(%run_scoped3A : memref<!tpu.dma_semaphore, #tpu.memory_space<semaphore_mem>>)
      %dma_wait3A = tpu.memref_slice %arg3[%mul3A_2] : memref<16384xi32, #tpu.memory_space<hbm>> -> memref<512xi32, #tpu.memory_space<hbm>>
      %dma_wait3A_377 = tpu.memref_slice %arg3[%mul3A_2] : memref<16384xi32, #tpu.memory_space<hbm>> -> memref<512xi32, #tpu.memory_space<hbm>>
      tpu.wait_dma2 semaphore(%run_scoped3A : memref<!tpu.dma_semaphore, #tpu.memory_space<semaphore_mem>>) src(%dma_wait3A_377 : memref<512xi32, #tpu.memory_space<hbm>>) dst(%arg8 : memref<512xi32, #tpu.memory_space<vmem>>)
      tpu.yield
    }) : () -> ()
    %iota3A = tpu.iota {dimensions = array<i32: 0>} : vector<16xi32>
    %add3A_3 = arith.constant 16 : i32
    %add3A_4 = vector.broadcast %add3A_3 : i32 to vector<16xi32>
    %add3A_5 = arith.addi %iota3A, %add3A_4 : vector<16xi32>
    %get3A = arith.constant 0 : index
    %get3A_6 = tpu.vector_load %arg7[%get3A] {strides = array<i32>} : memref<512xi32, #tpu.memory_space<vmem>>, vector<16xi32>,
    %get3A_7 = arith.constant 0 : index
    %get3A_8 = tpu.vector_load %arg8[%get3A_7] {strides = array<i32>} : memref<512xi32, #tpu.memory_space<vmem>>, vector<16xi32>,
    %slice3A = vector.extract_strided_slice %get3A_6 {offsets = [0], sizes = [1], strides = [1]} : vector<16xi32> to vector<1xi32>
    %squeeze3A = vector.extract %slice3A[0] : i32 from vector<1xi32>
    %slice3A_9 = vector.extract_strided_slice %get3A_8 {offsets = [0], sizes = [1], strides = [1]} : vector<16xi32> to vector<1xi32>
    %squeeze3A_10 = vector.extract %slice3A_9[0] : i32 from vector<1xi32>
    %shift_right_arithmetic3A = arith.constant 7 : i32
    %shift_right_arithmetic3A_11 = arith.shrsi %squeeze3A, %shift_right_arithmetic3A : i32
    %shift_left3A = arith.constant 7 : i32
    %shift_left3A_12 = arith.shli %shift_right_arithmetic3A_11, %shift_left3A : i32
    %multiple_of3A = tpu.assume_multiple %shift_left3A_12, 128 : i32
    %shift_right_arithmetic3A_13 = arith.constant 7 : i32
    %shift_right_arithmetic3A_14 = arith.shrsi %squeeze3A_10, %shift_right_arithmetic3A_13 : i32
    %shift_left3A_15 = arith.constant 7 : i32
    %shift_left3A_16 = arith.shli %shift_right_arithmetic3A_14, %shift_left3A_15 : i32
    %multiple_of3A_17 = tpu.assume_multiple %shift_left3A_16, 128 : i32
    %dma_start3A = arith.constant 0 : i32
    %dma_start3A_18 = arith.constant 0 : i32
    %dma_start3A_19 = arith.constant 0 : i32
    %dma_start3A_20 = arith.constant 0 : i32
    %dma_start3A_21 = tpu.memref_slice %arg10[%dma_start3A, %dma_start3A_19, %dma_start3A_20] : memref<8x32x128xf32, #tpu.memory_space<vmem>> -> memref<1x32x128xf32, #tpu.memory_space<vmem>>
    %dma_start3A_22 = tpu.memref_squeeze %dma_start3A_21 : memref<1x32x128xf32, #tpu.memory_space<vmem>> -> memref<32x128xf32, #tpu.memory_space<vmem>>
    %dma_start3A_23 = arith.constant 0 : i32
    %dma_start3A_24 = tpu.memref_slice %arg4[%dma_start3A_23, %multiple_of3A] : memref<32x1000000xf32, #tpu.memory_space<hbm>> -> memref<32x128xf32, #tpu.memory_space<hbm>>
    %dma_start3A_25 = tpu.memref_slice %arg12[%dma_start3A_18] : memref<8x!tpu.dma_semaphore, #tpu.memory_space<semaphore_mem>> -> memref<1x!tpu.dma_semaphore, #tpu.memory_space<semaphore_mem>>
    %dma_start3A_26 = tpu.memref_squeeze %dma_start3A_25 : memref<1x!tpu.dma_semaphore, #tpu.memory_space<semaphore_mem>> -> memref<!tpu.dma_semaphore, #tpu.memory_space<semaphore_mem>>
    %dma_start3A_27 = arith.constant 0 : i32
    %dma_start3A_28 = arith.constant 0 : i32
    %dma_start3A_29 = tpu.memref_slice %arg10[%dma_start3A, %dma_start3A_27, %dma_start3A_28] : memref<8x32x128xf32, #tpu.memory_space<vmem>> -> memref<1x32x128xf32, #tpu.memory_space<vmem>>
    %dma_start3A_30 = tpu.memref_squeeze %dma_start3A_29 : memref<1x32x128xf32, #tpu.memory_space<vmem>> -> memref<32x128xf32, #tpu.memory_space<vmem>>
    %dma_start3A_31 = arith.constant 0 : i32
    %dma_start3A_32 = tpu.memref_slice %arg4[%dma_start3A_31, %multiple_of3A] : memref<32x1000000xf32, #tpu.memory_space<hbm>> -> memref<32x128xf32, #tpu.memory_space<hbm>>
    tpu.enqueue_dma source(%dma_start3A_32 : memref<32x128xf32, #tpu.memory_space<hbm>>) target(%dma_start3A_30 : memref<32x128xf32, #tpu.memory_space<vmem>>) target_semaphore(%dma_start3A_26 : memref<!tpu.dma_semaphore, #tpu.memory_space<semaphore_mem>>)
    %dma_start3A_33 = arith.constant 0 : i32
    %dma_start3A_34 = arith.constant 0 : i32
    %dma_start3A_35 = arith.constant 0 : i32
    %dma_start3A_36 = arith.constant 0 : i32
    %dma_start3A_37 = tpu.memref_slice %arg11[%dma_start3A_33, %dma_start3A_35, %dma_start3A_36] : memref<8x32x128xf32, #tpu.memory_space<vmem>> -> memref<1x32x128xf32, #tpu.memory_space<vmem>>
    %dma_start3A_38 = tpu.memref_squeeze %dma_start3A_37 : memref<1x32x128xf32, #tpu.memory_space<vmem>> -> memref<32x128xf32, #tpu.memory_space<vmem>>
    %dma_start3A_39 = arith.constant 0 : i32
    %dma_start3A_40 = tpu.memref_slice %arg5[%dma_start3A_39, %multiple_of3A_17] : memref<32x1000000xf32, #tpu.memory_space<hbm>> -> memref<32x128xf32, #tpu.memory_space<hbm>>
    %dma_start3A_41 = tpu.memref_slice %arg13[%dma_start3A_34] : memref<8x!tpu.dma_semaphore, #tpu.memory_space<semaphore_mem>> -> memref<1x!tpu.dma_semaphore, #tpu.memory_space<semaphore_mem>>
    %dma_start3A_42 = tpu.memref_squeeze %dma_start3A_41 : memref<1x!tpu.dma_semaphore, #tpu.memory_space<semaphore_mem>> -> memref<!tpu.dma_semaphore, #tpu.memory_space<semaphore_mem>>
    %dma_start3A_43 = arith.constant 0 : i32
    %dma_start3A_44 = arith.constant 0 : i32
    %dma_start3A_45 = tpu.memref_slice %arg11[%dma_start3A_33, %dma_start3A_43, %dma_start3A_44] : memref<8x32x128xf32, #tpu.memory_space<vmem>> -> memref<1x32x128xf32, #tpu.memory_space<vmem>>
    %dma_start3A_46 = tpu.memref_squeeze %dma_start3A_45 : memref<1x32x128xf32, #tpu.memory_space<vmem>> -> memref<32x128xf32, #tpu.memory_space<vmem>>
    %dma_start3A_47 = arith.constant 0 : i32
    %dma_start3A_48 = tpu.memref_slice %arg5[%dma_start3A_47, %multiple_of3A_17] : memref<32x1000000xf32, #tpu.memory_space<hbm>> -> memref<32x128xf32, #tpu.memory_space<hbm>>
    tpu.enqueue_dma source(%dma_start3A_48 : memref<32x128xf32, #tpu.memory_space<hbm>>) target(%dma_start3A_46 : memref<32x128xf32, #tpu.memory_space<vmem>>) target_semaphore(%dma_start3A_42 : memref<!tpu.dma_semaphore, #tpu.memory_space<semaphore_mem>>)
    %slice3A_49 = vector.extract_strided_slice %get3A_6 {offsets = [1], sizes = [1], strides = [1]} : vector<16xi32> to vector<1xi32>
    %squeeze3A_50 = vector.extract %slice3A_49[0] : i32 from vector<1xi32>
    %slice3A_51 = vector.extract_strided_slice %get3A_8 {offsets = [1], sizes = [1], strides = [1]} : vector<16xi32> to vector<1xi32>
    %squeeze3A_52 = vector.extract %slice3A_51[0] : i32 from vector<1xi32>
    %shift_right_arithmetic3A_53 = arith.constant 7 : i32
    %shift_right_arithmetic3A_54 = arith.shrsi %squeeze3A_50, %shift_right_arithmetic3A_53 : i32
    %shift_left3A_55 = arith.constant 7 : i32
    %shift_left3A_56 = arith.shli %shift_right_arithmetic3A_54, %shift_left3A_55 : i32
    %multiple_of3A_57 = tpu.assume_multiple %shift_left3A_56, 128 : i32
    %shift_right_arithmetic3A_58 = arith.constant 7 : i32
    %shift_right_arithmetic3A_59 = arith.shrsi %squeeze3A_52, %shift_right_arithmetic3A_58 : i32
    %shift_left3A_60 = arith.constant 7 : i32
    %shift_left3A_61 = arith.shli %shift_right_arithmetic3A_59, %shift_left3A_60 : i32
    %multiple_of3A_62 = tpu.assume_multiple %shift_left3A_61, 128 : i32
    %dma_start3A_63 = arith.constant 1 : i32
    %dma_start3A_64 = arith.constant 1 : i32
    %dma_start3A_65 = arith.constant 0 : i32
    %dma_start3A_66 = arith.constant 0 : i32
    %dma_start3A_67 = tpu.memref_slice %arg10[%dma_start3A_63, %dma_start3A_65, %dma_start3A_66] : memref<8x32x128xf32, #tpu.memory_space<vmem>> -> memref<1x32x128xf32, #tpu.memory_space<vmem>>
    %dma_start3A_68 = tpu.memref_squeeze %dma_start3A_67 : memref<1x32x128xf32, #tpu.memory_space<vmem>> -> memref<32x128xf32, #tpu.memory_space<vmem>>
    %dma_start3A_69 = arith.constant 0 : i32
    %dma_start3A_70 = tpu.memref_slice %arg4[%dma_start3A_69, %multiple_of3A_57] : memref<32x1000000xf32, #tpu.memory_space<hbm>> -> memref<32x128xf32, #tpu.memory_space<hbm>>
    %dma_start3A_71 = tpu.memref_slice %arg12[%dma_start3A_64] : memref<8x!tpu.dma_semaphore, #tpu.memory_space<semaphore_mem>> -> memref<1x!tpu.dma_semaphore, #tpu.memory_space<semaphore_mem>>
    %dma_start3A_72 = tpu.memref_squeeze %dma_start3A_71 : memref<1x!tpu.dma_semaphore, #tpu.memory_space<semaphore_mem>> -> memref<!tpu.dma_semaphore, #tpu.memory_space<semaphore_mem>>
    %dma_start3A_73 = arith.constant 0 : i32
    %dma_start3A_74 = arith.constant 0 : i32
    %dma_start3A_75 = tpu.memref_slice %arg10[%dma_start3A_63, %dma_start3A_73, %dma_start3A_74] : memref<8x32x128xf32, #tpu.memory_space<vmem>> -> memref<1x32x128xf32, #tpu.memory_space<vmem>>
    %dma_start3A_76 = tpu.memref_squeeze %dma_start3A_75 : memref<1x32x128xf32, #tpu.memory_space<vmem>> -> memref<32x128xf32, #tpu.memory_space<vmem>>
    %dma_start3A_77 = arith.constant 0 : i32
    %dma_start3A_78 = tpu.memref_slice %arg4[%dma_start3A_77, %multiple_of3A_57] : memref<32x1000000xf32, #tpu.memory_space<hbm>> -> memref<32x128xf32, #tpu.memory_space<hbm>>
    tpu.enqueue_dma source(%dma_start3A_78 : memref<32x128xf32, #tpu.memory_space<hbm>>) target(%dma_start3A_76 : memref<32x128xf32, #tpu.memory_space<vmem>>) target_semaphore(%dma_start3A_72 : memref<!tpu.dma_semaphore, #tpu.memory_space<semaphore_mem>>)
    %dma_start3A_79 = arith.constant 1 : i32
    %dma_start3A_80 = arith.constant 1 : i32
    %dma_start3A_81 = arith.constant 0 : i32
    %dma_start3A_82 = arith.constant 0 : i32
    %dma_start3A_83 = tpu.memref_slice %arg11[%dma_start3A_79, %dma_start3A_81, %dma_start3A_82] : memref<8x32x128xf32, #tpu.memory_space<vmem>> -> memref<1x32x128xf32, #tpu.memory_space<vmem>>
    %dma_start3A_84 = tpu.memref_squeeze %dma_start3A_83 : memref<1x32x128xf32, #tpu.memory_space<vmem>> -> memref<32x128xf32, #tpu.memory_space<vmem>>
    %dma_start3A_85 = arith.constant 0 : i32
    %dma_start3A_86 = tpu.memref_slice %arg5[%dma_start3A_85, %multiple_of3A_62] : memref<32x1000000xf32, #tpu.memory_space<hbm>> -> memref<32x128xf32, #tpu.memory_space<hbm>>
    %dma_start3A_87 = tpu.memref_slice %arg13[%dma_start3A_80] : memref<8x!tpu.dma_semaphore, #tpu.memory_space<semaphore_mem>> -> memref<1x!tpu.dma_semaphore, #tpu.memory_space<semaphore_mem>>
    %dma_start3A_88 = tpu.memref_squeeze %dma_start3A_87 : memref<1x!tpu.dma_semaphore, #tpu.memory_space<semaphore_mem>> -> memref<!tpu.dma_semaphore, #tpu.memory_space<semaphore_mem>>
    %dma_start3A_89 = arith.constant 0 : i32
    %dma_start3A_90 = arith.constant 0 : i32
    %dma_start3A_91 = tpu.memref_slice %arg11[%dma_start3A_79, %dma_start3A_89, %dma_start3A_90] : memref<8x32x128xf32, #tpu.memory_space<vmem>> -> memref<1x32x128xf32, #tpu.memory_space<vmem>>
    %dma_start3A_92 = tpu.memref_squeeze %dma_start3A_91 : memref<1x32x128xf32, #tpu.memory_space<vmem>> -> memref<32x128xf32, #tpu.memory_space<vmem>>
    %dma_start3A_93 = arith.constant 0 : i32
    %dma_start3A_94 = tpu.memref_slice %arg5[%dma_start3A_93, %multiple_of3A_62] : memref<32x1000000xf32, #tpu.memory_space<hbm>> -> memref<32x128xf32, #tpu.memory_space<hbm>>
    tpu.enqueue_dma source(%dma_start3A_94 : memref<32x128xf32, #tpu.memory_space<hbm>>) target(%dma_start3A_92 : memref<32x128xf32, #tpu.memory_space<vmem>>) target_semaphore(%dma_start3A_88 : memref<!tpu.dma_semaphore, #tpu.memory_space<semaphore_mem>>)
    %slice3A_95 = vector.extract_strided_slice %get3A_6 {offsets = [2], sizes = [1], strides = [1]} : vector<16xi32> to vector<1xi32>
    %squeeze3A_96 = vector.extract %slice3A_95[0] : i32 from vector<1xi32>
    %slice3A_97 = vector.extract_strided_slice %get3A_8 {offsets = [2], sizes = [1], strides = [1]} : vector<16xi32> to vector<1xi32>
    %squeeze3A_98 = vector.extract %slice3A_97[0] : i32 from vector<1xi32>
    %shift_right_arithmetic3A_99 = arith.constant 7 : i32
    %shift_right_arithmetic3A_100 = arith.shrsi %squeeze3A_96, %shift_right_arithmetic3A_99 : i32
    %shift_left3A_101 = arith.constant 7 : i32
    %shift_left3A_102 = arith.shli %shift_right_arithmetic3A_100, %shift_left3A_101 : i32
    %multiple_of3A_103 = tpu.assume_multiple %shift_left3A_102, 128 : i32
    %shift_right_arithmetic3A_104 = arith.constant 7 : i32
    %shift_right_arithmetic3A_105 = arith.shrsi %squeeze3A_98, %shift_right_arithmetic3A_104 : i32
    %shift_left3A_106 = arith.constant 7 : i32
    %shift_left3A_107 = arith.shli %shift_right_arithmetic3A_105, %shift_left3A_106 : i32
    %multiple_of3A_108 = tpu.assume_multiple %shift_left3A_107, 128 : i32
    %dma_start3A_109 = arith.constant 2 : i32
    %dma_start3A_110 = arith.constant 2 : i32
    %dma_start3A_111 = arith.constant 0 : i32
    %dma_start3A_112 = arith.constant 0 : i32
    %dma_start3A_113 = tpu.memref_slice %arg10[%dma_start3A_109, %dma_start3A_111, %dma_start3A_112] : memref<8x32x128xf32, #tpu.memory_space<vmem>> -> memref<1x32x128xf32, #tpu.memory_space<vmem>>
    %dma_start3A_114 = tpu.memref_squeeze %dma_start3A_113 : memref<1x32x128xf32, #tpu.memory_space<vmem>> -> memref<32x128xf32, #tpu.memory_space<vmem>>
    %dma_start3A_115 = arith.constant 0 : i32
    %dma_start3A_116 = tpu.memref_slice %arg4[%dma_start3A_115, %multiple_of3A_103] : memref<32x1000000xf32, #tpu.memory_space<hbm>> -> memref<32x128xf32, #tpu.memory_space<hbm>>
    %dma_start3A_117 = tpu.memref_slice %arg12[%dma_start3A_110] : memref<8x!tpu.dma_semaphore, #tpu.memory_space<semaphore_mem>> -> memref<1x!tpu.dma_semaphore, #tpu.memory_space<semaphore_mem>>
    %dma_start3A_118 = tpu.memref_squeeze %dma_start3A_117 : memref<1x!tpu.dma_semaphore, #tpu.memory_space<semaphore_mem>> -> memref<!tpu.dma_semaphore, #tpu.memory_space<semaphore_mem>>
    %dma_start3A_119 = arith.constant 0 : i32
    %dma_start3A_120 = arith.constant 0 : i32
    %dma_start3A_121 = tpu.memref_slice %arg10[%dma_start3A_109, %dma_start3A_119, %dma_start3A_120] : memref<8x32x128xf32, #tpu.memory_space<vmem>> -> memref<1x32x128xf32, #tpu.memory_space<vmem>>
    %dma_start3A_122 = tpu.memref_squeeze %dma_start3A_121 : memref<1x32x128xf32, #tpu.memory_space<vmem>> -> memref<32x128xf32, #tpu.memory_space<vmem>>
    %dma_start3A_123 = arith.constant 0 : i32
    %dma_start3A_124 = tpu.memref_slice %arg4[%dma_start3A_123, %multiple_of3A_103] : memref<32x1000000xf32, #tpu.memory_space<hbm>> -> memref<32x128xf32, #tpu.memory_space<hbm>>
    tpu.enqueue_dma source(%dma_start3A_124 : memref<32x128xf32, #tpu.memory_space<hbm>>) target(%dma_start3A_122 : memref<32x128xf32, #tpu.memory_space<vmem>>) target_semaphore(%dma_start3A_118 : memref<!tpu.dma_semaphore, #tpu.memory_space<semaphore_mem>>)
    %dma_start3A_125 = arith.constant 2 : i32
    %dma_start3A_126 = arith.constant 2 : i32
    %dma_start3A_127 = arith.constant 0 : i32
    %dma_start3A_128 = arith.constant 0 : i32
    %dma_start3A_129 = tpu.memref_slice %arg11[%dma_start3A_125, %dma_start3A_127, %dma_start3A_128] : memref<8x32x128xf32, #tpu.memory_space<vmem>> -> memref<1x32x128xf32, #tpu.memory_space<vmem>>
    %dma_start3A_130 = tpu.memref_squeeze %dma_start3A_129 : memref<1x32x128xf32, #tpu.memory_space<vmem>> -> memref<32x128xf32, #tpu.memory_space<vmem>>
    %dma_start3A_131 = arith.constant 0 : i32
    %dma_start3A_132 = tpu.memref_slice %arg5[%dma_start3A_131, %multiple_of3A_108] : memref<32x1000000xf32, #tpu.memory_space<hbm>> -> memref<32x128xf32, #tpu.memory_space<hbm>>
    %dma_start3A_133 = tpu.memref_slice %arg13[%dma_start3A_126] : memref<8x!tpu.dma_semaphore, #tpu.memory_space<semaphore_mem>> -> memref<1x!tpu.dma_semaphore, #tpu.memory_space<semaphore_mem>>
    %dma_start3A_134 = tpu.memref_squeeze %dma_start3A_133 : memref<1x!tpu.dma_semaphore, #tpu.memory_space<semaphore_mem>> -> memref<!tpu.dma_semaphore, #tpu.memory_space<semaphore_mem>>
    %dma_start3A_135 = arith.constant 0 : i32
    %dma_start3A_136 = arith.constant 0 : i32
    %dma_start3A_137 = tpu.memref_slice %arg11[%dma_start3A_125, %dma_start3A_135, %dma_start3A_136] : memref<8x32x128xf32, #tpu.memory_space<vmem>> -> memref<1x32x128xf32, #tpu.memory_space<vmem>>
    %dma_start3A_138 = tpu.memref_squeeze %dma_start3A_137 : memref<1x32x128xf32, #tpu.memory_space<vmem>> -> memref<32x128xf32, #tpu.memory_space<vmem>>
    %dma_start3A_139 = arith.constant 0 : i32
    %dma_start3A_140 = tpu.memref_slice %arg5[%dma_start3A_139, %multiple_of3A_108] : memref<32x1000000xf32, #tpu.memory_space<hbm>> -> memref<32x128xf32, #tpu.memory_space<hbm>>
    tpu.enqueue_dma source(%dma_start3A_140 : memref<32x128xf32, #tpu.memory_space<hbm>>) target(%dma_start3A_138 : memref<32x128xf32, #tpu.memory_space<vmem>>) target_semaphore(%dma_start3A_134 : memref<!tpu.dma_semaphore, #tpu.memory_space<semaphore_mem>>)
    %slice3A_141 = vector.extract_strided_slice %get3A_6 {offsets = [3], sizes = [1], strides = [1]} : vector<16xi32> to vector<1xi32>
    %squeeze3A_142 = vector.extract %slice3A_141[0] : i32 from vector<1xi32>
    %slice3A_143 = vector.extract_strided_slice %get3A_8 {offsets = [3], sizes = [1], strides = [1]} : vector<16xi32> to vector<1xi32>
    %squeeze3A_144 = vector.extract %slice3A_143[0] : i32 from vector<1xi32>
    %shift_right_arithmetic3A_145 = arith.constant 7 : i32
    %shift_right_arithmetic3A_146 = arith.shrsi %squeeze3A_142, %shift_right_arithmetic3A_145 : i32
    %shift_left3A_147 = arith.constant 7 : i32
    %shift_left3A_148 = arith.shli %shift_right_arithmetic3A_146, %shift_left3A_147 : i32
    %multiple_of3A_149 = tpu.assume_multiple %shift_left3A_148, 128 : i32
    %shift_right_arithmetic3A_150 = arith.constant 7 : i32
    %shift_right_arithmetic3A_151 = arith.shrsi %squeeze3A_144, %shift_right_arithmetic3A_150 : i32
    %shift_left3A_152 = arith.constant 7 : i32
    %shift_left3A_153 = arith.shli %shift_right_arithmetic3A_151, %shift_left3A_152 : i32
    %multiple_of3A_154 = tpu.assume_multiple %shift_left3A_153, 128 : i32
    %dma_start3A_155 = arith.constant 3 : i32
    %dma_start3A_156 = arith.constant 3 : i32
    %dma_start3A_157 = arith.constant 0 : i32
    %dma_start3A_158 = arith.constant 0 : i32
    %dma_start3A_159 = tpu.memref_slice %arg10[%dma_start3A_155, %dma_start3A_157, %dma_start3A_158] : memref<8x32x128xf32, #tpu.memory_space<vmem>> -> memref<1x32x128xf32, #tpu.memory_space<vmem>>
    %dma_start3A_160 = tpu.memref_squeeze %dma_start3A_159 : memref<1x32x128xf32, #tpu.memory_space<vmem>> -> memref<32x128xf32, #tpu.memory_space<vmem>>
    %dma_start3A_161 = arith.constant 0 : i32
    %dma_start3A_162 = tpu.memref_slice %arg4[%dma_start3A_161, %multiple_of3A_149] : memref<32x1000000xf32, #tpu.memory_space<hbm>> -> memref<32x128xf32, #tpu.memory_space<hbm>>
    %dma_start3A_163 = tpu.memref_slice %arg12[%dma_start3A_156] : memref<8x!tpu.dma_semaphore, #tpu.memory_space<semaphore_mem>> -> memref<1x!tpu.dma_semaphore, #tpu.memory_space<semaphore_mem>>
    %dma_start3A_164 = tpu.memref_squeeze %dma_start3A_163 : memref<1x!tpu.dma_semaphore, #tpu.memory_space<semaphore_mem>> -> memref<!tpu.dma_semaphore, #tpu.memory_space<semaphore_mem>>
    %dma_start3A_165 = arith.constant 0 : i32
    %dma_start3A_166 = arith.constant 0 : i32
    %dma_start3A_167 = tpu.memref_slice %arg10[%dma_start3A_155, %dma_start3A_165, %dma_start3A_166] : memref<8x32x128xf32, #tpu.memory_space<vmem>> -> memref<1x32x128xf32, #tpu.memory_space<vmem>>
    %dma_start3A_168 = tpu.memref_squeeze %dma_start3A_167 : memref<1x32x128xf32, #tpu.memory_space<vmem>> -> memref<32x128xf32, #tpu.memory_space<vmem>>
    %dma_start3A_169 = arith.constant 0 : i32
    %dma_start3A_170 = tpu.memref_slice %arg4[%dma_start3A_169, %multiple_of3A_149] : memref<32x1000000xf32, #tpu.memory_space<hbm>> -> memref<32x128xf32, #tpu.memory_space<hbm>>
    tpu.enqueue_dma source(%dma_start3A_170 : memref<32x128xf32, #tpu.memory_space<hbm>>) target(%dma_start3A_168 : memref<32x128xf32, #tpu.memory_space<vmem>>) target_semaphore(%dma_start3A_164 : memref<!tpu.dma_semaphore, #tpu.memory_space<semaphore_mem>>)
    %dma_start3A_171 = arith.constant 3 : i32
    %dma_start3A_172 = arith.constant 3 : i32
    %dma_start3A_173 = arith.constant 0 : i32
    %dma_start3A_174 = arith.constant 0 : i32
    %dma_start3A_175 = tpu.memref_slice %arg11[%dma_start3A_171, %dma_start3A_173, %dma_start3A_174] : memref<8x32x128xf32, #tpu.memory_space<vmem>> -> memref<1x32x128xf32, #tpu.memory_space<vmem>>
    %dma_start3A_176 = tpu.memref_squeeze %dma_start3A_175 : memref<1x32x128xf32, #tpu.memory_space<vmem>> -> memref<32x128xf32, #tpu.memory_space<vmem>>
    %dma_start3A_177 = arith.constant 0 : i32
    %dma_start3A_178 = tpu.memref_slice %arg5[%dma_start3A_177, %multiple_of3A_154] : memref<32x1000000xf32, #tpu.memory_space<hbm>> -> memref<32x128xf32, #tpu.memory_space<hbm>>
    %dma_start3A_179 = tpu.memref_slice %arg13[%dma_start3A_172] : memref<8x!tpu.dma_semaphore, #tpu.memory_space<semaphore_mem>> -> memref<1x!tpu.dma_semaphore, #tpu.memory_space<semaphore_mem>>
    %dma_start3A_180 = tpu.memref_squeeze %dma_start3A_179 : memref<1x!tpu.dma_semaphore, #tpu.memory_space<semaphore_mem>> -> memref<!tpu.dma_semaphore, #tpu.memory_space<semaphore_mem>>
    %dma_start3A_181 = arith.constant 0 : i32
    %dma_start3A_182 = arith.constant 0 : i32
    %dma_start3A_183 = tpu.memref_slice %arg11[%dma_start3A_171, %dma_start3A_181, %dma_start3A_182] : memref<8x32x128xf32, #tpu.memory_space<vmem>> -> memref<1x32x128xf32, #tpu.memory_space<vmem>>
    %dma_start3A_184 = tpu.memref_squeeze %dma_start3A_183 : memref<1x32x128xf32, #tpu.memory_space<vmem>> -> memref<32x128xf32, #tpu.memory_space<vmem>>
    %dma_start3A_185 = arith.constant 0 : i32
    %dma_start3A_186 = tpu.memref_slice %arg5[%dma_start3A_185, %multiple_of3A_154] : memref<32x1000000xf32, #tpu.memory_space<hbm>> -> memref<32x128xf32, #tpu.memory_space<hbm>>
    tpu.enqueue_dma source(%dma_start3A_186 : memref<32x128xf32, #tpu.memory_space<hbm>>) target(%dma_start3A_184 : memref<32x128xf32, #tpu.memory_space<vmem>>) target_semaphore(%dma_start3A_180 : memref<!tpu.dma_semaphore, #tpu.memory_space<semaphore_mem>>)
    %slice3A_187 = vector.extract_strided_slice %get3A_6 {offsets = [4], sizes = [1], strides = [1]} : vector<16xi32> to vector<1xi32>
    %squeeze3A_188 = vector.extract %slice3A_187[0] : i32 from vector<1xi32>
    %slice3A_189 = vector.extract_strided_slice %get3A_8 {offsets = [4], sizes = [1], strides = [1]} : vector<16xi32> to vector<1xi32>
    %squeeze3A_190 = vector.extract %slice3A_189[0] : i32 from vector<1xi32>
    %shift_right_arithmetic3A_191 = arith.constant 7 : i32
    %shift_right_arithmetic3A_192 = arith.shrsi %squeeze3A_188, %shift_right_arithmetic3A_191 : i32
    %shift_left3A_193 = arith.constant 7 : i32
    %shift_left3A_194 = arith.shli %shift_right_arithmetic3A_192, %shift_left3A_193 : i32
    %multiple_of3A_195 = tpu.assume_multiple %shift_left3A_194, 128 : i32
    %shift_right_arithmetic3A_196 = arith.constant 7 : i32
    %shift_right_arithmetic3A_197 = arith.shrsi %squeeze3A_190, %shift_right_arithmetic3A_196 : i32
    %shift_left3A_198 = arith.constant 7 : i32
    %shift_left3A_199 = arith.shli %shift_right_arithmetic3A_197, %shift_left3A_198 : i32
    %multiple_of3A_200 = tpu.assume_multiple %shift_left3A_199, 128 : i32
    %dma_start3A_201 = arith.constant 4 : i32
    %dma_start3A_202 = arith.constant 4 : i32
    %dma_start3A_203 = arith.constant 0 : i32
    %dma_start3A_204 = arith.constant 0 : i32
    %dma_start3A_205 = tpu.memref_slice %arg10[%dma_start3A_201, %dma_start3A_203, %dma_start3A_204] : memref<8x32x128xf32, #tpu.memory_space<vmem>> -> memref<1x32x128xf32, #tpu.memory_space<vmem>>
    %dma_start3A_206 = tpu.memref_squeeze %dma_start3A_205 : memref<1x32x128xf32, #tpu.memory_space<vmem>> -> memref<32x128xf32, #tpu.memory_space<vmem>>
    %dma_start3A_207 = arith.constant 0 : i32
    %dma_start3A_208 = tpu.memref_slice %arg4[%dma_start3A_207, %multiple_of3A_195] : memref<32x1000000xf32, #tpu.memory_space<hbm>> -> memref<32x128xf32, #tpu.memory_space<hbm>>
    %dma_start3A_209 = tpu.memref_slice %arg12[%dma_start3A_202] : memref<8x!tpu.dma_semaphore, #tpu.memory_space<semaphore_mem>> -> memref<1x!tpu.dma_semaphore, #tpu.memory_space<semaphore_mem>>
    %dma_start3A_210 = tpu.memref_squeeze %dma_start3A_209 : memref<1x!tpu.dma_semaphore, #tpu.memory_space<semaphore_mem>> -> memref<!tpu.dma_semaphore, #tpu.memory_space<semaphore_mem>>
    %dma_start3A_211 = arith.constant 0 : i32
    %dma_start3A_212 = arith.constant 0 : i32
    %dma_start3A_213 = tpu.memref_slice %arg10[%dma_start3A_201, %dma_start3A_211, %dma_start3A_212] : memref<8x32x128xf32, #tpu.memory_space<vmem>> -> memref<1x32x128xf32, #tpu.memory_space<vmem>>
    %dma_start3A_214 = tpu.memref_squeeze %dma_start3A_213 : memref<1x32x128xf32, #tpu.memory_space<vmem>> -> memref<32x128xf32, #tpu.memory_space<vmem>>
    %dma_start3A_215 = arith.constant 0 : i32
    %dma_start3A_216 = tpu.memref_slice %arg4[%dma_start3A_215, %multiple_of3A_195] : memref<32x1000000xf32, #tpu.memory_space<hbm>> -> memref<32x128xf32, #tpu.memory_space<hbm>>
    tpu.enqueue_dma source(%dma_start3A_216 : memref<32x128xf32, #tpu.memory_space<hbm>>) target(%dma_start3A_214 : memref<32x128xf32, #tpu.memory_space<vmem>>) target_semaphore(%dma_start3A_210 : memref<!tpu.dma_semaphore, #tpu.memory_space<semaphore_mem>>)
    %dma_start3A_217 = arith.constant 4 : i32
    %dma_start3A_218 = arith.constant 4 : i32
    %dma_start3A_219 = arith.constant 0 : i32
    %dma_start3A_220 = arith.constant 0 : i32
    %dma_start3A_221 = tpu.memref_slice %arg11[%dma_start3A_217, %dma_start3A_219, %dma_start3A_220] : memref<8x32x128xf32, #tpu.memory_space<vmem>> -> memref<1x32x128xf32, #tpu.memory_space<vmem>>
    %dma_start3A_222 = tpu.memref_squeeze %dma_start3A_221 : memref<1x32x128xf32, #tpu.memory_space<vmem>> -> memref<32x128xf32, #tpu.memory_space<vmem>>
    %dma_start3A_223 = arith.constant 0 : i32
    %dma_start3A_224 = tpu.memref_slice %arg5[%dma_start3A_223, %multiple_of3A_200] : memref<32x1000000xf32, #tpu.memory_space<hbm>> -> memref<32x128xf32, #tpu.memory_space<hbm>>
    %dma_start3A_225 = tpu.memref_slice %arg13[%dma_start3A_218] : memref<8x!tpu.dma_semaphore, #tpu.memory_space<semaphore_mem>> -> memref<1x!tpu.dma_semaphore, #tpu.memory_space<semaphore_mem>>
    %dma_start3A_226 = tpu.memref_squeeze %dma_start3A_225 : memref<1x!tpu.dma_semaphore, #tpu.memory_space<semaphore_mem>> -> memref<!tpu.dma_semaphore, #tpu.memory_space<semaphore_mem>>
    %dma_start3A_227 = arith.constant 0 : i32
    %dma_start3A_228 = arith.constant 0 : i32
    %dma_start3A_229 = tpu.memref_slice %arg11[%dma_start3A_217, %dma_start3A_227, %dma_start3A_228] : memref<8x32x128xf32, #tpu.memory_space<vmem>> -> memref<1x32x128xf32, #tpu.memory_space<vmem>>
    %dma_start3A_230 = tpu.memref_squeeze %dma_start3A_229 : memref<1x32x128xf32, #tpu.memory_space<vmem>> -> memref<32x128xf32, #tpu.memory_space<vmem>>
    %dma_start3A_231 = arith.constant 0 : i32
    %dma_start3A_232 = tpu.memref_slice %arg5[%dma_start3A_231, %multiple_of3A_200] : memref<32x1000000xf32, #tpu.memory_space<hbm>> -> memref<32x128xf32, #tpu.memory_space<hbm>>
    tpu.enqueue_dma source(%dma_start3A_232 : memref<32x128xf32, #tpu.memory_space<hbm>>) target(%dma_start3A_230 : memref<32x128xf32, #tpu.memory_space<vmem>>) target_semaphore(%dma_start3A_226 : memref<!tpu.dma_semaphore, #tpu.memory_space<semaphore_mem>>)
    %slice3A_233 = vector.extract_strided_slice %get3A_6 {offsets = [5], sizes = [1], strides = [1]} : vector<16xi32> to vector<1xi32>
    %squeeze3A_234 = vector.extract %slice3A_233[0] : i32 from vector<1xi32>
    %slice3A_235 = vector.extract_strided_slice %get3A_8 {offsets = [5], sizes = [1], strides = [1]} : vector<16xi32> to vector<1xi32>
    %squeeze3A_236 = vector.extract %slice3A_235[0] : i32 from vector<1xi32>
    %shift_right_arithmetic3A_237 = arith.constant 7 : i32
    %shift_right_arithmetic3A_238 = arith.shrsi %squeeze3A_234, %shift_right_arithmetic3A_237 : i32
    %shift_left3A_239 = arith.constant 7 : i32
    %shift_left3A_240 = arith.shli %shift_right_arithmetic3A_238, %shift_left3A_239 : i32
    %multiple_of3A_241 = tpu.assume_multiple %shift_left3A_240, 128 : i32
    %shift_right_arithmetic3A_242 = arith.constant 7 : i32
    %shift_right_arithmetic3A_243 = arith.shrsi %squeeze3A_236, %shift_right_arithmetic3A_242 : i32
    %shift_left3A_244 = arith.constant 7 : i32
    %shift_left3A_245 = arith.shli %shift_right_arithmetic3A_243, %shift_left3A_244 : i32
    %multiple_of3A_246 = tpu.assume_multiple %shift_left3A_245, 128 : i32
    %dma_start3A_247 = arith.constant 5 : i32
    %dma_start3A_248 = arith.constant 5 : i32
    %dma_start3A_249 = arith.constant 0 : i32
    %dma_start3A_250 = arith.constant 0 : i32
    %dma_start3A_251 = tpu.memref_slice %arg10[%dma_start3A_247, %dma_start3A_249, %dma_start3A_250] : memref<8x32x128xf32, #tpu.memory_space<vmem>> -> memref<1x32x128xf32, #tpu.memory_space<vmem>>
    %dma_start3A_252 = tpu.memref_squeeze %dma_start3A_251 : memref<1x32x128xf32, #tpu.memory_space<vmem>> -> memref<32x128xf32, #tpu.memory_space<vmem>>
    %dma_start3A_253 = arith.constant 0 : i32
    %dma_start3A_254 = tpu.memref_slice %arg4[%dma_start3A_253, %multiple_of3A_241] : memref<32x1000000xf32, #tpu.memory_space<hbm>> -> memref<32x128xf32, #tpu.memory_space<hbm>>
    %dma_start3A_255 = tpu.memref_slice %arg12[%dma_start3A_248] : memref<8x!tpu.dma_semaphore, #tpu.memory_space<semaphore_mem>> -> memref<1x!tpu.dma_semaphore, #tpu.memory_space<semaphore_mem>>
    %dma_start3A_256 = tpu.memref_squeeze %dma_start3A_255 : memref<1x!tpu.dma_semaphore, #tpu.memory_space<semaphore_mem>> -> memref<!tpu.dma_semaphore, #tpu.memory_space<semaphore_mem>>
    %dma_start3A_257 = arith.constant 0 : i32
    %dma_start3A_258 = arith.constant 0 : i32
    %dma_start3A_259 = tpu.memref_slice %arg10[%dma_start3A_247, %dma_start3A_257, %dma_start3A_258] : memref<8x32x128xf32, #tpu.memory_space<vmem>> -> memref<1x32x128xf32, #tpu.memory_space<vmem>>
    %dma_start3A_260 = tpu.memref_squeeze %dma_start3A_259 : memref<1x32x128xf32, #tpu.memory_space<vmem>> -> memref<32x128xf32, #tpu.memory_space<vmem>>
    %dma_start3A_261 = arith.constant 0 : i32
    %dma_start3A_262 = tpu.memref_slice %arg4[%dma_start3A_261, %multiple_of3A_241] : memref<32x1000000xf32, #tpu.memory_space<hbm>> -> memref<32x128xf32, #tpu.memory_space<hbm>>
    tpu.enqueue_dma source(%dma_start3A_262 : memref<32x128xf32, #tpu.memory_space<hbm>>) target(%dma_start3A_260 : memref<32x128xf32, #tpu.memory_space<vmem>>) target_semaphore(%dma_start3A_256 : memref<!tpu.dma_semaphore, #tpu.memory_space<semaphore_mem>>)
    %dma_start3A_263 = arith.constant 5 : i32
    %dma_start3A_264 = arith.constant 5 : i32
    %dma_start3A_265 = arith.constant 0 : i32
    %dma_start3A_266 = arith.constant 0 : i32
    %dma_start3A_267 = tpu.memref_slice %arg11[%dma_start3A_263, %dma_start3A_265, %dma_start3A_266] : memref<8x32x128xf32, #tpu.memory_space<vmem>> -> memref<1x32x128xf32, #tpu.memory_space<vmem>>
    %dma_start3A_268 = tpu.memref_squeeze %dma_start3A_267 : memref<1x32x128xf32, #tpu.memory_space<vmem>> -> memref<32x128xf32, #tpu.memory_space<vmem>>
    %dma_start3A_269 = arith.constant 0 : i32
    %dma_start3A_270 = tpu.memref_slice %arg5[%dma_start3A_269, %multiple_of3A_246] : memref<32x1000000xf32, #tpu.memory_space<hbm>> -> memref<32x128xf32, #tpu.memory_space<hbm>>
    %dma_start3A_271 = tpu.memref_slice %arg13[%dma_start3A_264] : memref<8x!tpu.dma_semaphore, #tpu.memory_space<semaphore_mem>> -> memref<1x!tpu.dma_semaphore, #tpu.memory_space<semaphore_mem>>
    %dma_start3A_272 = tpu.memref_squeeze %dma_start3A_271 : memref<1x!tpu.dma_semaphore, #tpu.memory_space<semaphore_mem>> -> memref<!tpu.dma_semaphore, #tpu.memory_space<semaphore_mem>>
    %dma_start3A_273 = arith.constant 0 : i32
    %dma_start3A_274 = arith.constant 0 : i32
    %dma_start3A_275 = tpu.memref_slice %arg11[%dma_start3A_263, %dma_start3A_273, %dma_start3A_274] : memref<8x32x128xf32, #tpu.memory_space<vmem>> -> memref<1x32x128xf32, #tpu.memory_space<vmem>>
    %dma_start3A_276 = tpu.memref_squeeze %dma_start3A_275 : memref<1x32x128xf32, #tpu.memory_space<vmem>> -> memref<32x128xf32, #tpu.memory_space<vmem>>
    %dma_start3A_277 = arith.constant 0 : i32
    %dma_start3A_278 = tpu.memref_slice %arg5[%dma_start3A_277, %multiple_of3A_246] : memref<32x1000000xf32, #tpu.memory_space<hbm>> -> memref<32x128xf32, #tpu.memory_space<hbm>>
    tpu.enqueue_dma source(%dma_start3A_278 : memref<32x128xf32, #tpu.memory_space<hbm>>) target(%dma_start3A_276 : memref<32x128xf32, #tpu.memory_space<vmem>>) target_semaphore(%dma_start3A_272 : memref<!tpu.dma_semaphore, #tpu.memory_space<semaphore_mem>>)
    %slice3A_279 = vector.extract_strided_slice %get3A_6 {offsets = [6], sizes = [1], strides = [1]} : vector<16xi32> to vector<1xi32>
    %squeeze3A_280 = vector.extract %slice3A_279[0] : i32 from vector<1xi32>
    %slice3A_281 = vector.extract_strided_slice %get3A_8 {offsets = [6], sizes = [1], strides = [1]} : vector<16xi32> to vector<1xi32>
    %squeeze3A_282 = vector.extract %slice3A_281[0] : i32 from vector<1xi32>
    %shift_right_arithmetic3A_283 = arith.constant 7 : i32
    %shift_right_arithmetic3A_284 = arith.shrsi %squeeze3A_280, %shift_right_arithmetic3A_283 : i32
    %shift_left3A_285 = arith.constant 7 : i32
    %shift_left3A_286 = arith.shli %shift_right_arithmetic3A_284, %shift_left3A_285 : i32
    %multiple_of3A_287 = tpu.assume_multiple %shift_left3A_286, 128 : i32
    %shift_right_arithmetic3A_288 = arith.constant 7 : i32
    %shift_right_arithmetic3A_289 = arith.shrsi %squeeze3A_282, %shift_right_arithmetic3A_288 : i32
    %shift_left3A_290 = arith.constant 7 : i32
    %shift_left3A_291 = arith.shli %shift_right_arithmetic3A_289, %shift_left3A_290 : i32
    %multiple_of3A_292 = tpu.assume_multiple %shift_left3A_291, 128 : i32
    %dma_start3A_293 = arith.constant 6 : i32
    %dma_start3A_294 = arith.constant 6 : i32
    %dma_start3A_295 = arith.constant 0 : i32
    %dma_start3A_296 = arith.constant 0 : i32
    %dma_start3A_297 = tpu.memref_slice %arg10[%dma_start3A_293, %dma_start3A_295, %dma_start3A_296] : memref<8x32x128xf32, #tpu.memory_space<vmem>> -> memref<1x32x128xf32, #tpu.memory_space<vmem>>
    %dma_start3A_298 = tpu.memref_squeeze %dma_start3A_297 : memref<1x32x128xf32, #tpu.memory_space<vmem>> -> memref<32x128xf32, #tpu.memory_space<vmem>>
    %dma_start3A_299 = arith.constant 0 : i32
    %dma_start3A_300 = tpu.memref_slice %arg4[%dma_start3A_299, %multiple_of3A_287] : memref<32x1000000xf32, #tpu.memory_space<hbm>> -> memref<32x128xf32, #tpu.memory_space<hbm>>
    %dma_start3A_301 = tpu.memref_slice %arg12[%dma_start3A_294] : memref<8x!tpu.dma_semaphore, #tpu.memory_space<semaphore_mem>> -> memref<1x!tpu.dma_semaphore, #tpu.memory_space<semaphore_mem>>
    %dma_start3A_302 = tpu.memref_squeeze %dma_start3A_301 : memref<1x!tpu.dma_semaphore, #tpu.memory_space<semaphore_mem>> -> memref<!tpu.dma_semaphore, #tpu.memory_space<semaphore_mem>>
    %dma_start3A_303 = arith.constant 0 : i32
    %dma_start3A_304 = arith.constant 0 : i32
    %dma_start3A_305 = tpu.memref_slice %arg10[%dma_start3A_293, %dma_start3A_303, %dma_start3A_304] : memref<8x32x128xf32, #tpu.memory_space<vmem>> -> memref<1x32x128xf32, #tpu.memory_space<vmem>>
    %dma_start3A_306 = tpu.memref_squeeze %dma_start3A_305 : memref<1x32x128xf32, #tpu.memory_space<vmem>> -> memref<32x128xf32, #tpu.memory_space<vmem>>
    %dma_start3A_307 = arith.constant 0 : i32
    %dma_start3A_308 = tpu.memref_slice %arg4[%dma_start3A_307, %multiple_of3A_287] : memref<32x1000000xf32, #tpu.memory_space<hbm>> -> memref<32x128xf32, #tpu.memory_space<hbm>>
    tpu.enqueue_dma source(%dma_start3A_308 : memref<32x128xf32, #tpu.memory_space<hbm>>) target(%dma_start3A_306 : memref<32x128xf32, #tpu.memory_space<vmem>>) target_semaphore(%dma_start3A_302 : memref<!tpu.dma_semaphore, #tpu.memory_space<semaphore_mem>>)
    %dma_start3A_309 = arith.constant 6 : i32
    %dma_start3A_310 = arith.constant 6 : i32
    %dma_start3A_311 = arith.constant 0 : i32
    %dma_start3A_312 = arith.constant 0 : i32
    %dma_start3A_313 = tpu.memref_slice %arg11[%dma_start3A_309, %dma_start3A_311, %dma_start3A_312] : memref<8x32x128xf32, #tpu.memory_space<vmem>> -> memref<1x32x128xf32, #tpu.memory_space<vmem>>
    %dma_start3A_314 = tpu.memref_squeeze %dma_start3A_313 : memref<1x32x128xf32, #tpu.memory_space<vmem>> -> memref<32x128xf32, #tpu.memory_space<vmem>>
    %dma_start3A_315 = arith.constant 0 : i32
    %dma_start3A_316 = tpu.memref_slice %arg5[%dma_start3A_315, %multiple_of3A_292] : memref<32x1000000xf32, #tpu.memory_space<hbm>> -> memref<32x128xf32, #tpu.memory_space<hbm>>
    %dma_start3A_317 = tpu.memref_slice %arg13[%dma_start3A_310] : memref<8x!tpu.dma_semaphore, #tpu.memory_space<semaphore_mem>> -> memref<1x!tpu.dma_semaphore, #tpu.memory_space<semaphore_mem>>
    %dma_start3A_318 = tpu.memref_squeeze %dma_start3A_317 : memref<1x!tpu.dma_semaphore, #tpu.memory_space<semaphore_mem>> -> memref<!tpu.dma_semaphore, #tpu.memory_space<semaphore_mem>>
    %dma_start3A_319 = arith.constant 0 : i32
    %dma_start3A_320 = arith.constant 0 : i32
    %dma_start3A_321 = tpu.memref_slice %arg11[%dma_start3A_309, %dma_start3A_319, %dma_start3A_320] : memref<8x32x128xf32, #tpu.memory_space<vmem>> -> memref<1x32x128xf32, #tpu.memory_space<vmem>>
    %dma_start3A_322 = tpu.memref_squeeze %dma_start3A_321 : memref<1x32x128xf32, #tpu.memory_space<vmem>> -> memref<32x128xf32, #tpu.memory_space<vmem>>
    %dma_start3A_323 = arith.constant 0 : i32
    %dma_start3A_324 = tpu.memref_slice %arg5[%dma_start3A_323, %multiple_of3A_292] : memref<32x1000000xf32, #tpu.memory_space<hbm>> -> memref<32x128xf32, #tpu.memory_space<hbm>>
    tpu.enqueue_dma source(%dma_start3A_324 : memref<32x128xf32, #tpu.memory_space<hbm>>) target(%dma_start3A_322 : memref<32x128xf32, #tpu.memory_space<vmem>>) target_semaphore(%dma_start3A_318 : memref<!tpu.dma_semaphore, #tpu.memory_space<semaphore_mem>>)
    %slice3A_325 = vector.extract_strided_slice %get3A_6 {offsets = [7], sizes = [1], strides = [1]} : vector<16xi32> to vector<1xi32>
    %squeeze3A_326 = vector.extract %slice3A_325[0] : i32 from vector<1xi32>
    %slice3A_327 = vector.extract_strided_slice %get3A_8 {offsets = [7], sizes = [1], strides = [1]} : vector<16xi32> to vector<1xi32>
    %squeeze3A_328 = vector.extract %slice3A_327[0] : i32 from vector<1xi32>
    %shift_right_arithmetic3A_329 = arith.constant 7 : i32
    %shift_right_arithmetic3A_330 = arith.shrsi %squeeze3A_326, %shift_right_arithmetic3A_329 : i32
    %shift_left3A_331 = arith.constant 7 : i32
    %shift_left3A_332 = arith.shli %shift_right_arithmetic3A_330, %shift_left3A_331 : i32
    %multiple_of3A_333 = tpu.assume_multiple %shift_left3A_332, 128 : i32
    %shift_right_arithmetic3A_334 = arith.constant 7 : i32
    %shift_right_arithmetic3A_335 = arith.shrsi %squeeze3A_328, %shift_right_arithmetic3A_334 : i32
    %shift_left3A_336 = arith.constant 7 : i32
    %shift_left3A_337 = arith.shli %shift_right_arithmetic3A_335, %shift_left3A_336 : i32
    %multiple_of3A_338 = tpu.assume_multiple %shift_left3A_337, 128 : i32
    %dma_start3A_339 = arith.constant 7 : i32
    %dma_start3A_340 = arith.constant 7 : i32
    %dma_start3A_341 = arith.constant 0 : i32
    %dma_start3A_342 = arith.constant 0 : i32
    %dma_start3A_343 = tpu.memref_slice %arg10[%dma_start3A_339, %dma_start3A_341, %dma_start3A_342] : memref<8x32x128xf32, #tpu.memory_space<vmem>> -> memref<1x32x128xf32, #tpu.memory_space<vmem>>
    %dma_start3A_344 = tpu.memref_squeeze %dma_start3A_343 : memref<1x32x128xf32, #tpu.memory_space<vmem>> -> memref<32x128xf32, #tpu.memory_space<vmem>>
    %dma_start3A_345 = arith.constant 0 : i32
    %dma_start3A_346 = tpu.memref_slice %arg4[%dma_start3A_345, %multiple_of3A_333] : memref<32x1000000xf32, #tpu.memory_space<hbm>> -> memref<32x128xf32, #tpu.memory_space<hbm>>
    %dma_start3A_347 = tpu.memref_slice %arg12[%dma_start3A_340] : memref<8x!tpu.dma_semaphore, #tpu.memory_space<semaphore_mem>> -> memref<1x!tpu.dma_semaphore, #tpu.memory_space<semaphore_mem>>
    %dma_start3A_348 = tpu.memref_squeeze %dma_start3A_347 : memref<1x!tpu.dma_semaphore, #tpu.memory_space<semaphore_mem>> -> memref<!tpu.dma_semaphore, #tpu.memory_space<semaphore_mem>>
    %dma_start3A_349 = arith.constant 0 : i32
    %dma_start3A_350 = arith.constant 0 : i32
    %dma_start3A_351 = tpu.memref_slice %arg10[%dma_start3A_339, %dma_start3A_349, %dma_start3A_350] : memref<8x32x128xf32, #tpu.memory_space<vmem>> -> memref<1x32x128xf32, #tpu.memory_space<vmem>>
    %dma_start3A_352 = tpu.memref_squeeze %dma_start3A_351 : memref<1x32x128xf32, #tpu.memory_space<vmem>> -> memref<32x128xf32, #tpu.memory_space<vmem>>
    %dma_start3A_353 = arith.constant 0 : i32
    %dma_start3A_354 = tpu.memref_slice %arg4[%dma_start3A_353, %multiple_of3A_333] : memref<32x1000000xf32, #tpu.memory_space<hbm>> -> memref<32x128xf32, #tpu.memory_space<hbm>>
    tpu.enqueue_dma source(%dma_start3A_354 : memref<32x128xf32, #tpu.memory_space<hbm>>) target(%dma_start3A_352 : memref<32x128xf32, #tpu.memory_space<vmem>>) target_semaphore(%dma_start3A_348 : memref<!tpu.dma_semaphore, #tpu.memory_space<semaphore_mem>>)
    %dma_start3A_355 = arith.constant 7 : i32
    %dma_start3A_356 = arith.constant 7 : i32
    %dma_start3A_357 = arith.constant 0 : i32
    %dma_start3A_358 = arith.constant 0 : i32
    %dma_start3A_359 = tpu.memref_slice %arg11[%dma_start3A_355, %dma_start3A_357, %dma_start3A_358] : memref<8x32x128xf32, #tpu.memory_space<vmem>> -> memref<1x32x128xf32, #tpu.memory_space<vmem>>
    %dma_start3A_360 = tpu.memref_squeeze %dma_start3A_359 : memref<1x32x128xf32, #tpu.memory_space<vmem>> -> memref<32x128xf32, #tpu.memory_space<vmem>>
    %dma_start3A_361 = arith.constant 0 : i32
    %dma_start3A_362 = tpu.memref_slice %arg5[%dma_start3A_361, %multiple_of3A_338] : memref<32x1000000xf32, #tpu.memory_space<hbm>> -> memref<32x128xf32, #tpu.memory_space<hbm>>
    %dma_start3A_363 = tpu.memref_slice %arg13[%dma_start3A_356] : memref<8x!tpu.dma_semaphore, #tpu.memory_space<semaphore_mem>> -> memref<1x!tpu.dma_semaphore, #tpu.memory_space<semaphore_mem>>
    %dma_start3A_364 = tpu.memref_squeeze %dma_start3A_363 : memref<1x!tpu.dma_semaphore, #tpu.memory_space<semaphore_mem>> -> memref<!tpu.dma_semaphore, #tpu.memory_space<semaphore_mem>>
    %dma_start3A_365 = arith.constant 0 : i32
    %dma_start3A_366 = arith.constant 0 : i32
    %dma_start3A_367 = tpu.memref_slice %arg11[%dma_start3A_355, %dma_start3A_365, %dma_start3A_366] : memref<8x32x128xf32, #tpu.memory_space<vmem>> -> memref<1x32x128xf32, #tpu.memory_space<vmem>>
    %dma_start3A_368 = tpu.memref_squeeze %dma_start3A_367 : memref<1x32x128xf32, #tpu.memory_space<vmem>> -> memref<32x128xf32, #tpu.memory_space<vmem>>
    %dma_start3A_369 = arith.constant 0 : i32
    %dma_start3A_370 = tpu.memref_slice %arg5[%dma_start3A_369, %multiple_of3A_338] : memref<32x1000000xf32, #tpu.memory_space<hbm>> -> memref<32x128xf32, #tpu.memory_space<hbm>>
    tpu.enqueue_dma source(%dma_start3A_370 : memref<32x128xf32, #tpu.memory_space<hbm>>) target(%dma_start3A_368 : memref<32x128xf32, #tpu.memory_space<vmem>>) target_semaphore(%dma_start3A_364 : memref<!tpu.dma_semaphore, #tpu.memory_space<semaphore_mem>>)
    %scan3A = arith.constant 0 : i32
    %scan3A_371 = arith.constant 32 : i32
    %scan3A_372 = arith.addi %scan3A, %scan3A_371 : i32
    %scan3A_373 = arith.constant 1 : i32
    scf.for %scan3A_375 = %scan3A to %scan3A_372 step %scan3A_373  : i32 {
      %mul3A_376 = arith.constant 1 : i32
      %mul3A_377 = arith.muli %scan3A_375, %mul3A_376 : i32
      %add3A_378 = arith.constant 0 : i32
      %add3A_379 = arith.addi %add3A_378, %mul3A_377 : i32
      %mul3A_380 = arith.constant 16 : i32
      %mul3A_381 = arith.muli %add3A_379, %mul3A_380 : i32
      %get3A_382 = arith.index_cast %mul3A_381 : i32 to index
      %get3A_383 = tpu.vector_load %arg7[%get3A_382] {strides = array<i32>} : memref<512xi32, #tpu.memory_space<vmem>>, vector<16xi32>,
      %mul3A_384 = arith.constant 16 : i32
      %mul3A_385 = arith.muli %add3A_379, %mul3A_384 : i32
      %get3A_386 = arith.index_cast %mul3A_385 : i32 to index
      %get3A_387 = tpu.vector_load %arg8[%get3A_386] {strides = array<i32>} : memref<512xi32, #tpu.memory_space<vmem>>, vector<16xi32>,
      %broadcast_in_dim3A = arith.constant 0.000000e+00 : f32
      %broadcast_in_dim3A_388 = vector.broadcast %broadcast_in_dim3A : f32 to vector<16xf32>
      %slice3A_389 = vector.extract_strided_slice %get3A_383 {offsets = [0], sizes = [1], strides = [1]} : vector<16xi32> to vector<1xi32>
      %squeeze3A_390 = vector.extract %slice3A_389[0] : i32 from vector<1xi32>
      %slice3A_391 = vector.extract_strided_slice %get3A_387 {offsets = [0], sizes = [1], strides = [1]} : vector<16xi32> to vector<1xi32>
      %squeeze3A_392 = vector.extract %slice3A_391[0] : i32 from vector<1xi32>
      %dma_wait3A = arith.constant 0 : i32
      %dma_wait3A_393 = arith.constant 0 : i32
      %dma_wait3A_394 = arith.constant 0 : i32
      %dma_wait3A_395 = arith.constant 0 : i32
      %dma_wait3A_396 = tpu.memref_slice %arg10[%dma_wait3A, %dma_wait3A_394, %dma_wait3A_395] : memref<8x32x128xf32, #tpu.memory_space<vmem>> -> memref<1x32x128xf32, #tpu.memory_space<vmem>>
      %dma_wait3A_397 = tpu.memref_squeeze %dma_wait3A_396 : memref<1x32x128xf32, #tpu.memory_space<vmem>> -> memref<32x128xf32, #tpu.memory_space<vmem>>
      %dma_wait3A_398 = arith.constant 0 : i32
      %dma_wait3A_399 = arith.constant 0 : i32
      %dma_wait3A_400 = tpu.memref_slice %arg4[%dma_wait3A_398, %dma_wait3A_399] : memref<32x1000000xf32, #tpu.memory_space<hbm>> -> memref<32x128xf32, #tpu.memory_space<hbm>>
      %dma_wait3A_401 = tpu.memref_slice %arg12[%dma_wait3A_393] : memref<8x!tpu.dma_semaphore, #tpu.memory_space<semaphore_mem>> -> memref<1x!tpu.dma_semaphore, #tpu.memory_space<semaphore_mem>>
      %dma_wait3A_402 = tpu.memref_squeeze %dma_wait3A_401 : memref<1x!tpu.dma_semaphore, #tpu.memory_space<semaphore_mem>> -> memref<!tpu.dma_semaphore, #tpu.memory_space<semaphore_mem>>
      %dma_wait3A_403 = arith.constant 0 : i32
      %dma_wait3A_404 = arith.constant 0 : i32
      %dma_wait3A_405 = tpu.memref_slice %arg10[%dma_wait3A, %dma_wait3A_403, %dma_wait3A_404] : memref<8x32x128xf32, #tpu.memory_space<vmem>> -> memref<1x32x128xf32, #tpu.memory_space<vmem>>
      %dma_wait3A_406 = tpu.memref_squeeze %dma_wait3A_405 : memref<1x32x128xf32, #tpu.memory_space<vmem>> -> memref<32x128xf32, #tpu.memory_space<vmem>>
      %dma_wait3A_407 = arith.constant 0 : i32
      %dma_wait3A_408 = arith.constant 0 : i32
      %dma_wait3A_409 = tpu.memref_slice %arg4[%dma_wait3A_407, %dma_wait3A_408] : memref<32x1000000xf32, #tpu.memory_space<hbm>> -> memref<32x128xf32, #tpu.memory_space<hbm>>
      tpu.wait_dma2 semaphore(%dma_wait3A_402 : memref<!tpu.dma_semaphore, #tpu.memory_space<semaphore_mem>>) src(%dma_wait3A_409 : memref<32x128xf32, #tpu.memory_space<hbm>>) dst(%dma_wait3A_406 : memref<32x128xf32, #tpu.memory_space<vmem>>)
      %dma_wait3A_410 = arith.constant 0 : i32
      %dma_wait3A_411 = arith.constant 0 : i32
      %dma_wait3A_412 = arith.constant 0 : i32
      %dma_wait3A_413 = arith.constant 0 : i32
      %dma_wait3A_414 = tpu.memref_slice %arg11[%dma_wait3A_410, %dma_wait3A_412, %dma_wait3A_413] : memref<8x32x128xf32, #tpu.memory_space<vmem>> -> memref<1x32x128xf32, #tpu.memory_space<vmem>>
      %dma_wait3A_415 = tpu.memref_squeeze %dma_wait3A_414 : memref<1x32x128xf32, #tpu.memory_space<vmem>> -> memref<32x128xf32, #tpu.memory_space<vmem>>
      %dma_wait3A_416 = arith.constant 0 : i32
      %dma_wait3A_417 = arith.constant 0 : i32
      %dma_wait3A_418 = tpu.memref_slice %arg5[%dma_wait3A_416, %dma_wait3A_417] : memref<32x1000000xf32, #tpu.memory_space<hbm>> -> memref<32x128xf32, #tpu.memory_space<hbm>>
      %dma_wait3A_419 = tpu.memref_slice %arg13[%dma_wait3A_411] : memref<8x!tpu.dma_semaphore, #tpu.memory_space<semaphore_mem>> -> memref<1x!tpu.dma_semaphore, #tpu.memory_space<semaphore_mem>>
      %dma_wait3A_420 = tpu.memref_squeeze %dma_wait3A_419 : memref<1x!tpu.dma_semaphore, #tpu.memory_space<semaphore_mem>> -> memref<!tpu.dma_semaphore, #tpu.memory_space<semaphore_mem>>
      %dma_wait3A_421 = arith.constant 0 : i32
      %dma_wait3A_422 = arith.constant 0 : i32
      %dma_wait3A_423 = tpu.memref_slice %arg11[%dma_wait3A_410, %dma_wait3A_421, %dma_wait3A_422] : memref<8x32x128xf32, #tpu.memory_space<vmem>> -> memref<1x32x128xf32, #tpu.memory_space<vmem>>
      %dma_wait3A_424 = tpu.memref_squeeze %dma_wait3A_423 : memref<1x32x128xf32, #tpu.memory_space<vmem>> -> memref<32x128xf32, #tpu.memory_space<vmem>>
      %dma_wait3A_425 = arith.constant 0 : i32
      %dma_wait3A_426 = arith.constant 0 : i32
      %dma_wait3A_427 = tpu.memref_slice %arg5[%dma_wait3A_425, %dma_wait3A_426] : memref<32x1000000xf32, #tpu.memory_space<hbm>> -> memref<32x128xf32, #tpu.memory_space<hbm>>
      tpu.wait_dma2 semaphore(%dma_wait3A_420 : memref<!tpu.dma_semaphore, #tpu.memory_space<semaphore_mem>>) src(%dma_wait3A_427 : memref<32x128xf32, #tpu.memory_space<hbm>>) dst(%dma_wait3A_424 : memref<32x128xf32, #tpu.memory_space<vmem>>)
      %broadcast_in_dim3A_428 = arith.constant 0 : i32
      %broadcast_in_dim3A_429 = vector.broadcast %broadcast_in_dim3A_428 : i32 to vector<16xi32>
      %and3A = arith.constant 127 : i32
      %and3A_430 = arith.andi %squeeze3A_390, %and3A : i32
      %broadcast_in_dim3A_431 = vector.broadcast %and3A_430 : i32 to vector<16xi32>
      %and3A_432 = arith.constant 127 : i32
      %and3A_433 = arith.andi %squeeze3A_392, %and3A_432 : i32
      %broadcast_in_dim3A_434 = vector.broadcast %and3A_433 : i32 to vector<16xi32>
      %gather3A = tpu.vector_load_idx %arg10[%broadcast_in_dim3A_429, %iota3A, %broadcast_in_dim3A_431] : memref<8x32x128xf32, #tpu.memory_space<vmem>>[vector<16xi32>, vector<16xi32>, vector<16xi32>], vector<16xf32>,
      %gather3A_435 = tpu.vector_load_idx %arg10[%broadcast_in_dim3A_429, %add3A_5, %broadcast_in_dim3A_431] : memref<8x32x128xf32, #tpu.memory_space<vmem>>[vector<16xi32>, vector<16xi32>, vector<16xi32>], vector<16xf32>,
      %gather3A_436 = tpu.vector_load_idx %arg11[%broadcast_in_dim3A_429, %iota3A, %broadcast_in_dim3A_434] : memref<8x32x128xf32, #tpu.memory_space<vmem>>[vector<16xi32>, vector<16xi32>, vector<16xi32>], vector<16xf32>,
      %gather3A_437 = tpu.vector_load_idx %arg11[%broadcast_in_dim3A_429, %add3A_5, %broadcast_in_dim3A_434] : memref<8x32x128xf32, #tpu.memory_space<vmem>>[vector<16xi32>, vector<16xi32>, vector<16xi32>], vector<16xf32>,
      %mul3A_438 = arith.mulf %gather3A, %gather3A_436 : vector<16xf32>
      %mul3A_439 = arith.mulf %gather3A_435, %gather3A_437 : vector<16xf32>
      %add3A_440 = arith.addf %mul3A_438, %mul3A_439 : vector<16xf32>
      %reduce_sum3A = arith.constant true
      %reduce_sum3A_441 = vector.broadcast %reduce_sum3A : i1 to vector<16xi1>
      %reduce_sum3A_442 = tpu.scan <sum>, %add3A_440 masked %reduce_sum3A_441 : vector<16xf32>, vector<16xi1> -> vector<16xf32>
      %reduce_sum3A_443 = vector.extract %reduce_sum3A_442[15] : f32 from vector<16xf32>
      %eq3A = arith.constant 0 : i32
      %eq3A_444 = vector.broadcast %eq3A : i32 to vector<16xi32>
      %eq3A_445 = arith.cmpi eq, %iota3A, %eq3A_444 : vector<16xi32>
      %broadcast_in_dim3A_446 = vector.broadcast %reduce_sum3A_443 : f32 to vector<16xf32>
      %select_n3A = arith.select %eq3A_445, %broadcast_in_dim3A_446, %broadcast_in_dim3A_388 : vector<16xi1>, vector<16xf32>
      %slice3A_447 = vector.extract_strided_slice %get3A_383 {offsets = [8], sizes = [1], strides = [1]} : vector<16xi32> to vector<1xi32>
      %squeeze3A_448 = vector.extract %slice3A_447[0] : i32 from vector<1xi32>
      %slice3A_449 = vector.extract_strided_slice %get3A_387 {offsets = [8], sizes = [1], strides = [1]} : vector<16xi32> to vector<1xi32>
      %squeeze3A_450 = vector.extract %slice3A_449[0] : i32 from vector<1xi32>
      %shift_right_arithmetic3A_451 = arith.constant 7 : i32
      %shift_right_arithmetic3A_452 = arith.shrsi %squeeze3A_448, %shift_right_arithmetic3A_451 : i32
      %shift_left3A_453 = arith.constant 7 : i32
      %shift_left3A_454 = arith.shli %shift_right_arithmetic3A_452, %shift_left3A_453 : i32
      %multiple_of3A_455 = tpu.assume_multiple %shift_left3A_454, 128 : i32
      %shift_right_arithmetic3A_456 = arith.constant 7 : i32
      %shift_right_arithmetic3A_457 = arith.shrsi %squeeze3A_450, %shift_right_arithmetic3A_456 : i32
      %shift_left3A_458 = arith.constant 7 : i32
      %shift_left3A_459 = arith.shli %shift_right_arithmetic3A_457, %shift_left3A_458 : i32
      %multiple_of3A_460 = tpu.assume_multiple %shift_left3A_459, 128 : i32
      %dma_start3A_461 = arith.constant 0 : i32
      %dma_start3A_462 = arith.constant 0 : i32
      %dma_start3A_463 = arith.constant 0 : i32
      %dma_start3A_464 = arith.constant 0 : i32
      %dma_start3A_465 = tpu.memref_slice %arg10[%dma_start3A_461, %dma_start3A_463, %dma_start3A_464] : memref<8x32x128xf32, #tpu.memory_space<vmem>> -> memref<1x32x128xf32, #tpu.memory_space<vmem>>
      %dma_start3A_466 = tpu.memref_squeeze %dma_start3A_465 : memref<1x32x128xf32, #tpu.memory_space<vmem>> -> memref<32x128xf32, #tpu.memory_space<vmem>>
      %dma_start3A_467 = arith.constant 0 : i32
      %dma_start3A_468 = tpu.memref_slice %arg4[%dma_start3A_467, %multiple_of3A_455] : memref<32x1000000xf32, #tpu.memory_space<hbm>> -> memref<32x128xf32, #tpu.memory_space<hbm>>
      %dma_start3A_469 = tpu.memref_slice %arg12[%dma_start3A_462] : memref<8x!tpu.dma_semaphore, #tpu.memory_space<semaphore_mem>> -> memref<1x!tpu.dma_semaphore, #tpu.memory_space<semaphore_mem>>
      %dma_start3A_470 = tpu.memref_squeeze %dma_start3A_469 : memref<1x!tpu.dma_semaphore, #tpu.memory_space<semaphore_mem>> -> memref<!tpu.dma_semaphore, #tpu.memory_space<semaphore_mem>>
      %dma_start3A_471 = arith.constant 0 : i32
      %dma_start3A_472 = arith.constant 0 : i32
      %dma_start3A_473 = tpu.memref_slice %arg10[%dma_start3A_461, %dma_start3A_471, %dma_start3A_472] : memref<8x32x128xf32, #tpu.memory_space<vmem>> -> memref<1x32x128xf32, #tpu.memory_space<vmem>>
      %dma_start3A_474 = tpu.memref_squeeze %dma_start3A_473 : memref<1x32x128xf32, #tpu.memory_space<vmem>> -> memref<32x128xf32, #tpu.memory_space<vmem>>
      %dma_start3A_475 = arith.constant 0 : i32
      %dma_start3A_476 = tpu.memref_slice %arg4[%dma_start3A_475, %multiple_of3A_455] : memref<32x1000000xf32, #tpu.memory_space<hbm>> -> memref<32x128xf32, #tpu.memory_space<hbm>>
      tpu.enqueue_dma source(%dma_start3A_476 : memref<32x128xf32, #tpu.memory_space<hbm>>) target(%dma_start3A_474 : memref<32x128xf32, #tpu.memory_space<vmem>>) target_semaphore(%dma_start3A_470 : memref<!tpu.dma_semaphore, #tpu.memory_space<semaphore_mem>>)
      %dma_start3A_477 = arith.constant 0 : i32
      %dma_start3A_478 = arith.constant 0 : i32
      %dma_start3A_479 = arith.constant 0 : i32
      %dma_start3A_480 = arith.constant 0 : i32
      %dma_start3A_481 = tpu.memref_slice %arg11[%dma_start3A_477, %dma_start3A_479, %dma_start3A_480] : memref<8x32x128xf32, #tpu.memory_space<vmem>> -> memref<1x32x128xf32, #tpu.memory_space<vmem>>
      %dma_start3A_482 = tpu.memref_squeeze %dma_start3A_481 : memref<1x32x128xf32, #tpu.memory_space<vmem>> -> memref<32x128xf32, #tpu.memory_space<vmem>>
      %dma_start3A_483 = arith.constant 0 : i32
      %dma_start3A_484 = tpu.memref_slice %arg5[%dma_start3A_483, %multiple_of3A_460] : memref<32x1000000xf32, #tpu.memory_space<hbm>> -> memref<32x128xf32, #tpu.memory_space<hbm>>
      %dma_start3A_485 = tpu.memref_slice %arg13[%dma_start3A_478] : memref<8x!tpu.dma_semaphore, #tpu.memory_space<semaphore_mem>> -> memref<1x!tpu.dma_semaphore, #tpu.memory_space<semaphore_mem>>
      %dma_start3A_486 = tpu.memref_squeeze %dma_start3A_485 : memref<1x!tpu.dma_semaphore, #tpu.memory_space<semaphore_mem>> -> memref<!tpu.dma_semaphore, #tpu.memory_space<semaphore_mem>>
      %dma_start3A_487 = arith.constant 0 : i32
      %dma_start3A_488 = arith.constant 0 : i32
      %dma_start3A_489 = tpu.memref_slice %arg11[%dma_start3A_477, %dma_start3A_487, %dma_start3A_488] : memref<8x32x128xf32, #tpu.memory_space<vmem>> -> memref<1x32x128xf32, #tpu.memory_space<vmem>>
      %dma_start3A_490 = tpu.memref_squeeze %dma_start3A_489 : memref<1x32x128xf32, #tpu.memory_space<vmem>> -> memref<32x128xf32, #tpu.memory_space<vmem>>
      %dma_start3A_491 = arith.constant 0 : i32
      %dma_start3A_492 = tpu.memref_slice %arg5[%dma_start3A_491, %multiple_of3A_460] : memref<32x1000000xf32, #tpu.memory_space<hbm>> -> memref<32x128xf32, #tpu.memory_space<hbm>>
      tpu.enqueue_dma source(%dma_start3A_492 : memref<32x128xf32, #tpu.memory_space<hbm>>) target(%dma_start3A_490 : memref<32x128xf32, #tpu.memory_space<vmem>>) target_semaphore(%dma_start3A_486 : memref<!tpu.dma_semaphore, #tpu.memory_space<semaphore_mem>>)
      %slice3A_493 = vector.extract_strided_slice %get3A_383 {offsets = [1], sizes = [1], strides = [1]} : vector<16xi32> to vector<1xi32>
      %squeeze3A_494 = vector.extract %slice3A_493[0] : i32 from vector<1xi32>
      %slice3A_495 = vector.extract_strided_slice %get3A_387 {offsets = [1], sizes = [1], strides = [1]} : vector<16xi32> to vector<1xi32>
      %squeeze3A_496 = vector.extract %slice3A_495[0] : i32 from vector<1xi32>
      %dma_wait3A_497 = arith.constant 1 : i32
      %dma_wait3A_498 = arith.constant 1 : i32
      %dma_wait3A_499 = arith.constant 0 : i32
      %dma_wait3A_500 = arith.constant 0 : i32
      %dma_wait3A_501 = tpu.memref_slice %arg10[%dma_wait3A_497, %dma_wait3A_499, %dma_wait3A_500] : memref<8x32x128xf32, #tpu.memory_space<vmem>> -> memref<1x32x128xf32, #tpu.memory_space<vmem>>
      %dma_wait3A_502 = tpu.memref_squeeze %dma_wait3A_501 : memref<1x32x128xf32, #tpu.memory_space<vmem>> -> memref<32x128xf32, #tpu.memory_space<vmem>>
      %dma_wait3A_503 = arith.constant 0 : i32
      %dma_wait3A_504 = arith.constant 0 : i32
      %dma_wait3A_505 = tpu.memref_slice %arg4[%dma_wait3A_503, %dma_wait3A_504] : memref<32x1000000xf32, #tpu.memory_space<hbm>> -> memref<32x128xf32, #tpu.memory_space<hbm>>
      %dma_wait3A_506 = tpu.memref_slice %arg12[%dma_wait3A_498] : memref<8x!tpu.dma_semaphore, #tpu.memory_space<semaphore_mem>> -> memref<1x!tpu.dma_semaphore, #tpu.memory_space<semaphore_mem>>
      %dma_wait3A_507 = tpu.memref_squeeze %dma_wait3A_506 : memref<1x!tpu.dma_semaphore, #tpu.memory_space<semaphore_mem>> -> memref<!tpu.dma_semaphore, #tpu.memory_space<semaphore_mem>>
      %dma_wait3A_508 = arith.constant 0 : i32
      %dma_wait3A_509 = arith.constant 0 : i32
      %dma_wait3A_510 = tpu.memref_slice %arg10[%dma_wait3A_497, %dma_wait3A_508, %dma_wait3A_509] : memref<8x32x128xf32, #tpu.memory_space<vmem>> -> memref<1x32x128xf32, #tpu.memory_space<vmem>>
      %dma_wait3A_511 = tpu.memref_squeeze %dma_wait3A_510 : memref<1x32x128xf32, #tpu.memory_space<vmem>> -> memref<32x128xf32, #tpu.memory_space<vmem>>
      %dma_wait3A_512 = arith.constant 0 : i32
      %dma_wait3A_513 = arith.constant 0 : i32
      %dma_wait3A_514 = tpu.memref_slice %arg4[%dma_wait3A_512, %dma_wait3A_513] : memref<32x1000000xf32, #tpu.memory_space<hbm>> -> memref<32x128xf32, #tpu.memory_space<hbm>>
      tpu.wait_dma2 semaphore(%dma_wait3A_507 : memref<!tpu.dma_semaphore, #tpu.memory_space<semaphore_mem>>) src(%dma_wait3A_514 : memref<32x128xf32, #tpu.memory_space<hbm>>) dst(%dma_wait3A_511 : memref<32x128xf32, #tpu.memory_space<vmem>>)
      %dma_wait3A_515 = arith.constant 1 : i32
      %dma_wait3A_516 = arith.constant 1 : i32
      %dma_wait3A_517 = arith.constant 0 : i32
      %dma_wait3A_518 = arith.constant 0 : i32
      %dma_wait3A_519 = tpu.memref_slice %arg11[%dma_wait3A_515, %dma_wait3A_517, %dma_wait3A_518] : memref<8x32x128xf32, #tpu.memory_space<vmem>> -> memref<1x32x128xf32, #tpu.memory_space<vmem>>
      %dma_wait3A_520 = tpu.memref_squeeze %dma_wait3A_519 : memref<1x32x128xf32, #tpu.memory_space<vmem>> -> memref<32x128xf32, #tpu.memory_space<vmem>>
      %dma_wait3A_521 = arith.constant 0 : i32
      %dma_wait3A_522 = arith.constant 0 : i32
      %dma_wait3A_523 = tpu.memref_slice %arg5[%dma_wait3A_521, %dma_wait3A_522] : memref<32x1000000xf32, #tpu.memory_space<hbm>> -> memref<32x128xf32, #tpu.memory_space<hbm>>
      %dma_wait3A_524 = tpu.memref_slice %arg13[%dma_wait3A_516] : memref<8x!tpu.dma_semaphore, #tpu.memory_space<semaphore_mem>> -> memref<1x!tpu.dma_semaphore, #tpu.memory_space<semaphore_mem>>
      %dma_wait3A_525 = tpu.memref_squeeze %dma_wait3A_524 : memref<1x!tpu.dma_semaphore, #tpu.memory_space<semaphore_mem>> -> memref<!tpu.dma_semaphore, #tpu.memory_space<semaphore_mem>>
      %dma_wait3A_526 = arith.constant 0 : i32
      %dma_wait3A_527 = arith.constant 0 : i32
      %dma_wait3A_528 = tpu.memref_slice %arg11[%dma_wait3A_515, %dma_wait3A_526, %dma_wait3A_527] : memref<8x32x128xf32, #tpu.memory_space<vmem>> -> memref<1x32x128xf32, #tpu.memory_space<vmem>>
      %dma_wait3A_529 = tpu.memref_squeeze %dma_wait3A_528 : memref<1x32x128xf32, #tpu.memory_space<vmem>> -> memref<32x128xf32, #tpu.memory_space<vmem>>
      %dma_wait3A_530 = arith.constant 0 : i32
      %dma_wait3A_531 = arith.constant 0 : i32
      %dma_wait3A_532 = tpu.memref_slice %arg5[%dma_wait3A_530, %dma_wait3A_531] : memref<32x1000000xf32, #tpu.memory_space<hbm>> -> memref<32x128xf32, #tpu.memory_space<hbm>>
      tpu.wait_dma2 semaphore(%dma_wait3A_525 : memref<!tpu.dma_semaphore, #tpu.memory_space<semaphore_mem>>) src(%dma_wait3A_532 : memref<32x128xf32, #tpu.memory_space<hbm>>) dst(%dma_wait3A_529 : memref<32x128xf32, #tpu.memory_space<vmem>>)
      %broadcast_in_dim3A_533 = arith.constant 1 : i32
      %broadcast_in_dim3A_534 = vector.broadcast %broadcast_in_dim3A_533 : i32 to vector<16xi32>
      %and3A_535 = arith.constant 127 : i32
      %and3A_536 = arith.andi %squeeze3A_494, %and3A_535 : i32
      %broadcast_in_dim3A_537 = vector.broadcast %and3A_536 : i32 to vector<16xi32>
      %and3A_538 = arith.constant 127 : i32
      %and3A_539 = arith.andi %squeeze3A_496, %and3A_538 : i32
      %broadcast_in_dim3A_540 = vector.broadcast %and3A_539 : i32 to vector<16xi32>
      %gather3A_541 = tpu.vector_load_idx %arg10[%broadcast_in_dim3A_534, %iota3A, %broadcast_in_dim3A_537] : memref<8x32x128xf32, #tpu.memory_space<vmem>>[vector<16xi32>, vector<16xi32>, vector<16xi32>], vector<16xf32>,
      %gather3A_542 = tpu.vector_load_idx %arg10[%broadcast_in_dim3A_534, %add3A_5, %broadcast_in_dim3A_537] : memref<8x32x128xf32, #tpu.memory_space<vmem>>[vector<16xi32>, vector<16xi32>, vector<16xi32>], vector<16xf32>,
      %gather3A_543 = tpu.vector_load_idx %arg11[%broadcast_in_dim3A_534, %iota3A, %broadcast_in_dim3A_540] : memref<8x32x128xf32, #tpu.memory_space<vmem>>[vector<16xi32>, vector<16xi32>, vector<16xi32>], vector<16xf32>,
      %gather3A_544 = tpu.vector_load_idx %arg11[%broadcast_in_dim3A_534, %add3A_5, %broadcast_in_dim3A_540] : memref<8x32x128xf32, #tpu.memory_space<vmem>>[vector<16xi32>, vector<16xi32>, vector<16xi32>], vector<16xf32>,
      %mul3A_545 = arith.mulf %gather3A_541, %gather3A_543 : vector<16xf32>
      %mul3A_546 = arith.mulf %gather3A_542, %gather3A_544 : vector<16xf32>
      %add3A_547 = arith.addf %mul3A_545, %mul3A_546 : vector<16xf32>
      %reduce_sum3A_548 = arith.constant true
      %reduce_sum3A_549 = vector.broadcast %reduce_sum3A_548 : i1 to vector<16xi1>
      %reduce_sum3A_550 = tpu.scan <sum>, %add3A_547 masked %reduce_sum3A_549 : vector<16xf32>, vector<16xi1> -> vector<16xf32>
      %reduce_sum3A_551 = vector.extract %reduce_sum3A_550[15] : f32 from vector<16xf32>
      %eq3A_552 = arith.constant 1 : i32
      %eq3A_553 = vector.broadcast %eq3A_552 : i32 to vector<16xi32>
      %eq3A_554 = arith.cmpi eq, %iota3A, %eq3A_553 : vector<16xi32>
      %broadcast_in_dim3A_555 = vector.broadcast %reduce_sum3A_551 : f32 to vector<16xf32>
      %select_n3A_556 = arith.select %eq3A_554, %broadcast_in_dim3A_555, %select_n3A : vector<16xi1>, vector<16xf32>
      %slice3A_557 = vector.extract_strided_slice %get3A_383 {offsets = [9], sizes = [1], strides = [1]} : vector<16xi32> to vector<1xi32>
      %squeeze3A_558 = vector.extract %slice3A_557[0] : i32 from vector<1xi32>
      %slice3A_559 = vector.extract_strided_slice %get3A_387 {offsets = [9], sizes = [1], strides = [1]} : vector<16xi32> to vector<1xi32>
      %squeeze3A_560 = vector.extract %slice3A_559[0] : i32 from vector<1xi32>
      %shift_right_arithmetic3A_561 = arith.constant 7 : i32
      %shift_right_arithmetic3A_562 = arith.shrsi %squeeze3A_558, %shift_right_arithmetic3A_561 : i32
      %shift_left3A_563 = arith.constant 7 : i32
      %shift_left3A_564 = arith.shli %shift_right_arithmetic3A_562, %shift_left3A_563 : i32
      %multiple_of3A_565 = tpu.assume_multiple %shift_left3A_564, 128 : i32
      %shift_right_arithmetic3A_566 = arith.constant 7 : i32
      %shift_right_arithmetic3A_567 = arith.shrsi %squeeze3A_560, %shift_right_arithmetic3A_566 : i32
      %shift_left3A_568 = arith.constant 7 : i32
      %shift_left3A_569 = arith.shli %shift_right_arithmetic3A_567, %shift_left3A_568 : i32
      %multiple_of3A_570 = tpu.assume_multiple %shift_left3A_569, 128 : i32
      %dma_start3A_571 = arith.constant 1 : i32
      %dma_start3A_572 = arith.constant 1 : i32
      %dma_start3A_573 = arith.constant 0 : i32
      %dma_start3A_574 = arith.constant 0 : i32
      %dma_start3A_575 = tpu.memref_slice %arg10[%dma_start3A_571, %dma_start3A_573, %dma_start3A_574] : memref<8x32x128xf32, #tpu.memory_space<vmem>> -> memref<1x32x128xf32, #tpu.memory_space<vmem>>
      %dma_start3A_576 = tpu.memref_squeeze %dma_start3A_575 : memref<1x32x128xf32, #tpu.memory_space<vmem>> -> memref<32x128xf32, #tpu.memory_space<vmem>>
      %dma_start3A_577 = arith.constant 0 : i32
      %dma_start3A_578 = tpu.memref_slice %arg4[%dma_start3A_577, %multiple_of3A_565] : memref<32x1000000xf32, #tpu.memory_space<hbm>> -> memref<32x128xf32, #tpu.memory_space<hbm>>
      %dma_start3A_579 = tpu.memref_slice %arg12[%dma_start3A_572] : memref<8x!tpu.dma_semaphore, #tpu.memory_space<semaphore_mem>> -> memref<1x!tpu.dma_semaphore, #tpu.memory_space<semaphore_mem>>
      %dma_start3A_580 = tpu.memref_squeeze %dma_start3A_579 : memref<1x!tpu.dma_semaphore, #tpu.memory_space<semaphore_mem>> -> memref<!tpu.dma_semaphore, #tpu.memory_space<semaphore_mem>>
      %dma_start3A_581 = arith.constant 0 : i32
      %dma_start3A_582 = arith.constant 0 : i32
      %dma_start3A_583 = tpu.memref_slice %arg10[%dma_start3A_571, %dma_start3A_581, %dma_start3A_582] : memref<8x32x128xf32, #tpu.memory_space<vmem>> -> memref<1x32x128xf32, #tpu.memory_space<vmem>>
      %dma_start3A_584 = tpu.memref_squeeze %dma_start3A_583 : memref<1x32x128xf32, #tpu.memory_space<vmem>> -> memref<32x128xf32, #tpu.memory_space<vmem>>
      %dma_start3A_585 = arith.constant 0 : i32
      %dma_start3A_586 = tpu.memref_slice %arg4[%dma_start3A_585, %multiple_of3A_565] : memref<32x1000000xf32, #tpu.memory_space<hbm>> -> memref<32x128xf32, #tpu.memory_space<hbm>>
      tpu.enqueue_dma source(%dma_start3A_586 : memref<32x128xf32, #tpu.memory_space<hbm>>) target(%dma_start3A_584 : memref<32x128xf32, #tpu.memory_space<vmem>>) target_semaphore(%dma_start3A_580 : memref<!tpu.dma_semaphore, #tpu.memory_space<semaphore_mem>>)
      %dma_start3A_587 = arith.constant 1 : i32
      %dma_start3A_588 = arith.constant 1 : i32
      %dma_start3A_589 = arith.constant 0 : i32
      %dma_start3A_590 = arith.constant 0 : i32
      %dma_start3A_591 = tpu.memref_slice %arg11[%dma_start3A_587, %dma_start3A_589, %dma_start3A_590] : memref<8x32x128xf32, #tpu.memory_space<vmem>> -> memref<1x32x128xf32, #tpu.memory_space<vmem>>
      %dma_start3A_592 = tpu.memref_squeeze %dma_start3A_591 : memref<1x32x128xf32, #tpu.memory_space<vmem>> -> memref<32x128xf32, #tpu.memory_space<vmem>>
      %dma_start3A_593 = arith.constant 0 : i32
      %dma_start3A_594 = tpu.memref_slice %arg5[%dma_start3A_593, %multiple_of3A_570] : memref<32x1000000xf32, #tpu.memory_space<hbm>> -> memref<32x128xf32, #tpu.memory_space<hbm>>
      %dma_start3A_595 = tpu.memref_slice %arg13[%dma_start3A_588] : memref<8x!tpu.dma_semaphore, #tpu.memory_space<semaphore_mem>> -> memref<1x!tpu.dma_semaphore, #tpu.memory_space<semaphore_mem>>
      %dma_start3A_596 = tpu.memref_squeeze %dma_start3A_595 : memref<1x!tpu.dma_semaphore, #tpu.memory_space<semaphore_mem>> -> memref<!tpu.dma_semaphore, #tpu.memory_space<semaphore_mem>>
      %dma_start3A_597 = arith.constant 0 : i32
      %dma_start3A_598 = arith.constant 0 : i32
      %dma_start3A_599 = tpu.memref_slice %arg11[%dma_start3A_587, %dma_start3A_597, %dma_start3A_598] : memref<8x32x128xf32, #tpu.memory_space<vmem>> -> memref<1x32x128xf32, #tpu.memory_space<vmem>>
      %dma_start3A_600 = tpu.memref_squeeze %dma_start3A_599 : memref<1x32x128xf32, #tpu.memory_space<vmem>> -> memref<32x128xf32, #tpu.memory_space<vmem>>
      %dma_start3A_601 = arith.constant 0 : i32
      %dma_start3A_602 = tpu.memref_slice %arg5[%dma_start3A_601, %multiple_of3A_570] : memref<32x1000000xf32, #tpu.memory_space<hbm>> -> memref<32x128xf32, #tpu.memory_space<hbm>>
      tpu.enqueue_dma source(%dma_start3A_602 : memref<32x128xf32, #tpu.memory_space<hbm>>) target(%dma_start3A_600 : memref<32x128xf32, #tpu.memory_space<vmem>>) target_semaphore(%dma_start3A_596 : memref<!tpu.dma_semaphore, #tpu.memory_space<semaphore_mem>>)
      %slice3A_603 = vector.extract_strided_slice %get3A_383 {offsets = [2], sizes = [1], strides = [1]} : vector<16xi32> to vector<1xi32>
      %squeeze3A_604 = vector.extract %slice3A_603[0] : i32 from vector<1xi32>
      %slice3A_605 = vector.extract_strided_slice %get3A_387 {offsets = [2], sizes = [1], strides = [1]} : vector<16xi32> to vector<1xi32>
      %squeeze3A_606 = vector.extract %slice3A_605[0] : i32 from vector<1xi32>
      %dma_wait3A_607 = arith.constant 2 : i32
      %dma_wait3A_608 = arith.constant 2 : i32
      %dma_wait3A_609 = arith.constant 0 : i32
      %dma_wait3A_610 = arith.constant 0 : i32
      %dma_wait3A_611 = tpu.memref_slice %arg10[%dma_wait3A_607, %dma_wait3A_609, %dma_wait3A_610] : memref<8x32x128xf32, #tpu.memory_space<vmem>> -> memref<1x32x128xf32, #tpu.memory_space<vmem>>
      %dma_wait3A_612 = tpu.memref_squeeze %dma_wait3A_611 : memref<1x32x128xf32, #tpu.memory_space<vmem>> -> memref<32x128xf32, #tpu.memory_space<vmem>>
      %dma_wait3A_613 = arith.constant 0 : i32
      %dma_wait3A_614 = arith.constant 0 : i32
      %dma_wait3A_615 = tpu.memref_slice %arg4[%dma_wait3A_613, %dma_wait3A_614] : memref<32x1000000xf32, #tpu.memory_space<hbm>> -> memref<32x128xf32, #tpu.memory_space<hbm>>
      %dma_wait3A_616 = tpu.memref_slice %arg12[%dma_wait3A_608] : memref<8x!tpu.dma_semaphore, #tpu.memory_space<semaphore_mem>> -> memref<1x!tpu.dma_semaphore, #tpu.memory_space<semaphore_mem>>
      %dma_wait3A_617 = tpu.memref_squeeze %dma_wait3A_616 : memref<1x!tpu.dma_semaphore, #tpu.memory_space<semaphore_mem>> -> memref<!tpu.dma_semaphore, #tpu.memory_space<semaphore_mem>>
      %dma_wait3A_618 = arith.constant 0 : i32
      %dma_wait3A_619 = arith.constant 0 : i32
      %dma_wait3A_620 = tpu.memref_slice %arg10[%dma_wait3A_607, %dma_wait3A_618, %dma_wait3A_619] : memref<8x32x128xf32, #tpu.memory_space<vmem>> -> memref<1x32x128xf32, #tpu.memory_space<vmem>>
      %dma_wait3A_621 = tpu.memref_squeeze %dma_wait3A_620 : memref<1x32x128xf32, #tpu.memory_space<vmem>> -> memref<32x128xf32, #tpu.memory_space<vmem>>
      %dma_wait3A_622 = arith.constant 0 : i32
      %dma_wait3A_623 = arith.constant 0 : i32
      %dma_wait3A_624 = tpu.memref_slice %arg4[%dma_wait3A_622, %dma_wait3A_623] : memref<32x1000000xf32, #tpu.memory_space<hbm>> -> memref<32x128xf32, #tpu.memory_space<hbm>>
      tpu.wait_dma2 semaphore(%dma_wait3A_617 : memref<!tpu.dma_semaphore, #tpu.memory_space<semaphore_mem>>) src(%dma_wait3A_624 : memref<32x128xf32, #tpu.memory_space<hbm>>) dst(%dma_wait3A_621 : memref<32x128xf32, #tpu.memory_space<vmem>>)
      %dma_wait3A_625 = arith.constant 2 : i32
      %dma_wait3A_626 = arith.constant 2 : i32
      %dma_wait3A_627 = arith.constant 0 : i32
      %dma_wait3A_628 = arith.constant 0 : i32
      %dma_wait3A_629 = tpu.memref_slice %arg11[%dma_wait3A_625, %dma_wait3A_627, %dma_wait3A_628] : memref<8x32x128xf32, #tpu.memory_space<vmem>> -> memref<1x32x128xf32, #tpu.memory_space<vmem>>
      %dma_wait3A_630 = tpu.memref_squeeze %dma_wait3A_629 : memref<1x32x128xf32, #tpu.memory_space<vmem>> -> memref<32x128xf32, #tpu.memory_space<vmem>>
      %dma_wait3A_631 = arith.constant 0 : i32
      %dma_wait3A_632 = arith.constant 0 : i32
      %dma_wait3A_633 = tpu.memref_slice %arg5[%dma_wait3A_631, %dma_wait3A_632] : memref<32x1000000xf32, #tpu.memory_space<hbm>> -> memref<32x128xf32, #tpu.memory_space<hbm>>
      %dma_wait3A_634 = tpu.memref_slice %arg13[%dma_wait3A_626] : memref<8x!tpu.dma_semaphore, #tpu.memory_space<semaphore_mem>> -> memref<1x!tpu.dma_semaphore, #tpu.memory_space<semaphore_mem>>
      %dma_wait3A_635 = tpu.memref_squeeze %dma_wait3A_634 : memref<1x!tpu.dma_semaphore, #tpu.memory_space<semaphore_mem>> -> memref<!tpu.dma_semaphore, #tpu.memory_space<semaphore_mem>>
      %dma_wait3A_636 = arith.constant 0 : i32
      %dma_wait3A_637 = arith.constant 0 : i32
      %dma_wait3A_638 = tpu.memref_slice %arg11[%dma_wait3A_625, %dma_wait3A_636, %dma_wait3A_637] : memref<8x32x128xf32, #tpu.memory_space<vmem>> -> memref<1x32x128xf32, #tpu.memory_space<vmem>>
      %dma_wait3A_639 = tpu.memref_squeeze %dma_wait3A_638 : memref<1x32x128xf32, #tpu.memory_space<vmem>> -> memref<32x128xf32, #tpu.memory_space<vmem>>
      %dma_wait3A_640 = arith.constant 0 : i32
      %dma_wait3A_641 = arith.constant 0 : i32
      %dma_wait3A_642 = tpu.memref_slice %arg5[%dma_wait3A_640, %dma_wait3A_641] : memref<32x1000000xf32, #tpu.memory_space<hbm>> -> memref<32x128xf32, #tpu.memory_space<hbm>>
      tpu.wait_dma2 semaphore(%dma_wait3A_635 : memref<!tpu.dma_semaphore, #tpu.memory_space<semaphore_mem>>) src(%dma_wait3A_642 : memref<32x128xf32, #tpu.memory_space<hbm>>) dst(%dma_wait3A_639 : memref<32x128xf32, #tpu.memory_space<vmem>>)
      %broadcast_in_dim3A_643 = arith.constant 2 : i32
      %broadcast_in_dim3A_644 = vector.broadcast %broadcast_in_dim3A_643 : i32 to vector<16xi32>
      %and3A_645 = arith.constant 127 : i32
      %and3A_646 = arith.andi %squeeze3A_604, %and3A_645 : i32
      %broadcast_in_dim3A_647 = vector.broadcast %and3A_646 : i32 to vector<16xi32>
      %and3A_648 = arith.constant 127 : i32
      %and3A_649 = arith.andi %squeeze3A_606, %and3A_648 : i32
      %broadcast_in_dim3A_650 = vector.broadcast %and3A_649 : i32 to vector<16xi32>
      %gather3A_651 = tpu.vector_load_idx %arg10[%broadcast_in_dim3A_644, %iota3A, %broadcast_in_dim3A_647] : memref<8x32x128xf32, #tpu.memory_space<vmem>>[vector<16xi32>, vector<16xi32>, vector<16xi32>], vector<16xf32>,
      %gather3A_652 = tpu.vector_load_idx %arg10[%broadcast_in_dim3A_644, %add3A_5, %broadcast_in_dim3A_647] : memref<8x32x128xf32, #tpu.memory_space<vmem>>[vector<16xi32>, vector<16xi32>, vector<16xi32>], vector<16xf32>,
      %gather3A_653 = tpu.vector_load_idx %arg11[%broadcast_in_dim3A_644, %iota3A, %broadcast_in_dim3A_650] : memref<8x32x128xf32, #tpu.memory_space<vmem>>[vector<16xi32>, vector<16xi32>, vector<16xi32>], vector<16xf32>,
      %gather3A_654 = tpu.vector_load_idx %arg11[%broadcast_in_dim3A_644, %add3A_5, %broadcast_in_dim3A_650] : memref<8x32x128xf32, #tpu.memory_space<vmem>>[vector<16xi32>, vector<16xi32>, vector<16xi32>], vector<16xf32>,
      %mul3A_655 = arith.mulf %gather3A_651, %gather3A_653 : vector<16xf32>
      %mul3A_656 = arith.mulf %gather3A_652, %gather3A_654 : vector<16xf32>
      %add3A_657 = arith.addf %mul3A_655, %mul3A_656 : vector<16xf32>
      %reduce_sum3A_658 = arith.constant true
      %reduce_sum3A_659 = vector.broadcast %reduce_sum3A_658 : i1 to vector<16xi1>
      %reduce_sum3A_660 = tpu.scan <sum>, %add3A_657 masked %reduce_sum3A_659 : vector<16xf32>, vector<16xi1> -> vector<16xf32>
      %reduce_sum3A_661 = vector.extract %reduce_sum3A_660[15] : f32 from vector<16xf32>
      %eq3A_662 = arith.constant 2 : i32
      %eq3A_663 = vector.broadcast %eq3A_662 : i32 to vector<16xi32>
      %eq3A_664 = arith.cmpi eq, %iota3A, %eq3A_663 : vector<16xi32>
      %broadcast_in_dim3A_665 = vector.broadcast %reduce_sum3A_661 : f32 to vector<16xf32>
      %select_n3A_666 = arith.select %eq3A_664, %broadcast_in_dim3A_665, %select_n3A_556 : vector<16xi1>, vector<16xf32>
      %slice3A_667 = vector.extract_strided_slice %get3A_383 {offsets = [10], sizes = [1], strides = [1]} : vector<16xi32> to vector<1xi32>
      %squeeze3A_668 = vector.extract %slice3A_667[0] : i32 from vector<1xi32>
      %slice3A_669 = vector.extract_strided_slice %get3A_387 {offsets = [10], sizes = [1], strides = [1]} : vector<16xi32> to vector<1xi32>
      %squeeze3A_670 = vector.extract %slice3A_669[0] : i32 from vector<1xi32>
      %shift_right_arithmetic3A_671 = arith.constant 7 : i32
      %shift_right_arithmetic3A_672 = arith.shrsi %squeeze3A_668, %shift_right_arithmetic3A_671 : i32
      %shift_left3A_673 = arith.constant 7 : i32
      %shift_left3A_674 = arith.shli %shift_right_arithmetic3A_672, %shift_left3A_673 : i32
      %multiple_of3A_675 = tpu.assume_multiple %shift_left3A_674, 128 : i32
      %shift_right_arithmetic3A_676 = arith.constant 7 : i32
      %shift_right_arithmetic3A_677 = arith.shrsi %squeeze3A_670, %shift_right_arithmetic3A_676 : i32
      %shift_left3A_678 = arith.constant 7 : i32
      %shift_left3A_679 = arith.shli %shift_right_arithmetic3A_677, %shift_left3A_678 : i32
      %multiple_of3A_680 = tpu.assume_multiple %shift_left3A_679, 128 : i32
      %dma_start3A_681 = arith.constant 2 : i32
      %dma_start3A_682 = arith.constant 2 : i32
      %dma_start3A_683 = arith.constant 0 : i32
      %dma_start3A_684 = arith.constant 0 : i32
      %dma_start3A_685 = tpu.memref_slice %arg10[%dma_start3A_681, %dma_start3A_683, %dma_start3A_684] : memref<8x32x128xf32, #tpu.memory_space<vmem>> -> memref<1x32x128xf32, #tpu.memory_space<vmem>>
      %dma_start3A_686 = tpu.memref_squeeze %dma_start3A_685 : memref<1x32x128xf32, #tpu.memory_space<vmem>> -> memref<32x128xf32, #tpu.memory_space<vmem>>
      %dma_start3A_687 = arith.constant 0 : i32
      %dma_start3A_688 = tpu.memref_slice %arg4[%dma_start3A_687, %multiple_of3A_675] : memref<32x1000000xf32, #tpu.memory_space<hbm>> -> memref<32x128xf32, #tpu.memory_space<hbm>>
      %dma_start3A_689 = tpu.memref_slice %arg12[%dma_start3A_682] : memref<8x!tpu.dma_semaphore, #tpu.memory_space<semaphore_mem>> -> memref<1x!tpu.dma_semaphore, #tpu.memory_space<semaphore_mem>>
      %dma_start3A_690 = tpu.memref_squeeze %dma_start3A_689 : memref<1x!tpu.dma_semaphore, #tpu.memory_space<semaphore_mem>> -> memref<!tpu.dma_semaphore, #tpu.memory_space<semaphore_mem>>
      %dma_start3A_691 = arith.constant 0 : i32
      %dma_start3A_692 = arith.constant 0 : i32
      %dma_start3A_693 = tpu.memref_slice %arg10[%dma_start3A_681, %dma_start3A_691, %dma_start3A_692] : memref<8x32x128xf32, #tpu.memory_space<vmem>> -> memref<1x32x128xf32, #tpu.memory_space<vmem>>
      %dma_start3A_694 = tpu.memref_squeeze %dma_start3A_693 : memref<1x32x128xf32, #tpu.memory_space<vmem>> -> memref<32x128xf32, #tpu.memory_space<vmem>>
      %dma_start3A_695 = arith.constant 0 : i32
      %dma_start3A_696 = tpu.memref_slice %arg4[%dma_start3A_695, %multiple_of3A_675] : memref<32x1000000xf32, #tpu.memory_space<hbm>> -> memref<32x128xf32, #tpu.memory_space<hbm>>
      tpu.enqueue_dma source(%dma_start3A_696 : memref<32x128xf32, #tpu.memory_space<hbm>>) target(%dma_start3A_694 : memref<32x128xf32, #tpu.memory_space<vmem>>) target_semaphore(%dma_start3A_690 : memref<!tpu.dma_semaphore, #tpu.memory_space<semaphore_mem>>)
      %dma_start3A_697 = arith.constant 2 : i32
      %dma_start3A_698 = arith.constant 2 : i32
      %dma_start3A_699 = arith.constant 0 : i32
      %dma_start3A_700 = arith.constant 0 : i32
      %dma_start3A_701 = tpu.memref_slice %arg11[%dma_start3A_697, %dma_start3A_699, %dma_start3A_700] : memref<8x32x128xf32, #tpu.memory_space<vmem>> -> memref<1x32x128xf32, #tpu.memory_space<vmem>>
      %dma_start3A_702 = tpu.memref_squeeze %dma_start3A_701 : memref<1x32x128xf32, #tpu.memory_space<vmem>> -> memref<32x128xf32, #tpu.memory_space<vmem>>
      %dma_start3A_703 = arith.constant 0 : i32
      %dma_start3A_704 = tpu.memref_slice %arg5[%dma_start3A_703, %multiple_of3A_680] : memref<32x1000000xf32, #tpu.memory_space<hbm>> -> memref<32x128xf32, #tpu.memory_space<hbm>>
      %dma_start3A_705 = tpu.memref_slice %arg13[%dma_start3A_698] : memref<8x!tpu.dma_semaphore, #tpu.memory_space<semaphore_mem>> -> memref<1x!tpu.dma_semaphore, #tpu.memory_space<semaphore_mem>>
      %dma_start3A_706 = tpu.memref_squeeze %dma_start3A_705 : memref<1x!tpu.dma_semaphore, #tpu.memory_space<semaphore_mem>> -> memref<!tpu.dma_semaphore, #tpu.memory_space<semaphore_mem>>
      %dma_start3A_707 = arith.constant 0 : i32
      %dma_start3A_708 = arith.constant 0 : i32
      %dma_start3A_709 = tpu.memref_slice %arg11[%dma_start3A_697, %dma_start3A_707, %dma_start3A_708] : memref<8x32x128xf32, #tpu.memory_space<vmem>> -> memref<1x32x128xf32, #tpu.memory_space<vmem>>
      %dma_start3A_710 = tpu.memref_squeeze %dma_start3A_709 : memref<1x32x128xf32, #tpu.memory_space<vmem>> -> memref<32x128xf32, #tpu.memory_space<vmem>>
      %dma_start3A_711 = arith.constant 0 : i32
      %dma_start3A_712 = tpu.memref_slice %arg5[%dma_start3A_711, %multiple_of3A_680] : memref<32x1000000xf32, #tpu.memory_space<hbm>> -> memref<32x128xf32, #tpu.memory_space<hbm>>
      tpu.enqueue_dma source(%dma_start3A_712 : memref<32x128xf32, #tpu.memory_space<hbm>>) target(%dma_start3A_710 : memref<32x128xf32, #tpu.memory_space<vmem>>) target_semaphore(%dma_start3A_706 : memref<!tpu.dma_semaphore, #tpu.memory_space<semaphore_mem>>)
      %slice3A_713 = vector.extract_strided_slice %get3A_383 {offsets = [3], sizes = [1], strides = [1]} : vector<16xi32> to vector<1xi32>
      %squeeze3A_714 = vector.extract %slice3A_713[0] : i32 from vector<1xi32>
      %slice3A_715 = vector.extract_strided_slice %get3A_387 {offsets = [3], sizes = [1], strides = [1]} : vector<16xi32> to vector<1xi32>
      %squeeze3A_716 = vector.extract %slice3A_715[0] : i32 from vector<1xi32>
      %dma_wait3A_717 = arith.constant 3 : i32
      %dma_wait3A_718 = arith.constant 3 : i32
      %dma_wait3A_719 = arith.constant 0 : i32
      %dma_wait3A_720 = arith.constant 0 : i32
      %dma_wait3A_721 = tpu.memref_slice %arg10[%dma_wait3A_717, %dma_wait3A_719, %dma_wait3A_720] : memref<8x32x128xf32, #tpu.memory_space<vmem>> -> memref<1x32x128xf32, #tpu.memory_space<vmem>>
      %dma_wait3A_722 = tpu.memref_squeeze %dma_wait3A_721 : memref<1x32x128xf32, #tpu.memory_space<vmem>> -> memref<32x128xf32, #tpu.memory_space<vmem>>
      %dma_wait3A_723 = arith.constant 0 : i32
      %dma_wait3A_724 = arith.constant 0 : i32
      %dma_wait3A_725 = tpu.memref_slice %arg4[%dma_wait3A_723, %dma_wait3A_724] : memref<32x1000000xf32, #tpu.memory_space<hbm>> -> memref<32x128xf32, #tpu.memory_space<hbm>>
      %dma_wait3A_726 = tpu.memref_slice %arg12[%dma_wait3A_718] : memref<8x!tpu.dma_semaphore, #tpu.memory_space<semaphore_mem>> -> memref<1x!tpu.dma_semaphore, #tpu.memory_space<semaphore_mem>>
      %dma_wait3A_727 = tpu.memref_squeeze %dma_wait3A_726 : memref<1x!tpu.dma_semaphore, #tpu.memory_space<semaphore_mem>> -> memref<!tpu.dma_semaphore, #tpu.memory_space<semaphore_mem>>
      %dma_wait3A_728 = arith.constant 0 : i32
      %dma_wait3A_729 = arith.constant 0 : i32
      %dma_wait3A_730 = tpu.memref_slice %arg10[%dma_wait3A_717, %dma_wait3A_728, %dma_wait3A_729] : memref<8x32x128xf32, #tpu.memory_space<vmem>> -> memref<1x32x128xf32, #tpu.memory_space<vmem>>
      %dma_wait3A_731 = tpu.memref_squeeze %dma_wait3A_730 : memref<1x32x128xf32, #tpu.memory_space<vmem>> -> memref<32x128xf32, #tpu.memory_space<vmem>>
      %dma_wait3A_732 = arith.constant 0 : i32
      %dma_wait3A_733 = arith.constant 0 : i32
      %dma_wait3A_734 = tpu.memref_slice %arg4[%dma_wait3A_732, %dma_wait3A_733] : memref<32x1000000xf32, #tpu.memory_space<hbm>> -> memref<32x128xf32, #tpu.memory_space<hbm>>
      tpu.wait_dma2 semaphore(%dma_wait3A_727 : memref<!tpu.dma_semaphore, #tpu.memory_space<semaphore_mem>>) src(%dma_wait3A_734 : memref<32x128xf32, #tpu.memory_space<hbm>>) dst(%dma_wait3A_731 : memref<32x128xf32, #tpu.memory_space<vmem>>)
      %dma_wait3A_735 = arith.constant 3 : i32
      %dma_wait3A_736 = arith.constant 3 : i32
      %dma_wait3A_737 = arith.constant 0 : i32
      %dma_wait3A_738 = arith.constant 0 : i32
      %dma_wait3A_739 = tpu.memref_slice %arg11[%dma_wait3A_735, %dma_wait3A_737, %dma_wait3A_738] : memref<8x32x128xf32, #tpu.memory_space<vmem>> -> memref<1x32x128xf32, #tpu.memory_space<vmem>>
      %dma_wait3A_740 = tpu.memref_squeeze %dma_wait3A_739 : memref<1x32x128xf32, #tpu.memory_space<vmem>> -> memref<32x128xf32, #tpu.memory_space<vmem>>
      %dma_wait3A_741 = arith.constant 0 : i32
      %dma_wait3A_742 = arith.constant 0 : i32
      %dma_wait3A_743 = tpu.memref_slice %arg5[%dma_wait3A_741, %dma_wait3A_742] : memref<32x1000000xf32, #tpu.memory_space<hbm>> -> memref<32x128xf32, #tpu.memory_space<hbm>>
      %dma_wait3A_744 = tpu.memref_slice %arg13[%dma_wait3A_736] : memref<8x!tpu.dma_semaphore, #tpu.memory_space<semaphore_mem>> -> memref<1x!tpu.dma_semaphore, #tpu.memory_space<semaphore_mem>>
      %dma_wait3A_745 = tpu.memref_squeeze %dma_wait3A_744 : memref<1x!tpu.dma_semaphore, #tpu.memory_space<semaphore_mem>> -> memref<!tpu.dma_semaphore, #tpu.memory_space<semaphore_mem>>
      %dma_wait3A_746 = arith.constant 0 : i32
      %dma_wait3A_747 = arith.constant 0 : i32
      %dma_wait3A_748 = tpu.memref_slice %arg11[%dma_wait3A_735, %dma_wait3A_746, %dma_wait3A_747] : memref<8x32x128xf32, #tpu.memory_space<vmem>> -> memref<1x32x128xf32, #tpu.memory_space<vmem>>
      %dma_wait3A_749 = tpu.memref_squeeze %dma_wait3A_748 : memref<1x32x128xf32, #tpu.memory_space<vmem>> -> memref<32x128xf32, #tpu.memory_space<vmem>>
      %dma_wait3A_750 = arith.constant 0 : i32
      %dma_wait3A_751 = arith.constant 0 : i32
      %dma_wait3A_752 = tpu.memref_slice %arg5[%dma_wait3A_750, %dma_wait3A_751] : memref<32x1000000xf32, #tpu.memory_space<hbm>> -> memref<32x128xf32, #tpu.memory_space<hbm>>
      tpu.wait_dma2 semaphore(%dma_wait3A_745 : memref<!tpu.dma_semaphore, #tpu.memory_space<semaphore_mem>>) src(%dma_wait3A_752 : memref<32x128xf32, #tpu.memory_space<hbm>>) dst(%dma_wait3A_749 : memref<32x128xf32, #tpu.memory_space<vmem>>)
      %broadcast_in_dim3A_753 = arith.constant 3 : i32
      %broadcast_in_dim3A_754 = vector.broadcast %broadcast_in_dim3A_753 : i32 to vector<16xi32>
      %and3A_755 = arith.constant 127 : i32
      %and3A_756 = arith.andi %squeeze3A_714, %and3A_755 : i32
      %broadcast_in_dim3A_757 = vector.broadcast %and3A_756 : i32 to vector<16xi32>
      %and3A_758 = arith.constant 127 : i32
      %and3A_759 = arith.andi %squeeze3A_716, %and3A_758 : i32
      %broadcast_in_dim3A_760 = vector.broadcast %and3A_759 : i32 to vector<16xi32>
      %gather3A_761 = tpu.vector_load_idx %arg10[%broadcast_in_dim3A_754, %iota3A, %broadcast_in_dim3A_757] : memref<8x32x128xf32, #tpu.memory_space<vmem>>[vector<16xi32>, vector<16xi32>, vector<16xi32>], vector<16xf32>,
      %gather3A_762 = tpu.vector_load_idx %arg10[%broadcast_in_dim3A_754, %add3A_5, %broadcast_in_dim3A_757] : memref<8x32x128xf32, #tpu.memory_space<vmem>>[vector<16xi32>, vector<16xi32>, vector<16xi32>], vector<16xf32>,
      %gather3A_763 = tpu.vector_load_idx %arg11[%broadcast_in_dim3A_754, %iota3A, %broadcast_in_dim3A_760] : memref<8x32x128xf32, #tpu.memory_space<vmem>>[vector<16xi32>, vector<16xi32>, vector<16xi32>], vector<16xf32>,
      %gather3A_764 = tpu.vector_load_idx %arg11[%broadcast_in_dim3A_754, %add3A_5, %broadcast_in_dim3A_760] : memref<8x32x128xf32, #tpu.memory_space<vmem>>[vector<16xi32>, vector<16xi32>, vector<16xi32>], vector<16xf32>,
      %mul3A_765 = arith.mulf %gather3A_761, %gather3A_763 : vector<16xf32>
      %mul3A_766 = arith.mulf %gather3A_762, %gather3A_764 : vector<16xf32>
      %add3A_767 = arith.addf %mul3A_765, %mul3A_766 : vector<16xf32>
      %reduce_sum3A_768 = arith.constant true
      %reduce_sum3A_769 = vector.broadcast %reduce_sum3A_768 : i1 to vector<16xi1>
      %reduce_sum3A_770 = tpu.scan <sum>, %add3A_767 masked %reduce_sum3A_769 : vector<16xf32>, vector<16xi1> -> vector<16xf32>
      %reduce_sum3A_771 = vector.extract %reduce_sum3A_770[15] : f32 from vector<16xf32>
      %eq3A_772 = arith.constant 3 : i32
      %eq3A_773 = vector.broadcast %eq3A_772 : i32 to vector<16xi32>
      %eq3A_774 = arith.cmpi eq, %iota3A, %eq3A_773 : vector<16xi32>
      %broadcast_in_dim3A_775 = vector.broadcast %reduce_sum3A_771 : f32 to vector<16xf32>
      %select_n3A_776 = arith.select %eq3A_774, %broadcast_in_dim3A_775, %select_n3A_666 : vector<16xi1>, vector<16xf32>
      %slice3A_777 = vector.extract_strided_slice %get3A_383 {offsets = [11], sizes = [1], strides = [1]} : vector<16xi32> to vector<1xi32>
      %squeeze3A_778 = vector.extract %slice3A_777[0] : i32 from vector<1xi32>
      %slice3A_779 = vector.extract_strided_slice %get3A_387 {offsets = [11], sizes = [1], strides = [1]} : vector<16xi32> to vector<1xi32>
      %squeeze3A_780 = vector.extract %slice3A_779[0] : i32 from vector<1xi32>
      %shift_right_arithmetic3A_781 = arith.constant 7 : i32
      %shift_right_arithmetic3A_782 = arith.shrsi %squeeze3A_778, %shift_right_arithmetic3A_781 : i32
      %shift_left3A_783 = arith.constant 7 : i32
      %shift_left3A_784 = arith.shli %shift_right_arithmetic3A_782, %shift_left3A_783 : i32
      %multiple_of3A_785 = tpu.assume_multiple %shift_left3A_784, 128 : i32
      %shift_right_arithmetic3A_786 = arith.constant 7 : i32
      %shift_right_arithmetic3A_787 = arith.shrsi %squeeze3A_780, %shift_right_arithmetic3A_786 : i32
      %shift_left3A_788 = arith.constant 7 : i32
      %shift_left3A_789 = arith.shli %shift_right_arithmetic3A_787, %shift_left3A_788 : i32
      %multiple_of3A_790 = tpu.assume_multiple %shift_left3A_789, 128 : i32
      %dma_start3A_791 = arith.constant 3 : i32
      %dma_start3A_792 = arith.constant 3 : i32
      %dma_start3A_793 = arith.constant 0 : i32
      %dma_start3A_794 = arith.constant 0 : i32
      %dma_start3A_795 = tpu.memref_slice %arg10[%dma_start3A_791, %dma_start3A_793, %dma_start3A_794] : memref<8x32x128xf32, #tpu.memory_space<vmem>> -> memref<1x32x128xf32, #tpu.memory_space<vmem>>
      %dma_start3A_796 = tpu.memref_squeeze %dma_start3A_795 : memref<1x32x128xf32, #tpu.memory_space<vmem>> -> memref<32x128xf32, #tpu.memory_space<vmem>>
      %dma_start3A_797 = arith.constant 0 : i32
      %dma_start3A_798 = tpu.memref_slice %arg4[%dma_start3A_797, %multiple_of3A_785] : memref<32x1000000xf32, #tpu.memory_space<hbm>> -> memref<32x128xf32, #tpu.memory_space<hbm>>
      %dma_start3A_799 = tpu.memref_slice %arg12[%dma_start3A_792] : memref<8x!tpu.dma_semaphore, #tpu.memory_space<semaphore_mem>> -> memref<1x!tpu.dma_semaphore, #tpu.memory_space<semaphore_mem>>
      %dma_start3A_800 = tpu.memref_squeeze %dma_start3A_799 : memref<1x!tpu.dma_semaphore, #tpu.memory_space<semaphore_mem>> -> memref<!tpu.dma_semaphore, #tpu.memory_space<semaphore_mem>>
      %dma_start3A_801 = arith.constant 0 : i32
      %dma_start3A_802 = arith.constant 0 : i32
      %dma_start3A_803 = tpu.memref_slice %arg10[%dma_start3A_791, %dma_start3A_801, %dma_start3A_802] : memref<8x32x128xf32, #tpu.memory_space<vmem>> -> memref<1x32x128xf32, #tpu.memory_space<vmem>>
      %dma_start3A_804 = tpu.memref_squeeze %dma_start3A_803 : memref<1x32x128xf32, #tpu.memory_space<vmem>> -> memref<32x128xf32, #tpu.memory_space<vmem>>
      %dma_start3A_805 = arith.constant 0 : i32
      %dma_start3A_806 = tpu.memref_slice %arg4[%dma_start3A_805, %multiple_of3A_785] : memref<32x1000000xf32, #tpu.memory_space<hbm>> -> memref<32x128xf32, #tpu.memory_space<hbm>>
      tpu.enqueue_dma source(%dma_start3A_806 : memref<32x128xf32, #tpu.memory_space<hbm>>) target(%dma_start3A_804 : memref<32x128xf32, #tpu.memory_space<vmem>>) target_semaphore(%dma_start3A_800 : memref<!tpu.dma_semaphore, #tpu.memory_space<semaphore_mem>>)
      %dma_start3A_807 = arith.constant 3 : i32
      %dma_start3A_808 = arith.constant 3 : i32
      %dma_start3A_809 = arith.constant 0 : i32
      %dma_start3A_810 = arith.constant 0 : i32
      %dma_start3A_811 = tpu.memref_slice %arg11[%dma_start3A_807, %dma_start3A_809, %dma_start3A_810] : memref<8x32x128xf32, #tpu.memory_space<vmem>> -> memref<1x32x128xf32, #tpu.memory_space<vmem>>
      %dma_start3A_812 = tpu.memref_squeeze %dma_start3A_811 : memref<1x32x128xf32, #tpu.memory_space<vmem>> -> memref<32x128xf32, #tpu.memory_space<vmem>>
      %dma_start3A_813 = arith.constant 0 : i32
      %dma_start3A_814 = tpu.memref_slice %arg5[%dma_start3A_813, %multiple_of3A_790] : memref<32x1000000xf32, #tpu.memory_space<hbm>> -> memref<32x128xf32, #tpu.memory_space<hbm>>
      %dma_start3A_815 = tpu.memref_slice %arg13[%dma_start3A_808] : memref<8x!tpu.dma_semaphore, #tpu.memory_space<semaphore_mem>> -> memref<1x!tpu.dma_semaphore, #tpu.memory_space<semaphore_mem>>
      %dma_start3A_816 = tpu.memref_squeeze %dma_start3A_815 : memref<1x!tpu.dma_semaphore, #tpu.memory_space<semaphore_mem>> -> memref<!tpu.dma_semaphore, #tpu.memory_space<semaphore_mem>>
      %dma_start3A_817 = arith.constant 0 : i32
      %dma_start3A_818 = arith.constant 0 : i32
      %dma_start3A_819 = tpu.memref_slice %arg11[%dma_start3A_807, %dma_start3A_817, %dma_start3A_818] : memref<8x32x128xf32, #tpu.memory_space<vmem>> -> memref<1x32x128xf32, #tpu.memory_space<vmem>>
      %dma_start3A_820 = tpu.memref_squeeze %dma_start3A_819 : memref<1x32x128xf32, #tpu.memory_space<vmem>> -> memref<32x128xf32, #tpu.memory_space<vmem>>
      %dma_start3A_821 = arith.constant 0 : i32
      %dma_start3A_822 = tpu.memref_slice %arg5[%dma_start3A_821, %multiple_of3A_790] : memref<32x1000000xf32, #tpu.memory_space<hbm>> -> memref<32x128xf32, #tpu.memory_space<hbm>>
      tpu.enqueue_dma source(%dma_start3A_822 : memref<32x128xf32, #tpu.memory_space<hbm>>) target(%dma_start3A_820 : memref<32x128xf32, #tpu.memory_space<vmem>>) target_semaphore(%dma_start3A_816 : memref<!tpu.dma_semaphore, #tpu.memory_space<semaphore_mem>>)
      %slice3A_823 = vector.extract_strided_slice %get3A_383 {offsets = [4], sizes = [1], strides = [1]} : vector<16xi32> to vector<1xi32>
      %squeeze3A_824 = vector.extract %slice3A_823[0] : i32 from vector<1xi32>
      %slice3A_825 = vector.extract_strided_slice %get3A_387 {offsets = [4], sizes = [1], strides = [1]} : vector<16xi32> to vector<1xi32>
      %squeeze3A_826 = vector.extract %slice3A_825[0] : i32 from vector<1xi32>
      %dma_wait3A_827 = arith.constant 4 : i32
      %dma_wait3A_828 = arith.constant 4 : i32
      %dma_wait3A_829 = arith.constant 0 : i32
      %dma_wait3A_830 = arith.constant 0 : i32
      %dma_wait3A_831 = tpu.memref_slice %arg10[%dma_wait3A_827, %dma_wait3A_829, %dma_wait3A_830] : memref<8x32x128xf32, #tpu.memory_space<vmem>> -> memref<1x32x128xf32, #tpu.memory_space<vmem>>
      %dma_wait3A_832 = tpu.memref_squeeze %dma_wait3A_831 : memref<1x32x128xf32, #tpu.memory_space<vmem>> -> memref<32x128xf32, #tpu.memory_space<vmem>>
      %dma_wait3A_833 = arith.constant 0 : i32
      %dma_wait3A_834 = arith.constant 0 : i32
      %dma_wait3A_835 = tpu.memref_slice %arg4[%dma_wait3A_833, %dma_wait3A_834] : memref<32x1000000xf32, #tpu.memory_space<hbm>> -> memref<32x128xf32, #tpu.memory_space<hbm>>
      %dma_wait3A_836 = tpu.memref_slice %arg12[%dma_wait3A_828] : memref<8x!tpu.dma_semaphore, #tpu.memory_space<semaphore_mem>> -> memref<1x!tpu.dma_semaphore, #tpu.memory_space<semaphore_mem>>
      %dma_wait3A_837 = tpu.memref_squeeze %dma_wait3A_836 : memref<1x!tpu.dma_semaphore, #tpu.memory_space<semaphore_mem>> -> memref<!tpu.dma_semaphore, #tpu.memory_space<semaphore_mem>>
      %dma_wait3A_838 = arith.constant 0 : i32
      %dma_wait3A_839 = arith.constant 0 : i32
      %dma_wait3A_840 = tpu.memref_slice %arg10[%dma_wait3A_827, %dma_wait3A_838, %dma_wait3A_839] : memref<8x32x128xf32, #tpu.memory_space<vmem>> -> memref<1x32x128xf32, #tpu.memory_space<vmem>>
      %dma_wait3A_841 = tpu.memref_squeeze %dma_wait3A_840 : memref<1x32x128xf32, #tpu.memory_space<vmem>> -> memref<32x128xf32, #tpu.memory_space<vmem>>
      %dma_wait3A_842 = arith.constant 0 : i32
      %dma_wait3A_843 = arith.constant 0 : i32
      %dma_wait3A_844 = tpu.memref_slice %arg4[%dma_wait3A_842, %dma_wait3A_843] : memref<32x1000000xf32, #tpu.memory_space<hbm>> -> memref<32x128xf32, #tpu.memory_space<hbm>>
      tpu.wait_dma2 semaphore(%dma_wait3A_837 : memref<!tpu.dma_semaphore, #tpu.memory_space<semaphore_mem>>) src(%dma_wait3A_844 : memref<32x128xf32, #tpu.memory_space<hbm>>) dst(%dma_wait3A_841 : memref<32x128xf32, #tpu.memory_space<vmem>>)
      %dma_wait3A_845 = arith.constant 4 : i32
      %dma_wait3A_846 = arith.constant 4 : i32
      %dma_wait3A_847 = arith.constant 0 : i32
      %dma_wait3A_848 = arith.constant 0 : i32
      %dma_wait3A_849 = tpu.memref_slice %arg11[%dma_wait3A_845, %dma_wait3A_847, %dma_wait3A_848] : memref<8x32x128xf32, #tpu.memory_space<vmem>> -> memref<1x32x128xf32, #tpu.memory_space<vmem>>
      %dma_wait3A_850 = tpu.memref_squeeze %dma_wait3A_849 : memref<1x32x128xf32, #tpu.memory_space<vmem>> -> memref<32x128xf32, #tpu.memory_space<vmem>>
      %dma_wait3A_851 = arith.constant 0 : i32
      %dma_wait3A_852 = arith.constant 0 : i32
      %dma_wait3A_853 = tpu.memref_slice %arg5[%dma_wait3A_851, %dma_wait3A_852] : memref<32x1000000xf32, #tpu.memory_space<hbm>> -> memref<32x128xf32, #tpu.memory_space<hbm>>
      %dma_wait3A_854 = tpu.memref_slice %arg13[%dma_wait3A_846] : memref<8x!tpu.dma_semaphore, #tpu.memory_space<semaphore_mem>> -> memref<1x!tpu.dma_semaphore, #tpu.memory_space<semaphore_mem>>
      %dma_wait3A_855 = tpu.memref_squeeze %dma_wait3A_854 : memref<1x!tpu.dma_semaphore, #tpu.memory_space<semaphore_mem>> -> memref<!tpu.dma_semaphore, #tpu.memory_space<semaphore_mem>>
      %dma_wait3A_856 = arith.constant 0 : i32
      %dma_wait3A_857 = arith.constant 0 : i32
      %dma_wait3A_858 = tpu.memref_slice %arg11[%dma_wait3A_845, %dma_wait3A_856, %dma_wait3A_857] : memref<8x32x128xf32, #tpu.memory_space<vmem>> -> memref<1x32x128xf32, #tpu.memory_space<vmem>>
      %dma_wait3A_859 = tpu.memref_squeeze %dma_wait3A_858 : memref<1x32x128xf32, #tpu.memory_space<vmem>> -> memref<32x128xf32, #tpu.memory_space<vmem>>
      %dma_wait3A_860 = arith.constant 0 : i32
      %dma_wait3A_861 = arith.constant 0 : i32
      %dma_wait3A_862 = tpu.memref_slice %arg5[%dma_wait3A_860, %dma_wait3A_861] : memref<32x1000000xf32, #tpu.memory_space<hbm>> -> memref<32x128xf32, #tpu.memory_space<hbm>>
      tpu.wait_dma2 semaphore(%dma_wait3A_855 : memref<!tpu.dma_semaphore, #tpu.memory_space<semaphore_mem>>) src(%dma_wait3A_862 : memref<32x128xf32, #tpu.memory_space<hbm>>) dst(%dma_wait3A_859 : memref<32x128xf32, #tpu.memory_space<vmem>>)
      %broadcast_in_dim3A_863 = arith.constant 4 : i32
      %broadcast_in_dim3A_864 = vector.broadcast %broadcast_in_dim3A_863 : i32 to vector<16xi32>
      %and3A_865 = arith.constant 127 : i32
      %and3A_866 = arith.andi %squeeze3A_824, %and3A_865 : i32
      %broadcast_in_dim3A_867 = vector.broadcast %and3A_866 : i32 to vector<16xi32>
      %and3A_868 = arith.constant 127 : i32
      %and3A_869 = arith.andi %squeeze3A_826, %and3A_868 : i32
      %broadcast_in_dim3A_870 = vector.broadcast %and3A_869 : i32 to vector<16xi32>
      %gather3A_871 = tpu.vector_load_idx %arg10[%broadcast_in_dim3A_864, %iota3A, %broadcast_in_dim3A_867] : memref<8x32x128xf32, #tpu.memory_space<vmem>>[vector<16xi32>, vector<16xi32>, vector<16xi32>], vector<16xf32>,
      %gather3A_872 = tpu.vector_load_idx %arg10[%broadcast_in_dim3A_864, %add3A_5, %broadcast_in_dim3A_867] : memref<8x32x128xf32, #tpu.memory_space<vmem>>[vector<16xi32>, vector<16xi32>, vector<16xi32>], vector<16xf32>,
      %gather3A_873 = tpu.vector_load_idx %arg11[%broadcast_in_dim3A_864, %iota3A, %broadcast_in_dim3A_870] : memref<8x32x128xf32, #tpu.memory_space<vmem>>[vector<16xi32>, vector<16xi32>, vector<16xi32>], vector<16xf32>,
      %gather3A_874 = tpu.vector_load_idx %arg11[%broadcast_in_dim3A_864, %add3A_5, %broadcast_in_dim3A_870] : memref<8x32x128xf32, #tpu.memory_space<vmem>>[vector<16xi32>, vector<16xi32>, vector<16xi32>], vector<16xf32>,
      %mul3A_875 = arith.mulf %gather3A_871, %gather3A_873 : vector<16xf32>
      %mul3A_876 = arith.mulf %gather3A_872, %gather3A_874 : vector<16xf32>
      %add3A_877 = arith.addf %mul3A_875, %mul3A_876 : vector<16xf32>
      %reduce_sum3A_878 = arith.constant true
      %reduce_sum3A_879 = vector.broadcast %reduce_sum3A_878 : i1 to vector<16xi1>
      %reduce_sum3A_880 = tpu.scan <sum>, %add3A_877 masked %reduce_sum3A_879 : vector<16xf32>, vector<16xi1> -> vector<16xf32>
      %reduce_sum3A_881 = vector.extract %reduce_sum3A_880[15] : f32 from vector<16xf32>
      %eq3A_882 = arith.constant 4 : i32
      %eq3A_883 = vector.broadcast %eq3A_882 : i32 to vector<16xi32>
      %eq3A_884 = arith.cmpi eq, %iota3A, %eq3A_883 : vector<16xi32>
      %broadcast_in_dim3A_885 = vector.broadcast %reduce_sum3A_881 : f32 to vector<16xf32>
      %select_n3A_886 = arith.select %eq3A_884, %broadcast_in_dim3A_885, %select_n3A_776 : vector<16xi1>, vector<16xf32>
      %slice3A_887 = vector.extract_strided_slice %get3A_383 {offsets = [12], sizes = [1], strides = [1]} : vector<16xi32> to vector<1xi32>
      %squeeze3A_888 = vector.extract %slice3A_887[0] : i32 from vector<1xi32>
      %slice3A_889 = vector.extract_strided_slice %get3A_387 {offsets = [12], sizes = [1], strides = [1]} : vector<16xi32> to vector<1xi32>
      %squeeze3A_890 = vector.extract %slice3A_889[0] : i32 from vector<1xi32>
      %shift_right_arithmetic3A_891 = arith.constant 7 : i32
      %shift_right_arithmetic3A_892 = arith.shrsi %squeeze3A_888, %shift_right_arithmetic3A_891 : i32
      %shift_left3A_893 = arith.constant 7 : i32
      %shift_left3A_894 = arith.shli %shift_right_arithmetic3A_892, %shift_left3A_893 : i32
      %multiple_of3A_895 = tpu.assume_multiple %shift_left3A_894, 128 : i32
      %shift_right_arithmetic3A_896 = arith.constant 7 : i32
      %shift_right_arithmetic3A_897 = arith.shrsi %squeeze3A_890, %shift_right_arithmetic3A_896 : i32
      %shift_left3A_898 = arith.constant 7 : i32
      %shift_left3A_899 = arith.shli %shift_right_arithmetic3A_897, %shift_left3A_898 : i32
      %multiple_of3A_900 = tpu.assume_multiple %shift_left3A_899, 128 : i32
      %dma_start3A_901 = arith.constant 4 : i32
      %dma_start3A_902 = arith.constant 4 : i32
      %dma_start3A_903 = arith.constant 0 : i32
      %dma_start3A_904 = arith.constant 0 : i32
      %dma_start3A_905 = tpu.memref_slice %arg10[%dma_start3A_901, %dma_start3A_903, %dma_start3A_904] : memref<8x32x128xf32, #tpu.memory_space<vmem>> -> memref<1x32x128xf32, #tpu.memory_space<vmem>>
      %dma_start3A_906 = tpu.memref_squeeze %dma_start3A_905 : memref<1x32x128xf32, #tpu.memory_space<vmem>> -> memref<32x128xf32, #tpu.memory_space<vmem>>
      %dma_start3A_907 = arith.constant 0 : i32
      %dma_start3A_908 = tpu.memref_slice %arg4[%dma_start3A_907, %multiple_of3A_895] : memref<32x1000000xf32, #tpu.memory_space<hbm>> -> memref<32x128xf32, #tpu.memory_space<hbm>>
      %dma_start3A_909 = tpu.memref_slice %arg12[%dma_start3A_902] : memref<8x!tpu.dma_semaphore, #tpu.memory_space<semaphore_mem>> -> memref<1x!tpu.dma_semaphore, #tpu.memory_space<semaphore_mem>>
      %dma_start3A_910 = tpu.memref_squeeze %dma_start3A_909 : memref<1x!tpu.dma_semaphore, #tpu.memory_space<semaphore_mem>> -> memref<!tpu.dma_semaphore, #tpu.memory_space<semaphore_mem>>
      %dma_start3A_911 = arith.constant 0 : i32
      %dma_start3A_912 = arith.constant 0 : i32
      %dma_start3A_913 = tpu.memref_slice %arg10[%dma_start3A_901, %dma_start3A_911, %dma_start3A_912] : memref<8x32x128xf32, #tpu.memory_space<vmem>> -> memref<1x32x128xf32, #tpu.memory_space<vmem>>
      %dma_start3A_914 = tpu.memref_squeeze %dma_start3A_913 : memref<1x32x128xf32, #tpu.memory_space<vmem>> -> memref<32x128xf32, #tpu.memory_space<vmem>>
      %dma_start3A_915 = arith.constant 0 : i32
      %dma_start3A_916 = tpu.memref_slice %arg4[%dma_start3A_915, %multiple_of3A_895] : memref<32x1000000xf32, #tpu.memory_space<hbm>> -> memref<32x128xf32, #tpu.memory_space<hbm>>
      tpu.enqueue_dma source(%dma_start3A_916 : memref<32x128xf32, #tpu.memory_space<hbm>>) target(%dma_start3A_914 : memref<32x128xf32, #tpu.memory_space<vmem>>) target_semaphore(%dma_start3A_910 : memref<!tpu.dma_semaphore, #tpu.memory_space<semaphore_mem>>)
      %dma_start3A_917 = arith.constant 4 : i32
      %dma_start3A_918 = arith.constant 4 : i32
      %dma_start3A_919 = arith.constant 0 : i32
      %dma_start3A_920 = arith.constant 0 : i32
      %dma_start3A_921 = tpu.memref_slice %arg11[%dma_start3A_917, %dma_start3A_919, %dma_start3A_920] : memref<8x32x128xf32, #tpu.memory_space<vmem>> -> memref<1x32x128xf32, #tpu.memory_space<vmem>>
      %dma_start3A_922 = tpu.memref_squeeze %dma_start3A_921 : memref<1x32x128xf32, #tpu.memory_space<vmem>> -> memref<32x128xf32, #tpu.memory_space<vmem>>
      %dma_start3A_923 = arith.constant 0 : i32
      %dma_start3A_924 = tpu.memref_slice %arg5[%dma_start3A_923, %multiple_of3A_900] : memref<32x1000000xf32, #tpu.memory_space<hbm>> -> memref<32x128xf32, #tpu.memory_space<hbm>>
      %dma_start3A_925 = tpu.memref_slice %arg13[%dma_start3A_918] : memref<8x!tpu.dma_semaphore, #tpu.memory_space<semaphore_mem>> -> memref<1x!tpu.dma_semaphore, #tpu.memory_space<semaphore_mem>>
      %dma_start3A_926 = tpu.memref_squeeze %dma_start3A_925 : memref<1x!tpu.dma_semaphore, #tpu.memory_space<semaphore_mem>> -> memref<!tpu.dma_semaphore, #tpu.memory_space<semaphore_mem>>
      %dma_start3A_927 = arith.constant 0 : i32
      %dma_start3A_928 = arith.constant 0 : i32
      %dma_start3A_929 = tpu.memref_slice %arg11[%dma_start3A_917, %dma_start3A_927, %dma_start3A_928] : memref<8x32x128xf32, #tpu.memory_space<vmem>> -> memref<1x32x128xf32, #tpu.memory_space<vmem>>
      %dma_start3A_930 = tpu.memref_squeeze %dma_start3A_929 : memref<1x32x128xf32, #tpu.memory_space<vmem>> -> memref<32x128xf32, #tpu.memory_space<vmem>>
      %dma_start3A_931 = arith.constant 0 : i32
      %dma_start3A_932 = tpu.memref_slice %arg5[%dma_start3A_931, %multiple_of3A_900] : memref<32x1000000xf32, #tpu.memory_space<hbm>> -> memref<32x128xf32, #tpu.memory_space<hbm>>
      tpu.enqueue_dma source(%dma_start3A_932 : memref<32x128xf32, #tpu.memory_space<hbm>>) target(%dma_start3A_930 : memref<32x128xf32, #tpu.memory_space<vmem>>) target_semaphore(%dma_start3A_926 : memref<!tpu.dma_semaphore, #tpu.memory_space<semaphore_mem>>)
      %slice3A_933 = vector.extract_strided_slice %get3A_383 {offsets = [5], sizes = [1], strides = [1]} : vector<16xi32> to vector<1xi32>
      %squeeze3A_934 = vector.extract %slice3A_933[0] : i32 from vector<1xi32>
      %slice3A_935 = vector.extract_strided_slice %get3A_387 {offsets = [5], sizes = [1], strides = [1]} : vector<16xi32> to vector<1xi32>
      %squeeze3A_936 = vector.extract %slice3A_935[0] : i32 from vector<1xi32>
      %dma_wait3A_937 = arith.constant 5 : i32
      %dma_wait3A_938 = arith.constant 5 : i32
      %dma_wait3A_939 = arith.constant 0 : i32
      %dma_wait3A_940 = arith.constant 0 : i32
      %dma_wait3A_941 = tpu.memref_slice %arg10[%dma_wait3A_937, %dma_wait3A_939, %dma_wait3A_940] : memref<8x32x128xf32, #tpu.memory_space<vmem>> -> memref<1x32x128xf32, #tpu.memory_space<vmem>>
      %dma_wait3A_942 = tpu.memref_squeeze %dma_wait3A_941 : memref<1x32x128xf32, #tpu.memory_space<vmem>> -> memref<32x128xf32, #tpu.memory_space<vmem>>
      %dma_wait3A_943 = arith.constant 0 : i32
      %dma_wait3A_944 = arith.constant 0 : i32
      %dma_wait3A_945 = tpu.memref_slice %arg4[%dma_wait3A_943, %dma_wait3A_944] : memref<32x1000000xf32, #tpu.memory_space<hbm>> -> memref<32x128xf32, #tpu.memory_space<hbm>>
      %dma_wait3A_946 = tpu.memref_slice %arg12[%dma_wait3A_938] : memref<8x!tpu.dma_semaphore, #tpu.memory_space<semaphore_mem>> -> memref<1x!tpu.dma_semaphore, #tpu.memory_space<semaphore_mem>>
      %dma_wait3A_947 = tpu.memref_squeeze %dma_wait3A_946 : memref<1x!tpu.dma_semaphore, #tpu.memory_space<semaphore_mem>> -> memref<!tpu.dma_semaphore, #tpu.memory_space<semaphore_mem>>
      %dma_wait3A_948 = arith.constant 0 : i32
      %dma_wait3A_949 = arith.constant 0 : i32
      %dma_wait3A_950 = tpu.memref_slice %arg10[%dma_wait3A_937, %dma_wait3A_948, %dma_wait3A_949] : memref<8x32x128xf32, #tpu.memory_space<vmem>> -> memref<1x32x128xf32, #tpu.memory_space<vmem>>
      %dma_wait3A_951 = tpu.memref_squeeze %dma_wait3A_950 : memref<1x32x128xf32, #tpu.memory_space<vmem>> -> memref<32x128xf32, #tpu.memory_space<vmem>>
      %dma_wait3A_952 = arith.constant 0 : i32
      %dma_wait3A_953 = arith.constant 0 : i32
      %dma_wait3A_954 = tpu.memref_slice %arg4[%dma_wait3A_952, %dma_wait3A_953] : memref<32x1000000xf32, #tpu.memory_space<hbm>> -> memref<32x128xf32, #tpu.memory_space<hbm>>
      tpu.wait_dma2 semaphore(%dma_wait3A_947 : memref<!tpu.dma_semaphore, #tpu.memory_space<semaphore_mem>>) src(%dma_wait3A_954 : memref<32x128xf32, #tpu.memory_space<hbm>>) dst(%dma_wait3A_951 : memref<32x128xf32, #tpu.memory_space<vmem>>)
      %dma_wait3A_955 = arith.constant 5 : i32
      %dma_wait3A_956 = arith.constant 5 : i32
      %dma_wait3A_957 = arith.constant 0 : i32
      %dma_wait3A_958 = arith.constant 0 : i32
      %dma_wait3A_959 = tpu.memref_slice %arg11[%dma_wait3A_955, %dma_wait3A_957, %dma_wait3A_958] : memref<8x32x128xf32, #tpu.memory_space<vmem>> -> memref<1x32x128xf32, #tpu.memory_space<vmem>>
      %dma_wait3A_960 = tpu.memref_squeeze %dma_wait3A_959 : memref<1x32x128xf32, #tpu.memory_space<vmem>> -> memref<32x128xf32, #tpu.memory_space<vmem>>
      %dma_wait3A_961 = arith.constant 0 : i32
      %dma_wait3A_962 = arith.constant 0 : i32
      %dma_wait3A_963 = tpu.memref_slice %arg5[%dma_wait3A_961, %dma_wait3A_962] : memref<32x1000000xf32, #tpu.memory_space<hbm>> -> memref<32x128xf32, #tpu.memory_space<hbm>>
      %dma_wait3A_964 = tpu.memref_slice %arg13[%dma_wait3A_956] : memref<8x!tpu.dma_semaphore, #tpu.memory_space<semaphore_mem>> -> memref<1x!tpu.dma_semaphore, #tpu.memory_space<semaphore_mem>>
      %dma_wait3A_965 = tpu.memref_squeeze %dma_wait3A_964 : memref<1x!tpu.dma_semaphore, #tpu.memory_space<semaphore_mem>> -> memref<!tpu.dma_semaphore, #tpu.memory_space<semaphore_mem>>
      %dma_wait3A_966 = arith.constant 0 : i32
      %dma_wait3A_967 = arith.constant 0 : i32
      %dma_wait3A_968 = tpu.memref_slice %arg11[%dma_wait3A_955, %dma_wait3A_966, %dma_wait3A_967] : memref<8x32x128xf32, #tpu.memory_space<vmem>> -> memref<1x32x128xf32, #tpu.memory_space<vmem>>
      %dma_wait3A_969 = tpu.memref_squeeze %dma_wait3A_968 : memref<1x32x128xf32, #tpu.memory_space<vmem>> -> memref<32x128xf32, #tpu.memory_space<vmem>>
      %dma_wait3A_970 = arith.constant 0 : i32
      %dma_wait3A_971 = arith.constant 0 : i32
      %dma_wait3A_972 = tpu.memref_slice %arg5[%dma_wait3A_970, %dma_wait3A_971] : memref<32x1000000xf32, #tpu.memory_space<hbm>> -> memref<32x128xf32, #tpu.memory_space<hbm>>
      tpu.wait_dma2 semaphore(%dma_wait3A_965 : memref<!tpu.dma_semaphore, #tpu.memory_space<semaphore_mem>>) src(%dma_wait3A_972 : memref<32x128xf32, #tpu.memory_space<hbm>>) dst(%dma_wait3A_969 : memref<32x128xf32, #tpu.memory_space<vmem>>)
      %broadcast_in_dim3A_973 = arith.constant 5 : i32
      %broadcast_in_dim3A_974 = vector.broadcast %broadcast_in_dim3A_973 : i32 to vector<16xi32>
      %and3A_975 = arith.constant 127 : i32
      %and3A_976 = arith.andi %squeeze3A_934, %and3A_975 : i32
      %broadcast_in_dim3A_977 = vector.broadcast %and3A_976 : i32 to vector<16xi32>
      %and3A_978 = arith.constant 127 : i32
      %and3A_979 = arith.andi %squeeze3A_936, %and3A_978 : i32
      %broadcast_in_dim3A_980 = vector.broadcast %and3A_979 : i32 to vector<16xi32>
      %gather3A_981 = tpu.vector_load_idx %arg10[%broadcast_in_dim3A_974, %iota3A, %broadcast_in_dim3A_977] : memref<8x32x128xf32, #tpu.memory_space<vmem>>[vector<16xi32>, vector<16xi32>, vector<16xi32>], vector<16xf32>,
      %gather3A_982 = tpu.vector_load_idx %arg10[%broadcast_in_dim3A_974, %add3A_5, %broadcast_in_dim3A_977] : memref<8x32x128xf32, #tpu.memory_space<vmem>>[vector<16xi32>, vector<16xi32>, vector<16xi32>], vector<16xf32>,
      %gather3A_983 = tpu.vector_load_idx %arg11[%broadcast_in_dim3A_974, %iota3A, %broadcast_in_dim3A_980] : memref<8x32x128xf32, #tpu.memory_space<vmem>>[vector<16xi32>, vector<16xi32>, vector<16xi32>], vector<16xf32>,
      %gather3A_984 = tpu.vector_load_idx %arg11[%broadcast_in_dim3A_974, %add3A_5, %broadcast_in_dim3A_980] : memref<8x32x128xf32, #tpu.memory_space<vmem>>[vector<16xi32>, vector<16xi32>, vector<16xi32>], vector<16xf32>,
      %mul3A_985 = arith.mulf %gather3A_981, %gather3A_983 : vector<16xf32>
      %mul3A_986 = arith.mulf %gather3A_982, %gather3A_984 : vector<16xf32>
      %add3A_987 = arith.addf %mul3A_985, %mul3A_986 : vector<16xf32>
      %reduce_sum3A_988 = arith.constant true
      %reduce_sum3A_989 = vector.broadcast %reduce_sum3A_988 : i1 to vector<16xi1>
      %reduce_sum3A_990 = tpu.scan <sum>, %add3A_987 masked %reduce_sum3A_989 : vector<16xf32>, vector<16xi1> -> vector<16xf32>
      %reduce_sum3A_991 = vector.extract %reduce_sum3A_990[15] : f32 from vector<16xf32>
      %eq3A_992 = arith.constant 5 : i32
      %eq3A_993 = vector.broadcast %eq3A_992 : i32 to vector<16xi32>
      %eq3A_994 = arith.cmpi eq, %iota3A, %eq3A_993 : vector<16xi32>
      %broadcast_in_dim3A_995 = vector.broadcast %reduce_sum3A_991 : f32 to vector<16xf32>
      %select_n3A_996 = arith.select %eq3A_994, %broadcast_in_dim3A_995, %select_n3A_886 : vector<16xi1>, vector<16xf32>
      %slice3A_997 = vector.extract_strided_slice %get3A_383 {offsets = [13], sizes = [1], strides = [1]} : vector<16xi32> to vector<1xi32>
      %squeeze3A_998 = vector.extract %slice3A_997[0] : i32 from vector<1xi32>
      %slice3A_999 = vector.extract_strided_slice %get3A_387 {offsets = [13], sizes = [1], strides = [1]} : vector<16xi32> to vector<1xi32>
      %squeeze3A_1000 = vector.extract %slice3A_999[0] : i32 from vector<1xi32>
      %shift_right_arithmetic3A_1001 = arith.constant 7 : i32
      %shift_right_arithmetic3A_1002 = arith.shrsi %squeeze3A_998, %shift_right_arithmetic3A_1001 : i32
      %shift_left3A_1003 = arith.constant 7 : i32
      %shift_left3A_1004 = arith.shli %shift_right_arithmetic3A_1002, %shift_left3A_1003 : i32
      %multiple_of3A_1005 = tpu.assume_multiple %shift_left3A_1004, 128 : i32
      %shift_right_arithmetic3A_1006 = arith.constant 7 : i32
      %shift_right_arithmetic3A_1007 = arith.shrsi %squeeze3A_1000, %shift_right_arithmetic3A_1006 : i32
      %shift_left3A_1008 = arith.constant 7 : i32
      %shift_left3A_1009 = arith.shli %shift_right_arithmetic3A_1007, %shift_left3A_1008 : i32
      %multiple_of3A_1010 = tpu.assume_multiple %shift_left3A_1009, 128 : i32
      %dma_start3A_1011 = arith.constant 5 : i32
      %dma_start3A_1012 = arith.constant 5 : i32
      %dma_start3A_1013 = arith.constant 0 : i32
      %dma_start3A_1014 = arith.constant 0 : i32
      %dma_start3A_1015 = tpu.memref_slice %arg10[%dma_start3A_1011, %dma_start3A_1013, %dma_start3A_1014] : memref<8x32x128xf32, #tpu.memory_space<vmem>> -> memref<1x32x128xf32, #tpu.memory_space<vmem>>
      %dma_start3A_1016 = tpu.memref_squeeze %dma_start3A_1015 : memref<1x32x128xf32, #tpu.memory_space<vmem>> -> memref<32x128xf32, #tpu.memory_space<vmem>>
      %dma_start3A_1017 = arith.constant 0 : i32
      %dma_start3A_1018 = tpu.memref_slice %arg4[%dma_start3A_1017, %multiple_of3A_1005] : memref<32x1000000xf32, #tpu.memory_space<hbm>> -> memref<32x128xf32, #tpu.memory_space<hbm>>
      %dma_start3A_1019 = tpu.memref_slice %arg12[%dma_start3A_1012] : memref<8x!tpu.dma_semaphore, #tpu.memory_space<semaphore_mem>> -> memref<1x!tpu.dma_semaphore, #tpu.memory_space<semaphore_mem>>
      %dma_start3A_1020 = tpu.memref_squeeze %dma_start3A_1019 : memref<1x!tpu.dma_semaphore, #tpu.memory_space<semaphore_mem>> -> memref<!tpu.dma_semaphore, #tpu.memory_space<semaphore_mem>>
      %dma_start3A_1021 = arith.constant 0 : i32
      %dma_start3A_1022 = arith.constant 0 : i32
      %dma_start3A_1023 = tpu.memref_slice %arg10[%dma_start3A_1011, %dma_start3A_1021, %dma_start3A_1022] : memref<8x32x128xf32, #tpu.memory_space<vmem>> -> memref<1x32x128xf32, #tpu.memory_space<vmem>>
      %dma_start3A_1024 = tpu.memref_squeeze %dma_start3A_1023 : memref<1x32x128xf32, #tpu.memory_space<vmem>> -> memref<32x128xf32, #tpu.memory_space<vmem>>
      %dma_start3A_1025 = arith.constant 0 : i32
      %dma_start3A_1026 = tpu.memref_slice %arg4[%dma_start3A_1025, %multiple_of3A_1005] : memref<32x1000000xf32, #tpu.memory_space<hbm>> -> memref<32x128xf32, #tpu.memory_space<hbm>>
      tpu.enqueue_dma source(%dma_start3A_1026 : memref<32x128xf32, #tpu.memory_space<hbm>>) target(%dma_start3A_1024 : memref<32x128xf32, #tpu.memory_space<vmem>>) target_semaphore(%dma_start3A_1020 : memref<!tpu.dma_semaphore, #tpu.memory_space<semaphore_mem>>)
      %dma_start3A_1027 = arith.constant 5 : i32
      %dma_start3A_1028 = arith.constant 5 : i32
      %dma_start3A_1029 = arith.constant 0 : i32
      %dma_start3A_1030 = arith.constant 0 : i32
      %dma_start3A_1031 = tpu.memref_slice %arg11[%dma_start3A_1027, %dma_start3A_1029, %dma_start3A_1030] : memref<8x32x128xf32, #tpu.memory_space<vmem>> -> memref<1x32x128xf32, #tpu.memory_space<vmem>>
      %dma_start3A_1032 = tpu.memref_squeeze %dma_start3A_1031 : memref<1x32x128xf32, #tpu.memory_space<vmem>> -> memref<32x128xf32, #tpu.memory_space<vmem>>
      %dma_start3A_1033 = arith.constant 0 : i32
      %dma_start3A_1034 = tpu.memref_slice %arg5[%dma_start3A_1033, %multiple_of3A_1010] : memref<32x1000000xf32, #tpu.memory_space<hbm>> -> memref<32x128xf32, #tpu.memory_space<hbm>>
      %dma_start3A_1035 = tpu.memref_slice %arg13[%dma_start3A_1028] : memref<8x!tpu.dma_semaphore, #tpu.memory_space<semaphore_mem>> -> memref<1x!tpu.dma_semaphore, #tpu.memory_space<semaphore_mem>>
      %dma_start3A_1036 = tpu.memref_squeeze %dma_start3A_1035 : memref<1x!tpu.dma_semaphore, #tpu.memory_space<semaphore_mem>> -> memref<!tpu.dma_semaphore, #tpu.memory_space<semaphore_mem>>
      %dma_start3A_1037 = arith.constant 0 : i32
      %dma_start3A_1038 = arith.constant 0 : i32
      %dma_start3A_1039 = tpu.memref_slice %arg11[%dma_start3A_1027, %dma_start3A_1037, %dma_start3A_1038] : memref<8x32x128xf32, #tpu.memory_space<vmem>> -> memref<1x32x128xf32, #tpu.memory_space<vmem>>
      %dma_start3A_1040 = tpu.memref_squeeze %dma_start3A_1039 : memref<1x32x128xf32, #tpu.memory_space<vmem>> -> memref<32x128xf32, #tpu.memory_space<vmem>>
      %dma_start3A_1041 = arith.constant 0 : i32
      %dma_start3A_1042 = tpu.memref_slice %arg5[%dma_start3A_1041, %multiple_of3A_1010] : memref<32x1000000xf32, #tpu.memory_space<hbm>> -> memref<32x128xf32, #tpu.memory_space<hbm>>
      tpu.enqueue_dma source(%dma_start3A_1042 : memref<32x128xf32, #tpu.memory_space<hbm>>) target(%dma_start3A_1040 : memref<32x128xf32, #tpu.memory_space<vmem>>) target_semaphore(%dma_start3A_1036 : memref<!tpu.dma_semaphore, #tpu.memory_space<semaphore_mem>>)
      %slice3A_1043 = vector.extract_strided_slice %get3A_383 {offsets = [6], sizes = [1], strides = [1]} : vector<16xi32> to vector<1xi32>
      %squeeze3A_1044 = vector.extract %slice3A_1043[0] : i32 from vector<1xi32>
      %slice3A_1045 = vector.extract_strided_slice %get3A_387 {offsets = [6], sizes = [1], strides = [1]} : vector<16xi32> to vector<1xi32>
      %squeeze3A_1046 = vector.extract %slice3A_1045[0] : i32 from vector<1xi32>
      %dma_wait3A_1047 = arith.constant 6 : i32
      %dma_wait3A_1048 = arith.constant 6 : i32
      %dma_wait3A_1049 = arith.constant 0 : i32
      %dma_wait3A_1050 = arith.constant 0 : i32
      %dma_wait3A_1051 = tpu.memref_slice %arg10[%dma_wait3A_1047, %dma_wait3A_1049, %dma_wait3A_1050] : memref<8x32x128xf32, #tpu.memory_space<vmem>> -> memref<1x32x128xf32, #tpu.memory_space<vmem>>
      %dma_wait3A_1052 = tpu.memref_squeeze %dma_wait3A_1051 : memref<1x32x128xf32, #tpu.memory_space<vmem>> -> memref<32x128xf32, #tpu.memory_space<vmem>>
      %dma_wait3A_1053 = arith.constant 0 : i32
      %dma_wait3A_1054 = arith.constant 0 : i32
      %dma_wait3A_1055 = tpu.memref_slice %arg4[%dma_wait3A_1053, %dma_wait3A_1054] : memref<32x1000000xf32, #tpu.memory_space<hbm>> -> memref<32x128xf32, #tpu.memory_space<hbm>>
      %dma_wait3A_1056 = tpu.memref_slice %arg12[%dma_wait3A_1048] : memref<8x!tpu.dma_semaphore, #tpu.memory_space<semaphore_mem>> -> memref<1x!tpu.dma_semaphore, #tpu.memory_space<semaphore_mem>>
      %dma_wait3A_1057 = tpu.memref_squeeze %dma_wait3A_1056 : memref<1x!tpu.dma_semaphore, #tpu.memory_space<semaphore_mem>> -> memref<!tpu.dma_semaphore, #tpu.memory_space<semaphore_mem>>
      %dma_wait3A_1058 = arith.constant 0 : i32
      %dma_wait3A_1059 = arith.constant 0 : i32
      %dma_wait3A_1060 = tpu.memref_slice %arg10[%dma_wait3A_1047, %dma_wait3A_1058, %dma_wait3A_1059] : memref<8x32x128xf32, #tpu.memory_space<vmem>> -> memref<1x32x128xf32, #tpu.memory_space<vmem>>
      %dma_wait3A_1061 = tpu.memref_squeeze %dma_wait3A_1060 : memref<1x32x128xf32, #tpu.memory_space<vmem>> -> memref<32x128xf32, #tpu.memory_space<vmem>>
      %dma_wait3A_1062 = arith.constant 0 : i32
      %dma_wait3A_1063 = arith.constant 0 : i32
      %dma_wait3A_1064 = tpu.memref_slice %arg4[%dma_wait3A_1062, %dma_wait3A_1063] : memref<32x1000000xf32, #tpu.memory_space<hbm>> -> memref<32x128xf32, #tpu.memory_space<hbm>>
      tpu.wait_dma2 semaphore(%dma_wait3A_1057 : memref<!tpu.dma_semaphore, #tpu.memory_space<semaphore_mem>>) src(%dma_wait3A_1064 : memref<32x128xf32, #tpu.memory_space<hbm>>) dst(%dma_wait3A_1061 : memref<32x128xf32, #tpu.memory_space<vmem>>)
      %dma_wait3A_1065 = arith.constant 6 : i32
      %dma_wait3A_1066 = arith.constant 6 : i32
      %dma_wait3A_1067 = arith.constant 0 : i32
      %dma_wait3A_1068 = arith.constant 0 : i32
      %dma_wait3A_1069 = tpu.memref_slice %arg11[%dma_wait3A_1065, %dma_wait3A_1067, %dma_wait3A_1068] : memref<8x32x128xf32, #tpu.memory_space<vmem>> -> memref<1x32x128xf32, #tpu.memory_space<vmem>>
      %dma_wait3A_1070 = tpu.memref_squeeze %dma_wait3A_1069 : memref<1x32x128xf32, #tpu.memory_space<vmem>> -> memref<32x128xf32, #tpu.memory_space<vmem>>
      %dma_wait3A_1071 = arith.constant 0 : i32
      %dma_wait3A_1072 = arith.constant 0 : i32
      %dma_wait3A_1073 = tpu.memref_slice %arg5[%dma_wait3A_1071, %dma_wait3A_1072] : memref<32x1000000xf32, #tpu.memory_space<hbm>> -> memref<32x128xf32, #tpu.memory_space<hbm>>
      %dma_wait3A_1074 = tpu.memref_slice %arg13[%dma_wait3A_1066] : memref<8x!tpu.dma_semaphore, #tpu.memory_space<semaphore_mem>> -> memref<1x!tpu.dma_semaphore, #tpu.memory_space<semaphore_mem>>
      %dma_wait3A_1075 = tpu.memref_squeeze %dma_wait3A_1074 : memref<1x!tpu.dma_semaphore, #tpu.memory_space<semaphore_mem>> -> memref<!tpu.dma_semaphore, #tpu.memory_space<semaphore_mem>>
      %dma_wait3A_1076 = arith.constant 0 : i32
      %dma_wait3A_1077 = arith.constant 0 : i32
      %dma_wait3A_1078 = tpu.memref_slice %arg11[%dma_wait3A_1065, %dma_wait3A_1076, %dma_wait3A_1077] : memref<8x32x128xf32, #tpu.memory_space<vmem>> -> memref<1x32x128xf32, #tpu.memory_space<vmem>>
      %dma_wait3A_1079 = tpu.memref_squeeze %dma_wait3A_1078 : memref<1x32x128xf32, #tpu.memory_space<vmem>> -> memref<32x128xf32, #tpu.memory_space<vmem>>
      %dma_wait3A_1080 = arith.constant 0 : i32
      %dma_wait3A_1081 = arith.constant 0 : i32
      %dma_wait3A_1082 = tpu.memref_slice %arg5[%dma_wait3A_1080, %dma_wait3A_1081] : memref<32x1000000xf32, #tpu.memory_space<hbm>> -> memref<32x128xf32, #tpu.memory_space<hbm>>
      tpu.wait_dma2 semaphore(%dma_wait3A_1075 : memref<!tpu.dma_semaphore, #tpu.memory_space<semaphore_mem>>) src(%dma_wait3A_1082 : memref<32x128xf32, #tpu.memory_space<hbm>>) dst(%dma_wait3A_1079 : memref<32x128xf32, #tpu.memory_space<vmem>>)
      %broadcast_in_dim3A_1083 = arith.constant 6 : i32
      %broadcast_in_dim3A_1084 = vector.broadcast %broadcast_in_dim3A_1083 : i32 to vector<16xi32>
      %and3A_1085 = arith.constant 127 : i32
      %and3A_1086 = arith.andi %squeeze3A_1044, %and3A_1085 : i32
      %broadcast_in_dim3A_1087 = vector.broadcast %and3A_1086 : i32 to vector<16xi32>
      %and3A_1088 = arith.constant 127 : i32
      %and3A_1089 = arith.andi %squeeze3A_1046, %and3A_1088 : i32
      %broadcast_in_dim3A_1090 = vector.broadcast %and3A_1089 : i32 to vector<16xi32>
      %gather3A_1091 = tpu.vector_load_idx %arg10[%broadcast_in_dim3A_1084, %iota3A, %broadcast_in_dim3A_1087] : memref<8x32x128xf32, #tpu.memory_space<vmem>>[vector<16xi32>, vector<16xi32>, vector<16xi32>], vector<16xf32>,
      %gather3A_1092 = tpu.vector_load_idx %arg10[%broadcast_in_dim3A_1084, %add3A_5, %broadcast_in_dim3A_1087] : memref<8x32x128xf32, #tpu.memory_space<vmem>>[vector<16xi32>, vector<16xi32>, vector<16xi32>], vector<16xf32>,
      %gather3A_1093 = tpu.vector_load_idx %arg11[%broadcast_in_dim3A_1084, %iota3A, %broadcast_in_dim3A_1090] : memref<8x32x128xf32, #tpu.memory_space<vmem>>[vector<16xi32>, vector<16xi32>, vector<16xi32>], vector<16xf32>,
      %gather3A_1094 = tpu.vector_load_idx %arg11[%broadcast_in_dim3A_1084, %add3A_5, %broadcast_in_dim3A_1090] : memref<8x32x128xf32, #tpu.memory_space<vmem>>[vector<16xi32>, vector<16xi32>, vector<16xi32>], vector<16xf32>,
      %mul3A_1095 = arith.mulf %gather3A_1091, %gather3A_1093 : vector<16xf32>
      %mul3A_1096 = arith.mulf %gather3A_1092, %gather3A_1094 : vector<16xf32>
      %add3A_1097 = arith.addf %mul3A_1095, %mul3A_1096 : vector<16xf32>
      %reduce_sum3A_1098 = arith.constant true
      %reduce_sum3A_1099 = vector.broadcast %reduce_sum3A_1098 : i1 to vector<16xi1>
      %reduce_sum3A_1100 = tpu.scan <sum>, %add3A_1097 masked %reduce_sum3A_1099 : vector<16xf32>, vector<16xi1> -> vector<16xf32>
      %reduce_sum3A_1101 = vector.extract %reduce_sum3A_1100[15] : f32 from vector<16xf32>
      %eq3A_1102 = arith.constant 6 : i32
      %eq3A_1103 = vector.broadcast %eq3A_1102 : i32 to vector<16xi32>
      %eq3A_1104 = arith.cmpi eq, %iota3A, %eq3A_1103 : vector<16xi32>
      %broadcast_in_dim3A_1105 = vector.broadcast %reduce_sum3A_1101 : f32 to vector<16xf32>
      %select_n3A_1106 = arith.select %eq3A_1104, %broadcast_in_dim3A_1105, %select_n3A_996 : vector<16xi1>, vector<16xf32>
      %slice3A_1107 = vector.extract_strided_slice %get3A_383 {offsets = [14], sizes = [1], strides = [1]} : vector<16xi32> to vector<1xi32>
      %squeeze3A_1108 = vector.extract %slice3A_1107[0] : i32 from vector<1xi32>
      %slice3A_1109 = vector.extract_strided_slice %get3A_387 {offsets = [14], sizes = [1], strides = [1]} : vector<16xi32> to vector<1xi32>
      %squeeze3A_1110 = vector.extract %slice3A_1109[0] : i32 from vector<1xi32>
      %shift_right_arithmetic3A_1111 = arith.constant 7 : i32
      %shift_right_arithmetic3A_1112 = arith.shrsi %squeeze3A_1108, %shift_right_arithmetic3A_1111 : i32
      %shift_left3A_1113 = arith.constant 7 : i32
      %shift_left3A_1114 = arith.shli %shift_right_arithmetic3A_1112, %shift_left3A_1113 : i32
      %multiple_of3A_1115 = tpu.assume_multiple %shift_left3A_1114, 128 : i32
      %shift_right_arithmetic3A_1116 = arith.constant 7 : i32
      %shift_right_arithmetic3A_1117 = arith.shrsi %squeeze3A_1110, %shift_right_arithmetic3A_1116 : i32
      %shift_left3A_1118 = arith.constant 7 : i32
      %shift_left3A_1119 = arith.shli %shift_right_arithmetic3A_1117, %shift_left3A_1118 : i32
      %multiple_of3A_1120 = tpu.assume_multiple %shift_left3A_1119, 128 : i32
      %dma_start3A_1121 = arith.constant 6 : i32
      %dma_start3A_1122 = arith.constant 6 : i32
      %dma_start3A_1123 = arith.constant 0 : i32
      %dma_start3A_1124 = arith.constant 0 : i32
      %dma_start3A_1125 = tpu.memref_slice %arg10[%dma_start3A_1121, %dma_start3A_1123, %dma_start3A_1124] : memref<8x32x128xf32, #tpu.memory_space<vmem>> -> memref<1x32x128xf32, #tpu.memory_space<vmem>>
      %dma_start3A_1126 = tpu.memref_squeeze %dma_start3A_1125 : memref<1x32x128xf32, #tpu.memory_space<vmem>> -> memref<32x128xf32, #tpu.memory_space<vmem>>
      %dma_start3A_1127 = arith.constant 0 : i32
      %dma_start3A_1128 = tpu.memref_slice %arg4[%dma_start3A_1127, %multiple_of3A_1115] : memref<32x1000000xf32, #tpu.memory_space<hbm>> -> memref<32x128xf32, #tpu.memory_space<hbm>>
      %dma_start3A_1129 = tpu.memref_slice %arg12[%dma_start3A_1122] : memref<8x!tpu.dma_semaphore, #tpu.memory_space<semaphore_mem>> -> memref<1x!tpu.dma_semaphore, #tpu.memory_space<semaphore_mem>>
      %dma_start3A_1130 = tpu.memref_squeeze %dma_start3A_1129 : memref<1x!tpu.dma_semaphore, #tpu.memory_space<semaphore_mem>> -> memref<!tpu.dma_semaphore, #tpu.memory_space<semaphore_mem>>
      %dma_start3A_1131 = arith.constant 0 : i32
      %dma_start3A_1132 = arith.constant 0 : i32
      %dma_start3A_1133 = tpu.memref_slice %arg10[%dma_start3A_1121, %dma_start3A_1131, %dma_start3A_1132] : memref<8x32x128xf32, #tpu.memory_space<vmem>> -> memref<1x32x128xf32, #tpu.memory_space<vmem>>
      %dma_start3A_1134 = tpu.memref_squeeze %dma_start3A_1133 : memref<1x32x128xf32, #tpu.memory_space<vmem>> -> memref<32x128xf32, #tpu.memory_space<vmem>>
      %dma_start3A_1135 = arith.constant 0 : i32
      %dma_start3A_1136 = tpu.memref_slice %arg4[%dma_start3A_1135, %multiple_of3A_1115] : memref<32x1000000xf32, #tpu.memory_space<hbm>> -> memref<32x128xf32, #tpu.memory_space<hbm>>
      tpu.enqueue_dma source(%dma_start3A_1136 : memref<32x128xf32, #tpu.memory_space<hbm>>) target(%dma_start3A_1134 : memref<32x128xf32, #tpu.memory_space<vmem>>) target_semaphore(%dma_start3A_1130 : memref<!tpu.dma_semaphore, #tpu.memory_space<semaphore_mem>>)
      %dma_start3A_1137 = arith.constant 6 : i32
      %dma_start3A_1138 = arith.constant 6 : i32
      %dma_start3A_1139 = arith.constant 0 : i32
      %dma_start3A_1140 = arith.constant 0 : i32
      %dma_start3A_1141 = tpu.memref_slice %arg11[%dma_start3A_1137, %dma_start3A_1139, %dma_start3A_1140] : memref<8x32x128xf32, #tpu.memory_space<vmem>> -> memref<1x32x128xf32, #tpu.memory_space<vmem>>
      %dma_start3A_1142 = tpu.memref_squeeze %dma_start3A_1141 : memref<1x32x128xf32, #tpu.memory_space<vmem>> -> memref<32x128xf32, #tpu.memory_space<vmem>>
      %dma_start3A_1143 = arith.constant 0 : i32
      %dma_start3A_1144 = tpu.memref_slice %arg5[%dma_start3A_1143, %multiple_of3A_1120] : memref<32x1000000xf32, #tpu.memory_space<hbm>> -> memref<32x128xf32, #tpu.memory_space<hbm>>
      %dma_start3A_1145 = tpu.memref_slice %arg13[%dma_start3A_1138] : memref<8x!tpu.dma_semaphore, #tpu.memory_space<semaphore_mem>> -> memref<1x!tpu.dma_semaphore, #tpu.memory_space<semaphore_mem>>
      %dma_start3A_1146 = tpu.memref_squeeze %dma_start3A_1145 : memref<1x!tpu.dma_semaphore, #tpu.memory_space<semaphore_mem>> -> memref<!tpu.dma_semaphore, #tpu.memory_space<semaphore_mem>>
      %dma_start3A_1147 = arith.constant 0 : i32
      %dma_start3A_1148 = arith.constant 0 : i32
      %dma_start3A_1149 = tpu.memref_slice %arg11[%dma_start3A_1137, %dma_start3A_1147, %dma_start3A_1148] : memref<8x32x128xf32, #tpu.memory_space<vmem>> -> memref<1x32x128xf32, #tpu.memory_space<vmem>>
      %dma_start3A_1150 = tpu.memref_squeeze %dma_start3A_1149 : memref<1x32x128xf32, #tpu.memory_space<vmem>> -> memref<32x128xf32, #tpu.memory_space<vmem>>
      %dma_start3A_1151 = arith.constant 0 : i32
      %dma_start3A_1152 = tpu.memref_slice %arg5[%dma_start3A_1151, %multiple_of3A_1120] : memref<32x1000000xf32, #tpu.memory_space<hbm>> -> memref<32x128xf32, #tpu.memory_space<hbm>>
      tpu.enqueue_dma source(%dma_start3A_1152 : memref<32x128xf32, #tpu.memory_space<hbm>>) target(%dma_start3A_1150 : memref<32x128xf32, #tpu.memory_space<vmem>>) target_semaphore(%dma_start3A_1146 : memref<!tpu.dma_semaphore, #tpu.memory_space<semaphore_mem>>)
      %slice3A_1153 = vector.extract_strided_slice %get3A_383 {offsets = [7], sizes = [1], strides = [1]} : vector<16xi32> to vector<1xi32>
      %squeeze3A_1154 = vector.extract %slice3A_1153[0] : i32 from vector<1xi32>
      %slice3A_1155 = vector.extract_strided_slice %get3A_387 {offsets = [7], sizes = [1], strides = [1]} : vector<16xi32> to vector<1xi32>
      %squeeze3A_1156 = vector.extract %slice3A_1155[0] : i32 from vector<1xi32>
      %dma_wait3A_1157 = arith.constant 7 : i32
      %dma_wait3A_1158 = arith.constant 7 : i32
      %dma_wait3A_1159 = arith.constant 0 : i32
      %dma_wait3A_1160 = arith.constant 0 : i32
      %dma_wait3A_1161 = tpu.memref_slice %arg10[%dma_wait3A_1157, %dma_wait3A_1159, %dma_wait3A_1160] : memref<8x32x128xf32, #tpu.memory_space<vmem>> -> memref<1x32x128xf32, #tpu.memory_space<vmem>>
      %dma_wait3A_1162 = tpu.memref_squeeze %dma_wait3A_1161 : memref<1x32x128xf32, #tpu.memory_space<vmem>> -> memref<32x128xf32, #tpu.memory_space<vmem>>
      %dma_wait3A_1163 = arith.constant 0 : i32
      %dma_wait3A_1164 = arith.constant 0 : i32
      %dma_wait3A_1165 = tpu.memref_slice %arg4[%dma_wait3A_1163, %dma_wait3A_1164] : memref<32x1000000xf32, #tpu.memory_space<hbm>> -> memref<32x128xf32, #tpu.memory_space<hbm>>
      %dma_wait3A_1166 = tpu.memref_slice %arg12[%dma_wait3A_1158] : memref<8x!tpu.dma_semaphore, #tpu.memory_space<semaphore_mem>> -> memref<1x!tpu.dma_semaphore, #tpu.memory_space<semaphore_mem>>
      %dma_wait3A_1167 = tpu.memref_squeeze %dma_wait3A_1166 : memref<1x!tpu.dma_semaphore, #tpu.memory_space<semaphore_mem>> -> memref<!tpu.dma_semaphore, #tpu.memory_space<semaphore_mem>>
      %dma_wait3A_1168 = arith.constant 0 : i32
      %dma_wait3A_1169 = arith.constant 0 : i32
      %dma_wait3A_1170 = tpu.memref_slice %arg10[%dma_wait3A_1157, %dma_wait3A_1168, %dma_wait3A_1169] : memref<8x32x128xf32, #tpu.memory_space<vmem>> -> memref<1x32x128xf32, #tpu.memory_space<vmem>>
      %dma_wait3A_1171 = tpu.memref_squeeze %dma_wait3A_1170 : memref<1x32x128xf32, #tpu.memory_space<vmem>> -> memref<32x128xf32, #tpu.memory_space<vmem>>
      %dma_wait3A_1172 = arith.constant 0 : i32
      %dma_wait3A_1173 = arith.constant 0 : i32
      %dma_wait3A_1174 = tpu.memref_slice %arg4[%dma_wait3A_1172, %dma_wait3A_1173] : memref<32x1000000xf32, #tpu.memory_space<hbm>> -> memref<32x128xf32, #tpu.memory_space<hbm>>
      tpu.wait_dma2 semaphore(%dma_wait3A_1167 : memref<!tpu.dma_semaphore, #tpu.memory_space<semaphore_mem>>) src(%dma_wait3A_1174 : memref<32x128xf32, #tpu.memory_space<hbm>>) dst(%dma_wait3A_1171 : memref<32x128xf32, #tpu.memory_space<vmem>>)
      %dma_wait3A_1175 = arith.constant 7 : i32
      %dma_wait3A_1176 = arith.constant 7 : i32
      %dma_wait3A_1177 = arith.constant 0 : i32
      %dma_wait3A_1178 = arith.constant 0 : i32
      %dma_wait3A_1179 = tpu.memref_slice %arg11[%dma_wait3A_1175, %dma_wait3A_1177, %dma_wait3A_1178] : memref<8x32x128xf32, #tpu.memory_space<vmem>> -> memref<1x32x128xf32, #tpu.memory_space<vmem>>
      %dma_wait3A_1180 = tpu.memref_squeeze %dma_wait3A_1179 : memref<1x32x128xf32, #tpu.memory_space<vmem>> -> memref<32x128xf32, #tpu.memory_space<vmem>>
      %dma_wait3A_1181 = arith.constant 0 : i32
      %dma_wait3A_1182 = arith.constant 0 : i32
      %dma_wait3A_1183 = tpu.memref_slice %arg5[%dma_wait3A_1181, %dma_wait3A_1182] : memref<32x1000000xf32, #tpu.memory_space<hbm>> -> memref<32x128xf32, #tpu.memory_space<hbm>>
      %dma_wait3A_1184 = tpu.memref_slice %arg13[%dma_wait3A_1176] : memref<8x!tpu.dma_semaphore, #tpu.memory_space<semaphore_mem>> -> memref<1x!tpu.dma_semaphore, #tpu.memory_space<semaphore_mem>>
      %dma_wait3A_1185 = tpu.memref_squeeze %dma_wait3A_1184 : memref<1x!tpu.dma_semaphore, #tpu.memory_space<semaphore_mem>> -> memref<!tpu.dma_semaphore, #tpu.memory_space<semaphore_mem>>
      %dma_wait3A_1186 = arith.constant 0 : i32
      %dma_wait3A_1187 = arith.constant 0 : i32
      %dma_wait3A_1188 = tpu.memref_slice %arg11[%dma_wait3A_1175, %dma_wait3A_1186, %dma_wait3A_1187] : memref<8x32x128xf32, #tpu.memory_space<vmem>> -> memref<1x32x128xf32, #tpu.memory_space<vmem>>
      %dma_wait3A_1189 = tpu.memref_squeeze %dma_wait3A_1188 : memref<1x32x128xf32, #tpu.memory_space<vmem>> -> memref<32x128xf32, #tpu.memory_space<vmem>>
      %dma_wait3A_1190 = arith.constant 0 : i32
      %dma_wait3A_1191 = arith.constant 0 : i32
      %dma_wait3A_1192 = tpu.memref_slice %arg5[%dma_wait3A_1190, %dma_wait3A_1191] : memref<32x1000000xf32, #tpu.memory_space<hbm>> -> memref<32x128xf32, #tpu.memory_space<hbm>>
      tpu.wait_dma2 semaphore(%dma_wait3A_1185 : memref<!tpu.dma_semaphore, #tpu.memory_space<semaphore_mem>>) src(%dma_wait3A_1192 : memref<32x128xf32, #tpu.memory_space<hbm>>) dst(%dma_wait3A_1189 : memref<32x128xf32, #tpu.memory_space<vmem>>)
      %broadcast_in_dim3A_1193 = arith.constant 7 : i32
      %broadcast_in_dim3A_1194 = vector.broadcast %broadcast_in_dim3A_1193 : i32 to vector<16xi32>
      %and3A_1195 = arith.constant 127 : i32
      %and3A_1196 = arith.andi %squeeze3A_1154, %and3A_1195 : i32
      %broadcast_in_dim3A_1197 = vector.broadcast %and3A_1196 : i32 to vector<16xi32>
      %and3A_1198 = arith.constant 127 : i32
      %and3A_1199 = arith.andi %squeeze3A_1156, %and3A_1198 : i32
      %broadcast_in_dim3A_1200 = vector.broadcast %and3A_1199 : i32 to vector<16xi32>
      %gather3A_1201 = tpu.vector_load_idx %arg10[%broadcast_in_dim3A_1194, %iota3A, %broadcast_in_dim3A_1197] : memref<8x32x128xf32, #tpu.memory_space<vmem>>[vector<16xi32>, vector<16xi32>, vector<16xi32>], vector<16xf32>,
      %gather3A_1202 = tpu.vector_load_idx %arg10[%broadcast_in_dim3A_1194, %add3A_5, %broadcast_in_dim3A_1197] : memref<8x32x128xf32, #tpu.memory_space<vmem>>[vector<16xi32>, vector<16xi32>, vector<16xi32>], vector<16xf32>,
      %gather3A_1203 = tpu.vector_load_idx %arg11[%broadcast_in_dim3A_1194, %iota3A, %broadcast_in_dim3A_1200] : memref<8x32x128xf32, #tpu.memory_space<vmem>>[vector<16xi32>, vector<16xi32>, vector<16xi32>], vector<16xf32>,
      %gather3A_1204 = tpu.vector_load_idx %arg11[%broadcast_in_dim3A_1194, %add3A_5, %broadcast_in_dim3A_1200] : memref<8x32x128xf32, #tpu.memory_space<vmem>>[vector<16xi32>, vector<16xi32>, vector<16xi32>], vector<16xf32>,
      %mul3A_1205 = arith.mulf %gather3A_1201, %gather3A_1203 : vector<16xf32>
      %mul3A_1206 = arith.mulf %gather3A_1202, %gather3A_1204 : vector<16xf32>
      %add3A_1207 = arith.addf %mul3A_1205, %mul3A_1206 : vector<16xf32>
      %reduce_sum3A_1208 = arith.constant true
      %reduce_sum3A_1209 = vector.broadcast %reduce_sum3A_1208 : i1 to vector<16xi1>
      %reduce_sum3A_1210 = tpu.scan <sum>, %add3A_1207 masked %reduce_sum3A_1209 : vector<16xf32>, vector<16xi1> -> vector<16xf32>
      %reduce_sum3A_1211 = vector.extract %reduce_sum3A_1210[15] : f32 from vector<16xf32>
      %eq3A_1212 = arith.constant 7 : i32
      %eq3A_1213 = vector.broadcast %eq3A_1212 : i32 to vector<16xi32>
      %eq3A_1214 = arith.cmpi eq, %iota3A, %eq3A_1213 : vector<16xi32>
      %broadcast_in_dim3A_1215 = vector.broadcast %reduce_sum3A_1211 : f32 to vector<16xf32>
      %select_n3A_1216 = arith.select %eq3A_1214, %broadcast_in_dim3A_1215, %select_n3A_1106 : vector<16xi1>, vector<16xf32>
      %slice3A_1217 = vector.extract_strided_slice %get3A_383 {offsets = [15], sizes = [1], strides = [1]} : vector<16xi32> to vector<1xi32>
      %squeeze3A_1218 = vector.extract %slice3A_1217[0] : i32 from vector<1xi32>
      %slice3A_1219 = vector.extract_strided_slice %get3A_387 {offsets = [15], sizes = [1], strides = [1]} : vector<16xi32> to vector<1xi32>
      %squeeze3A_1220 = vector.extract %slice3A_1219[0] : i32 from vector<1xi32>
      %shift_right_arithmetic3A_1221 = arith.constant 7 : i32
      %shift_right_arithmetic3A_1222 = arith.shrsi %squeeze3A_1218, %shift_right_arithmetic3A_1221 : i32
      %shift_left3A_1223 = arith.constant 7 : i32
      %shift_left3A_1224 = arith.shli %shift_right_arithmetic3A_1222, %shift_left3A_1223 : i32
      %multiple_of3A_1225 = tpu.assume_multiple %shift_left3A_1224, 128 : i32
      %shift_right_arithmetic3A_1226 = arith.constant 7 : i32
      %shift_right_arithmetic3A_1227 = arith.shrsi %squeeze3A_1220, %shift_right_arithmetic3A_1226 : i32
      %shift_left3A_1228 = arith.constant 7 : i32
      %shift_left3A_1229 = arith.shli %shift_right_arithmetic3A_1227, %shift_left3A_1228 : i32
      %multiple_of3A_1230 = tpu.assume_multiple %shift_left3A_1229, 128 : i32
      %dma_start3A_1231 = arith.constant 7 : i32
      %dma_start3A_1232 = arith.constant 7 : i32
      %dma_start3A_1233 = arith.constant 0 : i32
      %dma_start3A_1234 = arith.constant 0 : i32
      %dma_start3A_1235 = tpu.memref_slice %arg10[%dma_start3A_1231, %dma_start3A_1233, %dma_start3A_1234] : memref<8x32x128xf32, #tpu.memory_space<vmem>> -> memref<1x32x128xf32, #tpu.memory_space<vmem>>
      %dma_start3A_1236 = tpu.memref_squeeze %dma_start3A_1235 : memref<1x32x128xf32, #tpu.memory_space<vmem>> -> memref<32x128xf32, #tpu.memory_space<vmem>>
      %dma_start3A_1237 = arith.constant 0 : i32
      %dma_start3A_1238 = tpu.memref_slice %arg4[%dma_start3A_1237, %multiple_of3A_1225] : memref<32x1000000xf32, #tpu.memory_space<hbm>> -> memref<32x128xf32, #tpu.memory_space<hbm>>
      %dma_start3A_1239 = tpu.memref_slice %arg12[%dma_start3A_1232] : memref<8x!tpu.dma_semaphore, #tpu.memory_space<semaphore_mem>> -> memref<1x!tpu.dma_semaphore, #tpu.memory_space<semaphore_mem>>
      %dma_start3A_1240 = tpu.memref_squeeze %dma_start3A_1239 : memref<1x!tpu.dma_semaphore, #tpu.memory_space<semaphore_mem>> -> memref<!tpu.dma_semaphore, #tpu.memory_space<semaphore_mem>>
      %dma_start3A_1241 = arith.constant 0 : i32
      %dma_start3A_1242 = arith.constant 0 : i32
      %dma_start3A_1243 = tpu.memref_slice %arg10[%dma_start3A_1231, %dma_start3A_1241, %dma_start3A_1242] : memref<8x32x128xf32, #tpu.memory_space<vmem>> -> memref<1x32x128xf32, #tpu.memory_space<vmem>>
      %dma_start3A_1244 = tpu.memref_squeeze %dma_start3A_1243 : memref<1x32x128xf32, #tpu.memory_space<vmem>> -> memref<32x128xf32, #tpu.memory_space<vmem>>
      %dma_start3A_1245 = arith.constant 0 : i32
      %dma_start3A_1246 = tpu.memref_slice %arg4[%dma_start3A_1245, %multiple_of3A_1225] : memref<32x1000000xf32, #tpu.memory_space<hbm>> -> memref<32x128xf32, #tpu.memory_space<hbm>>
      tpu.enqueue_dma source(%dma_start3A_1246 : memref<32x128xf32, #tpu.memory_space<hbm>>) target(%dma_start3A_1244 : memref<32x128xf32, #tpu.memory_space<vmem>>) target_semaphore(%dma_start3A_1240 : memref<!tpu.dma_semaphore, #tpu.memory_space<semaphore_mem>>)
      %dma_start3A_1247 = arith.constant 7 : i32
      %dma_start3A_1248 = arith.constant 7 : i32
      %dma_start3A_1249 = arith.constant 0 : i32
      %dma_start3A_1250 = arith.constant 0 : i32
      %dma_start3A_1251 = tpu.memref_slice %arg11[%dma_start3A_1247, %dma_start3A_1249, %dma_start3A_1250] : memref<8x32x128xf32, #tpu.memory_space<vmem>> -> memref<1x32x128xf32, #tpu.memory_space<vmem>>
      %dma_start3A_1252 = tpu.memref_squeeze %dma_start3A_1251 : memref<1x32x128xf32, #tpu.memory_space<vmem>> -> memref<32x128xf32, #tpu.memory_space<vmem>>
      %dma_start3A_1253 = arith.constant 0 : i32
      %dma_start3A_1254 = tpu.memref_slice %arg5[%dma_start3A_1253, %multiple_of3A_1230] : memref<32x1000000xf32, #tpu.memory_space<hbm>> -> memref<32x128xf32, #tpu.memory_space<hbm>>
      %dma_start3A_1255 = tpu.memref_slice %arg13[%dma_start3A_1248] : memref<8x!tpu.dma_semaphore, #tpu.memory_space<semaphore_mem>> -> memref<1x!tpu.dma_semaphore, #tpu.memory_space<semaphore_mem>>
      %dma_start3A_1256 = tpu.memref_squeeze %dma_start3A_1255 : memref<1x!tpu.dma_semaphore, #tpu.memory_space<semaphore_mem>> -> memref<!tpu.dma_semaphore, #tpu.memory_space<semaphore_mem>>
      %dma_start3A_1257 = arith.constant 0 : i32
      %dma_start3A_1258 = arith.constant 0 : i32
      %dma_start3A_1259 = tpu.memref_slice %arg11[%dma_start3A_1247, %dma_start3A_1257, %dma_start3A_1258] : memref<8x32x128xf32, #tpu.memory_space<vmem>> -> memref<1x32x128xf32, #tpu.memory_space<vmem>>
      %dma_start3A_1260 = tpu.memref_squeeze %dma_start3A_1259 : memref<1x32x128xf32, #tpu.memory_space<vmem>> -> memref<32x128xf32, #tpu.memory_space<vmem>>
      %dma_start3A_1261 = arith.constant 0 : i32
      %dma_start3A_1262 = tpu.memref_slice %arg5[%dma_start3A_1261, %multiple_of3A_1230] : memref<32x1000000xf32, #tpu.memory_space<hbm>> -> memref<32x128xf32, #tpu.memory_space<hbm>>
      tpu.enqueue_dma source(%dma_start3A_1262 : memref<32x128xf32, #tpu.memory_space<hbm>>) target(%dma_start3A_1260 : memref<32x128xf32, #tpu.memory_space<vmem>>) target_semaphore(%dma_start3A_1256 : memref<!tpu.dma_semaphore, #tpu.memory_space<semaphore_mem>>)
      %slice3A_1263 = vector.extract_strided_slice %get3A_383 {offsets = [8], sizes = [1], strides = [1]} : vector<16xi32> to vector<1xi32>
      %squeeze3A_1264 = vector.extract %slice3A_1263[0] : i32 from vector<1xi32>
      %slice3A_1265 = vector.extract_strided_slice %get3A_387 {offsets = [8], sizes = [1], strides = [1]} : vector<16xi32> to vector<1xi32>
      %squeeze3A_1266 = vector.extract %slice3A_1265[0] : i32 from vector<1xi32>
      %dma_wait3A_1267 = arith.constant 0 : i32
      %dma_wait3A_1268 = arith.constant 0 : i32
      %dma_wait3A_1269 = arith.constant 0 : i32
      %dma_wait3A_1270 = arith.constant 0 : i32
      %dma_wait3A_1271 = tpu.memref_slice %arg10[%dma_wait3A_1267, %dma_wait3A_1269, %dma_wait3A_1270] : memref<8x32x128xf32, #tpu.memory_space<vmem>> -> memref<1x32x128xf32, #tpu.memory_space<vmem>>
      %dma_wait3A_1272 = tpu.memref_squeeze %dma_wait3A_1271 : memref<1x32x128xf32, #tpu.memory_space<vmem>> -> memref<32x128xf32, #tpu.memory_space<vmem>>
      %dma_wait3A_1273 = arith.constant 0 : i32
      %dma_wait3A_1274 = arith.constant 0 : i32
      %dma_wait3A_1275 = tpu.memref_slice %arg4[%dma_wait3A_1273, %dma_wait3A_1274] : memref<32x1000000xf32, #tpu.memory_space<hbm>> -> memref<32x128xf32, #tpu.memory_space<hbm>>
      %dma_wait3A_1276 = tpu.memref_slice %arg12[%dma_wait3A_1268] : memref<8x!tpu.dma_semaphore, #tpu.memory_space<semaphore_mem>> -> memref<1x!tpu.dma_semaphore, #tpu.memory_space<semaphore_mem>>
      %dma_wait3A_1277 = tpu.memref_squeeze %dma_wait3A_1276 : memref<1x!tpu.dma_semaphore, #tpu.memory_space<semaphore_mem>> -> memref<!tpu.dma_semaphore, #tpu.memory_space<semaphore_mem>>
      %dma_wait3A_1278 = arith.constant 0 : i32
      %dma_wait3A_1279 = arith.constant 0 : i32
      %dma_wait3A_1280 = tpu.memref_slice %arg10[%dma_wait3A_1267, %dma_wait3A_1278, %dma_wait3A_1279] : memref<8x32x128xf32, #tpu.memory_space<vmem>> -> memref<1x32x128xf32, #tpu.memory_space<vmem>>
      %dma_wait3A_1281 = tpu.memref_squeeze %dma_wait3A_1280 : memref<1x32x128xf32, #tpu.memory_space<vmem>> -> memref<32x128xf32, #tpu.memory_space<vmem>>
      %dma_wait3A_1282 = arith.constant 0 : i32
      %dma_wait3A_1283 = arith.constant 0 : i32
      %dma_wait3A_1284 = tpu.memref_slice %arg4[%dma_wait3A_1282, %dma_wait3A_1283] : memref<32x1000000xf32, #tpu.memory_space<hbm>> -> memref<32x128xf32, #tpu.memory_space<hbm>>
      tpu.wait_dma2 semaphore(%dma_wait3A_1277 : memref<!tpu.dma_semaphore, #tpu.memory_space<semaphore_mem>>) src(%dma_wait3A_1284 : memref<32x128xf32, #tpu.memory_space<hbm>>) dst(%dma_wait3A_1281 : memref<32x128xf32, #tpu.memory_space<vmem>>)
      %dma_wait3A_1285 = arith.constant 0 : i32
      %dma_wait3A_1286 = arith.constant 0 : i32
      %dma_wait3A_1287 = arith.constant 0 : i32
      %dma_wait3A_1288 = arith.constant 0 : i32
      %dma_wait3A_1289 = tpu.memref_slice %arg11[%dma_wait3A_1285, %dma_wait3A_1287, %dma_wait3A_1288] : memref<8x32x128xf32, #tpu.memory_space<vmem>> -> memref<1x32x128xf32, #tpu.memory_space<vmem>>
      %dma_wait3A_1290 = tpu.memref_squeeze %dma_wait3A_1289 : memref<1x32x128xf32, #tpu.memory_space<vmem>> -> memref<32x128xf32, #tpu.memory_space<vmem>>
      %dma_wait3A_1291 = arith.constant 0 : i32
      %dma_wait3A_1292 = arith.constant 0 : i32
      %dma_wait3A_1293 = tpu.memref_slice %arg5[%dma_wait3A_1291, %dma_wait3A_1292] : memref<32x1000000xf32, #tpu.memory_space<hbm>> -> memref<32x128xf32, #tpu.memory_space<hbm>>
      %dma_wait3A_1294 = tpu.memref_slice %arg13[%dma_wait3A_1286] : memref<8x!tpu.dma_semaphore, #tpu.memory_space<semaphore_mem>> -> memref<1x!tpu.dma_semaphore, #tpu.memory_space<semaphore_mem>>
      %dma_wait3A_1295 = tpu.memref_squeeze %dma_wait3A_1294 : memref<1x!tpu.dma_semaphore, #tpu.memory_space<semaphore_mem>> -> memref<!tpu.dma_semaphore, #tpu.memory_space<semaphore_mem>>
      %dma_wait3A_1296 = arith.constant 0 : i32
      %dma_wait3A_1297 = arith.constant 0 : i32
      %dma_wait3A_1298 = tpu.memref_slice %arg11[%dma_wait3A_1285, %dma_wait3A_1296, %dma_wait3A_1297] : memref<8x32x128xf32, #tpu.memory_space<vmem>> -> memref<1x32x128xf32, #tpu.memory_space<vmem>>
      %dma_wait3A_1299 = tpu.memref_squeeze %dma_wait3A_1298 : memref<1x32x128xf32, #tpu.memory_space<vmem>> -> memref<32x128xf32, #tpu.memory_space<vmem>>
      %dma_wait3A_1300 = arith.constant 0 : i32
      %dma_wait3A_1301 = arith.constant 0 : i32
      %dma_wait3A_1302 = tpu.memref_slice %arg5[%dma_wait3A_1300, %dma_wait3A_1301] : memref<32x1000000xf32, #tpu.memory_space<hbm>> -> memref<32x128xf32, #tpu.memory_space<hbm>>
      tpu.wait_dma2 semaphore(%dma_wait3A_1295 : memref<!tpu.dma_semaphore, #tpu.memory_space<semaphore_mem>>) src(%dma_wait3A_1302 : memref<32x128xf32, #tpu.memory_space<hbm>>) dst(%dma_wait3A_1299 : memref<32x128xf32, #tpu.memory_space<vmem>>)
      %broadcast_in_dim3A_1303 = arith.constant 0 : i32
      %broadcast_in_dim3A_1304 = vector.broadcast %broadcast_in_dim3A_1303 : i32 to vector<16xi32>
      %and3A_1305 = arith.constant 127 : i32
      %and3A_1306 = arith.andi %squeeze3A_1264, %and3A_1305 : i32
      %broadcast_in_dim3A_1307 = vector.broadcast %and3A_1306 : i32 to vector<16xi32>
      %and3A_1308 = arith.constant 127 : i32
      %and3A_1309 = arith.andi %squeeze3A_1266, %and3A_1308 : i32
      %broadcast_in_dim3A_1310 = vector.broadcast %and3A_1309 : i32 to vector<16xi32>
      %gather3A_1311 = tpu.vector_load_idx %arg10[%broadcast_in_dim3A_1304, %iota3A, %broadcast_in_dim3A_1307] : memref<8x32x128xf32, #tpu.memory_space<vmem>>[vector<16xi32>, vector<16xi32>, vector<16xi32>], vector<16xf32>,
      %gather3A_1312 = tpu.vector_load_idx %arg10[%broadcast_in_dim3A_1304, %add3A_5, %broadcast_in_dim3A_1307] : memref<8x32x128xf32, #tpu.memory_space<vmem>>[vector<16xi32>, vector<16xi32>, vector<16xi32>], vector<16xf32>,
      %gather3A_1313 = tpu.vector_load_idx %arg11[%broadcast_in_dim3A_1304, %iota3A, %broadcast_in_dim3A_1310] : memref<8x32x128xf32, #tpu.memory_space<vmem>>[vector<16xi32>, vector<16xi32>, vector<16xi32>], vector<16xf32>,
      %gather3A_1314 = tpu.vector_load_idx %arg11[%broadcast_in_dim3A_1304, %add3A_5, %broadcast_in_dim3A_1310] : memref<8x32x128xf32, #tpu.memory_space<vmem>>[vector<16xi32>, vector<16xi32>, vector<16xi32>], vector<16xf32>,
      %mul3A_1315 = arith.mulf %gather3A_1311, %gather3A_1313 : vector<16xf32>
      %mul3A_1316 = arith.mulf %gather3A_1312, %gather3A_1314 : vector<16xf32>
      %add3A_1317 = arith.addf %mul3A_1315, %mul3A_1316 : vector<16xf32>
      %reduce_sum3A_1318 = arith.constant true
      %reduce_sum3A_1319 = vector.broadcast %reduce_sum3A_1318 : i1 to vector<16xi1>
      %reduce_sum3A_1320 = tpu.scan <sum>, %add3A_1317 masked %reduce_sum3A_1319 : vector<16xf32>, vector<16xi1> -> vector<16xf32>
      %reduce_sum3A_1321 = vector.extract %reduce_sum3A_1320[15] : f32 from vector<16xf32>
      %eq3A_1322 = arith.constant 8 : i32
      %eq3A_1323 = vector.broadcast %eq3A_1322 : i32 to vector<16xi32>
      %eq3A_1324 = arith.cmpi eq, %iota3A, %eq3A_1323 : vector<16xi32>
      %broadcast_in_dim3A_1325 = vector.broadcast %reduce_sum3A_1321 : f32 to vector<16xf32>
      %select_n3A_1326 = arith.select %eq3A_1324, %broadcast_in_dim3A_1325, %select_n3A_1216 : vector<16xi1>, vector<16xf32>
      %lt3A = arith.constant 31 : i32
      %lt3A_1327 = arith.cmpi slt, %add3A_379, %lt3A : i32
      %convert_element_type3A = arith.extui %lt3A_1327 : i1 to i32
      %cond3A = arith.constant 0 : i32
      %cond3A_1328 = arith.cmpi ne, %convert_element_type3A, %cond3A : i32
      scf.if %cond3A_1328 {
        %add3A_1815 = arith.constant 1 : i32
        %add3A_1816 = arith.addi %add3A_379, %add3A_1815 : i32
        %mul3A_1817 = arith.constant 16 : i32
        %mul3A_1818 = arith.muli %add3A_1816, %mul3A_1817 : i32
        %get3A_1819 = arith.index_cast %mul3A_1818 : i32 to index
        %get3A_1820 = tpu.vector_load %arg7[%get3A_1819] {strides = array<i32>} : memref<512xi32, #tpu.memory_space<vmem>>, vector<16xi32>,
        %add3A_1821 = arith.constant 1 : i32
        %add3A_1822 = arith.addi %add3A_379, %add3A_1821 : i32
        %mul3A_1823 = arith.constant 16 : i32
        %mul3A_1824 = arith.muli %add3A_1822, %mul3A_1823 : i32
        %get3A_1825 = arith.index_cast %mul3A_1824 : i32 to index
        %get3A_1826 = tpu.vector_load %arg8[%get3A_1825] {strides = array<i32>} : memref<512xi32, #tpu.memory_space<vmem>>, vector<16xi32>,
        %slice3A_1827 = vector.extract_strided_slice %get3A_1820 {offsets = [0], sizes = [1], strides = [1]} : vector<16xi32> to vector<1xi32>
        %squeeze3A_1828 = vector.extract %slice3A_1827[0] : i32 from vector<1xi32>
        %slice3A_1829 = vector.extract_strided_slice %get3A_1826 {offsets = [0], sizes = [1], strides = [1]} : vector<16xi32> to vector<1xi32>
        %squeeze3A_1830 = vector.extract %slice3A_1829[0] : i32 from vector<1xi32>
        %shift_right_arithmetic3A_1831 = arith.constant 7 : i32
        %shift_right_arithmetic3A_1832 = arith.shrsi %squeeze3A_1828, %shift_right_arithmetic3A_1831 : i32
        %shift_left3A_1833 = arith.constant 7 : i32
        %shift_left3A_1834 = arith.shli %shift_right_arithmetic3A_1832, %shift_left3A_1833 : i32
        %multiple_of3A_1835 = tpu.assume_multiple %shift_left3A_1834, 128 : i32
        %shift_right_arithmetic3A_1836 = arith.constant 7 : i32
        %shift_right_arithmetic3A_1837 = arith.shrsi %squeeze3A_1830, %shift_right_arithmetic3A_1836 : i32
        %shift_left3A_1838 = arith.constant 7 : i32
        %shift_left3A_1839 = arith.shli %shift_right_arithmetic3A_1837, %shift_left3A_1838 : i32
        %multiple_of3A_1840 = tpu.assume_multiple %shift_left3A_1839, 128 : i32
        %dma_start3A_1841 = arith.constant 0 : i32
        %dma_start3A_1842 = arith.constant 0 : i32
        %dma_start3A_1843 = arith.constant 0 : i32
        %dma_start3A_1844 = arith.constant 0 : i32
        %dma_start3A_1845 = tpu.memref_slice %arg10[%dma_start3A_1841, %dma_start3A_1843, %dma_start3A_1844] : memref<8x32x128xf32, #tpu.memory_space<vmem>> -> memref<1x32x128xf32, #tpu.memory_space<vmem>>
        %dma_start3A_1846 = tpu.memref_squeeze %dma_start3A_1845 : memref<1x32x128xf32, #tpu.memory_space<vmem>> -> memref<32x128xf32, #tpu.memory_space<vmem>>
        %dma_start3A_1847 = arith.constant 0 : i32
        %dma_start3A_1848 = tpu.memref_slice %arg4[%dma_start3A_1847, %multiple_of3A_1835] : memref<32x1000000xf32, #tpu.memory_space<hbm>> -> memref<32x128xf32, #tpu.memory_space<hbm>>
        %dma_start3A_1849 = tpu.memref_slice %arg12[%dma_start3A_1842] : memref<8x!tpu.dma_semaphore, #tpu.memory_space<semaphore_mem>> -> memref<1x!tpu.dma_semaphore, #tpu.memory_space<semaphore_mem>>
        %dma_start3A_1850 = tpu.memref_squeeze %dma_start3A_1849 : memref<1x!tpu.dma_semaphore, #tpu.memory_space<semaphore_mem>> -> memref<!tpu.dma_semaphore, #tpu.memory_space<semaphore_mem>>
        %dma_start3A_1851 = arith.constant 0 : i32
        %dma_start3A_1852 = arith.constant 0 : i32
        %dma_start3A_1853 = tpu.memref_slice %arg10[%dma_start3A_1841, %dma_start3A_1851, %dma_start3A_1852] : memref<8x32x128xf32, #tpu.memory_space<vmem>> -> memref<1x32x128xf32, #tpu.memory_space<vmem>>
        %dma_start3A_1854 = tpu.memref_squeeze %dma_start3A_1853 : memref<1x32x128xf32, #tpu.memory_space<vmem>> -> memref<32x128xf32, #tpu.memory_space<vmem>>
        %dma_start3A_1855 = arith.constant 0 : i32
        %dma_start3A_1856 = tpu.memref_slice %arg4[%dma_start3A_1855, %multiple_of3A_1835] : memref<32x1000000xf32, #tpu.memory_space<hbm>> -> memref<32x128xf32, #tpu.memory_space<hbm>>
        tpu.enqueue_dma source(%dma_start3A_1856 : memref<32x128xf32, #tpu.memory_space<hbm>>) target(%dma_start3A_1854 : memref<32x128xf32, #tpu.memory_space<vmem>>) target_semaphore(%dma_start3A_1850 : memref<!tpu.dma_semaphore, #tpu.memory_space<semaphore_mem>>)
        %dma_start3A_1857 = arith.constant 0 : i32
        %dma_start3A_1858 = arith.constant 0 : i32
        %dma_start3A_1859 = arith.constant 0 : i32
        %dma_start3A_1860 = arith.constant 0 : i32
        %dma_start3A_1861 = tpu.memref_slice %arg11[%dma_start3A_1857, %dma_start3A_1859, %dma_start3A_1860] : memref<8x32x128xf32, #tpu.memory_space<vmem>> -> memref<1x32x128xf32, #tpu.memory_space<vmem>>
        %dma_start3A_1862 = tpu.memref_squeeze %dma_start3A_1861 : memref<1x32x128xf32, #tpu.memory_space<vmem>> -> memref<32x128xf32, #tpu.memory_space<vmem>>
        %dma_start3A_1863 = arith.constant 0 : i32
        %dma_start3A_1864 = tpu.memref_slice %arg5[%dma_start3A_1863, %multiple_of3A_1840] : memref<32x1000000xf32, #tpu.memory_space<hbm>> -> memref<32x128xf32, #tpu.memory_space<hbm>>
        %dma_start3A_1865 = tpu.memref_slice %arg13[%dma_start3A_1858] : memref<8x!tpu.dma_semaphore, #tpu.memory_space<semaphore_mem>> -> memref<1x!tpu.dma_semaphore, #tpu.memory_space<semaphore_mem>>
        %dma_start3A_1866 = tpu.memref_squeeze %dma_start3A_1865 : memref<1x!tpu.dma_semaphore, #tpu.memory_space<semaphore_mem>> -> memref<!tpu.dma_semaphore, #tpu.memory_space<semaphore_mem>>
        %dma_start3A_1867 = arith.constant 0 : i32
        %dma_start3A_1868 = arith.constant 0 : i32
        %dma_start3A_1869 = tpu.memref_slice %arg11[%dma_start3A_1857, %dma_start3A_1867, %dma_start3A_1868] : memref<8x32x128xf32, #tpu.memory_space<vmem>> -> memref<1x32x128xf32, #tpu.memory_space<vmem>>
        %dma_start3A_1870 = tpu.memref_squeeze %dma_start3A_1869 : memref<1x32x128xf32, #tpu.memory_space<vmem>> -> memref<32x128xf32, #tpu.memory_space<vmem>>
        %dma_start3A_1871 = arith.constant 0 : i32
        %dma_start3A_1872 = tpu.memref_slice %arg5[%dma_start3A_1871, %multiple_of3A_1840] : memref<32x1000000xf32, #tpu.memory_space<hbm>> -> memref<32x128xf32, #tpu.memory_space<hbm>>
        tpu.enqueue_dma source(%dma_start3A_1872 : memref<32x128xf32, #tpu.memory_space<hbm>>) target(%dma_start3A_1870 : memref<32x128xf32, #tpu.memory_space<vmem>>) target_semaphore(%dma_start3A_1866 : memref<!tpu.dma_semaphore, #tpu.memory_space<semaphore_mem>>)
      } else {
      }
      %slice3A_1329 = vector.extract_strided_slice %get3A_383 {offsets = [9], sizes = [1], strides = [1]} : vector<16xi32> to vector<1xi32>
      %squeeze3A_1330 = vector.extract %slice3A_1329[0] : i32 from vector<1xi32>
      %slice3A_1331 = vector.extract_strided_slice %get3A_387 {offsets = [9], sizes = [1], strides = [1]} : vector<16xi32> to vector<1xi32>
      %squeeze3A_1332 = vector.extract %slice3A_1331[0] : i32 from vector<1xi32>
      %dma_wait3A_1333 = arith.constant 1 : i32
      %dma_wait3A_1334 = arith.constant 1 : i32
      %dma_wait3A_1335 = arith.constant 0 : i32
      %dma_wait3A_1336 = arith.constant 0 : i32
      %dma_wait3A_1337 = tpu.memref_slice %arg10[%dma_wait3A_1333, %dma_wait3A_1335, %dma_wait3A_1336] : memref<8x32x128xf32, #tpu.memory_space<vmem>> -> memref<1x32x128xf32, #tpu.memory_space<vmem>>
      %dma_wait3A_1338 = tpu.memref_squeeze %dma_wait3A_1337 : memref<1x32x128xf32, #tpu.memory_space<vmem>> -> memref<32x128xf32, #tpu.memory_space<vmem>>
      %dma_wait3A_1339 = arith.constant 0 : i32
      %dma_wait3A_1340 = arith.constant 0 : i32
      %dma_wait3A_1341 = tpu.memref_slice %arg4[%dma_wait3A_1339, %dma_wait3A_1340] : memref<32x1000000xf32, #tpu.memory_space<hbm>> -> memref<32x128xf32, #tpu.memory_space<hbm>>
      %dma_wait3A_1342 = tpu.memref_slice %arg12[%dma_wait3A_1334] : memref<8x!tpu.dma_semaphore, #tpu.memory_space<semaphore_mem>> -> memref<1x!tpu.dma_semaphore, #tpu.memory_space<semaphore_mem>>
      %dma_wait3A_1343 = tpu.memref_squeeze %dma_wait3A_1342 : memref<1x!tpu.dma_semaphore, #tpu.memory_space<semaphore_mem>> -> memref<!tpu.dma_semaphore, #tpu.memory_space<semaphore_mem>>
      %dma_wait3A_1344 = arith.constant 0 : i32
      %dma_wait3A_1345 = arith.constant 0 : i32
      %dma_wait3A_1346 = tpu.memref_slice %arg10[%dma_wait3A_1333, %dma_wait3A_1344, %dma_wait3A_1345] : memref<8x32x128xf32, #tpu.memory_space<vmem>> -> memref<1x32x128xf32, #tpu.memory_space<vmem>>
      %dma_wait3A_1347 = tpu.memref_squeeze %dma_wait3A_1346 : memref<1x32x128xf32, #tpu.memory_space<vmem>> -> memref<32x128xf32, #tpu.memory_space<vmem>>
      %dma_wait3A_1348 = arith.constant 0 : i32
      %dma_wait3A_1349 = arith.constant 0 : i32
      %dma_wait3A_1350 = tpu.memref_slice %arg4[%dma_wait3A_1348, %dma_wait3A_1349] : memref<32x1000000xf32, #tpu.memory_space<hbm>> -> memref<32x128xf32, #tpu.memory_space<hbm>>
      tpu.wait_dma2 semaphore(%dma_wait3A_1343 : memref<!tpu.dma_semaphore, #tpu.memory_space<semaphore_mem>>) src(%dma_wait3A_1350 : memref<32x128xf32, #tpu.memory_space<hbm>>) dst(%dma_wait3A_1347 : memref<32x128xf32, #tpu.memory_space<vmem>>)
      %dma_wait3A_1351 = arith.constant 1 : i32
      %dma_wait3A_1352 = arith.constant 1 : i32
      %dma_wait3A_1353 = arith.constant 0 : i32
      %dma_wait3A_1354 = arith.constant 0 : i32
      %dma_wait3A_1355 = tpu.memref_slice %arg11[%dma_wait3A_1351, %dma_wait3A_1353, %dma_wait3A_1354] : memref<8x32x128xf32, #tpu.memory_space<vmem>> -> memref<1x32x128xf32, #tpu.memory_space<vmem>>
      %dma_wait3A_1356 = tpu.memref_squeeze %dma_wait3A_1355 : memref<1x32x128xf32, #tpu.memory_space<vmem>> -> memref<32x128xf32, #tpu.memory_space<vmem>>
      %dma_wait3A_1357 = arith.constant 0 : i32
      %dma_wait3A_1358 = arith.constant 0 : i32
      %dma_wait3A_1359 = tpu.memref_slice %arg5[%dma_wait3A_1357, %dma_wait3A_1358] : memref<32x1000000xf32, #tpu.memory_space<hbm>> -> memref<32x128xf32, #tpu.memory_space<hbm>>
      %dma_wait3A_1360 = tpu.memref_slice %arg13[%dma_wait3A_1352] : memref<8x!tpu.dma_semaphore, #tpu.memory_space<semaphore_mem>> -> memref<1x!tpu.dma_semaphore, #tpu.memory_space<semaphore_mem>>
      %dma_wait3A_1361 = tpu.memref_squeeze %dma_wait3A_1360 : memref<1x!tpu.dma_semaphore, #tpu.memory_space<semaphore_mem>> -> memref<!tpu.dma_semaphore, #tpu.memory_space<semaphore_mem>>
      %dma_wait3A_1362 = arith.constant 0 : i32
      %dma_wait3A_1363 = arith.constant 0 : i32
      %dma_wait3A_1364 = tpu.memref_slice %arg11[%dma_wait3A_1351, %dma_wait3A_1362, %dma_wait3A_1363] : memref<8x32x128xf32, #tpu.memory_space<vmem>> -> memref<1x32x128xf32, #tpu.memory_space<vmem>>
      %dma_wait3A_1365 = tpu.memref_squeeze %dma_wait3A_1364 : memref<1x32x128xf32, #tpu.memory_space<vmem>> -> memref<32x128xf32, #tpu.memory_space<vmem>>
      %dma_wait3A_1366 = arith.constant 0 : i32
      %dma_wait3A_1367 = arith.constant 0 : i32
      %dma_wait3A_1368 = tpu.memref_slice %arg5[%dma_wait3A_1366, %dma_wait3A_1367] : memref<32x1000000xf32, #tpu.memory_space<hbm>> -> memref<32x128xf32, #tpu.memory_space<hbm>>
      tpu.wait_dma2 semaphore(%dma_wait3A_1361 : memref<!tpu.dma_semaphore, #tpu.memory_space<semaphore_mem>>) src(%dma_wait3A_1368 : memref<32x128xf32, #tpu.memory_space<hbm>>) dst(%dma_wait3A_1365 : memref<32x128xf32, #tpu.memory_space<vmem>>)
      %broadcast_in_dim3A_1369 = arith.constant 1 : i32
      %broadcast_in_dim3A_1370 = vector.broadcast %broadcast_in_dim3A_1369 : i32 to vector<16xi32>
      %and3A_1371 = arith.constant 127 : i32
      %and3A_1372 = arith.andi %squeeze3A_1330, %and3A_1371 : i32
      %broadcast_in_dim3A_1373 = vector.broadcast %and3A_1372 : i32 to vector<16xi32>
      %and3A_1374 = arith.constant 127 : i32
      %and3A_1375 = arith.andi %squeeze3A_1332, %and3A_1374 : i32
      %broadcast_in_dim3A_1376 = vector.broadcast %and3A_1375 : i32 to vector<16xi32>
      %gather3A_1377 = tpu.vector_load_idx %arg10[%broadcast_in_dim3A_1370, %iota3A, %broadcast_in_dim3A_1373] : memref<8x32x128xf32, #tpu.memory_space<vmem>>[vector<16xi32>, vector<16xi32>, vector<16xi32>], vector<16xf32>,
      %gather3A_1378 = tpu.vector_load_idx %arg10[%broadcast_in_dim3A_1370, %add3A_5, %broadcast_in_dim3A_1373] : memref<8x32x128xf32, #tpu.memory_space<vmem>>[vector<16xi32>, vector<16xi32>, vector<16xi32>], vector<16xf32>,
      %gather3A_1379 = tpu.vector_load_idx %arg11[%broadcast_in_dim3A_1370, %iota3A, %broadcast_in_dim3A_1376] : memref<8x32x128xf32, #tpu.memory_space<vmem>>[vector<16xi32>, vector<16xi32>, vector<16xi32>], vector<16xf32>,
      %gather3A_1380 = tpu.vector_load_idx %arg11[%broadcast_in_dim3A_1370, %add3A_5, %broadcast_in_dim3A_1376] : memref<8x32x128xf32, #tpu.memory_space<vmem>>[vector<16xi32>, vector<16xi32>, vector<16xi32>], vector<16xf32>,
      %mul3A_1381 = arith.mulf %gather3A_1377, %gather3A_1379 : vector<16xf32>
      %mul3A_1382 = arith.mulf %gather3A_1378, %gather3A_1380 : vector<16xf32>
      %add3A_1383 = arith.addf %mul3A_1381, %mul3A_1382 : vector<16xf32>
      %reduce_sum3A_1384 = arith.constant true
      %reduce_sum3A_1385 = vector.broadcast %reduce_sum3A_1384 : i1 to vector<16xi1>
      %reduce_sum3A_1386 = tpu.scan <sum>, %add3A_1383 masked %reduce_sum3A_1385 : vector<16xf32>, vector<16xi1> -> vector<16xf32>
      %reduce_sum3A_1387 = vector.extract %reduce_sum3A_1386[15] : f32 from vector<16xf32>
      %eq3A_1388 = arith.constant 9 : i32
      %eq3A_1389 = vector.broadcast %eq3A_1388 : i32 to vector<16xi32>
      %eq3A_1390 = arith.cmpi eq, %iota3A, %eq3A_1389 : vector<16xi32>
      %broadcast_in_dim3A_1391 = vector.broadcast %reduce_sum3A_1387 : f32 to vector<16xf32>
      %select_n3A_1392 = arith.select %eq3A_1390, %broadcast_in_dim3A_1391, %select_n3A_1326 : vector<16xi1>, vector<16xf32>
      %lt3A_1393 = arith.constant 31 : i32
      %lt3A_1394 = arith.cmpi slt, %add3A_379, %lt3A_1393 : i32
      %convert_element_type3A_1395 = arith.extui %lt3A_1394 : i1 to i32
      %cond3A_1396 = arith.constant 0 : i32
      %cond3A_1397 = arith.cmpi ne, %convert_element_type3A_1395, %cond3A_1396 : i32
      scf.if %cond3A_1397 {
        %add3A_1815 = arith.constant 1 : i32
        %add3A_1816 = arith.addi %add3A_379, %add3A_1815 : i32
        %mul3A_1817 = arith.constant 16 : i32
        %mul3A_1818 = arith.muli %add3A_1816, %mul3A_1817 : i32
        %get3A_1819 = arith.index_cast %mul3A_1818 : i32 to index
        %get3A_1820 = tpu.vector_load %arg7[%get3A_1819] {strides = array<i32>} : memref<512xi32, #tpu.memory_space<vmem>>, vector<16xi32>,
        %add3A_1821 = arith.constant 1 : i32
        %add3A_1822 = arith.addi %add3A_379, %add3A_1821 : i32
        %mul3A_1823 = arith.constant 16 : i32
        %mul3A_1824 = arith.muli %add3A_1822, %mul3A_1823 : i32
        %get3A_1825 = arith.index_cast %mul3A_1824 : i32 to index
        %get3A_1826 = tpu.vector_load %arg8[%get3A_1825] {strides = array<i32>} : memref<512xi32, #tpu.memory_space<vmem>>, vector<16xi32>,
        %slice3A_1827 = vector.extract_strided_slice %get3A_1820 {offsets = [1], sizes = [1], strides = [1]} : vector<16xi32> to vector<1xi32>
        %squeeze3A_1828 = vector.extract %slice3A_1827[0] : i32 from vector<1xi32>
        %slice3A_1829 = vector.extract_strided_slice %get3A_1826 {offsets = [1], sizes = [1], strides = [1]} : vector<16xi32> to vector<1xi32>
        %squeeze3A_1830 = vector.extract %slice3A_1829[0] : i32 from vector<1xi32>
        %shift_right_arithmetic3A_1831 = arith.constant 7 : i32
        %shift_right_arithmetic3A_1832 = arith.shrsi %squeeze3A_1828, %shift_right_arithmetic3A_1831 : i32
        %shift_left3A_1833 = arith.constant 7 : i32
        %shift_left3A_1834 = arith.shli %shift_right_arithmetic3A_1832, %shift_left3A_1833 : i32
        %multiple_of3A_1835 = tpu.assume_multiple %shift_left3A_1834, 128 : i32
        %shift_right_arithmetic3A_1836 = arith.constant 7 : i32
        %shift_right_arithmetic3A_1837 = arith.shrsi %squeeze3A_1830, %shift_right_arithmetic3A_1836 : i32
        %shift_left3A_1838 = arith.constant 7 : i32
        %shift_left3A_1839 = arith.shli %shift_right_arithmetic3A_1837, %shift_left3A_1838 : i32
        %multiple_of3A_1840 = tpu.assume_multiple %shift_left3A_1839, 128 : i32
        %dma_start3A_1841 = arith.constant 1 : i32
        %dma_start3A_1842 = arith.constant 1 : i32
        %dma_start3A_1843 = arith.constant 0 : i32
        %dma_start3A_1844 = arith.constant 0 : i32
        %dma_start3A_1845 = tpu.memref_slice %arg10[%dma_start3A_1841, %dma_start3A_1843, %dma_start3A_1844] : memref<8x32x128xf32, #tpu.memory_space<vmem>> -> memref<1x32x128xf32, #tpu.memory_space<vmem>>
        %dma_start3A_1846 = tpu.memref_squeeze %dma_start3A_1845 : memref<1x32x128xf32, #tpu.memory_space<vmem>> -> memref<32x128xf32, #tpu.memory_space<vmem>>
        %dma_start3A_1847 = arith.constant 0 : i32
        %dma_start3A_1848 = tpu.memref_slice %arg4[%dma_start3A_1847, %multiple_of3A_1835] : memref<32x1000000xf32, #tpu.memory_space<hbm>> -> memref<32x128xf32, #tpu.memory_space<hbm>>
        %dma_start3A_1849 = tpu.memref_slice %arg12[%dma_start3A_1842] : memref<8x!tpu.dma_semaphore, #tpu.memory_space<semaphore_mem>> -> memref<1x!tpu.dma_semaphore, #tpu.memory_space<semaphore_mem>>
        %dma_start3A_1850 = tpu.memref_squeeze %dma_start3A_1849 : memref<1x!tpu.dma_semaphore, #tpu.memory_space<semaphore_mem>> -> memref<!tpu.dma_semaphore, #tpu.memory_space<semaphore_mem>>
        %dma_start3A_1851 = arith.constant 0 : i32
        %dma_start3A_1852 = arith.constant 0 : i32
        %dma_start3A_1853 = tpu.memref_slice %arg10[%dma_start3A_1841, %dma_start3A_1851, %dma_start3A_1852] : memref<8x32x128xf32, #tpu.memory_space<vmem>> -> memref<1x32x128xf32, #tpu.memory_space<vmem>>
        %dma_start3A_1854 = tpu.memref_squeeze %dma_start3A_1853 : memref<1x32x128xf32, #tpu.memory_space<vmem>> -> memref<32x128xf32, #tpu.memory_space<vmem>>
        %dma_start3A_1855 = arith.constant 0 : i32
        %dma_start3A_1856 = tpu.memref_slice %arg4[%dma_start3A_1855, %multiple_of3A_1835] : memref<32x1000000xf32, #tpu.memory_space<hbm>> -> memref<32x128xf32, #tpu.memory_space<hbm>>
        tpu.enqueue_dma source(%dma_start3A_1856 : memref<32x128xf32, #tpu.memory_space<hbm>>) target(%dma_start3A_1854 : memref<32x128xf32, #tpu.memory_space<vmem>>) target_semaphore(%dma_start3A_1850 : memref<!tpu.dma_semaphore, #tpu.memory_space<semaphore_mem>>)
        %dma_start3A_1857 = arith.constant 1 : i32
        %dma_start3A_1858 = arith.constant 1 : i32
        %dma_start3A_1859 = arith.constant 0 : i32
        %dma_start3A_1860 = arith.constant 0 : i32
        %dma_start3A_1861 = tpu.memref_slice %arg11[%dma_start3A_1857, %dma_start3A_1859, %dma_start3A_1860] : memref<8x32x128xf32, #tpu.memory_space<vmem>> -> memref<1x32x128xf32, #tpu.memory_space<vmem>>
        %dma_start3A_1862 = tpu.memref_squeeze %dma_start3A_1861 : memref<1x32x128xf32, #tpu.memory_space<vmem>> -> memref<32x128xf32, #tpu.memory_space<vmem>>
        %dma_start3A_1863 = arith.constant 0 : i32
        %dma_start3A_1864 = tpu.memref_slice %arg5[%dma_start3A_1863, %multiple_of3A_1840] : memref<32x1000000xf32, #tpu.memory_space<hbm>> -> memref<32x128xf32, #tpu.memory_space<hbm>>
        %dma_start3A_1865 = tpu.memref_slice %arg13[%dma_start3A_1858] : memref<8x!tpu.dma_semaphore, #tpu.memory_space<semaphore_mem>> -> memref<1x!tpu.dma_semaphore, #tpu.memory_space<semaphore_mem>>
        %dma_start3A_1866 = tpu.memref_squeeze %dma_start3A_1865 : memref<1x!tpu.dma_semaphore, #tpu.memory_space<semaphore_mem>> -> memref<!tpu.dma_semaphore, #tpu.memory_space<semaphore_mem>>
        %dma_start3A_1867 = arith.constant 0 : i32
        %dma_start3A_1868 = arith.constant 0 : i32
        %dma_start3A_1869 = tpu.memref_slice %arg11[%dma_start3A_1857, %dma_start3A_1867, %dma_start3A_1868] : memref<8x32x128xf32, #tpu.memory_space<vmem>> -> memref<1x32x128xf32, #tpu.memory_space<vmem>>
        %dma_start3A_1870 = tpu.memref_squeeze %dma_start3A_1869 : memref<1x32x128xf32, #tpu.memory_space<vmem>> -> memref<32x128xf32, #tpu.memory_space<vmem>>
        %dma_start3A_1871 = arith.constant 0 : i32
        %dma_start3A_1872 = tpu.memref_slice %arg5[%dma_start3A_1871, %multiple_of3A_1840] : memref<32x1000000xf32, #tpu.memory_space<hbm>> -> memref<32x128xf32, #tpu.memory_space<hbm>>
        tpu.enqueue_dma source(%dma_start3A_1872 : memref<32x128xf32, #tpu.memory_space<hbm>>) target(%dma_start3A_1870 : memref<32x128xf32, #tpu.memory_space<vmem>>) target_semaphore(%dma_start3A_1866 : memref<!tpu.dma_semaphore, #tpu.memory_space<semaphore_mem>>)
      } else {
      }
      %slice3A_1398 = vector.extract_strided_slice %get3A_383 {offsets = [10], sizes = [1], strides = [1]} : vector<16xi32> to vector<1xi32>
      %squeeze3A_1399 = vector.extract %slice3A_1398[0] : i32 from vector<1xi32>
      %slice3A_1400 = vector.extract_strided_slice %get3A_387 {offsets = [10], sizes = [1], strides = [1]} : vector<16xi32> to vector<1xi32>
      %squeeze3A_1401 = vector.extract %slice3A_1400[0] : i32 from vector<1xi32>
      %dma_wait3A_1402 = arith.constant 2 : i32
      %dma_wait3A_1403 = arith.constant 2 : i32
      %dma_wait3A_1404 = arith.constant 0 : i32
      %dma_wait3A_1405 = arith.constant 0 : i32
      %dma_wait3A_1406 = tpu.memref_slice %arg10[%dma_wait3A_1402, %dma_wait3A_1404, %dma_wait3A_1405] : memref<8x32x128xf32, #tpu.memory_space<vmem>> -> memref<1x32x128xf32, #tpu.memory_space<vmem>>
      %dma_wait3A_1407 = tpu.memref_squeeze %dma_wait3A_1406 : memref<1x32x128xf32, #tpu.memory_space<vmem>> -> memref<32x128xf32, #tpu.memory_space<vmem>>
      %dma_wait3A_1408 = arith.constant 0 : i32
      %dma_wait3A_1409 = arith.constant 0 : i32
      %dma_wait3A_1410 = tpu.memref_slice %arg4[%dma_wait3A_1408, %dma_wait3A_1409] : memref<32x1000000xf32, #tpu.memory_space<hbm>> -> memref<32x128xf32, #tpu.memory_space<hbm>>
      %dma_wait3A_1411 = tpu.memref_slice %arg12[%dma_wait3A_1403] : memref<8x!tpu.dma_semaphore, #tpu.memory_space<semaphore_mem>> -> memref<1x!tpu.dma_semaphore, #tpu.memory_space<semaphore_mem>>
      %dma_wait3A_1412 = tpu.memref_squeeze %dma_wait3A_1411 : memref<1x!tpu.dma_semaphore, #tpu.memory_space<semaphore_mem>> -> memref<!tpu.dma_semaphore, #tpu.memory_space<semaphore_mem>>
      %dma_wait3A_1413 = arith.constant 0 : i32
      %dma_wait3A_1414 = arith.constant 0 : i32
      %dma_wait3A_1415 = tpu.memref_slice %arg10[%dma_wait3A_1402, %dma_wait3A_1413, %dma_wait3A_1414] : memref<8x32x128xf32, #tpu.memory_space<vmem>> -> memref<1x32x128xf32, #tpu.memory_space<vmem>>
      %dma_wait3A_1416 = tpu.memref_squeeze %dma_wait3A_1415 : memref<1x32x128xf32, #tpu.memory_space<vmem>> -> memref<32x128xf32, #tpu.memory_space<vmem>>
      %dma_wait3A_1417 = arith.constant 0 : i32
      %dma_wait3A_1418 = arith.constant 0 : i32
      %dma_wait3A_1419 = tpu.memref_slice %arg4[%dma_wait3A_1417, %dma_wait3A_1418] : memref<32x1000000xf32, #tpu.memory_space<hbm>> -> memref<32x128xf32, #tpu.memory_space<hbm>>
      tpu.wait_dma2 semaphore(%dma_wait3A_1412 : memref<!tpu.dma_semaphore, #tpu.memory_space<semaphore_mem>>) src(%dma_wait3A_1419 : memref<32x128xf32, #tpu.memory_space<hbm>>) dst(%dma_wait3A_1416 : memref<32x128xf32, #tpu.memory_space<vmem>>)
      %dma_wait3A_1420 = arith.constant 2 : i32
      %dma_wait3A_1421 = arith.constant 2 : i32
      %dma_wait3A_1422 = arith.constant 0 : i32
      %dma_wait3A_1423 = arith.constant 0 : i32
      %dma_wait3A_1424 = tpu.memref_slice %arg11[%dma_wait3A_1420, %dma_wait3A_1422, %dma_wait3A_1423] : memref<8x32x128xf32, #tpu.memory_space<vmem>> -> memref<1x32x128xf32, #tpu.memory_space<vmem>>
      %dma_wait3A_1425 = tpu.memref_squeeze %dma_wait3A_1424 : memref<1x32x128xf32, #tpu.memory_space<vmem>> -> memref<32x128xf32, #tpu.memory_space<vmem>>
      %dma_wait3A_1426 = arith.constant 0 : i32
      %dma_wait3A_1427 = arith.constant 0 : i32
      %dma_wait3A_1428 = tpu.memref_slice %arg5[%dma_wait3A_1426, %dma_wait3A_1427] : memref<32x1000000xf32, #tpu.memory_space<hbm>> -> memref<32x128xf32, #tpu.memory_space<hbm>>
      %dma_wait3A_1429 = tpu.memref_slice %arg13[%dma_wait3A_1421] : memref<8x!tpu.dma_semaphore, #tpu.memory_space<semaphore_mem>> -> memref<1x!tpu.dma_semaphore, #tpu.memory_space<semaphore_mem>>
      %dma_wait3A_1430 = tpu.memref_squeeze %dma_wait3A_1429 : memref<1x!tpu.dma_semaphore, #tpu.memory_space<semaphore_mem>> -> memref<!tpu.dma_semaphore, #tpu.memory_space<semaphore_mem>>
      %dma_wait3A_1431 = arith.constant 0 : i32
      %dma_wait3A_1432 = arith.constant 0 : i32
      %dma_wait3A_1433 = tpu.memref_slice %arg11[%dma_wait3A_1420, %dma_wait3A_1431, %dma_wait3A_1432] : memref<8x32x128xf32, #tpu.memory_space<vmem>> -> memref<1x32x128xf32, #tpu.memory_space<vmem>>
      %dma_wait3A_1434 = tpu.memref_squeeze %dma_wait3A_1433 : memref<1x32x128xf32, #tpu.memory_space<vmem>> -> memref<32x128xf32, #tpu.memory_space<vmem>>
      %dma_wait3A_1435 = arith.constant 0 : i32
      %dma_wait3A_1436 = arith.constant 0 : i32
      %dma_wait3A_1437 = tpu.memref_slice %arg5[%dma_wait3A_1435, %dma_wait3A_1436] : memref<32x1000000xf32, #tpu.memory_space<hbm>> -> memref<32x128xf32, #tpu.memory_space<hbm>>
      tpu.wait_dma2 semaphore(%dma_wait3A_1430 : memref<!tpu.dma_semaphore, #tpu.memory_space<semaphore_mem>>) src(%dma_wait3A_1437 : memref<32x128xf32, #tpu.memory_space<hbm>>) dst(%dma_wait3A_1434 : memref<32x128xf32, #tpu.memory_space<vmem>>)
      %broadcast_in_dim3A_1438 = arith.constant 2 : i32
      %broadcast_in_dim3A_1439 = vector.broadcast %broadcast_in_dim3A_1438 : i32 to vector<16xi32>
      %and3A_1440 = arith.constant 127 : i32
      %and3A_1441 = arith.andi %squeeze3A_1399, %and3A_1440 : i32
      %broadcast_in_dim3A_1442 = vector.broadcast %and3A_1441 : i32 to vector<16xi32>
      %and3A_1443 = arith.constant 127 : i32
      %and3A_1444 = arith.andi %squeeze3A_1401, %and3A_1443 : i32
      %broadcast_in_dim3A_1445 = vector.broadcast %and3A_1444 : i32 to vector<16xi32>
      %gather3A_1446 = tpu.vector_load_idx %arg10[%broadcast_in_dim3A_1439, %iota3A, %broadcast_in_dim3A_1442] : memref<8x32x128xf32, #tpu.memory_space<vmem>>[vector<16xi32>, vector<16xi32>, vector<16xi32>], vector<16xf32>,
      %gather3A_1447 = tpu.vector_load_idx %arg10[%broadcast_in_dim3A_1439, %add3A_5, %broadcast_in_dim3A_1442] : memref<8x32x128xf32, #tpu.memory_space<vmem>>[vector<16xi32>, vector<16xi32>, vector<16xi32>], vector<16xf32>,
      %gather3A_1448 = tpu.vector_load_idx %arg11[%broadcast_in_dim3A_1439, %iota3A, %broadcast_in_dim3A_1445] : memref<8x32x128xf32, #tpu.memory_space<vmem>>[vector<16xi32>, vector<16xi32>, vector<16xi32>], vector<16xf32>,
      %gather3A_1449 = tpu.vector_load_idx %arg11[%broadcast_in_dim3A_1439, %add3A_5, %broadcast_in_dim3A_1445] : memref<8x32x128xf32, #tpu.memory_space<vmem>>[vector<16xi32>, vector<16xi32>, vector<16xi32>], vector<16xf32>,
      %mul3A_1450 = arith.mulf %gather3A_1446, %gather3A_1448 : vector<16xf32>
      %mul3A_1451 = arith.mulf %gather3A_1447, %gather3A_1449 : vector<16xf32>
      %add3A_1452 = arith.addf %mul3A_1450, %mul3A_1451 : vector<16xf32>
      %reduce_sum3A_1453 = arith.constant true
      %reduce_sum3A_1454 = vector.broadcast %reduce_sum3A_1453 : i1 to vector<16xi1>
      %reduce_sum3A_1455 = tpu.scan <sum>, %add3A_1452 masked %reduce_sum3A_1454 : vector<16xf32>, vector<16xi1> -> vector<16xf32>
      %reduce_sum3A_1456 = vector.extract %reduce_sum3A_1455[15] : f32 from vector<16xf32>
      %eq3A_1457 = arith.constant 10 : i32
      %eq3A_1458 = vector.broadcast %eq3A_1457 : i32 to vector<16xi32>
      %eq3A_1459 = arith.cmpi eq, %iota3A, %eq3A_1458 : vector<16xi32>
      %broadcast_in_dim3A_1460 = vector.broadcast %reduce_sum3A_1456 : f32 to vector<16xf32>
      %select_n3A_1461 = arith.select %eq3A_1459, %broadcast_in_dim3A_1460, %select_n3A_1392 : vector<16xi1>, vector<16xf32>
      %lt3A_1462 = arith.constant 31 : i32
      %lt3A_1463 = arith.cmpi slt, %add3A_379, %lt3A_1462 : i32
      %convert_element_type3A_1464 = arith.extui %lt3A_1463 : i1 to i32
      %cond3A_1465 = arith.constant 0 : i32
      %cond3A_1466 = arith.cmpi ne, %convert_element_type3A_1464, %cond3A_1465 : i32
      scf.if %cond3A_1466 {
        %add3A_1815 = arith.constant 1 : i32
        %add3A_1816 = arith.addi %add3A_379, %add3A_1815 : i32
        %mul3A_1817 = arith.constant 16 : i32
        %mul3A_1818 = arith.muli %add3A_1816, %mul3A_1817 : i32
        %get3A_1819 = arith.index_cast %mul3A_1818 : i32 to index
        %get3A_1820 = tpu.vector_load %arg7[%get3A_1819] {strides = array<i32>} : memref<512xi32, #tpu.memory_space<vmem>>, vector<16xi32>,
        %add3A_1821 = arith.constant 1 : i32
        %add3A_1822 = arith.addi %add3A_379, %add3A_1821 : i32
        %mul3A_1823 = arith.constant 16 : i32
        %mul3A_1824 = arith.muli %add3A_1822, %mul3A_1823 : i32
        %get3A_1825 = arith.index_cast %mul3A_1824 : i32 to index
        %get3A_1826 = tpu.vector_load %arg8[%get3A_1825] {strides = array<i32>} : memref<512xi32, #tpu.memory_space<vmem>>, vector<16xi32>,
        %slice3A_1827 = vector.extract_strided_slice %get3A_1820 {offsets = [2], sizes = [1], strides = [1]} : vector<16xi32> to vector<1xi32>
        %squeeze3A_1828 = vector.extract %slice3A_1827[0] : i32 from vector<1xi32>
        %slice3A_1829 = vector.extract_strided_slice %get3A_1826 {offsets = [2], sizes = [1], strides = [1]} : vector<16xi32> to vector<1xi32>
        %squeeze3A_1830 = vector.extract %slice3A_1829[0] : i32 from vector<1xi32>
        %shift_right_arithmetic3A_1831 = arith.constant 7 : i32
        %shift_right_arithmetic3A_1832 = arith.shrsi %squeeze3A_1828, %shift_right_arithmetic3A_1831 : i32
        %shift_left3A_1833 = arith.constant 7 : i32
        %shift_left3A_1834 = arith.shli %shift_right_arithmetic3A_1832, %shift_left3A_1833 : i32
        %multiple_of3A_1835 = tpu.assume_multiple %shift_left3A_1834, 128 : i32
        %shift_right_arithmetic3A_1836 = arith.constant 7 : i32
        %shift_right_arithmetic3A_1837 = arith.shrsi %squeeze3A_1830, %shift_right_arithmetic3A_1836 : i32
        %shift_left3A_1838 = arith.constant 7 : i32
        %shift_left3A_1839 = arith.shli %shift_right_arithmetic3A_1837, %shift_left3A_1838 : i32
        %multiple_of3A_1840 = tpu.assume_multiple %shift_left3A_1839, 128 : i32
        %dma_start3A_1841 = arith.constant 2 : i32
        %dma_start3A_1842 = arith.constant 2 : i32
        %dma_start3A_1843 = arith.constant 0 : i32
        %dma_start3A_1844 = arith.constant 0 : i32
        %dma_start3A_1845 = tpu.memref_slice %arg10[%dma_start3A_1841, %dma_start3A_1843, %dma_start3A_1844] : memref<8x32x128xf32, #tpu.memory_space<vmem>> -> memref<1x32x128xf32, #tpu.memory_space<vmem>>
        %dma_start3A_1846 = tpu.memref_squeeze %dma_start3A_1845 : memref<1x32x128xf32, #tpu.memory_space<vmem>> -> memref<32x128xf32, #tpu.memory_space<vmem>>
        %dma_start3A_1847 = arith.constant 0 : i32
        %dma_start3A_1848 = tpu.memref_slice %arg4[%dma_start3A_1847, %multiple_of3A_1835] : memref<32x1000000xf32, #tpu.memory_space<hbm>> -> memref<32x128xf32, #tpu.memory_space<hbm>>
        %dma_start3A_1849 = tpu.memref_slice %arg12[%dma_start3A_1842] : memref<8x!tpu.dma_semaphore, #tpu.memory_space<semaphore_mem>> -> memref<1x!tpu.dma_semaphore, #tpu.memory_space<semaphore_mem>>
        %dma_start3A_1850 = tpu.memref_squeeze %dma_start3A_1849 : memref<1x!tpu.dma_semaphore, #tpu.memory_space<semaphore_mem>> -> memref<!tpu.dma_semaphore, #tpu.memory_space<semaphore_mem>>
        %dma_start3A_1851 = arith.constant 0 : i32
        %dma_start3A_1852 = arith.constant 0 : i32
        %dma_start3A_1853 = tpu.memref_slice %arg10[%dma_start3A_1841, %dma_start3A_1851, %dma_start3A_1852] : memref<8x32x128xf32, #tpu.memory_space<vmem>> -> memref<1x32x128xf32, #tpu.memory_space<vmem>>
        %dma_start3A_1854 = tpu.memref_squeeze %dma_start3A_1853 : memref<1x32x128xf32, #tpu.memory_space<vmem>> -> memref<32x128xf32, #tpu.memory_space<vmem>>
        %dma_start3A_1855 = arith.constant 0 : i32
        %dma_start3A_1856 = tpu.memref_slice %arg4[%dma_start3A_1855, %multiple_of3A_1835] : memref<32x1000000xf32, #tpu.memory_space<hbm>> -> memref<32x128xf32, #tpu.memory_space<hbm>>
        tpu.enqueue_dma source(%dma_start3A_1856 : memref<32x128xf32, #tpu.memory_space<hbm>>) target(%dma_start3A_1854 : memref<32x128xf32, #tpu.memory_space<vmem>>) target_semaphore(%dma_start3A_1850 : memref<!tpu.dma_semaphore, #tpu.memory_space<semaphore_mem>>)
        %dma_start3A_1857 = arith.constant 2 : i32
        %dma_start3A_1858 = arith.constant 2 : i32
        %dma_start3A_1859 = arith.constant 0 : i32
        %dma_start3A_1860 = arith.constant 0 : i32
        %dma_start3A_1861 = tpu.memref_slice %arg11[%dma_start3A_1857, %dma_start3A_1859, %dma_start3A_1860] : memref<8x32x128xf32, #tpu.memory_space<vmem>> -> memref<1x32x128xf32, #tpu.memory_space<vmem>>
        %dma_start3A_1862 = tpu.memref_squeeze %dma_start3A_1861 : memref<1x32x128xf32, #tpu.memory_space<vmem>> -> memref<32x128xf32, #tpu.memory_space<vmem>>
        %dma_start3A_1863 = arith.constant 0 : i32
        %dma_start3A_1864 = tpu.memref_slice %arg5[%dma_start3A_1863, %multiple_of3A_1840] : memref<32x1000000xf32, #tpu.memory_space<hbm>> -> memref<32x128xf32, #tpu.memory_space<hbm>>
        %dma_start3A_1865 = tpu.memref_slice %arg13[%dma_start3A_1858] : memref<8x!tpu.dma_semaphore, #tpu.memory_space<semaphore_mem>> -> memref<1x!tpu.dma_semaphore, #tpu.memory_space<semaphore_mem>>
        %dma_start3A_1866 = tpu.memref_squeeze %dma_start3A_1865 : memref<1x!tpu.dma_semaphore, #tpu.memory_space<semaphore_mem>> -> memref<!tpu.dma_semaphore, #tpu.memory_space<semaphore_mem>>
        %dma_start3A_1867 = arith.constant 0 : i32
        %dma_start3A_1868 = arith.constant 0 : i32
        %dma_start3A_1869 = tpu.memref_slice %arg11[%dma_start3A_1857, %dma_start3A_1867, %dma_start3A_1868] : memref<8x32x128xf32, #tpu.memory_space<vmem>> -> memref<1x32x128xf32, #tpu.memory_space<vmem>>
        %dma_start3A_1870 = tpu.memref_squeeze %dma_start3A_1869 : memref<1x32x128xf32, #tpu.memory_space<vmem>> -> memref<32x128xf32, #tpu.memory_space<vmem>>
        %dma_start3A_1871 = arith.constant 0 : i32
        %dma_start3A_1872 = tpu.memref_slice %arg5[%dma_start3A_1871, %multiple_of3A_1840] : memref<32x1000000xf32, #tpu.memory_space<hbm>> -> memref<32x128xf32, #tpu.memory_space<hbm>>
        tpu.enqueue_dma source(%dma_start3A_1872 : memref<32x128xf32, #tpu.memory_space<hbm>>) target(%dma_start3A_1870 : memref<32x128xf32, #tpu.memory_space<vmem>>) target_semaphore(%dma_start3A_1866 : memref<!tpu.dma_semaphore, #tpu.memory_space<semaphore_mem>>)
      } else {
      }
      %slice3A_1467 = vector.extract_strided_slice %get3A_383 {offsets = [11], sizes = [1], strides = [1]} : vector<16xi32> to vector<1xi32>
      %squeeze3A_1468 = vector.extract %slice3A_1467[0] : i32 from vector<1xi32>
      %slice3A_1469 = vector.extract_strided_slice %get3A_387 {offsets = [11], sizes = [1], strides = [1]} : vector<16xi32> to vector<1xi32>
      %squeeze3A_1470 = vector.extract %slice3A_1469[0] : i32 from vector<1xi32>
      %dma_wait3A_1471 = arith.constant 3 : i32
      %dma_wait3A_1472 = arith.constant 3 : i32
      %dma_wait3A_1473 = arith.constant 0 : i32
      %dma_wait3A_1474 = arith.constant 0 : i32
      %dma_wait3A_1475 = tpu.memref_slice %arg10[%dma_wait3A_1471, %dma_wait3A_1473, %dma_wait3A_1474] : memref<8x32x128xf32, #tpu.memory_space<vmem>> -> memref<1x32x128xf32, #tpu.memory_space<vmem>>
      %dma_wait3A_1476 = tpu.memref_squeeze %dma_wait3A_1475 : memref<1x32x128xf32, #tpu.memory_space<vmem>> -> memref<32x128xf32, #tpu.memory_space<vmem>>
      %dma_wait3A_1477 = arith.constant 0 : i32
      %dma_wait3A_1478 = arith.constant 0 : i32
      %dma_wait3A_1479 = tpu.memref_slice %arg4[%dma_wait3A_1477, %dma_wait3A_1478] : memref<32x1000000xf32, #tpu.memory_space<hbm>> -> memref<32x128xf32, #tpu.memory_space<hbm>>
      %dma_wait3A_1480 = tpu.memref_slice %arg12[%dma_wait3A_1472] : memref<8x!tpu.dma_semaphore, #tpu.memory_space<semaphore_mem>> -> memref<1x!tpu.dma_semaphore, #tpu.memory_space<semaphore_mem>>
      %dma_wait3A_1481 = tpu.memref_squeeze %dma_wait3A_1480 : memref<1x!tpu.dma_semaphore, #tpu.memory_space<semaphore_mem>> -> memref<!tpu.dma_semaphore, #tpu.memory_space<semaphore_mem>>
      %dma_wait3A_1482 = arith.constant 0 : i32
      %dma_wait3A_1483 = arith.constant 0 : i32
      %dma_wait3A_1484 = tpu.memref_slice %arg10[%dma_wait3A_1471, %dma_wait3A_1482, %dma_wait3A_1483] : memref<8x32x128xf32, #tpu.memory_space<vmem>> -> memref<1x32x128xf32, #tpu.memory_space<vmem>>
      %dma_wait3A_1485 = tpu.memref_squeeze %dma_wait3A_1484 : memref<1x32x128xf32, #tpu.memory_space<vmem>> -> memref<32x128xf32, #tpu.memory_space<vmem>>
      %dma_wait3A_1486 = arith.constant 0 : i32
      %dma_wait3A_1487 = arith.constant 0 : i32
      %dma_wait3A_1488 = tpu.memref_slice %arg4[%dma_wait3A_1486, %dma_wait3A_1487] : memref<32x1000000xf32, #tpu.memory_space<hbm>> -> memref<32x128xf32, #tpu.memory_space<hbm>>
      tpu.wait_dma2 semaphore(%dma_wait3A_1481 : memref<!tpu.dma_semaphore, #tpu.memory_space<semaphore_mem>>) src(%dma_wait3A_1488 : memref<32x128xf32, #tpu.memory_space<hbm>>) dst(%dma_wait3A_1485 : memref<32x128xf32, #tpu.memory_space<vmem>>)
      %dma_wait3A_1489 = arith.constant 3 : i32
      %dma_wait3A_1490 = arith.constant 3 : i32
      %dma_wait3A_1491 = arith.constant 0 : i32
      %dma_wait3A_1492 = arith.constant 0 : i32
      %dma_wait3A_1493 = tpu.memref_slice %arg11[%dma_wait3A_1489, %dma_wait3A_1491, %dma_wait3A_1492] : memref<8x32x128xf32, #tpu.memory_space<vmem>> -> memref<1x32x128xf32, #tpu.memory_space<vmem>>
      %dma_wait3A_1494 = tpu.memref_squeeze %dma_wait3A_1493 : memref<1x32x128xf32, #tpu.memory_space<vmem>> -> memref<32x128xf32, #tpu.memory_space<vmem>>
      %dma_wait3A_1495 = arith.constant 0 : i32
      %dma_wait3A_1496 = arith.constant 0 : i32
      %dma_wait3A_1497 = tpu.memref_slice %arg5[%dma_wait3A_1495, %dma_wait3A_1496] : memref<32x1000000xf32, #tpu.memory_space<hbm>> -> memref<32x128xf32, #tpu.memory_space<hbm>>
      %dma_wait3A_1498 = tpu.memref_slice %arg13[%dma_wait3A_1490] : memref<8x!tpu.dma_semaphore, #tpu.memory_space<semaphore_mem>> -> memref<1x!tpu.dma_semaphore, #tpu.memory_space<semaphore_mem>>
      %dma_wait3A_1499 = tpu.memref_squeeze %dma_wait3A_1498 : memref<1x!tpu.dma_semaphore, #tpu.memory_space<semaphore_mem>> -> memref<!tpu.dma_semaphore, #tpu.memory_space<semaphore_mem>>
      %dma_wait3A_1500 = arith.constant 0 : i32
      %dma_wait3A_1501 = arith.constant 0 : i32
      %dma_wait3A_1502 = tpu.memref_slice %arg11[%dma_wait3A_1489, %dma_wait3A_1500, %dma_wait3A_1501] : memref<8x32x128xf32, #tpu.memory_space<vmem>> -> memref<1x32x128xf32, #tpu.memory_space<vmem>>
      %dma_wait3A_1503 = tpu.memref_squeeze %dma_wait3A_1502 : memref<1x32x128xf32, #tpu.memory_space<vmem>> -> memref<32x128xf32, #tpu.memory_space<vmem>>
      %dma_wait3A_1504 = arith.constant 0 : i32
      %dma_wait3A_1505 = arith.constant 0 : i32
      %dma_wait3A_1506 = tpu.memref_slice %arg5[%dma_wait3A_1504, %dma_wait3A_1505] : memref<32x1000000xf32, #tpu.memory_space<hbm>> -> memref<32x128xf32, #tpu.memory_space<hbm>>
      tpu.wait_dma2 semaphore(%dma_wait3A_1499 : memref<!tpu.dma_semaphore, #tpu.memory_space<semaphore_mem>>) src(%dma_wait3A_1506 : memref<32x128xf32, #tpu.memory_space<hbm>>) dst(%dma_wait3A_1503 : memref<32x128xf32, #tpu.memory_space<vmem>>)
      %broadcast_in_dim3A_1507 = arith.constant 3 : i32
      %broadcast_in_dim3A_1508 = vector.broadcast %broadcast_in_dim3A_1507 : i32 to vector<16xi32>
      %and3A_1509 = arith.constant 127 : i32
      %and3A_1510 = arith.andi %squeeze3A_1468, %and3A_1509 : i32
      %broadcast_in_dim3A_1511 = vector.broadcast %and3A_1510 : i32 to vector<16xi32>
      %and3A_1512 = arith.constant 127 : i32
      %and3A_1513 = arith.andi %squeeze3A_1470, %and3A_1512 : i32
      %broadcast_in_dim3A_1514 = vector.broadcast %and3A_1513 : i32 to vector<16xi32>
      %gather3A_1515 = tpu.vector_load_idx %arg10[%broadcast_in_dim3A_1508, %iota3A, %broadcast_in_dim3A_1511] : memref<8x32x128xf32, #tpu.memory_space<vmem>>[vector<16xi32>, vector<16xi32>, vector<16xi32>], vector<16xf32>,
      %gather3A_1516 = tpu.vector_load_idx %arg10[%broadcast_in_dim3A_1508, %add3A_5, %broadcast_in_dim3A_1511] : memref<8x32x128xf32, #tpu.memory_space<vmem>>[vector<16xi32>, vector<16xi32>, vector<16xi32>], vector<16xf32>,
      %gather3A_1517 = tpu.vector_load_idx %arg11[%broadcast_in_dim3A_1508, %iota3A, %broadcast_in_dim3A_1514] : memref<8x32x128xf32, #tpu.memory_space<vmem>>[vector<16xi32>, vector<16xi32>, vector<16xi32>], vector<16xf32>,
      %gather3A_1518 = tpu.vector_load_idx %arg11[%broadcast_in_dim3A_1508, %add3A_5, %broadcast_in_dim3A_1514] : memref<8x32x128xf32, #tpu.memory_space<vmem>>[vector<16xi32>, vector<16xi32>, vector<16xi32>], vector<16xf32>,
      %mul3A_1519 = arith.mulf %gather3A_1515, %gather3A_1517 : vector<16xf32>
      %mul3A_1520 = arith.mulf %gather3A_1516, %gather3A_1518 : vector<16xf32>
      %add3A_1521 = arith.addf %mul3A_1519, %mul3A_1520 : vector<16xf32>
      %reduce_sum3A_1522 = arith.constant true
      %reduce_sum3A_1523 = vector.broadcast %reduce_sum3A_1522 : i1 to vector<16xi1>
      %reduce_sum3A_1524 = tpu.scan <sum>, %add3A_1521 masked %reduce_sum3A_1523 : vector<16xf32>, vector<16xi1> -> vector<16xf32>
      %reduce_sum3A_1525 = vector.extract %reduce_sum3A_1524[15] : f32 from vector<16xf32>
      %eq3A_1526 = arith.constant 11 : i32
      %eq3A_1527 = vector.broadcast %eq3A_1526 : i32 to vector<16xi32>
      %eq3A_1528 = arith.cmpi eq, %iota3A, %eq3A_1527 : vector<16xi32>
      %broadcast_in_dim3A_1529 = vector.broadcast %reduce_sum3A_1525 : f32 to vector<16xf32>
      %select_n3A_1530 = arith.select %eq3A_1528, %broadcast_in_dim3A_1529, %select_n3A_1461 : vector<16xi1>, vector<16xf32>
      %lt3A_1531 = arith.constant 31 : i32
      %lt3A_1532 = arith.cmpi slt, %add3A_379, %lt3A_1531 : i32
      %convert_element_type3A_1533 = arith.extui %lt3A_1532 : i1 to i32
      %cond3A_1534 = arith.constant 0 : i32
      %cond3A_1535 = arith.cmpi ne, %convert_element_type3A_1533, %cond3A_1534 : i32
      scf.if %cond3A_1535 {
        %add3A_1815 = arith.constant 1 : i32
        %add3A_1816 = arith.addi %add3A_379, %add3A_1815 : i32
        %mul3A_1817 = arith.constant 16 : i32
        %mul3A_1818 = arith.muli %add3A_1816, %mul3A_1817 : i32
        %get3A_1819 = arith.index_cast %mul3A_1818 : i32 to index
        %get3A_1820 = tpu.vector_load %arg7[%get3A_1819] {strides = array<i32>} : memref<512xi32, #tpu.memory_space<vmem>>, vector<16xi32>,
        %add3A_1821 = arith.constant 1 : i32
        %add3A_1822 = arith.addi %add3A_379, %add3A_1821 : i32
        %mul3A_1823 = arith.constant 16 : i32
        %mul3A_1824 = arith.muli %add3A_1822, %mul3A_1823 : i32
        %get3A_1825 = arith.index_cast %mul3A_1824 : i32 to index
        %get3A_1826 = tpu.vector_load %arg8[%get3A_1825] {strides = array<i32>} : memref<512xi32, #tpu.memory_space<vmem>>, vector<16xi32>,
        %slice3A_1827 = vector.extract_strided_slice %get3A_1820 {offsets = [3], sizes = [1], strides = [1]} : vector<16xi32> to vector<1xi32>
        %squeeze3A_1828 = vector.extract %slice3A_1827[0] : i32 from vector<1xi32>
        %slice3A_1829 = vector.extract_strided_slice %get3A_1826 {offsets = [3], sizes = [1], strides = [1]} : vector<16xi32> to vector<1xi32>
        %squeeze3A_1830 = vector.extract %slice3A_1829[0] : i32 from vector<1xi32>
        %shift_right_arithmetic3A_1831 = arith.constant 7 : i32
        %shift_right_arithmetic3A_1832 = arith.shrsi %squeeze3A_1828, %shift_right_arithmetic3A_1831 : i32
        %shift_left3A_1833 = arith.constant 7 : i32
        %shift_left3A_1834 = arith.shli %shift_right_arithmetic3A_1832, %shift_left3A_1833 : i32
        %multiple_of3A_1835 = tpu.assume_multiple %shift_left3A_1834, 128 : i32
        %shift_right_arithmetic3A_1836 = arith.constant 7 : i32
        %shift_right_arithmetic3A_1837 = arith.shrsi %squeeze3A_1830, %shift_right_arithmetic3A_1836 : i32
        %shift_left3A_1838 = arith.constant 7 : i32
        %shift_left3A_1839 = arith.shli %shift_right_arithmetic3A_1837, %shift_left3A_1838 : i32
        %multiple_of3A_1840 = tpu.assume_multiple %shift_left3A_1839, 128 : i32
        %dma_start3A_1841 = arith.constant 3 : i32
        %dma_start3A_1842 = arith.constant 3 : i32
        %dma_start3A_1843 = arith.constant 0 : i32
        %dma_start3A_1844 = arith.constant 0 : i32
        %dma_start3A_1845 = tpu.memref_slice %arg10[%dma_start3A_1841, %dma_start3A_1843, %dma_start3A_1844] : memref<8x32x128xf32, #tpu.memory_space<vmem>> -> memref<1x32x128xf32, #tpu.memory_space<vmem>>
        %dma_start3A_1846 = tpu.memref_squeeze %dma_start3A_1845 : memref<1x32x128xf32, #tpu.memory_space<vmem>> -> memref<32x128xf32, #tpu.memory_space<vmem>>
        %dma_start3A_1847 = arith.constant 0 : i32
        %dma_start3A_1848 = tpu.memref_slice %arg4[%dma_start3A_1847, %multiple_of3A_1835] : memref<32x1000000xf32, #tpu.memory_space<hbm>> -> memref<32x128xf32, #tpu.memory_space<hbm>>
        %dma_start3A_1849 = tpu.memref_slice %arg12[%dma_start3A_1842] : memref<8x!tpu.dma_semaphore, #tpu.memory_space<semaphore_mem>> -> memref<1x!tpu.dma_semaphore, #tpu.memory_space<semaphore_mem>>
        %dma_start3A_1850 = tpu.memref_squeeze %dma_start3A_1849 : memref<1x!tpu.dma_semaphore, #tpu.memory_space<semaphore_mem>> -> memref<!tpu.dma_semaphore, #tpu.memory_space<semaphore_mem>>
        %dma_start3A_1851 = arith.constant 0 : i32
        %dma_start3A_1852 = arith.constant 0 : i32
        %dma_start3A_1853 = tpu.memref_slice %arg10[%dma_start3A_1841, %dma_start3A_1851, %dma_start3A_1852] : memref<8x32x128xf32, #tpu.memory_space<vmem>> -> memref<1x32x128xf32, #tpu.memory_space<vmem>>
        %dma_start3A_1854 = tpu.memref_squeeze %dma_start3A_1853 : memref<1x32x128xf32, #tpu.memory_space<vmem>> -> memref<32x128xf32, #tpu.memory_space<vmem>>
        %dma_start3A_1855 = arith.constant 0 : i32
        %dma_start3A_1856 = tpu.memref_slice %arg4[%dma_start3A_1855, %multiple_of3A_1835] : memref<32x1000000xf32, #tpu.memory_space<hbm>> -> memref<32x128xf32, #tpu.memory_space<hbm>>
        tpu.enqueue_dma source(%dma_start3A_1856 : memref<32x128xf32, #tpu.memory_space<hbm>>) target(%dma_start3A_1854 : memref<32x128xf32, #tpu.memory_space<vmem>>) target_semaphore(%dma_start3A_1850 : memref<!tpu.dma_semaphore, #tpu.memory_space<semaphore_mem>>)
        %dma_start3A_1857 = arith.constant 3 : i32
        %dma_start3A_1858 = arith.constant 3 : i32
        %dma_start3A_1859 = arith.constant 0 : i32
        %dma_start3A_1860 = arith.constant 0 : i32
        %dma_start3A_1861 = tpu.memref_slice %arg11[%dma_start3A_1857, %dma_start3A_1859, %dma_start3A_1860] : memref<8x32x128xf32, #tpu.memory_space<vmem>> -> memref<1x32x128xf32, #tpu.memory_space<vmem>>
        %dma_start3A_1862 = tpu.memref_squeeze %dma_start3A_1861 : memref<1x32x128xf32, #tpu.memory_space<vmem>> -> memref<32x128xf32, #tpu.memory_space<vmem>>
        %dma_start3A_1863 = arith.constant 0 : i32
        %dma_start3A_1864 = tpu.memref_slice %arg5[%dma_start3A_1863, %multiple_of3A_1840] : memref<32x1000000xf32, #tpu.memory_space<hbm>> -> memref<32x128xf32, #tpu.memory_space<hbm>>
        %dma_start3A_1865 = tpu.memref_slice %arg13[%dma_start3A_1858] : memref<8x!tpu.dma_semaphore, #tpu.memory_space<semaphore_mem>> -> memref<1x!tpu.dma_semaphore, #tpu.memory_space<semaphore_mem>>
        %dma_start3A_1866 = tpu.memref_squeeze %dma_start3A_1865 : memref<1x!tpu.dma_semaphore, #tpu.memory_space<semaphore_mem>> -> memref<!tpu.dma_semaphore, #tpu.memory_space<semaphore_mem>>
        %dma_start3A_1867 = arith.constant 0 : i32
        %dma_start3A_1868 = arith.constant 0 : i32
        %dma_start3A_1869 = tpu.memref_slice %arg11[%dma_start3A_1857, %dma_start3A_1867, %dma_start3A_1868] : memref<8x32x128xf32, #tpu.memory_space<vmem>> -> memref<1x32x128xf32, #tpu.memory_space<vmem>>
        %dma_start3A_1870 = tpu.memref_squeeze %dma_start3A_1869 : memref<1x32x128xf32, #tpu.memory_space<vmem>> -> memref<32x128xf32, #tpu.memory_space<vmem>>
        %dma_start3A_1871 = arith.constant 0 : i32
        %dma_start3A_1872 = tpu.memref_slice %arg5[%dma_start3A_1871, %multiple_of3A_1840] : memref<32x1000000xf32, #tpu.memory_space<hbm>> -> memref<32x128xf32, #tpu.memory_space<hbm>>
        tpu.enqueue_dma source(%dma_start3A_1872 : memref<32x128xf32, #tpu.memory_space<hbm>>) target(%dma_start3A_1870 : memref<32x128xf32, #tpu.memory_space<vmem>>) target_semaphore(%dma_start3A_1866 : memref<!tpu.dma_semaphore, #tpu.memory_space<semaphore_mem>>)
      } else {
      }
      %slice3A_1536 = vector.extract_strided_slice %get3A_383 {offsets = [12], sizes = [1], strides = [1]} : vector<16xi32> to vector<1xi32>
      %squeeze3A_1537 = vector.extract %slice3A_1536[0] : i32 from vector<1xi32>
      %slice3A_1538 = vector.extract_strided_slice %get3A_387 {offsets = [12], sizes = [1], strides = [1]} : vector<16xi32> to vector<1xi32>
      %squeeze3A_1539 = vector.extract %slice3A_1538[0] : i32 from vector<1xi32>
      %dma_wait3A_1540 = arith.constant 4 : i32
      %dma_wait3A_1541 = arith.constant 4 : i32
      %dma_wait3A_1542 = arith.constant 0 : i32
      %dma_wait3A_1543 = arith.constant 0 : i32
      %dma_wait3A_1544 = tpu.memref_slice %arg10[%dma_wait3A_1540, %dma_wait3A_1542, %dma_wait3A_1543] : memref<8x32x128xf32, #tpu.memory_space<vmem>> -> memref<1x32x128xf32, #tpu.memory_space<vmem>>
      %dma_wait3A_1545 = tpu.memref_squeeze %dma_wait3A_1544 : memref<1x32x128xf32, #tpu.memory_space<vmem>> -> memref<32x128xf32, #tpu.memory_space<vmem>>
      %dma_wait3A_1546 = arith.constant 0 : i32
      %dma_wait3A_1547 = arith.constant 0 : i32
      %dma_wait3A_1548 = tpu.memref_slice %arg4[%dma_wait3A_1546, %dma_wait3A_1547] : memref<32x1000000xf32, #tpu.memory_space<hbm>> -> memref<32x128xf32, #tpu.memory_space<hbm>>
      %dma_wait3A_1549 = tpu.memref_slice %arg12[%dma_wait3A_1541] : memref<8x!tpu.dma_semaphore, #tpu.memory_space<semaphore_mem>> -> memref<1x!tpu.dma_semaphore, #tpu.memory_space<semaphore_mem>>
      %dma_wait3A_1550 = tpu.memref_squeeze %dma_wait3A_1549 : memref<1x!tpu.dma_semaphore, #tpu.memory_space<semaphore_mem>> -> memref<!tpu.dma_semaphore, #tpu.memory_space<semaphore_mem>>
      %dma_wait3A_1551 = arith.constant 0 : i32
      %dma_wait3A_1552 = arith.constant 0 : i32
      %dma_wait3A_1553 = tpu.memref_slice %arg10[%dma_wait3A_1540, %dma_wait3A_1551, %dma_wait3A_1552] : memref<8x32x128xf32, #tpu.memory_space<vmem>> -> memref<1x32x128xf32, #tpu.memory_space<vmem>>
      %dma_wait3A_1554 = tpu.memref_squeeze %dma_wait3A_1553 : memref<1x32x128xf32, #tpu.memory_space<vmem>> -> memref<32x128xf32, #tpu.memory_space<vmem>>
      %dma_wait3A_1555 = arith.constant 0 : i32
      %dma_wait3A_1556 = arith.constant 0 : i32
      %dma_wait3A_1557 = tpu.memref_slice %arg4[%dma_wait3A_1555, %dma_wait3A_1556] : memref<32x1000000xf32, #tpu.memory_space<hbm>> -> memref<32x128xf32, #tpu.memory_space<hbm>>
      tpu.wait_dma2 semaphore(%dma_wait3A_1550 : memref<!tpu.dma_semaphore, #tpu.memory_space<semaphore_mem>>) src(%dma_wait3A_1557 : memref<32x128xf32, #tpu.memory_space<hbm>>) dst(%dma_wait3A_1554 : memref<32x128xf32, #tpu.memory_space<vmem>>)
      %dma_wait3A_1558 = arith.constant 4 : i32
      %dma_wait3A_1559 = arith.constant 4 : i32
      %dma_wait3A_1560 = arith.constant 0 : i32
      %dma_wait3A_1561 = arith.constant 0 : i32
      %dma_wait3A_1562 = tpu.memref_slice %arg11[%dma_wait3A_1558, %dma_wait3A_1560, %dma_wait3A_1561] : memref<8x32x128xf32, #tpu.memory_space<vmem>> -> memref<1x32x128xf32, #tpu.memory_space<vmem>>
      %dma_wait3A_1563 = tpu.memref_squeeze %dma_wait3A_1562 : memref<1x32x128xf32, #tpu.memory_space<vmem>> -> memref<32x128xf32, #tpu.memory_space<vmem>>
      %dma_wait3A_1564 = arith.constant 0 : i32
      %dma_wait3A_1565 = arith.constant 0 : i32
      %dma_wait3A_1566 = tpu.memref_slice %arg5[%dma_wait3A_1564, %dma_wait3A_1565] : memref<32x1000000xf32, #tpu.memory_space<hbm>> -> memref<32x128xf32, #tpu.memory_space<hbm>>
      %dma_wait3A_1567 = tpu.memref_slice %arg13[%dma_wait3A_1559] : memref<8x!tpu.dma_semaphore, #tpu.memory_space<semaphore_mem>> -> memref<1x!tpu.dma_semaphore, #tpu.memory_space<semaphore_mem>>
      %dma_wait3A_1568 = tpu.memref_squeeze %dma_wait3A_1567 : memref<1x!tpu.dma_semaphore, #tpu.memory_space<semaphore_mem>> -> memref<!tpu.dma_semaphore, #tpu.memory_space<semaphore_mem>>
      %dma_wait3A_1569 = arith.constant 0 : i32
      %dma_wait3A_1570 = arith.constant 0 : i32
      %dma_wait3A_1571 = tpu.memref_slice %arg11[%dma_wait3A_1558, %dma_wait3A_1569, %dma_wait3A_1570] : memref<8x32x128xf32, #tpu.memory_space<vmem>> -> memref<1x32x128xf32, #tpu.memory_space<vmem>>
      %dma_wait3A_1572 = tpu.memref_squeeze %dma_wait3A_1571 : memref<1x32x128xf32, #tpu.memory_space<vmem>> -> memref<32x128xf32, #tpu.memory_space<vmem>>
      %dma_wait3A_1573 = arith.constant 0 : i32
      %dma_wait3A_1574 = arith.constant 0 : i32
      %dma_wait3A_1575 = tpu.memref_slice %arg5[%dma_wait3A_1573, %dma_wait3A_1574] : memref<32x1000000xf32, #tpu.memory_space<hbm>> -> memref<32x128xf32, #tpu.memory_space<hbm>>
      tpu.wait_dma2 semaphore(%dma_wait3A_1568 : memref<!tpu.dma_semaphore, #tpu.memory_space<semaphore_mem>>) src(%dma_wait3A_1575 : memref<32x128xf32, #tpu.memory_space<hbm>>) dst(%dma_wait3A_1572 : memref<32x128xf32, #tpu.memory_space<vmem>>)
      %broadcast_in_dim3A_1576 = arith.constant 4 : i32
      %broadcast_in_dim3A_1577 = vector.broadcast %broadcast_in_dim3A_1576 : i32 to vector<16xi32>
      %and3A_1578 = arith.constant 127 : i32
      %and3A_1579 = arith.andi %squeeze3A_1537, %and3A_1578 : i32
      %broadcast_in_dim3A_1580 = vector.broadcast %and3A_1579 : i32 to vector<16xi32>
      %and3A_1581 = arith.constant 127 : i32
      %and3A_1582 = arith.andi %squeeze3A_1539, %and3A_1581 : i32
      %broadcast_in_dim3A_1583 = vector.broadcast %and3A_1582 : i32 to vector<16xi32>
      %gather3A_1584 = tpu.vector_load_idx %arg10[%broadcast_in_dim3A_1577, %iota3A, %broadcast_in_dim3A_1580] : memref<8x32x128xf32, #tpu.memory_space<vmem>>[vector<16xi32>, vector<16xi32>, vector<16xi32>], vector<16xf32>,
      %gather3A_1585 = tpu.vector_load_idx %arg10[%broadcast_in_dim3A_1577, %add3A_5, %broadcast_in_dim3A_1580] : memref<8x32x128xf32, #tpu.memory_space<vmem>>[vector<16xi32>, vector<16xi32>, vector<16xi32>], vector<16xf32>,
      %gather3A_1586 = tpu.vector_load_idx %arg11[%broadcast_in_dim3A_1577, %iota3A, %broadcast_in_dim3A_1583] : memref<8x32x128xf32, #tpu.memory_space<vmem>>[vector<16xi32>, vector<16xi32>, vector<16xi32>], vector<16xf32>,
      %gather3A_1587 = tpu.vector_load_idx %arg11[%broadcast_in_dim3A_1577, %add3A_5, %broadcast_in_dim3A_1583] : memref<8x32x128xf32, #tpu.memory_space<vmem>>[vector<16xi32>, vector<16xi32>, vector<16xi32>], vector<16xf32>,
      %mul3A_1588 = arith.mulf %gather3A_1584, %gather3A_1586 : vector<16xf32>
      %mul3A_1589 = arith.mulf %gather3A_1585, %gather3A_1587 : vector<16xf32>
      %add3A_1590 = arith.addf %mul3A_1588, %mul3A_1589 : vector<16xf32>
      %reduce_sum3A_1591 = arith.constant true
      %reduce_sum3A_1592 = vector.broadcast %reduce_sum3A_1591 : i1 to vector<16xi1>
      %reduce_sum3A_1593 = tpu.scan <sum>, %add3A_1590 masked %reduce_sum3A_1592 : vector<16xf32>, vector<16xi1> -> vector<16xf32>
      %reduce_sum3A_1594 = vector.extract %reduce_sum3A_1593[15] : f32 from vector<16xf32>
      %eq3A_1595 = arith.constant 12 : i32
      %eq3A_1596 = vector.broadcast %eq3A_1595 : i32 to vector<16xi32>
      %eq3A_1597 = arith.cmpi eq, %iota3A, %eq3A_1596 : vector<16xi32>
      %broadcast_in_dim3A_1598 = vector.broadcast %reduce_sum3A_1594 : f32 to vector<16xf32>
      %select_n3A_1599 = arith.select %eq3A_1597, %broadcast_in_dim3A_1598, %select_n3A_1530 : vector<16xi1>, vector<16xf32>
      %lt3A_1600 = arith.constant 31 : i32
      %lt3A_1601 = arith.cmpi slt, %add3A_379, %lt3A_1600 : i32
      %convert_element_type3A_1602 = arith.extui %lt3A_1601 : i1 to i32
      %cond3A_1603 = arith.constant 0 : i32
      %cond3A_1604 = arith.cmpi ne, %convert_element_type3A_1602, %cond3A_1603 : i32
      scf.if %cond3A_1604 {
        %add3A_1815 = arith.constant 1 : i32
        %add3A_1816 = arith.addi %add3A_379, %add3A_1815 : i32
        %mul3A_1817 = arith.constant 16 : i32
        %mul3A_1818 = arith.muli %add3A_1816, %mul3A_1817 : i32
        %get3A_1819 = arith.index_cast %mul3A_1818 : i32 to index
        %get3A_1820 = tpu.vector_load %arg7[%get3A_1819] {strides = array<i32>} : memref<512xi32, #tpu.memory_space<vmem>>, vector<16xi32>,
        %add3A_1821 = arith.constant 1 : i32
        %add3A_1822 = arith.addi %add3A_379, %add3A_1821 : i32
        %mul3A_1823 = arith.constant 16 : i32
        %mul3A_1824 = arith.muli %add3A_1822, %mul3A_1823 : i32
        %get3A_1825 = arith.index_cast %mul3A_1824 : i32 to index
        %get3A_1826 = tpu.vector_load %arg8[%get3A_1825] {strides = array<i32>} : memref<512xi32, #tpu.memory_space<vmem>>, vector<16xi32>,
        %slice3A_1827 = vector.extract_strided_slice %get3A_1820 {offsets = [4], sizes = [1], strides = [1]} : vector<16xi32> to vector<1xi32>
        %squeeze3A_1828 = vector.extract %slice3A_1827[0] : i32 from vector<1xi32>
        %slice3A_1829 = vector.extract_strided_slice %get3A_1826 {offsets = [4], sizes = [1], strides = [1]} : vector<16xi32> to vector<1xi32>
        %squeeze3A_1830 = vector.extract %slice3A_1829[0] : i32 from vector<1xi32>
        %shift_right_arithmetic3A_1831 = arith.constant 7 : i32
        %shift_right_arithmetic3A_1832 = arith.shrsi %squeeze3A_1828, %shift_right_arithmetic3A_1831 : i32
        %shift_left3A_1833 = arith.constant 7 : i32
        %shift_left3A_1834 = arith.shli %shift_right_arithmetic3A_1832, %shift_left3A_1833 : i32
        %multiple_of3A_1835 = tpu.assume_multiple %shift_left3A_1834, 128 : i32
        %shift_right_arithmetic3A_1836 = arith.constant 7 : i32
        %shift_right_arithmetic3A_1837 = arith.shrsi %squeeze3A_1830, %shift_right_arithmetic3A_1836 : i32
        %shift_left3A_1838 = arith.constant 7 : i32
        %shift_left3A_1839 = arith.shli %shift_right_arithmetic3A_1837, %shift_left3A_1838 : i32
        %multiple_of3A_1840 = tpu.assume_multiple %shift_left3A_1839, 128 : i32
        %dma_start3A_1841 = arith.constant 4 : i32
        %dma_start3A_1842 = arith.constant 4 : i32
        %dma_start3A_1843 = arith.constant 0 : i32
        %dma_start3A_1844 = arith.constant 0 : i32
        %dma_start3A_1845 = tpu.memref_slice %arg10[%dma_start3A_1841, %dma_start3A_1843, %dma_start3A_1844] : memref<8x32x128xf32, #tpu.memory_space<vmem>> -> memref<1x32x128xf32, #tpu.memory_space<vmem>>
        %dma_start3A_1846 = tpu.memref_squeeze %dma_start3A_1845 : memref<1x32x128xf32, #tpu.memory_space<vmem>> -> memref<32x128xf32, #tpu.memory_space<vmem>>
        %dma_start3A_1847 = arith.constant 0 : i32
        %dma_start3A_1848 = tpu.memref_slice %arg4[%dma_start3A_1847, %multiple_of3A_1835] : memref<32x1000000xf32, #tpu.memory_space<hbm>> -> memref<32x128xf32, #tpu.memory_space<hbm>>
        %dma_start3A_1849 = tpu.memref_slice %arg12[%dma_start3A_1842] : memref<8x!tpu.dma_semaphore, #tpu.memory_space<semaphore_mem>> -> memref<1x!tpu.dma_semaphore, #tpu.memory_space<semaphore_mem>>
        %dma_start3A_1850 = tpu.memref_squeeze %dma_start3A_1849 : memref<1x!tpu.dma_semaphore, #tpu.memory_space<semaphore_mem>> -> memref<!tpu.dma_semaphore, #tpu.memory_space<semaphore_mem>>
        %dma_start3A_1851 = arith.constant 0 : i32
        %dma_start3A_1852 = arith.constant 0 : i32
        %dma_start3A_1853 = tpu.memref_slice %arg10[%dma_start3A_1841, %dma_start3A_1851, %dma_start3A_1852] : memref<8x32x128xf32, #tpu.memory_space<vmem>> -> memref<1x32x128xf32, #tpu.memory_space<vmem>>
        %dma_start3A_1854 = tpu.memref_squeeze %dma_start3A_1853 : memref<1x32x128xf32, #tpu.memory_space<vmem>> -> memref<32x128xf32, #tpu.memory_space<vmem>>
        %dma_start3A_1855 = arith.constant 0 : i32
        %dma_start3A_1856 = tpu.memref_slice %arg4[%dma_start3A_1855, %multiple_of3A_1835] : memref<32x1000000xf32, #tpu.memory_space<hbm>> -> memref<32x128xf32, #tpu.memory_space<hbm>>
        tpu.enqueue_dma source(%dma_start3A_1856 : memref<32x128xf32, #tpu.memory_space<hbm>>) target(%dma_start3A_1854 : memref<32x128xf32, #tpu.memory_space<vmem>>) target_semaphore(%dma_start3A_1850 : memref<!tpu.dma_semaphore, #tpu.memory_space<semaphore_mem>>)
        %dma_start3A_1857 = arith.constant 4 : i32
        %dma_start3A_1858 = arith.constant 4 : i32
        %dma_start3A_1859 = arith.constant 0 : i32
        %dma_start3A_1860 = arith.constant 0 : i32
        %dma_start3A_1861 = tpu.memref_slice %arg11[%dma_start3A_1857, %dma_start3A_1859, %dma_start3A_1860] : memref<8x32x128xf32, #tpu.memory_space<vmem>> -> memref<1x32x128xf32, #tpu.memory_space<vmem>>
        %dma_start3A_1862 = tpu.memref_squeeze %dma_start3A_1861 : memref<1x32x128xf32, #tpu.memory_space<vmem>> -> memref<32x128xf32, #tpu.memory_space<vmem>>
        %dma_start3A_1863 = arith.constant 0 : i32
        %dma_start3A_1864 = tpu.memref_slice %arg5[%dma_start3A_1863, %multiple_of3A_1840] : memref<32x1000000xf32, #tpu.memory_space<hbm>> -> memref<32x128xf32, #tpu.memory_space<hbm>>
        %dma_start3A_1865 = tpu.memref_slice %arg13[%dma_start3A_1858] : memref<8x!tpu.dma_semaphore, #tpu.memory_space<semaphore_mem>> -> memref<1x!tpu.dma_semaphore, #tpu.memory_space<semaphore_mem>>
        %dma_start3A_1866 = tpu.memref_squeeze %dma_start3A_1865 : memref<1x!tpu.dma_semaphore, #tpu.memory_space<semaphore_mem>> -> memref<!tpu.dma_semaphore, #tpu.memory_space<semaphore_mem>>
        %dma_start3A_1867 = arith.constant 0 : i32
        %dma_start3A_1868 = arith.constant 0 : i32
        %dma_start3A_1869 = tpu.memref_slice %arg11[%dma_start3A_1857, %dma_start3A_1867, %dma_start3A_1868] : memref<8x32x128xf32, #tpu.memory_space<vmem>> -> memref<1x32x128xf32, #tpu.memory_space<vmem>>
        %dma_start3A_1870 = tpu.memref_squeeze %dma_start3A_1869 : memref<1x32x128xf32, #tpu.memory_space<vmem>> -> memref<32x128xf32, #tpu.memory_space<vmem>>
        %dma_start3A_1871 = arith.constant 0 : i32
        %dma_start3A_1872 = tpu.memref_slice %arg5[%dma_start3A_1871, %multiple_of3A_1840] : memref<32x1000000xf32, #tpu.memory_space<hbm>> -> memref<32x128xf32, #tpu.memory_space<hbm>>
        tpu.enqueue_dma source(%dma_start3A_1872 : memref<32x128xf32, #tpu.memory_space<hbm>>) target(%dma_start3A_1870 : memref<32x128xf32, #tpu.memory_space<vmem>>) target_semaphore(%dma_start3A_1866 : memref<!tpu.dma_semaphore, #tpu.memory_space<semaphore_mem>>)
      } else {
      }
      %slice3A_1605 = vector.extract_strided_slice %get3A_383 {offsets = [13], sizes = [1], strides = [1]} : vector<16xi32> to vector<1xi32>
      %squeeze3A_1606 = vector.extract %slice3A_1605[0] : i32 from vector<1xi32>
      %slice3A_1607 = vector.extract_strided_slice %get3A_387 {offsets = [13], sizes = [1], strides = [1]} : vector<16xi32> to vector<1xi32>
      %squeeze3A_1608 = vector.extract %slice3A_1607[0] : i32 from vector<1xi32>
      %dma_wait3A_1609 = arith.constant 5 : i32
      %dma_wait3A_1610 = arith.constant 5 : i32
      %dma_wait3A_1611 = arith.constant 0 : i32
      %dma_wait3A_1612 = arith.constant 0 : i32
      %dma_wait3A_1613 = tpu.memref_slice %arg10[%dma_wait3A_1609, %dma_wait3A_1611, %dma_wait3A_1612] : memref<8x32x128xf32, #tpu.memory_space<vmem>> -> memref<1x32x128xf32, #tpu.memory_space<vmem>>
      %dma_wait3A_1614 = tpu.memref_squeeze %dma_wait3A_1613 : memref<1x32x128xf32, #tpu.memory_space<vmem>> -> memref<32x128xf32, #tpu.memory_space<vmem>>
      %dma_wait3A_1615 = arith.constant 0 : i32
      %dma_wait3A_1616 = arith.constant 0 : i32
      %dma_wait3A_1617 = tpu.memref_slice %arg4[%dma_wait3A_1615, %dma_wait3A_1616] : memref<32x1000000xf32, #tpu.memory_space<hbm>> -> memref<32x128xf32, #tpu.memory_space<hbm>>
      %dma_wait3A_1618 = tpu.memref_slice %arg12[%dma_wait3A_1610] : memref<8x!tpu.dma_semaphore, #tpu.memory_space<semaphore_mem>> -> memref<1x!tpu.dma_semaphore, #tpu.memory_space<semaphore_mem>>
      %dma_wait3A_1619 = tpu.memref_squeeze %dma_wait3A_1618 : memref<1x!tpu.dma_semaphore, #tpu.memory_space<semaphore_mem>> -> memref<!tpu.dma_semaphore, #tpu.memory_space<semaphore_mem>>
      %dma_wait3A_1620 = arith.constant 0 : i32
      %dma_wait3A_1621 = arith.constant 0 : i32
      %dma_wait3A_1622 = tpu.memref_slice %arg10[%dma_wait3A_1609, %dma_wait3A_1620, %dma_wait3A_1621] : memref<8x32x128xf32, #tpu.memory_space<vmem>> -> memref<1x32x128xf32, #tpu.memory_space<vmem>>
      %dma_wait3A_1623 = tpu.memref_squeeze %dma_wait3A_1622 : memref<1x32x128xf32, #tpu.memory_space<vmem>> -> memref<32x128xf32, #tpu.memory_space<vmem>>
      %dma_wait3A_1624 = arith.constant 0 : i32
      %dma_wait3A_1625 = arith.constant 0 : i32
      %dma_wait3A_1626 = tpu.memref_slice %arg4[%dma_wait3A_1624, %dma_wait3A_1625] : memref<32x1000000xf32, #tpu.memory_space<hbm>> -> memref<32x128xf32, #tpu.memory_space<hbm>>
      tpu.wait_dma2 semaphore(%dma_wait3A_1619 : memref<!tpu.dma_semaphore, #tpu.memory_space<semaphore_mem>>) src(%dma_wait3A_1626 : memref<32x128xf32, #tpu.memory_space<hbm>>) dst(%dma_wait3A_1623 : memref<32x128xf32, #tpu.memory_space<vmem>>)
      %dma_wait3A_1627 = arith.constant 5 : i32
      %dma_wait3A_1628 = arith.constant 5 : i32
      %dma_wait3A_1629 = arith.constant 0 : i32
      %dma_wait3A_1630 = arith.constant 0 : i32
      %dma_wait3A_1631 = tpu.memref_slice %arg11[%dma_wait3A_1627, %dma_wait3A_1629, %dma_wait3A_1630] : memref<8x32x128xf32, #tpu.memory_space<vmem>> -> memref<1x32x128xf32, #tpu.memory_space<vmem>>
      %dma_wait3A_1632 = tpu.memref_squeeze %dma_wait3A_1631 : memref<1x32x128xf32, #tpu.memory_space<vmem>> -> memref<32x128xf32, #tpu.memory_space<vmem>>
      %dma_wait3A_1633 = arith.constant 0 : i32
      %dma_wait3A_1634 = arith.constant 0 : i32
      %dma_wait3A_1635 = tpu.memref_slice %arg5[%dma_wait3A_1633, %dma_wait3A_1634] : memref<32x1000000xf32, #tpu.memory_space<hbm>> -> memref<32x128xf32, #tpu.memory_space<hbm>>
      %dma_wait3A_1636 = tpu.memref_slice %arg13[%dma_wait3A_1628] : memref<8x!tpu.dma_semaphore, #tpu.memory_space<semaphore_mem>> -> memref<1x!tpu.dma_semaphore, #tpu.memory_space<semaphore_mem>>
      %dma_wait3A_1637 = tpu.memref_squeeze %dma_wait3A_1636 : memref<1x!tpu.dma_semaphore, #tpu.memory_space<semaphore_mem>> -> memref<!tpu.dma_semaphore, #tpu.memory_space<semaphore_mem>>
      %dma_wait3A_1638 = arith.constant 0 : i32
      %dma_wait3A_1639 = arith.constant 0 : i32
      %dma_wait3A_1640 = tpu.memref_slice %arg11[%dma_wait3A_1627, %dma_wait3A_1638, %dma_wait3A_1639] : memref<8x32x128xf32, #tpu.memory_space<vmem>> -> memref<1x32x128xf32, #tpu.memory_space<vmem>>
      %dma_wait3A_1641 = tpu.memref_squeeze %dma_wait3A_1640 : memref<1x32x128xf32, #tpu.memory_space<vmem>> -> memref<32x128xf32, #tpu.memory_space<vmem>>
      %dma_wait3A_1642 = arith.constant 0 : i32
      %dma_wait3A_1643 = arith.constant 0 : i32
      %dma_wait3A_1644 = tpu.memref_slice %arg5[%dma_wait3A_1642, %dma_wait3A_1643] : memref<32x1000000xf32, #tpu.memory_space<hbm>> -> memref<32x128xf32, #tpu.memory_space<hbm>>
      tpu.wait_dma2 semaphore(%dma_wait3A_1637 : memref<!tpu.dma_semaphore, #tpu.memory_space<semaphore_mem>>) src(%dma_wait3A_1644 : memref<32x128xf32, #tpu.memory_space<hbm>>) dst(%dma_wait3A_1641 : memref<32x128xf32, #tpu.memory_space<vmem>>)
      %broadcast_in_dim3A_1645 = arith.constant 5 : i32
      %broadcast_in_dim3A_1646 = vector.broadcast %broadcast_in_dim3A_1645 : i32 to vector<16xi32>
      %and3A_1647 = arith.constant 127 : i32
      %and3A_1648 = arith.andi %squeeze3A_1606, %and3A_1647 : i32
      %broadcast_in_dim3A_1649 = vector.broadcast %and3A_1648 : i32 to vector<16xi32>
      %and3A_1650 = arith.constant 127 : i32
      %and3A_1651 = arith.andi %squeeze3A_1608, %and3A_1650 : i32
      %broadcast_in_dim3A_1652 = vector.broadcast %and3A_1651 : i32 to vector<16xi32>
      %gather3A_1653 = tpu.vector_load_idx %arg10[%broadcast_in_dim3A_1646, %iota3A, %broadcast_in_dim3A_1649] : memref<8x32x128xf32, #tpu.memory_space<vmem>>[vector<16xi32>, vector<16xi32>, vector<16xi32>], vector<16xf32>,
      %gather3A_1654 = tpu.vector_load_idx %arg10[%broadcast_in_dim3A_1646, %add3A_5, %broadcast_in_dim3A_1649] : memref<8x32x128xf32, #tpu.memory_space<vmem>>[vector<16xi32>, vector<16xi32>, vector<16xi32>], vector<16xf32>,
      %gather3A_1655 = tpu.vector_load_idx %arg11[%broadcast_in_dim3A_1646, %iota3A, %broadcast_in_dim3A_1652] : memref<8x32x128xf32, #tpu.memory_space<vmem>>[vector<16xi32>, vector<16xi32>, vector<16xi32>], vector<16xf32>,
      %gather3A_1656 = tpu.vector_load_idx %arg11[%broadcast_in_dim3A_1646, %add3A_5, %broadcast_in_dim3A_1652] : memref<8x32x128xf32, #tpu.memory_space<vmem>>[vector<16xi32>, vector<16xi32>, vector<16xi32>], vector<16xf32>,
      %mul3A_1657 = arith.mulf %gather3A_1653, %gather3A_1655 : vector<16xf32>
      %mul3A_1658 = arith.mulf %gather3A_1654, %gather3A_1656 : vector<16xf32>
      %add3A_1659 = arith.addf %mul3A_1657, %mul3A_1658 : vector<16xf32>
      %reduce_sum3A_1660 = arith.constant true
      %reduce_sum3A_1661 = vector.broadcast %reduce_sum3A_1660 : i1 to vector<16xi1>
      %reduce_sum3A_1662 = tpu.scan <sum>, %add3A_1659 masked %reduce_sum3A_1661 : vector<16xf32>, vector<16xi1> -> vector<16xf32>
      %reduce_sum3A_1663 = vector.extract %reduce_sum3A_1662[15] : f32 from vector<16xf32>
      %eq3A_1664 = arith.constant 13 : i32
      %eq3A_1665 = vector.broadcast %eq3A_1664 : i32 to vector<16xi32>
      %eq3A_1666 = arith.cmpi eq, %iota3A, %eq3A_1665 : vector<16xi32>
      %broadcast_in_dim3A_1667 = vector.broadcast %reduce_sum3A_1663 : f32 to vector<16xf32>
      %select_n3A_1668 = arith.select %eq3A_1666, %broadcast_in_dim3A_1667, %select_n3A_1599 : vector<16xi1>, vector<16xf32>
      %lt3A_1669 = arith.constant 31 : i32
      %lt3A_1670 = arith.cmpi slt, %add3A_379, %lt3A_1669 : i32
      %convert_element_type3A_1671 = arith.extui %lt3A_1670 : i1 to i32
      %cond3A_1672 = arith.constant 0 : i32
      %cond3A_1673 = arith.cmpi ne, %convert_element_type3A_1671, %cond3A_1672 : i32
      scf.if %cond3A_1673 {
        %add3A_1815 = arith.constant 1 : i32
        %add3A_1816 = arith.addi %add3A_379, %add3A_1815 : i32
        %mul3A_1817 = arith.constant 16 : i32
        %mul3A_1818 = arith.muli %add3A_1816, %mul3A_1817 : i32
        %get3A_1819 = arith.index_cast %mul3A_1818 : i32 to index
        %get3A_1820 = tpu.vector_load %arg7[%get3A_1819] {strides = array<i32>} : memref<512xi32, #tpu.memory_space<vmem>>, vector<16xi32>,
        %add3A_1821 = arith.constant 1 : i32
        %add3A_1822 = arith.addi %add3A_379, %add3A_1821 : i32
        %mul3A_1823 = arith.constant 16 : i32
        %mul3A_1824 = arith.muli %add3A_1822, %mul3A_1823 : i32
        %get3A_1825 = arith.index_cast %mul3A_1824 : i32 to index
        %get3A_1826 = tpu.vector_load %arg8[%get3A_1825] {strides = array<i32>} : memref<512xi32, #tpu.memory_space<vmem>>, vector<16xi32>,
        %slice3A_1827 = vector.extract_strided_slice %get3A_1820 {offsets = [5], sizes = [1], strides = [1]} : vector<16xi32> to vector<1xi32>
        %squeeze3A_1828 = vector.extract %slice3A_1827[0] : i32 from vector<1xi32>
        %slice3A_1829 = vector.extract_strided_slice %get3A_1826 {offsets = [5], sizes = [1], strides = [1]} : vector<16xi32> to vector<1xi32>
        %squeeze3A_1830 = vector.extract %slice3A_1829[0] : i32 from vector<1xi32>
        %shift_right_arithmetic3A_1831 = arith.constant 7 : i32
        %shift_right_arithmetic3A_1832 = arith.shrsi %squeeze3A_1828, %shift_right_arithmetic3A_1831 : i32
        %shift_left3A_1833 = arith.constant 7 : i32
        %shift_left3A_1834 = arith.shli %shift_right_arithmetic3A_1832, %shift_left3A_1833 : i32
        %multiple_of3A_1835 = tpu.assume_multiple %shift_left3A_1834, 128 : i32
        %shift_right_arithmetic3A_1836 = arith.constant 7 : i32
        %shift_right_arithmetic3A_1837 = arith.shrsi %squeeze3A_1830, %shift_right_arithmetic3A_1836 : i32
        %shift_left3A_1838 = arith.constant 7 : i32
        %shift_left3A_1839 = arith.shli %shift_right_arithmetic3A_1837, %shift_left3A_1838 : i32
        %multiple_of3A_1840 = tpu.assume_multiple %shift_left3A_1839, 128 : i32
        %dma_start3A_1841 = arith.constant 5 : i32
        %dma_start3A_1842 = arith.constant 5 : i32
        %dma_start3A_1843 = arith.constant 0 : i32
        %dma_start3A_1844 = arith.constant 0 : i32
        %dma_start3A_1845 = tpu.memref_slice %arg10[%dma_start3A_1841, %dma_start3A_1843, %dma_start3A_1844] : memref<8x32x128xf32, #tpu.memory_space<vmem>> -> memref<1x32x128xf32, #tpu.memory_space<vmem>>
        %dma_start3A_1846 = tpu.memref_squeeze %dma_start3A_1845 : memref<1x32x128xf32, #tpu.memory_space<vmem>> -> memref<32x128xf32, #tpu.memory_space<vmem>>
        %dma_start3A_1847 = arith.constant 0 : i32
        %dma_start3A_1848 = tpu.memref_slice %arg4[%dma_start3A_1847, %multiple_of3A_1835] : memref<32x1000000xf32, #tpu.memory_space<hbm>> -> memref<32x128xf32, #tpu.memory_space<hbm>>
        %dma_start3A_1849 = tpu.memref_slice %arg12[%dma_start3A_1842] : memref<8x!tpu.dma_semaphore, #tpu.memory_space<semaphore_mem>> -> memref<1x!tpu.dma_semaphore, #tpu.memory_space<semaphore_mem>>
        %dma_start3A_1850 = tpu.memref_squeeze %dma_start3A_1849 : memref<1x!tpu.dma_semaphore, #tpu.memory_space<semaphore_mem>> -> memref<!tpu.dma_semaphore, #tpu.memory_space<semaphore_mem>>
        %dma_start3A_1851 = arith.constant 0 : i32
        %dma_start3A_1852 = arith.constant 0 : i32
        %dma_start3A_1853 = tpu.memref_slice %arg10[%dma_start3A_1841, %dma_start3A_1851, %dma_start3A_1852] : memref<8x32x128xf32, #tpu.memory_space<vmem>> -> memref<1x32x128xf32, #tpu.memory_space<vmem>>
        %dma_start3A_1854 = tpu.memref_squeeze %dma_start3A_1853 : memref<1x32x128xf32, #tpu.memory_space<vmem>> -> memref<32x128xf32, #tpu.memory_space<vmem>>
        %dma_start3A_1855 = arith.constant 0 : i32
        %dma_start3A_1856 = tpu.memref_slice %arg4[%dma_start3A_1855, %multiple_of3A_1835] : memref<32x1000000xf32, #tpu.memory_space<hbm>> -> memref<32x128xf32, #tpu.memory_space<hbm>>
        tpu.enqueue_dma source(%dma_start3A_1856 : memref<32x128xf32, #tpu.memory_space<hbm>>) target(%dma_start3A_1854 : memref<32x128xf32, #tpu.memory_space<vmem>>) target_semaphore(%dma_start3A_1850 : memref<!tpu.dma_semaphore, #tpu.memory_space<semaphore_mem>>)
        %dma_start3A_1857 = arith.constant 5 : i32
        %dma_start3A_1858 = arith.constant 5 : i32
        %dma_start3A_1859 = arith.constant 0 : i32
        %dma_start3A_1860 = arith.constant 0 : i32
        %dma_start3A_1861 = tpu.memref_slice %arg11[%dma_start3A_1857, %dma_start3A_1859, %dma_start3A_1860] : memref<8x32x128xf32, #tpu.memory_space<vmem>> -> memref<1x32x128xf32, #tpu.memory_space<vmem>>
        %dma_start3A_1862 = tpu.memref_squeeze %dma_start3A_1861 : memref<1x32x128xf32, #tpu.memory_space<vmem>> -> memref<32x128xf32, #tpu.memory_space<vmem>>
        %dma_start3A_1863 = arith.constant 0 : i32
        %dma_start3A_1864 = tpu.memref_slice %arg5[%dma_start3A_1863, %multiple_of3A_1840] : memref<32x1000000xf32, #tpu.memory_space<hbm>> -> memref<32x128xf32, #tpu.memory_space<hbm>>
        %dma_start3A_1865 = tpu.memref_slice %arg13[%dma_start3A_1858] : memref<8x!tpu.dma_semaphore, #tpu.memory_space<semaphore_mem>> -> memref<1x!tpu.dma_semaphore, #tpu.memory_space<semaphore_mem>>
        %dma_start3A_1866 = tpu.memref_squeeze %dma_start3A_1865 : memref<1x!tpu.dma_semaphore, #tpu.memory_space<semaphore_mem>> -> memref<!tpu.dma_semaphore, #tpu.memory_space<semaphore_mem>>
        %dma_start3A_1867 = arith.constant 0 : i32
        %dma_start3A_1868 = arith.constant 0 : i32
        %dma_start3A_1869 = tpu.memref_slice %arg11[%dma_start3A_1857, %dma_start3A_1867, %dma_start3A_1868] : memref<8x32x128xf32, #tpu.memory_space<vmem>> -> memref<1x32x128xf32, #tpu.memory_space<vmem>>
        %dma_start3A_1870 = tpu.memref_squeeze %dma_start3A_1869 : memref<1x32x128xf32, #tpu.memory_space<vmem>> -> memref<32x128xf32, #tpu.memory_space<vmem>>
        %dma_start3A_1871 = arith.constant 0 : i32
        %dma_start3A_1872 = tpu.memref_slice %arg5[%dma_start3A_1871, %multiple_of3A_1840] : memref<32x1000000xf32, #tpu.memory_space<hbm>> -> memref<32x128xf32, #tpu.memory_space<hbm>>
        tpu.enqueue_dma source(%dma_start3A_1872 : memref<32x128xf32, #tpu.memory_space<hbm>>) target(%dma_start3A_1870 : memref<32x128xf32, #tpu.memory_space<vmem>>) target_semaphore(%dma_start3A_1866 : memref<!tpu.dma_semaphore, #tpu.memory_space<semaphore_mem>>)
      } else {
      }
      %slice3A_1674 = vector.extract_strided_slice %get3A_383 {offsets = [14], sizes = [1], strides = [1]} : vector<16xi32> to vector<1xi32>
      %squeeze3A_1675 = vector.extract %slice3A_1674[0] : i32 from vector<1xi32>
      %slice3A_1676 = vector.extract_strided_slice %get3A_387 {offsets = [14], sizes = [1], strides = [1]} : vector<16xi32> to vector<1xi32>
      %squeeze3A_1677 = vector.extract %slice3A_1676[0] : i32 from vector<1xi32>
      %dma_wait3A_1678 = arith.constant 6 : i32
      %dma_wait3A_1679 = arith.constant 6 : i32
      %dma_wait3A_1680 = arith.constant 0 : i32
      %dma_wait3A_1681 = arith.constant 0 : i32
      %dma_wait3A_1682 = tpu.memref_slice %arg10[%dma_wait3A_1678, %dma_wait3A_1680, %dma_wait3A_1681] : memref<8x32x128xf32, #tpu.memory_space<vmem>> -> memref<1x32x128xf32, #tpu.memory_space<vmem>>
      %dma_wait3A_1683 = tpu.memref_squeeze %dma_wait3A_1682 : memref<1x32x128xf32, #tpu.memory_space<vmem>> -> memref<32x128xf32, #tpu.memory_space<vmem>>
      %dma_wait3A_1684 = arith.constant 0 : i32
      %dma_wait3A_1685 = arith.constant 0 : i32
      %dma_wait3A_1686 = tpu.memref_slice %arg4[%dma_wait3A_1684, %dma_wait3A_1685] : memref<32x1000000xf32, #tpu.memory_space<hbm>> -> memref<32x128xf32, #tpu.memory_space<hbm>>
      %dma_wait3A_1687 = tpu.memref_slice %arg12[%dma_wait3A_1679] : memref<8x!tpu.dma_semaphore, #tpu.memory_space<semaphore_mem>> -> memref<1x!tpu.dma_semaphore, #tpu.memory_space<semaphore_mem>>
      %dma_wait3A_1688 = tpu.memref_squeeze %dma_wait3A_1687 : memref<1x!tpu.dma_semaphore, #tpu.memory_space<semaphore_mem>> -> memref<!tpu.dma_semaphore, #tpu.memory_space<semaphore_mem>>
      %dma_wait3A_1689 = arith.constant 0 : i32
      %dma_wait3A_1690 = arith.constant 0 : i32
      %dma_wait3A_1691 = tpu.memref_slice %arg10[%dma_wait3A_1678, %dma_wait3A_1689, %dma_wait3A_1690] : memref<8x32x128xf32, #tpu.memory_space<vmem>> -> memref<1x32x128xf32, #tpu.memory_space<vmem>>
      %dma_wait3A_1692 = tpu.memref_squeeze %dma_wait3A_1691 : memref<1x32x128xf32, #tpu.memory_space<vmem>> -> memref<32x128xf32, #tpu.memory_space<vmem>>
      %dma_wait3A_1693 = arith.constant 0 : i32
      %dma_wait3A_1694 = arith.constant 0 : i32
      %dma_wait3A_1695 = tpu.memref_slice %arg4[%dma_wait3A_1693, %dma_wait3A_1694] : memref<32x1000000xf32, #tpu.memory_space<hbm>> -> memref<32x128xf32, #tpu.memory_space<hbm>>
      tpu.wait_dma2 semaphore(%dma_wait3A_1688 : memref<!tpu.dma_semaphore, #tpu.memory_space<semaphore_mem>>) src(%dma_wait3A_1695 : memref<32x128xf32, #tpu.memory_space<hbm>>) dst(%dma_wait3A_1692 : memref<32x128xf32, #tpu.memory_space<vmem>>)
      %dma_wait3A_1696 = arith.constant 6 : i32
      %dma_wait3A_1697 = arith.constant 6 : i32
      %dma_wait3A_1698 = arith.constant 0 : i32
      %dma_wait3A_1699 = arith.constant 0 : i32
      %dma_wait3A_1700 = tpu.memref_slice %arg11[%dma_wait3A_1696, %dma_wait3A_1698, %dma_wait3A_1699] : memref<8x32x128xf32, #tpu.memory_space<vmem>> -> memref<1x32x128xf32, #tpu.memory_space<vmem>>
      %dma_wait3A_1701 = tpu.memref_squeeze %dma_wait3A_1700 : memref<1x32x128xf32, #tpu.memory_space<vmem>> -> memref<32x128xf32, #tpu.memory_space<vmem>>
      %dma_wait3A_1702 = arith.constant 0 : i32
      %dma_wait3A_1703 = arith.constant 0 : i32
      %dma_wait3A_1704 = tpu.memref_slice %arg5[%dma_wait3A_1702, %dma_wait3A_1703] : memref<32x1000000xf32, #tpu.memory_space<hbm>> -> memref<32x128xf32, #tpu.memory_space<hbm>>
      %dma_wait3A_1705 = tpu.memref_slice %arg13[%dma_wait3A_1697] : memref<8x!tpu.dma_semaphore, #tpu.memory_space<semaphore_mem>> -> memref<1x!tpu.dma_semaphore, #tpu.memory_space<semaphore_mem>>
      %dma_wait3A_1706 = tpu.memref_squeeze %dma_wait3A_1705 : memref<1x!tpu.dma_semaphore, #tpu.memory_space<semaphore_mem>> -> memref<!tpu.dma_semaphore, #tpu.memory_space<semaphore_mem>>
      %dma_wait3A_1707 = arith.constant 0 : i32
      %dma_wait3A_1708 = arith.constant 0 : i32
      %dma_wait3A_1709 = tpu.memref_slice %arg11[%dma_wait3A_1696, %dma_wait3A_1707, %dma_wait3A_1708] : memref<8x32x128xf32, #tpu.memory_space<vmem>> -> memref<1x32x128xf32, #tpu.memory_space<vmem>>
      %dma_wait3A_1710 = tpu.memref_squeeze %dma_wait3A_1709 : memref<1x32x128xf32, #tpu.memory_space<vmem>> -> memref<32x128xf32, #tpu.memory_space<vmem>>
      %dma_wait3A_1711 = arith.constant 0 : i32
      %dma_wait3A_1712 = arith.constant 0 : i32
      %dma_wait3A_1713 = tpu.memref_slice %arg5[%dma_wait3A_1711, %dma_wait3A_1712] : memref<32x1000000xf32, #tpu.memory_space<hbm>> -> memref<32x128xf32, #tpu.memory_space<hbm>>
      tpu.wait_dma2 semaphore(%dma_wait3A_1706 : memref<!tpu.dma_semaphore, #tpu.memory_space<semaphore_mem>>) src(%dma_wait3A_1713 : memref<32x128xf32, #tpu.memory_space<hbm>>) dst(%dma_wait3A_1710 : memref<32x128xf32, #tpu.memory_space<vmem>>)
      %broadcast_in_dim3A_1714 = arith.constant 6 : i32
      %broadcast_in_dim3A_1715 = vector.broadcast %broadcast_in_dim3A_1714 : i32 to vector<16xi32>
      %and3A_1716 = arith.constant 127 : i32
      %and3A_1717 = arith.andi %squeeze3A_1675, %and3A_1716 : i32
      %broadcast_in_dim3A_1718 = vector.broadcast %and3A_1717 : i32 to vector<16xi32>
      %and3A_1719 = arith.constant 127 : i32
      %and3A_1720 = arith.andi %squeeze3A_1677, %and3A_1719 : i32
      %broadcast_in_dim3A_1721 = vector.broadcast %and3A_1720 : i32 to vector<16xi32>
      %gather3A_1722 = tpu.vector_load_idx %arg10[%broadcast_in_dim3A_1715, %iota3A, %broadcast_in_dim3A_1718] : memref<8x32x128xf32, #tpu.memory_space<vmem>>[vector<16xi32>, vector<16xi32>, vector<16xi32>], vector<16xf32>,
      %gather3A_1723 = tpu.vector_load_idx %arg10[%broadcast_in_dim3A_1715, %add3A_5, %broadcast_in_dim3A_1718] : memref<8x32x128xf32, #tpu.memory_space<vmem>>[vector<16xi32>, vector<16xi32>, vector<16xi32>], vector<16xf32>,
      %gather3A_1724 = tpu.vector_load_idx %arg11[%broadcast_in_dim3A_1715, %iota3A, %broadcast_in_dim3A_1721] : memref<8x32x128xf32, #tpu.memory_space<vmem>>[vector<16xi32>, vector<16xi32>, vector<16xi32>], vector<16xf32>,
      %gather3A_1725 = tpu.vector_load_idx %arg11[%broadcast_in_dim3A_1715, %add3A_5, %broadcast_in_dim3A_1721] : memref<8x32x128xf32, #tpu.memory_space<vmem>>[vector<16xi32>, vector<16xi32>, vector<16xi32>], vector<16xf32>,
      %mul3A_1726 = arith.mulf %gather3A_1722, %gather3A_1724 : vector<16xf32>
      %mul3A_1727 = arith.mulf %gather3A_1723, %gather3A_1725 : vector<16xf32>
      %add3A_1728 = arith.addf %mul3A_1726, %mul3A_1727 : vector<16xf32>
      %reduce_sum3A_1729 = arith.constant true
      %reduce_sum3A_1730 = vector.broadcast %reduce_sum3A_1729 : i1 to vector<16xi1>
      %reduce_sum3A_1731 = tpu.scan <sum>, %add3A_1728 masked %reduce_sum3A_1730 : vector<16xf32>, vector<16xi1> -> vector<16xf32>
      %reduce_sum3A_1732 = vector.extract %reduce_sum3A_1731[15] : f32 from vector<16xf32>
      %eq3A_1733 = arith.constant 14 : i32
      %eq3A_1734 = vector.broadcast %eq3A_1733 : i32 to vector<16xi32>
      %eq3A_1735 = arith.cmpi eq, %iota3A, %eq3A_1734 : vector<16xi32>
      %broadcast_in_dim3A_1736 = vector.broadcast %reduce_sum3A_1732 : f32 to vector<16xf32>
      %select_n3A_1737 = arith.select %eq3A_1735, %broadcast_in_dim3A_1736, %select_n3A_1668 : vector<16xi1>, vector<16xf32>
      %lt3A_1738 = arith.constant 31 : i32
      %lt3A_1739 = arith.cmpi slt, %add3A_379, %lt3A_1738 : i32
      %convert_element_type3A_1740 = arith.extui %lt3A_1739 : i1 to i32
      %cond3A_1741 = arith.constant 0 : i32
      %cond3A_1742 = arith.cmpi ne, %convert_element_type3A_1740, %cond3A_1741 : i32
      scf.if %cond3A_1742 {
        %add3A_1815 = arith.constant 1 : i32
        %add3A_1816 = arith.addi %add3A_379, %add3A_1815 : i32
        %mul3A_1817 = arith.constant 16 : i32
        %mul3A_1818 = arith.muli %add3A_1816, %mul3A_1817 : i32
        %get3A_1819 = arith.index_cast %mul3A_1818 : i32 to index
        %get3A_1820 = tpu.vector_load %arg7[%get3A_1819] {strides = array<i32>} : memref<512xi32, #tpu.memory_space<vmem>>, vector<16xi32>,
        %add3A_1821 = arith.constant 1 : i32
        %add3A_1822 = arith.addi %add3A_379, %add3A_1821 : i32
        %mul3A_1823 = arith.constant 16 : i32
        %mul3A_1824 = arith.muli %add3A_1822, %mul3A_1823 : i32
        %get3A_1825 = arith.index_cast %mul3A_1824 : i32 to index
        %get3A_1826 = tpu.vector_load %arg8[%get3A_1825] {strides = array<i32>} : memref<512xi32, #tpu.memory_space<vmem>>, vector<16xi32>,
        %slice3A_1827 = vector.extract_strided_slice %get3A_1820 {offsets = [6], sizes = [1], strides = [1]} : vector<16xi32> to vector<1xi32>
        %squeeze3A_1828 = vector.extract %slice3A_1827[0] : i32 from vector<1xi32>
        %slice3A_1829 = vector.extract_strided_slice %get3A_1826 {offsets = [6], sizes = [1], strides = [1]} : vector<16xi32> to vector<1xi32>
        %squeeze3A_1830 = vector.extract %slice3A_1829[0] : i32 from vector<1xi32>
        %shift_right_arithmetic3A_1831 = arith.constant 7 : i32
        %shift_right_arithmetic3A_1832 = arith.shrsi %squeeze3A_1828, %shift_right_arithmetic3A_1831 : i32
        %shift_left3A_1833 = arith.constant 7 : i32
        %shift_left3A_1834 = arith.shli %shift_right_arithmetic3A_1832, %shift_left3A_1833 : i32
        %multiple_of3A_1835 = tpu.assume_multiple %shift_left3A_1834, 128 : i32
        %shift_right_arithmetic3A_1836 = arith.constant 7 : i32
        %shift_right_arithmetic3A_1837 = arith.shrsi %squeeze3A_1830, %shift_right_arithmetic3A_1836 : i32
        %shift_left3A_1838 = arith.constant 7 : i32
        %shift_left3A_1839 = arith.shli %shift_right_arithmetic3A_1837, %shift_left3A_1838 : i32
        %multiple_of3A_1840 = tpu.assume_multiple %shift_left3A_1839, 128 : i32
        %dma_start3A_1841 = arith.constant 6 : i32
        %dma_start3A_1842 = arith.constant 6 : i32
        %dma_start3A_1843 = arith.constant 0 : i32
        %dma_start3A_1844 = arith.constant 0 : i32
        %dma_start3A_1845 = tpu.memref_slice %arg10[%dma_start3A_1841, %dma_start3A_1843, %dma_start3A_1844] : memref<8x32x128xf32, #tpu.memory_space<vmem>> -> memref<1x32x128xf32, #tpu.memory_space<vmem>>
        %dma_start3A_1846 = tpu.memref_squeeze %dma_start3A_1845 : memref<1x32x128xf32, #tpu.memory_space<vmem>> -> memref<32x128xf32, #tpu.memory_space<vmem>>
        %dma_start3A_1847 = arith.constant 0 : i32
        %dma_start3A_1848 = tpu.memref_slice %arg4[%dma_start3A_1847, %multiple_of3A_1835] : memref<32x1000000xf32, #tpu.memory_space<hbm>> -> memref<32x128xf32, #tpu.memory_space<hbm>>
        %dma_start3A_1849 = tpu.memref_slice %arg12[%dma_start3A_1842] : memref<8x!tpu.dma_semaphore, #tpu.memory_space<semaphore_mem>> -> memref<1x!tpu.dma_semaphore, #tpu.memory_space<semaphore_mem>>
        %dma_start3A_1850 = tpu.memref_squeeze %dma_start3A_1849 : memref<1x!tpu.dma_semaphore, #tpu.memory_space<semaphore_mem>> -> memref<!tpu.dma_semaphore, #tpu.memory_space<semaphore_mem>>
        %dma_start3A_1851 = arith.constant 0 : i32
        %dma_start3A_1852 = arith.constant 0 : i32
        %dma_start3A_1853 = tpu.memref_slice %arg10[%dma_start3A_1841, %dma_start3A_1851, %dma_start3A_1852] : memref<8x32x128xf32, #tpu.memory_space<vmem>> -> memref<1x32x128xf32, #tpu.memory_space<vmem>>
        %dma_start3A_1854 = tpu.memref_squeeze %dma_start3A_1853 : memref<1x32x128xf32, #tpu.memory_space<vmem>> -> memref<32x128xf32, #tpu.memory_space<vmem>>
        %dma_start3A_1855 = arith.constant 0 : i32
        %dma_start3A_1856 = tpu.memref_slice %arg4[%dma_start3A_1855, %multiple_of3A_1835] : memref<32x1000000xf32, #tpu.memory_space<hbm>> -> memref<32x128xf32, #tpu.memory_space<hbm>>
        tpu.enqueue_dma source(%dma_start3A_1856 : memref<32x128xf32, #tpu.memory_space<hbm>>) target(%dma_start3A_1854 : memref<32x128xf32, #tpu.memory_space<vmem>>) target_semaphore(%dma_start3A_1850 : memref<!tpu.dma_semaphore, #tpu.memory_space<semaphore_mem>>)
        %dma_start3A_1857 = arith.constant 6 : i32
        %dma_start3A_1858 = arith.constant 6 : i32
        %dma_start3A_1859 = arith.constant 0 : i32
        %dma_start3A_1860 = arith.constant 0 : i32
        %dma_start3A_1861 = tpu.memref_slice %arg11[%dma_start3A_1857, %dma_start3A_1859, %dma_start3A_1860] : memref<8x32x128xf32, #tpu.memory_space<vmem>> -> memref<1x32x128xf32, #tpu.memory_space<vmem>>
        %dma_start3A_1862 = tpu.memref_squeeze %dma_start3A_1861 : memref<1x32x128xf32, #tpu.memory_space<vmem>> -> memref<32x128xf32, #tpu.memory_space<vmem>>
        %dma_start3A_1863 = arith.constant 0 : i32
        %dma_start3A_1864 = tpu.memref_slice %arg5[%dma_start3A_1863, %multiple_of3A_1840] : memref<32x1000000xf32, #tpu.memory_space<hbm>> -> memref<32x128xf32, #tpu.memory_space<hbm>>
        %dma_start3A_1865 = tpu.memref_slice %arg13[%dma_start3A_1858] : memref<8x!tpu.dma_semaphore, #tpu.memory_space<semaphore_mem>> -> memref<1x!tpu.dma_semaphore, #tpu.memory_space<semaphore_mem>>
        %dma_start3A_1866 = tpu.memref_squeeze %dma_start3A_1865 : memref<1x!tpu.dma_semaphore, #tpu.memory_space<semaphore_mem>> -> memref<!tpu.dma_semaphore, #tpu.memory_space<semaphore_mem>>
        %dma_start3A_1867 = arith.constant 0 : i32
        %dma_start3A_1868 = arith.constant 0 : i32
        %dma_start3A_1869 = tpu.memref_slice %arg11[%dma_start3A_1857, %dma_start3A_1867, %dma_start3A_1868] : memref<8x32x128xf32, #tpu.memory_space<vmem>> -> memref<1x32x128xf32, #tpu.memory_space<vmem>>
        %dma_start3A_1870 = tpu.memref_squeeze %dma_start3A_1869 : memref<1x32x128xf32, #tpu.memory_space<vmem>> -> memref<32x128xf32, #tpu.memory_space<vmem>>
        %dma_start3A_1871 = arith.constant 0 : i32
        %dma_start3A_1872 = tpu.memref_slice %arg5[%dma_start3A_1871, %multiple_of3A_1840] : memref<32x1000000xf32, #tpu.memory_space<hbm>> -> memref<32x128xf32, #tpu.memory_space<hbm>>
        tpu.enqueue_dma source(%dma_start3A_1872 : memref<32x128xf32, #tpu.memory_space<hbm>>) target(%dma_start3A_1870 : memref<32x128xf32, #tpu.memory_space<vmem>>) target_semaphore(%dma_start3A_1866 : memref<!tpu.dma_semaphore, #tpu.memory_space<semaphore_mem>>)
      } else {
      }
      %slice3A_1743 = vector.extract_strided_slice %get3A_383 {offsets = [15], sizes = [1], strides = [1]} : vector<16xi32> to vector<1xi32>
      %squeeze3A_1744 = vector.extract %slice3A_1743[0] : i32 from vector<1xi32>
      %slice3A_1745 = vector.extract_strided_slice %get3A_387 {offsets = [15], sizes = [1], strides = [1]} : vector<16xi32> to vector<1xi32>
      %squeeze3A_1746 = vector.extract %slice3A_1745[0] : i32 from vector<1xi32>
      %dma_wait3A_1747 = arith.constant 7 : i32
      %dma_wait3A_1748 = arith.constant 7 : i32
      %dma_wait3A_1749 = arith.constant 0 : i32
      %dma_wait3A_1750 = arith.constant 0 : i32
      %dma_wait3A_1751 = tpu.memref_slice %arg10[%dma_wait3A_1747, %dma_wait3A_1749, %dma_wait3A_1750] : memref<8x32x128xf32, #tpu.memory_space<vmem>> -> memref<1x32x128xf32, #tpu.memory_space<vmem>>
      %dma_wait3A_1752 = tpu.memref_squeeze %dma_wait3A_1751 : memref<1x32x128xf32, #tpu.memory_space<vmem>> -> memref<32x128xf32, #tpu.memory_space<vmem>>
      %dma_wait3A_1753 = arith.constant 0 : i32
      %dma_wait3A_1754 = arith.constant 0 : i32
      %dma_wait3A_1755 = tpu.memref_slice %arg4[%dma_wait3A_1753, %dma_wait3A_1754] : memref<32x1000000xf32, #tpu.memory_space<hbm>> -> memref<32x128xf32, #tpu.memory_space<hbm>>
      %dma_wait3A_1756 = tpu.memref_slice %arg12[%dma_wait3A_1748] : memref<8x!tpu.dma_semaphore, #tpu.memory_space<semaphore_mem>> -> memref<1x!tpu.dma_semaphore, #tpu.memory_space<semaphore_mem>>
      %dma_wait3A_1757 = tpu.memref_squeeze %dma_wait3A_1756 : memref<1x!tpu.dma_semaphore, #tpu.memory_space<semaphore_mem>> -> memref<!tpu.dma_semaphore, #tpu.memory_space<semaphore_mem>>
      %dma_wait3A_1758 = arith.constant 0 : i32
      %dma_wait3A_1759 = arith.constant 0 : i32
      %dma_wait3A_1760 = tpu.memref_slice %arg10[%dma_wait3A_1747, %dma_wait3A_1758, %dma_wait3A_1759] : memref<8x32x128xf32, #tpu.memory_space<vmem>> -> memref<1x32x128xf32, #tpu.memory_space<vmem>>
      %dma_wait3A_1761 = tpu.memref_squeeze %dma_wait3A_1760 : memref<1x32x128xf32, #tpu.memory_space<vmem>> -> memref<32x128xf32, #tpu.memory_space<vmem>>
      %dma_wait3A_1762 = arith.constant 0 : i32
      %dma_wait3A_1763 = arith.constant 0 : i32
      %dma_wait3A_1764 = tpu.memref_slice %arg4[%dma_wait3A_1762, %dma_wait3A_1763] : memref<32x1000000xf32, #tpu.memory_space<hbm>> -> memref<32x128xf32, #tpu.memory_space<hbm>>
      tpu.wait_dma2 semaphore(%dma_wait3A_1757 : memref<!tpu.dma_semaphore, #tpu.memory_space<semaphore_mem>>) src(%dma_wait3A_1764 : memref<32x128xf32, #tpu.memory_space<hbm>>) dst(%dma_wait3A_1761 : memref<32x128xf32, #tpu.memory_space<vmem>>)
      %dma_wait3A_1765 = arith.constant 7 : i32
      %dma_wait3A_1766 = arith.constant 7 : i32
      %dma_wait3A_1767 = arith.constant 0 : i32
      %dma_wait3A_1768 = arith.constant 0 : i32
      %dma_wait3A_1769 = tpu.memref_slice %arg11[%dma_wait3A_1765, %dma_wait3A_1767, %dma_wait3A_1768] : memref<8x32x128xf32, #tpu.memory_space<vmem>> -> memref<1x32x128xf32, #tpu.memory_space<vmem>>
      %dma_wait3A_1770 = tpu.memref_squeeze %dma_wait3A_1769 : memref<1x32x128xf32, #tpu.memory_space<vmem>> -> memref<32x128xf32, #tpu.memory_space<vmem>>
      %dma_wait3A_1771 = arith.constant 0 : i32
      %dma_wait3A_1772 = arith.constant 0 : i32
      %dma_wait3A_1773 = tpu.memref_slice %arg5[%dma_wait3A_1771, %dma_wait3A_1772] : memref<32x1000000xf32, #tpu.memory_space<hbm>> -> memref<32x128xf32, #tpu.memory_space<hbm>>
      %dma_wait3A_1774 = tpu.memref_slice %arg13[%dma_wait3A_1766] : memref<8x!tpu.dma_semaphore, #tpu.memory_space<semaphore_mem>> -> memref<1x!tpu.dma_semaphore, #tpu.memory_space<semaphore_mem>>
      %dma_wait3A_1775 = tpu.memref_squeeze %dma_wait3A_1774 : memref<1x!tpu.dma_semaphore, #tpu.memory_space<semaphore_mem>> -> memref<!tpu.dma_semaphore, #tpu.memory_space<semaphore_mem>>
      %dma_wait3A_1776 = arith.constant 0 : i32
      %dma_wait3A_1777 = arith.constant 0 : i32
      %dma_wait3A_1778 = tpu.memref_slice %arg11[%dma_wait3A_1765, %dma_wait3A_1776, %dma_wait3A_1777] : memref<8x32x128xf32, #tpu.memory_space<vmem>> -> memref<1x32x128xf32, #tpu.memory_space<vmem>>
      %dma_wait3A_1779 = tpu.memref_squeeze %dma_wait3A_1778 : memref<1x32x128xf32, #tpu.memory_space<vmem>> -> memref<32x128xf32, #tpu.memory_space<vmem>>
      %dma_wait3A_1780 = arith.constant 0 : i32
      %dma_wait3A_1781 = arith.constant 0 : i32
      %dma_wait3A_1782 = tpu.memref_slice %arg5[%dma_wait3A_1780, %dma_wait3A_1781] : memref<32x1000000xf32, #tpu.memory_space<hbm>> -> memref<32x128xf32, #tpu.memory_space<hbm>>
      tpu.wait_dma2 semaphore(%dma_wait3A_1775 : memref<!tpu.dma_semaphore, #tpu.memory_space<semaphore_mem>>) src(%dma_wait3A_1782 : memref<32x128xf32, #tpu.memory_space<hbm>>) dst(%dma_wait3A_1779 : memref<32x128xf32, #tpu.memory_space<vmem>>)
      %broadcast_in_dim3A_1783 = arith.constant 7 : i32
      %broadcast_in_dim3A_1784 = vector.broadcast %broadcast_in_dim3A_1783 : i32 to vector<16xi32>
      %and3A_1785 = arith.constant 127 : i32
      %and3A_1786 = arith.andi %squeeze3A_1744, %and3A_1785 : i32
      %broadcast_in_dim3A_1787 = vector.broadcast %and3A_1786 : i32 to vector<16xi32>
      %and3A_1788 = arith.constant 127 : i32
      %and3A_1789 = arith.andi %squeeze3A_1746, %and3A_1788 : i32
      %broadcast_in_dim3A_1790 = vector.broadcast %and3A_1789 : i32 to vector<16xi32>
      %gather3A_1791 = tpu.vector_load_idx %arg10[%broadcast_in_dim3A_1784, %iota3A, %broadcast_in_dim3A_1787] : memref<8x32x128xf32, #tpu.memory_space<vmem>>[vector<16xi32>, vector<16xi32>, vector<16xi32>], vector<16xf32>,
      %gather3A_1792 = tpu.vector_load_idx %arg10[%broadcast_in_dim3A_1784, %add3A_5, %broadcast_in_dim3A_1787] : memref<8x32x128xf32, #tpu.memory_space<vmem>>[vector<16xi32>, vector<16xi32>, vector<16xi32>], vector<16xf32>,
      %gather3A_1793 = tpu.vector_load_idx %arg11[%broadcast_in_dim3A_1784, %iota3A, %broadcast_in_dim3A_1790] : memref<8x32x128xf32, #tpu.memory_space<vmem>>[vector<16xi32>, vector<16xi32>, vector<16xi32>], vector<16xf32>,
      %gather3A_1794 = tpu.vector_load_idx %arg11[%broadcast_in_dim3A_1784, %add3A_5, %broadcast_in_dim3A_1790] : memref<8x32x128xf32, #tpu.memory_space<vmem>>[vector<16xi32>, vector<16xi32>, vector<16xi32>], vector<16xf32>,
      %mul3A_1795 = arith.mulf %gather3A_1791, %gather3A_1793 : vector<16xf32>
      %mul3A_1796 = arith.mulf %gather3A_1792, %gather3A_1794 : vector<16xf32>
      %add3A_1797 = arith.addf %mul3A_1795, %mul3A_1796 : vector<16xf32>
      %reduce_sum3A_1798 = arith.constant true
      %reduce_sum3A_1799 = vector.broadcast %reduce_sum3A_1798 : i1 to vector<16xi1>
      %reduce_sum3A_1800 = tpu.scan <sum>, %add3A_1797 masked %reduce_sum3A_1799 : vector<16xf32>, vector<16xi1> -> vector<16xf32>
      %reduce_sum3A_1801 = vector.extract %reduce_sum3A_1800[15] : f32 from vector<16xf32>
      %eq3A_1802 = arith.constant 15 : i32
      %eq3A_1803 = vector.broadcast %eq3A_1802 : i32 to vector<16xi32>
      %eq3A_1804 = arith.cmpi eq, %iota3A, %eq3A_1803 : vector<16xi32>
      %broadcast_in_dim3A_1805 = vector.broadcast %reduce_sum3A_1801 : f32 to vector<16xf32>
      %select_n3A_1806 = arith.select %eq3A_1804, %broadcast_in_dim3A_1805, %select_n3A_1737 : vector<16xi1>, vector<16xf32>
      %lt3A_1807 = arith.constant 31 : i32
      %lt3A_1808 = arith.cmpi slt, %add3A_379, %lt3A_1807 : i32
      %convert_element_type3A_1809 = arith.extui %lt3A_1808 : i1 to i32
      %cond3A_1810 = arith.constant 0 : i32
      %cond3A_1811 = arith.cmpi ne, %convert_element_type3A_1809, %cond3A_1810 : i32
      scf.if %cond3A_1811 {
        %add3A_1815 = arith.constant 1 : i32
        %add3A_1816 = arith.addi %add3A_379, %add3A_1815 : i32
        %mul3A_1817 = arith.constant 16 : i32
        %mul3A_1818 = arith.muli %add3A_1816, %mul3A_1817 : i32
        %get3A_1819 = arith.index_cast %mul3A_1818 : i32 to index
        %get3A_1820 = tpu.vector_load %arg7[%get3A_1819] {strides = array<i32>} : memref<512xi32, #tpu.memory_space<vmem>>, vector<16xi32>,
        %add3A_1821 = arith.constant 1 : i32
        %add3A_1822 = arith.addi %add3A_379, %add3A_1821 : i32
        %mul3A_1823 = arith.constant 16 : i32
        %mul3A_1824 = arith.muli %add3A_1822, %mul3A_1823 : i32
        %get3A_1825 = arith.index_cast %mul3A_1824 : i32 to index
        %get3A_1826 = tpu.vector_load %arg8[%get3A_1825] {strides = array<i32>} : memref<512xi32, #tpu.memory_space<vmem>>, vector<16xi32>,
        %slice3A_1827 = vector.extract_strided_slice %get3A_1820 {offsets = [7], sizes = [1], strides = [1]} : vector<16xi32> to vector<1xi32>
        %squeeze3A_1828 = vector.extract %slice3A_1827[0] : i32 from vector<1xi32>
        %slice3A_1829 = vector.extract_strided_slice %get3A_1826 {offsets = [7], sizes = [1], strides = [1]} : vector<16xi32> to vector<1xi32>
        %squeeze3A_1830 = vector.extract %slice3A_1829[0] : i32 from vector<1xi32>
        %shift_right_arithmetic3A_1831 = arith.constant 7 : i32
        %shift_right_arithmetic3A_1832 = arith.shrsi %squeeze3A_1828, %shift_right_arithmetic3A_1831 : i32
        %shift_left3A_1833 = arith.constant 7 : i32
        %shift_left3A_1834 = arith.shli %shift_right_arithmetic3A_1832, %shift_left3A_1833 : i32
        %multiple_of3A_1835 = tpu.assume_multiple %shift_left3A_1834, 128 : i32
        %shift_right_arithmetic3A_1836 = arith.constant 7 : i32
        %shift_right_arithmetic3A_1837 = arith.shrsi %squeeze3A_1830, %shift_right_arithmetic3A_1836 : i32
        %shift_left3A_1838 = arith.constant 7 : i32
        %shift_left3A_1839 = arith.shli %shift_right_arithmetic3A_1837, %shift_left3A_1838 : i32
        %multiple_of3A_1840 = tpu.assume_multiple %shift_left3A_1839, 128 : i32
        %dma_start3A_1841 = arith.constant 7 : i32
        %dma_start3A_1842 = arith.constant 7 : i32
        %dma_start3A_1843 = arith.constant 0 : i32
        %dma_start3A_1844 = arith.constant 0 : i32
        %dma_start3A_1845 = tpu.memref_slice %arg10[%dma_start3A_1841, %dma_start3A_1843, %dma_start3A_1844] : memref<8x32x128xf32, #tpu.memory_space<vmem>> -> memref<1x32x128xf32, #tpu.memory_space<vmem>>
        %dma_start3A_1846 = tpu.memref_squeeze %dma_start3A_1845 : memref<1x32x128xf32, #tpu.memory_space<vmem>> -> memref<32x128xf32, #tpu.memory_space<vmem>>
        %dma_start3A_1847 = arith.constant 0 : i32
        %dma_start3A_1848 = tpu.memref_slice %arg4[%dma_start3A_1847, %multiple_of3A_1835] : memref<32x1000000xf32, #tpu.memory_space<hbm>> -> memref<32x128xf32, #tpu.memory_space<hbm>>
        %dma_start3A_1849 = tpu.memref_slice %arg12[%dma_start3A_1842] : memref<8x!tpu.dma_semaphore, #tpu.memory_space<semaphore_mem>> -> memref<1x!tpu.dma_semaphore, #tpu.memory_space<semaphore_mem>>
        %dma_start3A_1850 = tpu.memref_squeeze %dma_start3A_1849 : memref<1x!tpu.dma_semaphore, #tpu.memory_space<semaphore_mem>> -> memref<!tpu.dma_semaphore, #tpu.memory_space<semaphore_mem>>
        %dma_start3A_1851 = arith.constant 0 : i32
        %dma_start3A_1852 = arith.constant 0 : i32
        %dma_start3A_1853 = tpu.memref_slice %arg10[%dma_start3A_1841, %dma_start3A_1851, %dma_start3A_1852] : memref<8x32x128xf32, #tpu.memory_space<vmem>> -> memref<1x32x128xf32, #tpu.memory_space<vmem>>
        %dma_start3A_1854 = tpu.memref_squeeze %dma_start3A_1853 : memref<1x32x128xf32, #tpu.memory_space<vmem>> -> memref<32x128xf32, #tpu.memory_space<vmem>>
        %dma_start3A_1855 = arith.constant 0 : i32
        %dma_start3A_1856 = tpu.memref_slice %arg4[%dma_start3A_1855, %multiple_of3A_1835] : memref<32x1000000xf32, #tpu.memory_space<hbm>> -> memref<32x128xf32, #tpu.memory_space<hbm>>
        tpu.enqueue_dma source(%dma_start3A_1856 : memref<32x128xf32, #tpu.memory_space<hbm>>) target(%dma_start3A_1854 : memref<32x128xf32, #tpu.memory_space<vmem>>) target_semaphore(%dma_start3A_1850 : memref<!tpu.dma_semaphore, #tpu.memory_space<semaphore_mem>>)
        %dma_start3A_1857 = arith.constant 7 : i32
        %dma_start3A_1858 = arith.constant 7 : i32
        %dma_start3A_1859 = arith.constant 0 : i32
        %dma_start3A_1860 = arith.constant 0 : i32
        %dma_start3A_1861 = tpu.memref_slice %arg11[%dma_start3A_1857, %dma_start3A_1859, %dma_start3A_1860] : memref<8x32x128xf32, #tpu.memory_space<vmem>> -> memref<1x32x128xf32, #tpu.memory_space<vmem>>
        %dma_start3A_1862 = tpu.memref_squeeze %dma_start3A_1861 : memref<1x32x128xf32, #tpu.memory_space<vmem>> -> memref<32x128xf32, #tpu.memory_space<vmem>>
        %dma_start3A_1863 = arith.constant 0 : i32
        %dma_start3A_1864 = tpu.memref_slice %arg5[%dma_start3A_1863, %multiple_of3A_1840] : memref<32x1000000xf32, #tpu.memory_space<hbm>> -> memref<32x128xf32, #tpu.memory_space<hbm>>
        %dma_start3A_1865 = tpu.memref_slice %arg13[%dma_start3A_1858] : memref<8x!tpu.dma_semaphore, #tpu.memory_space<semaphore_mem>> -> memref<1x!tpu.dma_semaphore, #tpu.memory_space<semaphore_mem>>
        %dma_start3A_1866 = tpu.memref_squeeze %dma_start3A_1865 : memref<1x!tpu.dma_semaphore, #tpu.memory_space<semaphore_mem>> -> memref<!tpu.dma_semaphore, #tpu.memory_space<semaphore_mem>>
        %dma_start3A_1867 = arith.constant 0 : i32
        %dma_start3A_1868 = arith.constant 0 : i32
        %dma_start3A_1869 = tpu.memref_slice %arg11[%dma_start3A_1857, %dma_start3A_1867, %dma_start3A_1868] : memref<8x32x128xf32, #tpu.memory_space<vmem>> -> memref<1x32x128xf32, #tpu.memory_space<vmem>>
        %dma_start3A_1870 = tpu.memref_squeeze %dma_start3A_1869 : memref<1x32x128xf32, #tpu.memory_space<vmem>> -> memref<32x128xf32, #tpu.memory_space<vmem>>
        %dma_start3A_1871 = arith.constant 0 : i32
        %dma_start3A_1872 = tpu.memref_slice %arg5[%dma_start3A_1871, %multiple_of3A_1840] : memref<32x1000000xf32, #tpu.memory_space<hbm>> -> memref<32x128xf32, #tpu.memory_space<hbm>>
        tpu.enqueue_dma source(%dma_start3A_1872 : memref<32x128xf32, #tpu.memory_space<hbm>>) target(%dma_start3A_1870 : memref<32x128xf32, #tpu.memory_space<vmem>>) target_semaphore(%dma_start3A_1866 : memref<!tpu.dma_semaphore, #tpu.memory_space<semaphore_mem>>)
      } else {
      }
      %mul3A_1812 = arith.constant 16 : i32
      %mul3A_1813 = arith.muli %add3A_379, %mul3A_1812 : i32
      %swap3A = arith.index_cast %mul3A_1813 : i32 to index
      %swap3A_1814 = tpu.vector_load %arg9[%swap3A] {strides = array<i32>} : memref<512xf32, #tpu.memory_space<vmem>>, vector<16xf32>,
      tpu.vector_store %arg9[%swap3A], %select_n3A_1806 {strides = array<i32>} : memref<512xf32, #tpu.memory_space<vmem>>, vector<16xf32>,
    }
    %scan3A_374 = arith.constant 32 : i32
    "tpu.region"() ({
      %run_scoped3A = tpu.sem_alloc : memref<!tpu.dma_semaphore, #tpu.memory_space<semaphore_mem>>
      %dma_start3A_375 = tpu.memref_slice %arg6[%mul3A_2] : memref<16384xf32, #tpu.memory_space<hbm>> -> memref<512xf32, #tpu.memory_space<hbm>>
      %dma_start3A_376 = tpu.memref_slice %arg6[%mul3A_2] : memref<16384xf32, #tpu.memory_space<hbm>> -> memref<512xf32, #tpu.memory_space<hbm>>
      tpu.enqueue_dma source(%arg9 : memref<512xf32, #tpu.memory_space<vmem>>) target(%dma_start3A_376 : memref<512xf32, #tpu.memory_space<hbm>>) target_semaphore(%run_scoped3A : memref<!tpu.dma_semaphore, #tpu.memory_space<semaphore_mem>>)
      %dma_wait3A = tpu.memref_slice %arg6[%mul3A_2] : memref<16384xf32, #tpu.memory_space<hbm>> -> memref<512xf32, #tpu.memory_space<hbm>>
      %dma_wait3A_377 = tpu.memref_slice %arg6[%mul3A_2] : memref<16384xf32, #tpu.memory_space<hbm>> -> memref<512xf32, #tpu.memory_space<hbm>>
      tpu.wait_dma2 semaphore(%run_scoped3A : memref<!tpu.dma_semaphore, #tpu.memory_space<semaphore_mem>>) src(%arg9 : memref<512xf32, #tpu.memory_space<vmem>>) dst(%dma_wait3A_377 : memref<512xf32, #tpu.memory_space<hbm>>)
      tpu.yield
    }) : () -> ()
    return
  }
}

</mosaic_0001>

<sc_bundles>
// kernel: _score.3.cloned.1.call-start
scs
__scs_entry_jumppad:
0x0: {  	(pc) =	sbr.rel $0x88, $3  }
0x1: {  	(tag) =	ssettag $0x0;
	lr =	simm.s32 $0x1  }
0x2: {  	[smem:$0x3F9D] =	sst lr;
	_ =	strace $0xD0000000  }
0x3: {  	_ = 	snop  }
0x4: {  	_ = 	snop  }
0x5: {  	_ = 	snop  }
0x6: {  	_ = 	snop  }
0x7: {  	_ = 	snop  }
__scs_overlays_trampoline_lowered:
0x8: {  	[smem:$0x3FAC] =	sst s0  }
0x9: {  	[smem:$0x3FAD] =	sst s1  }
0xa: {  	[smem:$0x3FAE] =	sst s2  }
0xb: {  	[smem:$0x3FAF] =	sst s3  }
0xc: {  	[smem:$0x3FB0] =	sst s4  }
0xd: {  	[smem:$0x3FB1] =	sst s5  }
0xe: {  	[smem:$0x3FB2] =	sst s6  }
0xf: {  	[smem:$0x3FB3] =	sst s7  }
0x10: {  	[smem:$0x3FB4] =	sst s8  }
0x11: {  	[smem:$0x3FB5] =	sst s9;
	s0 =	simm.s32 @!p0 $0x0  }
0x12: {  	s1 =	sld [smem:$0x3F9B];
	s0 =	simm.s32 @p0 $0x1  }
0x13: {  	[smem:$0x3FB6] =	sst s0;
	s0 =	simm.s32 @!p1 $0x0  }
0x14: {  	s2 =	sld [smem:$0x3F9A];
	s0 =	simm.s32 @p1 $0x1  }
0x15: {  	[smem:$0x3FB7] =	sst s0;
	s0 =	simm.s32 @!p2 $0x0  }
0x16: {  	s3 =	sld [smem:$0x3FDB];
	s0 =	simm.s32 @p2 $0x1  }
0x17: {  	s4 =	simm.s32 $0x1BF5;
	[smem:$0x3FB9] =	sst s0  }
0x18: {  	s0 =	sld [smem:$0x3F9C];
	_ =	swait.ge [sflag:s4], $0x0  }
0x19: {  	s7 =	sld [smem:$0x3F9D]  }
0x1a: {  	s8 =	sadd.s32 $0xFFFFE003, lr  }
0x1b: {  	s9 =	sadd.s32 $0xFFFFFEF7, lr;
	s5 =	simm.s32 $0xFFFFFFFF;
	p2 =	slt.u32 s8, $0xFFFFF086  }
0x1c: {  	p1 =	slt.u32 s9, $0xF7A;
	s5 =	simm.s32 @!p2 $0x0  }
0x1d: {  	s5 =	simm.s32 @p1 $0x1;
	p0 =	seq.s32 s7, s2  }
0x1e: {  	s7 =	smul.u32 @!p0 $0xF7A, s2;
	p2 =	seq.s32 @!p0 s5, $0x0  }
0x1f: {  	s9 =	smul.u32 $0xF7A, s1;
	s8 =	simm.s32 @!p0 $0x1BF5;
	p2 =	por !p2, p0  }
0x20: {  	[sflag:s8] =	ssyncset.s32 @!p0 $0xFFFFF086;
	s6 =	sadd.s32 @!p0 s3, s7;
	s7 =	simm.s32 @!p0 $0x108  }
0x21: {  	s3 =	sadd.s32 s3, s9;
	s6 =	sadd.s32 @!p0 $0x88, s6;
	s7 =	simm.s32 @p2 $0x1082  }
0x22: {  	[simem:s7], [sflag:s8] =	dma.local @!p0 [hbm:s6], $0xF7A  }
0x23: {  	s9 =	sor.u32 $0xD0000000, s2;
	s6 =	simm.s32 $0x108;
	_ =	swait.ge @!p0 [sflag:s8], $0x0  }
0x24: {  	s3 =	sadd.s32 $0x88, s3;
	s6 =	simm.s32 @!p1 $0x1082;
	[sflag:s4] =	ssyncset.s32 $0xFFFFF086  }
0x25: {  	[simem:s6], [sflag:s4] =	dma.local [hbm:s3], $0xF7A  }
0x26: {  	[smem:$0x3F9D] =	sst s1;
	(tag) =	ssettag s2;
	_ =	strace s9  }
0x27: {  	s1 =	sld [smem:$0x3FAD]  }
0x28: {  	s2 =	sld [smem:$0x3FAE]  }
0x29: {  	s4 =	sld [smem:$0x3FB0]  }
0x2a: {  	p0 =	seq.s32 s5, $0x0;
	s5 =	sld [smem:$0x3FB1]  }
0x2b: {  	s6 =	sld [smem:$0x3FB2]  }
0x2c: {  	s7 =	sld [smem:$0x3FB3]  }
0x2d: {  	s3 =	simm.s32 $0x108;
	s8 =	sld [smem:$0x3FB4]  }
0x2e: {  	s3 =	simm.s32 @!p0 $0x1082;
	s9 =	sld [smem:$0x3FB5]  }
0x2f: {  	lr =	sadd.s32 s0, s3;
	s0 =	sld [smem:$0x3FAC]  }
0x30: {  	s3 =	sld [smem:$0x3FAF]  }
0x31: {  	[smem:$0x3FB8] =	sst s10  }
0x32: {  	s10 =	sld [smem:$0x3FB6];
	_ =	sdelay $0x3  }
0x33: {  	p0 =	seq.s32 s10, $0x1;
	s10 =	sld [smem:$0x3FB8];
	_ =	sdelay $0x3  }
0x34: {  	[smem:$0x3FB8] =	sst s10  }
0x35: {  	s10 =	sld [smem:$0x3FB7];
	_ =	sdelay $0x3  }
0x36: {  	p1 =	seq.s32 s10, $0x1;
	s10 =	sld [smem:$0x3FB8];
	_ =	sdelay $0x3  }
0x37: {  	[smem:$0x3FB8] =	sst s10  }
0x38: {  	s10 =	sld [smem:$0x3FB9]  }
0x39: {  	_ = 	snop;
	(pc) =	sbr.ind lr, $3  }
0x3a: {  	_ = 	snop  }
0x3b: {  	_ = 	snop  }
0x3c: {  	p2 =	seq.s32 s10, $0x1;
	s10 =	sld [smem:$0x3FB8]  }
0x3d: {  	_ =	shalt  }
0x3e: {  	_ =	shalt  }
0x3f: {  	_ =	shalt  }
0x40: {  	_ =	shalt  }
0x41: {  	_ =	shalt  }
0x42: {  	_ =	shalt  }
0x43: {  	_ =	shalt  }
0x44: {  	_ =	shalt  }
0x45: {  	_ =	shalt  }
0x46: {  	_ =	shalt  }
0x47: {  	_ =	shalt  }
0x48: {  	_ =	shalt  }
0x49: {  	_ =	shalt  }
0x4a: {  	_ =	shalt  }
0x4b: {  	_ =	shalt  }
0x4c: {  	_ =	shalt  }
0x4d: {  	_ =	shalt  }
0x4e: {  	_ =	shalt  }
0x4f: {  	_ =	shalt  }
0x50: {  	_ =	shalt  }
0x51: {  	_ =	shalt  }
0x52: {  	_ =	shalt  }
0x53: {  	_ =	shalt  }
0x54: {  	_ =	shalt  }
0x55: {  	_ =	shalt  }
0x56: {  	_ =	shalt  }
0x57: {  	_ =	shalt  }
0x58: {  	_ =	shalt  }
0x59: {  	_ =	shalt  }
0x5a: {  	_ =	shalt  }
0x5b: {  	_ =	shalt  }
0x5c: {  	_ =	shalt  }
0x5d: {  	_ =	shalt  }
0x5e: {  	_ =	shalt  }
0x5f: {  	_ =	shalt  }
0x60: {  	_ =	shalt  }
0x61: {  	_ =	shalt  }
0x62: {  	_ =	shalt  }
0x63: {  	_ =	shalt  }
0x64: {  	_ =	shalt  }
0x65: {  	_ =	shalt  }
0x66: {  	_ =	shalt  }
0x67: {  	_ =	shalt  }
0x68: {  	_ =	shalt  }
0x69: {  	_ =	shalt  }
0x6a: {  	_ =	shalt  }
0x6b: {  	_ =	shalt  }
0x6c: {  	_ =	shalt  }
0x6d: {  	_ =	shalt  }
0x6e: {  	_ =	shalt  }
0x6f: {  	_ =	shalt  }
0x70: {  	_ =	shalt  }
0x71: {  	_ =	shalt  }
0x72: {  	_ =	shalt  }
0x73: {  	_ =	shalt  }
0x74: {  	_ =	shalt  }
0x75: {  	_ =	shalt  }
0x76: {  	_ =	shalt  }
0x77: {  	_ =	shalt  }
0x78: {  	_ =	shalt  }
0x79: {  	_ =	shalt  }
0x7a: {  	_ =	shalt  }
0x7b: {  	_ =	shalt  }
0x7c: {  	_ =	shalt  }
0x7d: {  	_ =	shalt  }
0x7e: {  	_ =	shalt  }
0x7f: {  	_ =	shalt  }
0x80: {  	_ =	shalt  }
0x81: {  	_ =	shalt  }
0x82: {  	_ =	shalt  }
0x83: {  	_ =	shalt  }
0x84: {  	_ =	shalt  }
0x85: {  	_ =	shalt  }
0x86: {  	_ =	shalt  }
0x87: {  	_ =	shalt  }
.Lfunc_end0:
.L_simem_size_0:
called_computation_lowered:
.L_overlay_start_0:
0x88: {  	s2 =	sld [smem:$0x3FD9]  }
0x89: {  	s3 =	sld [smem:$0x3FFE];
	_ =	sdelay $0x1  }
0x8a: {  	s1 =	srdreg.scid  }
0x8b: {  	s0 =	sand.u32 $0x1, s1  }
0x8c: {  	s18 =	sshll.u32 s0, $0xA;
	s2 =	sadd.s32 s3, s2  }
0x8d: {  	s2 =	sadd.s32 s2, s18  }
0x8e: {  	[smem:$0x3FC4] =	sst s2  }
0x8f: {  	_ = 	snop  }
0x90: {  	s2 =	sld [smem:$0x3FC9]  }
0x91: {  	s19 =	sld [smem:$0x3FC8]  }
0x92: {  	s4 =	sld [smem:$0x3FC7]  }
0x93: {  	s5 =	sld [smem:$0x3FC6]  }
0x94: {  	s6 =	sld [smem:$0x3FD0];
	(tm) =	ssettm $0x1  }
0x95: {  	s7 =	sld [smem:$0x3FFB];
	_ =	sdelay $0x3  }
0x96: {  	_ =	strace s7  }
0x97: {  	s7 =	sld [smem:$0x3FFC];
	_ =	sdelay $0x3  }
0x98: {  	_ =	strace s7  }
0x99: {  	s7 =	sld [smem:$0x3FFD];
	_ =	sdelay $0x3  }
0x9a: {  	_ =	strace s7  }
0x9b: {  	_ =	strace $0x8FFFFFFF  }
0x9c: {  	s20 =	sld [smem:$0x3FDB];
	_ =	sdelay $0x1  }
0x9d: {  	s8 =	simm.s32 $_scs_section_size  }
0x9e: {  	s9 =	simm.s32 $_size__tile_overlayer_lowered;
	s10 =	simm.s32 $_tile_overlayer_lowered  }
0x9f: {  	s23 =	simm.s32 $0x1BFF;
	s22 =	sshll.u32 s10, $0x1;
	s7 =	sadd.s32 s8, s20  }
0xa0: {  	s11 =	simm.s32 $0x0;
	s21 =	sshll.u32 s9, $0x1;
	s9 =	sadd.s32 s22, s7  }
0xa1: {  	[timem:s11], [sflag:s23] =	dma.local [hbm:s9], s21  }
0xa2: {  	_ =	swait.ge [sflag:s23], s21  }
0xa3: {  	s8 =	ssub.s32 $0x0, s21;
	[sflag:s23] =	ssyncset.done $0x0  }
0xa4: {  	[sflag:s23] =	ssyncadd.s32 s8;
	_ =	sdelay $0x1  }
0xa5: {  	s24 =	simm.s32 $0x1B8B  }
0xa6: {  	_ =	swait.ge [sflag:s24], $0x1  }
0xa7: {  	[sflag:s24] =	ssyncset.done $0x0  }
0xa8: {  	s25 =	simm.s32 $0x1B8E;
	[sflag:s24] =	ssyncadd.s32 $0xFFFFFFFF  }
0xa9: {  	s26 =	simm.s32 $execute0_lowered;
	[smem:$0x3FD2] =	sst s25  }
0xaa: {  	s8 =	sshll.u32 s26, $0x1;
	_ =	strace $0x80000046;
	[dreg:$0x1] =	wrdreg $0xFFFFFFFF  }
0xab: {  	s28 =	simm.s32 $_size_execute0_lowered;
	s7 =	sadd.s32 s7, s8;
	[dreg:$0x0] =	wrdreg $0x0  }
0xac: {  	s8 =	sshll.u32 s28, $0x1;
	[dreg:$0x2] =	wrdreg s7  }
0xad: {  	[dreg:$0x3] =	wrdreg s8  }
0xae: {  	[dreg:$0x4] =	wrdreg $0xC0  }
0xaf: {  	_ =	task [dreg:s11], $0x5FFFF  }
0xb0: {  	[dreg:$0x1] =	wrdreg $0xFFFFFFFF  }
0xb1: {  	[dreg:$0x0] =	wrdreg $0x60  }
0xb2: {  	[dreg:$0x2] =	wrdreg s2  }
0xb3: {  	[dreg:$0x3] =	wrdreg s19  }
0xb4: {  	[dreg:$0x4] =	wrdreg s4  }
0xb5: {  	[dreg:$0x5] =	wrdreg s5  }
0xb6: {  	[dreg:$0x6] =	wrdreg s6  }
0xb7: {  	[dreg:$0x7] =	wrdreg $0x9  }
0xb8: {  	_ =	task.clear_ibuf [dreg:s11], $0x8FFFF;
	_ =	strace $0x90000046  }
0xb9: {  	s29 =	simm.s32 $0x9;
	_ =	strace $0x80000048  }
0xba: {  	_ =	swait.ge [sflag:s29], $0x1  }
0xbb: {  	[sflag:s29] =	ssyncadd.s32 $0xFFFFFFFF  }
0xbc: {  	_ =	strace $0x90000048  }
0xbd: {  	_ =	sfence  }
0xbe: {  	s30 =	sld [smem:$0x0];
	_ =	sdelay $0x2  }
0xbf: {  	s31 =	sshll.u32 s1, $0xD;
	s1 =	sshrl.u32 s1, $0x2  }
0xc0: {  	s3 =	sand.u32 $0x4000, s31;
	s1 =	sadd.s32 s1, s30  }
0xc1: {  	s0 =	sor.u32 s3, s0;
	s1 =	sshll.u32 s1, $0x11  }
0xc2: {  	s0 =	sor.u32 s1, s0  }
0xc3: {  	s0 =	sadd.s32 $0x8F2B, s0  }
0xc4: {  	[sflag:s0] =	ssyncadd.remote.s32 $0x1  }
0xc5: {  	_ =	sfence.sel $0xFFFF  }
0xc6: {  	[dreg:$0x0] =	wrdreg $0xFFFFFFFF;
	(pc) =	sbr.abs _section_cstart, $3  }
0xc7: {  	[dreg:$0x1] =	wrdreg $0xFFFFFFFF  }
0xc8: {  	_ =	task.clear_ibuf [dreg:s11], $0x2FFFF;
	_ =	strace $0x9FFFFFFF  }
0xc9: {  	(tm) =	ssettm $0x7FFFFFFF  }
tec
execute0_lowered:
.L_overlay_start_1:
0x0: {  	(tag) =	ssettag $0x1  }
0x1: {  	s0 =	rddreg [dreg:$0x0]  }
0x2: {  	s3 =	rddreg [dreg:$0x1]  }
0x3: {  	s1 =	rddreg [dreg:$0x2]  }
0x4: {  	s2 =	rddreg [dreg:$0x3]  }
0x5: {  	s4 =	rddreg [dreg:$0x4];
	s9 =	simm.s32 $0x0  }
0x6: {  	s5 =	srdreg.scid;
	s7 =	stileid.u32;
	s11 =	simm.s32 $0x400  }
0x7: {  	v0 =	vlaneseq.u32;
	s12 =	simm.s32 $0x7A1400;
	s13 =	simm.s32 $0x600;
	s14 =	simm.s32 $0x8600;
	vm0 =	vmmov $0x1  }
0x8: {  	vm1 =	vmmov $0x3;
	vm2 =	vmmov $0x7;
	vm3 =	vmmov $0xf;
	s18 =	simm.s32 $0x2;
	s19 =	simm.s32 $0xA;
	s16 =	simm.s32 $0x3  }
0x9: {  	vm4 =	vmmov $0x1f;
	vm5 =	vmmov $0x3f;
	vm6 =	vmmov $0x7f;
	s20 =	simm.s32 $0xB;
	s25 =	simm.s32 $0x4;
	s22 =	simm.s32 $0x5  }
0xa: {  	vm7 =	vmmov $0xff;
	vm8 =	vcmask $0x2724;
	vm9 =	vcmask $0x2B28;
	s23 =	simm.s32 $0x6;
	s24 =	simm.s32 $0x7;
	s5 =	sand.u32 $0x1, s5  }
0xb: {  	vm10 =	vcmask $0x2F2C;
	vm11 =	vcmask $0x3330;
	s7 =	sshll.u32 s7, $0x7;
	v0 =	vmul.u32 $0x80, v0;
	s6 =	ssub.s32 $0x2, s5;
	s5 =	sshll.u32 s5, $0x6  }
0xc: {  	vm12 =	vcmask $0x3734;
	vm13 =	vcmask $0x3B38;
	vm14 =	vmmov $0x7fff;
	s28 =	simm.s32 $0x8;
	[smem:$0x7FF] =	sst s9;
	s5 =	sor.u32 s5, s7  }
.Ltmp0:
0xd: {  	_ =	strace $0x80000047;
	v1 =	vor.u32 $0x800, v0;
	v2 =	vor.u32 $0x1000, v0;
	v3 =	vor.u32 $0x1800, v0;
	s0 =	sadd.s32 s0, s5;
	(pc) =	sbr.rel .LBB2_1-.Ltmp0, $4  }
0xe: {  	s8 =	sshrl.u32 s6, $0x1;
	v4 =	vor.u32 $0x2000, v0;
	v5 =	vor.u32 $0x2800, v0;
	v6 =	vor.u32 $0x3000, v0;
	s29 =	sadd.s32 s3, s5;
	[dreg:$0x6] =	wrdreg s0  }
0xf: {  	v7 =	vor.u32 $0x3800, v0;
	v8 =	vor.u32 $0x4000, v0;
	v9 =	vor.u32 $0x4800, v0;
	s6 =	ssub.s32 s6, s8;
	s30 =	sadd.s32 s4, s5;
	[dreg:$0x7] =	wrdreg s29  }
0x10: {  	s26 =	simm.s32 $0x10;
	v10 =	vor.u32 $0x5000, v0;
	v11 =	vor.u32 $0x5800, v0;
	v12 =	vor.u32 $0x6000, v0;
	[dreg:$0x8] =	wrdreg s30;
	s31 =	smax.u32 s6, $0x1  }
0x11: {  	v13 =	vor.u32 $0x6800, v0;
	v14 =	vor.u32 $0x7000, v0;
	v15 =	vor.u32 $0x7800, v0;
	s3 =	simm.s32 $0x11;
	s4 =	simm.s32 $0x0;
	[dreg:$0x9] =	wrdreg s31  }
.LBB2_4:
0x12: {  	[tilespmem:s21+$0x400] =	vst v16;
	s9 =	simm.s32 $0x0;
	s0 =	rddreg [dreg:$0x8];
	s3 =	simm.s32 $0x11  }
0x13: {  	[hbm4b:s0+s9] =	stream.linear.scatter [tilespmem:s11], [sflag:$0x11], $0x200, $0x38;
	[tilespmem:$0x10600] =	vst v63  }
0x14: {  	_ =	swait.ge [sflag:s3], $0x200  }
0x15: {  	s4 =	rddreg [dreg:$0xa]  }
0x16: {  	s31 =	rddreg [dreg:$0x9];
	s4 =	sadd.s32 $0x1, s4  }
0x17: {  	p0 =	sne.s32 s4, s31  }
.Ltmp1:
0x18: {  	_ = 	snop;
	(pc) =	sbr.rel @!p0 .LBB2_5-.Ltmp1, $3  }
0x19: {  	_ =	sdelay $0x1  }
0x1a: {  	[sflag:s3] =	ssyncset.done $0x0  }
0x1b: {  	[sflag:s3] =	ssyncadd.s32 $0xFFFFFE00  }
.LBB2_1:
0x1c: {  	[dreg:$0xa] =	wrdreg s4  }
0x1d: {  	s0 =	rddreg [dreg:$0x6]  }
0x1e: {  	[tilespmem:s9], [sflag:$0x11] =	stream.linear.gather [hbm4b:s0+s9], $0x200, $0x38;
	[tilespmem:$0x10600] =	vst v63  }
0x1f: {  	_ =	swait.ge [sflag:s3], $0x200  }
0x20: {  	[sflag:s3] =	ssyncset.done $0x0  }
0x21: {  	s17 =	simm.s32 $0x200;
	s15 =	rddreg [dreg:$0x7];
	[sflag:s3] =	ssyncadd.s32 $0xFFFFFE00  }
0x22: {  	[tilespmem:s17], [sflag:$0x11] =	stream.linear.gather [hbm4b:s15+s9], $0x200, $0x38;
	[tilespmem:$0x10600] =	vst v63  }
0x23: {  	_ =	swait.ge [sflag:s3], $0x200  }
0x24: {  	[sflag:s3] =	ssyncset.done $0x0  }
0x25: {  	[sflag:s3] =	ssyncadd.s32 $0xFFFFFE00  }
0x26: {  	v16 =	vld [tilespmem:$0x0];
	_ =	sdelay $0x1  }
0x27: {  	v17 =	vld [tilespmem:$0x200];
	_ =	sdelay $0x2  }
0x28: {  	(v2sf) =	vpush v16, $0x0;
	_ =	sdelay $0x1  }
0x29: {  	(v2sf) =	vpush v17, $0x0;
	_ =	sdelay $0x1  }
0x2a: {  	(v2sf) =	vpush v16, $0x1;
	_ =	sdelay $0x2  }
0x2b: {  	(v2sf) =	vpush v17, $0x1;
	_ =	sdelay $0x7  }
0x2c: {  	s21 =	spop (v2sf);
	(v2sf) =	vpush v16, $0x2;
	_ =	sdelay $0x1  }
0x2d: {  	s29 =	spop (v2sf);
	(v2sf) =	vpush v17, $0x2;
	_ =	sdelay $0x1  }
0x2e: {  	s30 =	spop (v2sf);
	(v2sf) =	vpush v16, $0x3;
	_ =	sdelay $0x1  }
0x2f: {  	s0 =	sand.u32 $0xFFFFF80, s21  }
0x30: {  	s0 =	sadd.s32 s1, s0;
	s3 =	spop (v2sf);
	(v2sf) =	vpush v17, $0x3  }
0x31: {  	[tilespmem:s13], [sflag:$0x1] =	stream.strided.gather [hbm4b:s0+s11], $0x1000, s12, s11, $0x38;
	[tilespmem:$0x10600] =	vst v63  }
0x32: {  	s0 =	sand.u32 $0xFFFFF80, s29  }
0x33: {  	s0 =	sadd.s32 s2, s0  }
0x34: {  	[tilespmem:s14], [sflag:$0x9] =	stream.strided.gather [hbm4b:s0+s11], $0x1000, s12, s11, $0x38;
	[tilespmem:$0x10600] =	vst v63  }
0x35: {  	s0 =	sand.u32 $0xFFFFF80, s30  }
0x36: {  	s31 =	simm.s32 $0x1600;
	s0 =	sadd.s32 s1, s0  }
0x37: {  	[tilespmem:s31], [sflag:$0x2] =	stream.strided.gather [hbm4b:s0+s11], $0x1000, s12, s11, $0x38;
	[tilespmem:$0x10600] =	vst v63  }
0x38: {  	s5 =	spop (v2sf);
	(v2sf) =	vpush v16, $0x4  }
0x39: {  	s0 =	sand.u32 $0xFFFFF80, s3  }
0x3a: {  	s4 =	simm.s32 $0x9600;
	s0 =	sadd.s32 s2, s0;
	s7 =	spop (v2sf);
	(v2sf) =	vpush v17, $0x4  }
0x3b: {  	[tilespmem:s4], [sflag:$0xA] =	stream.strided.gather [hbm4b:s0+s11], $0x1000, s12, s11, $0x38;
	[tilespmem:$0x10600] =	vst v63  }
0x3c: {  	s0 =	sand.u32 $0xFFFFF80, s5;
	s9 =	spop (v2sf);
	(v2sf) =	vpush v16, $0x5  }
0x3d: {  	s6 =	simm.s32 $0x2600;
	s0 =	sadd.s32 s1, s0  }
0x3e: {  	[tilespmem:s6], [sflag:$0x3] =	stream.strided.gather [hbm4b:s0+s11], $0x1000, s12, s11, $0x38;
	[tilespmem:$0x10600] =	vst v63  }
0x3f: {  	s15 =	spop (v2sf);
	(v2sf) =	vpush v17, $0x5  }
0x40: {  	s0 =	sand.u32 $0xFFFFF80, s7  }
0x41: {  	s8 =	simm.s32 $0xA600;
	s0 =	sadd.s32 s2, s0  }
0x42: {  	[tilespmem:s8], [sflag:$0xB] =	stream.strided.gather [hbm4b:s0+s11], $0x1000, s12, s11, $0x38;
	[tilespmem:$0x10600] =	vst v63  }
0x43: {  	s0 =	sand.u32 $0xFFFFF80, s9  }
0x44: {  	s10 =	simm.s32 $0x3600;
	s0 =	sadd.s32 s1, s0  }
0x45: {  	[tilespmem:s10], [sflag:$0x4] =	stream.strided.gather [hbm4b:s0+s11], $0x1000, s12, s11, $0x38;
	[tilespmem:$0x10600] =	vst v63  }
0x46: {  	s0 =	sand.u32 $0xFFFFF80, s15  }
0x47: {  	s17 =	simm.s32 $0xB600;
	s0 =	sadd.s32 s2, s0;
	s21 =	spop (v2sf);
	(v2sf) =	vpush v16, $0x6  }
0x48: {  	[tilespmem:s17], [sflag:$0xC] =	stream.strided.gather [hbm4b:s0+s11], $0x1000, s12, s11, $0x38;
	[tilespmem:$0x10600] =	vst v63  }
0x49: {  	s30 =	spop (v2sf);
	(v2sf) =	vpush v17, $0x6  }
0x4a: {  	s0 =	sand.u32 $0xFFFFF80, s21  }
0x4b: {  	s29 =	simm.s32 $0x4600;
	s0 =	sadd.s32 s1, s0;
	s4 =	spop (v2sf)  }
0x4c: {  	(v2sf) =	vpush v16, $0x7;
	[tilespmem:s29], [sflag:$0x5] =	stream.strided.gather [hbm4b:s0+s11], $0x1000, s12, s11, $0x38;
	[tilespmem:$0x10600] =	vst v63  }
0x4d: {  	s0 =	sand.u32 $0xFFFFF80, s30  }
0x4e: {  	s31 =	simm.s32 $0xC600;
	s6 =	spop (v2sf);
	s0 =	sadd.s32 s2, s0  }
0x4f: {  	(v2sf) =	vpush v17, $0x7;
	[tilespmem:s31], [sflag:$0xD] =	stream.strided.gather [hbm4b:s0+s11], $0x1000, s12, s11, $0x38;
	[tilespmem:$0x10600] =	vst v63  }
0x50: {  	s0 =	sand.u32 $0xFFFFF80, s4  }
0x51: {  	s5 =	simm.s32 $0x5600;
	s0 =	sadd.s32 s1, s0  }
0x52: {  	[tilespmem:s5], [sflag:$0x6] =	stream.strided.gather [hbm4b:s0+s11], $0x1000, s12, s11, $0x38;
	[tilespmem:$0x10600] =	vst v63  }
0x53: {  	s0 =	sand.u32 $0xFFFFF80, s6  }
0x54: {  	s7 =	simm.s32 $0xD600;
	s0 =	sadd.s32 s2, s0  }
0x55: {  	[tilespmem:s7], [sflag:$0xE] =	stream.strided.gather [hbm4b:s0+s11], $0x1000, s12, s11, $0x38;
	[tilespmem:$0x10600] =	vst v63  }
0x56: {  	s8 =	spop (v2sf)  }
0x57: {  	s0 =	sand.u32 $0xFFFFF80, s8  }
0x58: {  	s9 =	simm.s32 $0x6600;
	s10 =	spop (v2sf);
	s0 =	sadd.s32 s1, s0  }
0x59: {  	[tilespmem:s9], [sflag:$0x7] =	stream.strided.gather [hbm4b:s0+s11], $0x1000, s12, s11, $0x38;
	[tilespmem:$0x10600] =	vst v63  }
0x5a: {  	s0 =	sand.u32 $0xFFFFF80, s10  }
0x5b: {  	s15 =	simm.s32 $0xE600;
	s17 =	spop (v2sf);
	s0 =	sadd.s32 s2, s0  }
0x5c: {  	[tilespmem:s15], [sflag:$0xF] =	stream.strided.gather [hbm4b:s0+s11], $0x1000, s12, s11, $0x38;
	[tilespmem:$0x10600] =	vst v63  }
0x5d: {  	s0 =	sand.u32 $0xFFFFF80, s17  }
0x5e: {  	s21 =	simm.s32 $0x7600;
	s29 =	spop (v2sf);
	s0 =	sadd.s32 s1, s0  }
0x5f: {  	[tilespmem:s21], [sflag:$0x8] =	stream.strided.gather [hbm4b:s0+s11], $0x1000, s12, s11, $0x38;
	[tilespmem:$0x10600] =	vst v63  }
0x60: {  	s31 =	simm.s32 $0x0;
	s0 =	sand.u32 $0xFFFFF80, s29  }
0x61: {  	s30 =	simm.s32 $0xF600;
	[dreg:$0xb] =	wrdreg s31;
	s0 =	sadd.s32 s2, s0  }
0x62: {  	[tilespmem:s30], [sflag:$0x10] =	stream.strided.gather [hbm4b:s0+s11], $0x1000, s12, s11, $0x38;
	[tilespmem:$0x10600] =	vst v63  }
.LBB2_2:
0x63: {  	s5 =	rddreg [dreg:$0xb]  }
0x64: {  	s21 =	sshra.s32 s5, $0x2  }
0x65: {  	v24 =	vld [tilespmem:s21+$0x0]  }
0x66: {  	v23 =	vld [tilespmem:s21+$0x200];
	_ =	sdelay $0x3  }
0x67: {  	(v2sf) =	vpush v24, $0x0  }
0x68: {  	(v2sf) =	vpush v23, $0x0;
	_ =	sdelay $0xd  }
0x69: {  	s0 =	spop (v2sf)  }
0x6a: {  	s9 =	simm.s32 $0x1;
	s3 =	spop (v2sf)  }
0x6b: {  	s0 =	sand.u32 $0x7F, s0;
	_ =	swait.ge [sflag:s9], $0x1000  }
0x6c: {  	v16 =	vor.u32 s0, v0;
	[sflag:s9] =	ssyncset.done $0x0  }
0x6d: {  	s17 =	simm.s32 $0x9;
	s3 =	sand.u32 $0x7F, s3;
	v17 =	vor.u32 s0, v1;
	[sflag:s9] =	ssyncadd.s32 $0xFFFFF000  }
0x6e: {  	v18 =	vor.u32 s3, v0;
	_ =	swait.ge [sflag:s17], $0x1000  }
0x6f: {  	v19 =	vor.u32 s3, v1;
	[sflag:s17] =	ssyncset.done $0x0  }
0x70: {  	[sflag:s17] =	ssyncadd.s32 $0xFFFFF000  }
0x71: {  	v16 =	vld.idx.msk [tilespmem:v16+s13+$0x0], $0xffff  }
0x72: {  	v17 =	vld.idx.msk [tilespmem:v17+s13+$0x0], $0xffff  }
0x73: {  	(v2sf) =	vpush v24, $0x8;
	v18 =	vld.idx.msk [tilespmem:v18+s14+$0x0], $0xffff  }
0x74: {  	(v2sf) =	vpush v23, $0x8;
	v19 =	vld.idx.msk [tilespmem:v19+s14+$0x0], $0xffff  }
0x75: {  	(v2sf) =	vpush v24, $0x1;
	_ =	sdelay $0x1  }
0x76: {  	(v2sf) =	vpush v23, $0x1;
	_ =	sdelay $0x1  }
0x77: {  	v16 =	vmul.f32 v18, v16;
	v17 =	vmul.f32 v19, v17;
	_ =	sdelay $0x1  }
0x78: {  	v16 =	vadd.f32 v17, v16;
	_ =	sdelay $0x1  }
0x79: {  	(xrf2) =	vadd.scan.msk.f32 $0xffff, v16;
	_ =	sdelay $0x4  }
0x7a: {  	s6 =	spop (v2sf)  }
0x7b: {  	s29 =	sand.u32 $0xFFFFF80, s6;
	s30 =	spop (v2sf)  }
0x7c: {  	s0 =	sadd.s32 s1, s29;
	s31 =	sand.u32 $0xFFFFF80, s30;
	s3 =	spop (v2sf)  }
0x7d: {  	[tilespmem:s13], [sflag:$0x1] =	stream.strided.gather [hbm4b:s0+s11], $0x1000, s12, s11, $0x38;
	[tilespmem:$0x10600] =	vst v63  }
0x7e: {  	s0 =	sadd.s32 s2, s31;
	s4 =	spop (v2sf)  }
0x7f: {  	[tilespmem:s14], [sflag:$0x9] =	stream.strided.gather [hbm4b:s0+s11], $0x1000, s12, s11, $0x38;
	v16, _, _ =	vpop (xrf2);
	[tilespmem:$0x10600] =	vst v63  }
0x80: {  	s0 =	sand.u32 $0x7F, s3;
	_ =	swait.ge [sflag:s18], $0x1000  }
0x81: {  	v17 =	vor.u32 s0, v2;
	[sflag:s18] =	ssyncset.done $0x0  }
0x82: {  	s3 =	sand.u32 $0x7F, s4;
	v18 =	vor.u32 s0, v3;
	[sflag:s18] =	ssyncadd.s32 $0xFFFFF000  }
0x83: {  	v19 =	vor.u32 s3, v2;
	_ =	swait.ge [sflag:s19], $0x1000  }
0x84: {  	v20 =	vor.u32 s3, v3;
	[sflag:s19] =	ssyncset.done $0x0  }
0x85: {  	[sflag:s19] =	ssyncadd.s32 $0xFFFFF000  }
0x86: {  	v17 =	vld.idx.msk [tilespmem:v17+s13+$0x0], $0xffff  }
0x87: {  	v18 =	vld.idx.msk [tilespmem:v18+s13+$0x0], $0xffff  }
0x88: {  	(v2sf) =	vpush v24, $0x9;
	v19 =	vld.idx.msk [tilespmem:v19+s14+$0x0], $0xffff  }
0x89: {  	(v2sf) =	vpush v23, $0x9;
	v20 =	vld.idx.msk [tilespmem:v20+s14+$0x0], $0xffff  }
0x8a: {  	(v2sf) =	vpush v24, $0x2;
	_ =	sdelay $0x1  }
0x8b: {  	(v2sf) =	vpush v23, $0x2;
	_ =	sdelay $0x1  }
0x8c: {  	v17 =	vmul.f32 v19, v17;
	v18 =	vmul.f32 v20, v18;
	_ =	sdelay $0x1  }
0x8d: {  	v17 =	vadd.f32 v18, v17;
	_ =	sdelay $0x1  }
0x8e: {  	(xrf2) =	vadd.scan.msk.f32 $0xffff, v17;
	_ =	sdelay $0x4  }
0x8f: {  	s8 =	simm.s32 $0x1600;
	s15 =	simm.s32 $0x9600;
	s7 =	spop (v2sf)  }
0x90: {  	[dreg:$0xd] =	wrdreg s7;
	s0 =	sand.u32 $0xFFFFF80, s7;
	s4 =	spop (v2sf)  }
0x91: {  	s0 =	sadd.s32 s1, s0;
	s10 =	sand.u32 $0xFFFFF80, s4;
	s29 =	spop (v2sf)  }
0x92: {  	[tilespmem:s8], [sflag:$0x2] =	stream.strided.gather [hbm4b:s0+s11], $0x1000, s12, s11, $0x38;
	[tilespmem:$0x10600] =	vst v63  }
0x93: {  	[dreg:$0x12] =	wrdreg s4;
	s0 =	sadd.s32 s2, s10;
	s31 =	spop (v2sf)  }
0x94: {  	[tilespmem:s15], [sflag:$0xA] =	stream.strided.gather [hbm4b:s0+s11], $0x1000, s12, s11, $0x38;
	v17, _, _ =	vpop (xrf2);
	[tilespmem:$0x10600] =	vst v63  }
0x95: {  	s0 =	sand.u32 $0x7F, s29;
	_ =	swait.ge [sflag:s16], $0x1000  }
0x96: {  	v18 =	vor.u32 s0, v4;
	[sflag:s16] =	ssyncset.done $0x0  }
0x97: {  	s3 =	sand.u32 $0x7F, s31;
	v19 =	vor.u32 s0, v5;
	[sflag:s16] =	ssyncadd.s32 $0xFFFFF000  }
0x98: {  	v58 =	vor.u32 s3, v4;
	_ =	swait.ge [sflag:s20], $0x1000  }
0x99: {  	v21 =	vor.u32 s3, v5;
	[sflag:s20] =	ssyncset.done $0x0  }
0x9a: {  	[sflag:s20] =	ssyncadd.s32 $0xFFFFF000  }
0x9b: {  	v18 =	vld.idx.msk [tilespmem:v18+s13+$0x0], $0xffff  }
0x9c: {  	v19 =	vld.idx.msk [tilespmem:v19+s13+$0x0], $0xffff  }
0x9d: {  	(v2sf) =	vpush v24, $0xA;
	v20 =	vld.idx.msk [tilespmem:v58+s14+$0x0], $0xffff  }
0x9e: {  	(v2sf) =	vpush v23, $0xA;
	v21 =	vld.idx.msk [tilespmem:v21+s14+$0x0], $0xffff  }
0x9f: {  	(v2sf) =	vpush v24, $0x3;
	_ =	sdelay $0x1  }
0xa0: {  	(v2sf) =	vpush v23, $0x3;
	_ =	sdelay $0x1  }
0xa1: {  	v18 =	vmul.f32 v20, v18;
	v19 =	vmul.f32 v21, v19;
	_ =	sdelay $0x1  }
0xa2: {  	v18 =	vadd.f32 v19, v18;
	_ =	sdelay $0x1  }
0xa3: {  	(xrf2) =	vadd.scan.msk.f32 $0xffff, v18;
	_ =	sdelay $0x4  }
0xa4: {  	s8 =	simm.s32 $0x2600;
	s15 =	simm.s32 $0xA600;
	s4 =	spop (v2sf)  }
0xa5: {  	[dreg:$0xe] =	wrdreg s4;
	s0 =	sand.u32 $0xFFFFF80, s4;
	s7 =	spop (v2sf)  }
0xa6: {  	s0 =	sadd.s32 s1, s0;
	s10 =	sand.u32 $0xFFFFF80, s7;
	s29 =	spop (v2sf)  }
0xa7: {  	[tilespmem:s8], [sflag:$0x3] =	stream.strided.gather [hbm4b:s0+s11], $0x1000, s12, s11, $0x38;
	[tilespmem:$0x10600] =	vst v63  }
0xa8: {  	[dreg:$0x13] =	wrdreg s7;
	s0 =	sadd.s32 s2, s10;
	s31 =	spop (v2sf)  }
0xa9: {  	[tilespmem:s15], [sflag:$0xB] =	stream.strided.gather [hbm4b:s0+s11], $0x1000, s12, s11, $0x38;
	v18, _, _ =	vpop (xrf2);
	[tilespmem:$0x10600] =	vst v63  }
0xaa: {  	s0 =	sand.u32 $0x7F, s29;
	_ =	swait.ge [sflag:s25], $0x1000  }
0xab: {  	v19 =	vor.u32 s0, v6;
	[sflag:s25] =	ssyncset.done $0x0  }
0xac: {  	s8 =	simm.s32 $0xC;
	s3 =	sand.u32 $0x7F, s31;
	v59 =	vor.u32 s0, v7;
	[sflag:s25] =	ssyncadd.s32 $0xFFFFF000  }
0xad: {  	v60 =	vor.u32 s3, v6;
	_ =	swait.ge [sflag:s8], $0x1000  }
0xae: {  	v22 =	vor.u32 s3, v7;
	[sflag:s8] =	ssyncset.done $0x0  }
0xaf: {  	[sflag:s8] =	ssyncadd.s32 $0xFFFFF000  }
0xb0: {  	v19 =	vld.idx.msk [tilespmem:v19+s13+$0x0], $0xffff  }
0xb1: {  	v20 =	vld.idx.msk [tilespmem:v59+s13+$0x0], $0xffff  }
0xb2: {  	(v2sf) =	vpush v24, $0xB;
	v21 =	vld.idx.msk [tilespmem:v60+s14+$0x0], $0xffff  }
0xb3: {  	(v2sf) =	vpush v23, $0xB;
	v22 =	vld.idx.msk [tilespmem:v22+s14+$0x0], $0xffff  }
0xb4: {  	(v2sf) =	vpush v24, $0x4;
	_ =	sdelay $0x1  }
0xb5: {  	(v2sf) =	vpush v23, $0x4;
	_ =	sdelay $0x1  }
0xb6: {  	v19 =	vmul.f32 v21, v19;
	v20 =	vmul.f32 v22, v20;
	_ =	sdelay $0x1  }
0xb7: {  	v19 =	vadd.f32 v20, v19;
	_ =	sdelay $0x1  }
0xb8: {  	(xrf2) =	vadd.scan.msk.f32 $0xffff, v19;
	_ =	sdelay $0x4  }
0xb9: {  	s10 =	simm.s32 $0x3600;
	s31 =	spop (v2sf)  }
0xba: {  	s29 =	simm.s32 $0xB600;
	s4 =	sand.u32 $0xFFFFF80, s31;
	s7 =	spop (v2sf)  }
0xbb: {  	s0 =	sadd.s32 s1, s4;
	s15 =	sand.u32 $0xFFFFF80, s7;
	s3 =	spop (v2sf)  }
0xbc: {  	[tilespmem:s10], [sflag:$0x4] =	stream.strided.gather [hbm4b:s0+s11], $0x1000, s12, s11, $0x38;
	[tilespmem:$0x10600] =	vst v63  }
0xbd: {  	[dreg:$0x14] =	wrdreg s7;
	s0 =	sadd.s32 s2, s15;
	s4 =	spop (v2sf)  }
0xbe: {  	[tilespmem:s29], [sflag:$0xC] =	stream.strided.gather [hbm4b:s0+s11], $0x1000, s12, s11, $0x38;
	v19, _, _ =	vpop (xrf2);
	[tilespmem:$0x10600] =	vst v63  }
0xbf: {  	s0 =	sand.u32 $0x7F, s3;
	_ =	swait.ge [sflag:s22], $0x1000  }
0xc0: {  	v61 =	vor.u32 s0, v8;
	[sflag:s22] =	ssyncset.done $0x0  }
0xc1: {  	s3 =	sand.u32 $0x7F, s4;
	v62 =	vor.u32 s0, v9;
	s0 =	simm.s32 $0xD;
	[sflag:s22] =	ssyncadd.s32 $0xFFFFF000  }
0xc2: {  	v63 =	vor.u32 s3, v8;
	_ =	swait.ge [sflag:s0], $0x1000  }
0xc3: {  	v25 =	vor.u32 s3, v9;
	[sflag:s0] =	ssyncset.done $0x0  }
0xc4: {  	[sflag:s0] =	ssyncadd.s32 $0xFFFFF000  }
0xc5: {  	v20 =	vld.idx.msk [tilespmem:v61+s13+$0x0], $0xffff  }
0xc6: {  	(v2sf) =	vpush v24, $0xC;
	v21 =	vld.idx.msk [tilespmem:v62+s13+$0x0], $0xffff  }
0xc7: {  	(v2sf) =	vpush v23, $0xC;
	v22 =	vld.idx.msk [tilespmem:v63+s14+$0x0], $0xffff  }
0xc8: {  	v25 =	vld.idx.msk [tilespmem:v25+s14+$0x0], $0xffff  }
0xc9: {  	(v2sf) =	vpush v24, $0x5;
	_ =	sdelay $0x1  }
0xca: {  	(v2sf) =	vpush v23, $0x5;
	_ =	sdelay $0x1  }
0xcb: {  	v20 =	vmul.f32 v22, v20;
	v21 =	vmul.f32 v25, v21;
	_ =	sdelay $0x1  }
0xcc: {  	v20 =	vadd.f32 v21, v20;
	_ =	sdelay $0x1  }
0xcd: {  	(xrf2) =	vadd.scan.msk.f32 $0xffff, v20;
	_ =	sdelay $0x3  }
0xce: {  	s7 =	spop (v2sf)  }
0xcf: {  	[dreg:$0xf] =	wrdreg s7;
	s3 =	sand.u32 $0xFFFFF80, s7;
	s7 =	spop (v2sf)  }
0xd0: {  	s10 =	simm.s32 $0x4600;
	[dreg:$0x15] =	wrdreg s7  }
0xd1: {  	s3 =	sadd.s32 s1, s3;
	s15 =	sand.u32 $0xFFFFF80, s7;
	s7 =	spop (v2sf)  }
0xd2: {  	[tilespmem:s10], [sflag:$0x5] =	stream.strided.gather [hbm4b:s3+s11], $0x1000, s12, s11, $0x38;
	[tilespmem:$0x10600] =	vst v63  }
0xd3: {  	s29 =	simm.s32 $0xC600;
	s3 =	sadd.s32 s2, s15;
	s10 =	spop (v2sf)  }
0xd4: {  	[tilespmem:s29], [sflag:$0xD] =	stream.strided.gather [hbm4b:s3+s11], $0x1000, s12, s11, $0x38;
	v20, _, _ =	vpop (xrf2);
	[tilespmem:$0x10600] =	vst v63  }
0xd5: {  	s3 =	sand.u32 $0x7F, s7;
	_ =	swait.ge [sflag:s23], $0x1000  }
0xd6: {  	v28 =	vor.u32 s3, v10;
	[sflag:s23] =	ssyncset.done $0x0  }
0xd7: {  	s4 =	sand.u32 $0x7F, s10;
	v29 =	vor.u32 s3, v11;
	s3 =	simm.s32 $0xE;
	[sflag:s23] =	ssyncadd.s32 $0xFFFFF000  }
0xd8: {  	v30 =	vor.u32 s4, v10;
	_ =	swait.ge [sflag:s3], $0x1000  }
0xd9: {  	v26 =	vor.u32 s4, v11;
	[sflag:s3] =	ssyncset.done $0x0  }
0xda: {  	[sflag:s3] =	ssyncadd.s32 $0xFFFFF000  }
0xdb: {  	v21 =	vld.idx.msk [tilespmem:v28+s13+$0x0], $0xffff  }
0xdc: {  	(v2sf) =	vpush v24, $0xD;
	v22 =	vld.idx.msk [tilespmem:v29+s13+$0x0], $0xffff  }
0xdd: {  	(v2sf) =	vpush v23, $0xD;
	v25 =	vld.idx.msk [tilespmem:v30+s14+$0x0], $0xffff  }
0xde: {  	v26 =	vld.idx.msk [tilespmem:v26+s14+$0x0], $0xffff  }
0xdf: {  	(v2sf) =	vpush v24, $0x6;
	_ =	sdelay $0x1  }
0xe0: {  	(v2sf) =	vpush v23, $0x6;
	_ =	sdelay $0x1  }
0xe1: {  	v21 =	vmul.f32 v25, v21;
	v22 =	vmul.f32 v26, v22;
	_ =	sdelay $0x1  }
0xe2: {  	v21 =	vadd.f32 v22, v21;
	_ =	sdelay $0x1  }
0xe3: {  	(xrf2) =	vadd.scan.msk.f32 $0xffff, v21;
	_ =	sdelay $0x3  }
0xe4: {  	s15 =	spop (v2sf)  }
0xe5: {  	[dreg:$0x10] =	wrdreg s15;
	s10 =	spop (v2sf)  }
0xe6: {  	s29 =	simm.s32 $0x5600;
	s4 =	sand.u32 $0xFFFFF80, s15;
	[dreg:$0x16] =	wrdreg s10  }
0xe7: {  	s4 =	sadd.s32 s1, s4;
	s15 =	sand.u32 $0xFFFFF80, s10;
	s7 =	spop (v2sf)  }
0xe8: {  	[tilespmem:s29], [sflag:$0x6] =	stream.strided.gather [hbm4b:s4+s11], $0x1000, s12, s11, $0x38;
	[tilespmem:$0x10600] =	vst v63  }
0xe9: {  	s4 =	sadd.s32 s2, s15;
	s29 =	simm.s32 $0xD600;
	s10 =	spop (v2sf)  }
0xea: {  	[tilespmem:s29], [sflag:$0xE] =	stream.strided.gather [hbm4b:s4+s11], $0x1000, s12, s11, $0x38;
	v21, _, _ =	vpop (xrf2);
	[tilespmem:$0x10600] =	vst v63  }
0xeb: {  	s4 =	sand.u32 $0x7F, s7;
	_ =	swait.ge [sflag:s24], $0x1000  }
0xec: {  	v31 =	vor.u32 s4, v12;
	[sflag:s24] =	ssyncset.done $0x0  }
0xed: {  	s7 =	sand.u32 $0x7F, s10;
	s10 =	simm.s32 $0xF;
	v32 =	vor.u32 s4, v13;
	[sflag:s24] =	ssyncadd.s32 $0xFFFFF000  }
0xee: {  	v33 =	vor.u32 s7, v12;
	_ =	swait.ge [sflag:s10], $0x1000  }
0xef: {  	v27 =	vor.u32 s7, v13;
	[sflag:s10] =	ssyncset.done $0x0  }
0xf0: {  	[sflag:s10] =	ssyncadd.s32 $0xFFFFF000  }
0xf1: {  	v22 =	vld.idx.msk [tilespmem:v31+s13+$0x0], $0xffff  }
0xf2: {  	(v2sf) =	vpush v24, $0xE;
	v25 =	vld.idx.msk [tilespmem:v32+s13+$0x0], $0xffff  }
0xf3: {  	(v2sf) =	vpush v23, $0xE;
	v26 =	vld.idx.msk [tilespmem:v33+s14+$0x0], $0xffff  }
0xf4: {  	v27 =	vld.idx.msk [tilespmem:v27+s14+$0x0], $0xffff;
	_ =	sdelay $0x1  }
0xf5: {  	(v2sf) =	vpush v24, $0x7;
	_ =	sdelay $0x1  }
0xf6: {  	(v2sf) =	vpush v23, $0x7  }
0xf7: {  	v22 =	vmul.f32 v26, v22;
	v25 =	vmul.f32 v27, v25;
	_ =	sdelay $0x1  }
0xf8: {  	v22 =	vadd.f32 v25, v22;
	_ =	sdelay $0x1  }
0xf9: {  	(xrf2) =	vadd.scan.msk.f32 $0xffff, v22;
	_ =	sdelay $0x3  }
0xfa: {  	s29 =	simm.s32 $0x6600;
	s15 =	spop (v2sf)  }
0xfb: {  	[dreg:$0x11] =	wrdreg s15;
	s4 =	sand.u32 $0xFFFFF80, s15;
	s15 =	spop (v2sf)  }
0xfc: {  	[dreg:$0xc] =	wrdreg s15;
	s4 =	sadd.s32 s1, s4;
	s15 =	sand.u32 $0xFFFFF80, s15  }
0xfd: {  	[tilespmem:s29], [sflag:$0x7] =	stream.strided.gather [hbm4b:s4+s11], $0x1000, s12, s11, $0x38;
	[tilespmem:$0x10600] =	vst v63  }
0xfe: {  	s4 =	sadd.s32 s2, s15;
	s29 =	simm.s32 $0xE600;
	s15 =	spop (v2sf)  }
0xff: {  	[tilespmem:s29], [sflag:$0xF] =	stream.strided.gather [hbm4b:s4+s11], $0x1000, s12, s11, $0x38;
	[tilespmem:$0x10600] =	vst v63  }
0x100: {  	s29 =	spop (v2sf);
	v22, _, _ =	vpop (xrf2)  }
0x101: {  	s4 =	sand.u32 $0x7F, s15;
	_ =	swait.ge [sflag:s28], $0x1000  }
0x102: {  	v34 =	vor.u32 s4, v14;
	[sflag:s28] =	ssyncset.done $0x0  }
0x103: {  	s7 =	sand.u32 $0x7F, s29;
	v35 =	vor.u32 s4, v15;
	[sflag:s28] =	ssyncadd.s32 $0xFFFFF000  }
0x104: {  	v36 =	vor.u32 s7, v14;
	_ =	swait.ge [sflag:s26], $0x1000  }
0x105: {  	v28 =	vor.u32 s7, v15;
	[sflag:s26] =	ssyncset.done $0x0  }
0x106: {  	[sflag:s26] =	ssyncadd.s32 $0xFFFFF000  }
0x107: {  	v25 =	vld.idx.msk [tilespmem:v34+s13+$0x0], $0xffff  }
0x108: {  	(v2sf) =	vpush v24, $0xF;
	v26 =	vld.idx.msk [tilespmem:v35+s13+$0x0], $0xffff  }
0x109: {  	v37 =	vld.idx.msk [tilespmem:v36+s14+$0x0], $0xffff  }
0x10a: {  	(v2sf) =	vpush v23, $0xF;
	v38 =	vld.idx.msk [tilespmem:v28+s14+$0x0], $0xffff;
	_ =	sdelay $0x4  }
0x10b: {  	v39 =	vmul.f32 v37, v25;
	v40 =	vmul.f32 v38, v26;
	_ =	sdelay $0x1  }
0x10c: {  	v23 =	vadd.f32 v40, v39;
	_ =	sdelay $0x1  }
0x10d: {  	(xrf2) =	vadd.scan.msk.f32 $0xffff, v23;
	_ =	sdelay $0x3  }
0x10e: {  	s7 =	spop (v2sf)  }
0x10f: {  	s15 =	sand.u32 $0xFFFFF80, s7  }
0x110: {  	s29 =	spop (v2sf);
	s4 =	sadd.s32 s1, s15;
	s15 =	simm.s32 $0x7600  }
0x111: {  	[tilespmem:s15], [sflag:$0x8] =	stream.strided.gather [hbm4b:s4+s11], $0x1000, s12, s11, $0x38;
	[tilespmem:$0x10600] =	vst v63  }
0x112: {  	s15 =	sand.u32 $0xFFFFF80, s29  }
0x113: {  	s4 =	sadd.s32 s2, s15;
	s15 =	simm.s32 $0xF600  }
0x114: {  	[tilespmem:s15], [sflag:$0x10] =	stream.strided.gather [hbm4b:s4+s11], $0x1000, s12, s11, $0x38;
	v23, _, _ =	vpop (xrf2);
	[tilespmem:$0x10600] =	vst v63  }
0x115: {  	_ =	swait.ge [sflag:s9], $0x1000  }
0x116: {  	[sflag:s9] =	ssyncset.done $0x0  }
0x117: {  	[sflag:s9] =	ssyncadd.s32 $0xFFFFF000  }
0x118: {  	_ =	swait.ge [sflag:s17], $0x1000  }
0x119: {  	p0 =	seq.s32 s5, $0x7C0;
	[sflag:s17] =	ssyncset.done $0x0  }
0x11a: {  	s4 =	sshra.s32 @!p0 s5, $0x2;
	[sflag:s17] =	ssyncadd.s32 $0xFFFFF000  }
0x11b: {  	s6 =	sand.u32 $0x7F, s6;
	v24 =	vld @!p0 [tilespmem:s4+$0x10]  }
0x11c: {  	v41 =	vor.u32 s6, v0  }
0x11d: {  	v42 =	vor.u32 s6, v1;
	s9 =	sand.u32 $0x7F, s30  }
0x11e: {  	v43 =	vor.u32 s9, v0  }
0x11f: {  	v44 =	vor.u32 s9, v1  }
0x120: {  	(v2sf) =	vpush @!p0 v24, $0x0;
	v24 =	vld @!p0 [tilespmem:s4+$0x210]  }
0x121: {  	v25 =	vld.idx.msk [tilespmem:v41+s13+$0x0], $0xffff  }
0x122: {  	v26 =	vld.idx.msk [tilespmem:v42+s13+$0x0], $0xffff  }
0x123: {  	v27 =	vld.idx.msk [tilespmem:v43+s14+$0x0], $0xffff  }
0x124: {  	v28 =	vld.idx.msk [tilespmem:v44+s14+$0x0], $0xffff  }
0x125: {  	(v2sf) =	vpush @!p0 v24, $0x0;
	_ =	sdelay $0x3  }
0x126: {  	v45 =	vmul.f32 v27, v25;
	v46 =	vmul.f32 v28, v26;
	_ =	sdelay $0x1  }
0x127: {  	v24 =	vadd.f32 v46, v45;
	_ =	sdelay $0x1  }
0x128: {  	(xrf2) =	vadd.scan.msk.f32 $0xffff, v24;
	_ =	sdelay $0x2  }
0x129: {  	s5 =	spop @!p0 (v2sf)  }
0x12a: {  	s6 =	simm.s32 @!p0 $0x7A1400;
	s5 =	sand.u32 @!p0 $0xFFFFF80, s5  }
0x12b: {  	s15 =	simm.s32 @!p0 $0x600;
	s9 =	sadd.s32 @!p0 s1, s5;
	s5 =	simm.s32 @!p0 $0x400  }
0x12c: {  	[tilespmem:s15], [sflag:$0x1] =	stream.strided.gather @!p0 [hbm4b:s9+s5], $0x1000, s6, s5, $0x38;
	[tilespmem:$0x10600] =	vst v63  }
0x12d: {  	s9 =	spop @!p0 (v2sf)  }
0x12e: {  	s9 =	sand.u32 @!p0 $0xFFFFF80, s9  }
0x12f: {  	s15 =	simm.s32 @!p0 $0x8600;
	s9 =	sadd.s32 @!p0 s2, s9  }
0x130: {  	v24, _, _ =	vpop (xrf2);
	[tilespmem:s15], [sflag:$0x9] =	stream.strided.gather @!p0 [hbm4b:s9+s5], $0x1000, s6, s5, $0x38;
	[tilespmem:$0x10600] =	vst v63  }
0x131: {  	_ =	swait.ge [sflag:s18], $0x1000  }
0x132: {  	[sflag:s18] =	ssyncset.done $0x0  }
0x133: {  	[sflag:s18] =	ssyncadd.s32 $0xFFFFF000  }
0x134: {  	_ =	swait.ge [sflag:s19], $0x1000  }
0x135: {  	[sflag:s19] =	ssyncset.done $0x0;
	s15 =	rddreg [dreg:$0xd]  }
0x136: {  	[sflag:s19] =	ssyncadd.s32 $0xFFFFF000;
	s9 =	sand.u32 $0x7F, s15  }
0x137: {  	s15 =	rddreg [dreg:$0x12];
	v47 =	vor.u32 s9, v2;
	v26 =	vld @!p0 [tilespmem:s4+$0x10]  }
0x138: {  	s15 =	sand.u32 $0x7F, s15;
	v48 =	vor.u32 s9, v3  }
0x139: {  	v49 =	vor.u32 s15, v2  }
0x13a: {  	v29 =	vor.u32 s15, v3  }
0x13b: {  	v30 =	vld @!p0 [tilespmem:s4+$0x210]  }
0x13c: {  	v25 =	vld.idx.msk [tilespmem:v47+s13+$0x0], $0xffff;
	(v2sf) =	vpush @!p0 v26, $0x1  }
0x13d: {  	v50 =	vld.idx.msk [tilespmem:v48+s13+$0x0], $0xffff  }
0x13e: {  	v51 =	vld.idx.msk [tilespmem:v49+s14+$0x0], $0xffff  }
0x13f: {  	v52 =	vld.idx.msk [tilespmem:v29+s14+$0x0], $0xffff  }
0x140: {  	(v2sf) =	vpush @!p0 v30, $0x1;
	_ =	sdelay $0x3  }
0x141: {  	v25 =	vmul.f32 v51, v25;
	v26 =	vmul.f32 v52, v50;
	_ =	sdelay $0x1  }
0x142: {  	v25 =	vadd.f32 v26, v25;
	_ =	sdelay $0x1  }
0x143: {  	(xrf2) =	vadd.scan.msk.f32 $0xffff, v25;
	_ =	sdelay $0x2  }
0x144: {  	s9 =	spop @!p0 (v2sf)  }
0x145: {  	s9 =	sand.u32 @!p0 $0xFFFFF80, s9  }
0x146: {  	s15 =	simm.s32 @!p0 $0x1600;
	s9 =	sadd.s32 @!p0 s1, s9  }
0x147: {  	[tilespmem:s15], [sflag:$0x2] =	stream.strided.gather @!p0 [hbm4b:s9+s5], $0x1000, s6, s5, $0x38;
	[tilespmem:$0x10600] =	vst v63  }
0x148: {  	s9 =	spop @!p0 (v2sf)  }
0x149: {  	s9 =	sand.u32 @!p0 $0xFFFFF80, s9  }
0x14a: {  	s15 =	simm.s32 @!p0 $0x9600;
	s9 =	sadd.s32 @!p0 s2, s9  }
0x14b: {  	v25, _, _ =	vpop (xrf2);
	[tilespmem:s15], [sflag:$0xA] =	stream.strided.gather @!p0 [hbm4b:s9+s5], $0x1000, s6, s5, $0x38;
	[tilespmem:$0x10600] =	vst v63  }
0x14c: {  	_ =	swait.ge [sflag:s16], $0x1000  }
0x14d: {  	[sflag:s16] =	ssyncset.done $0x0  }
0x14e: {  	[sflag:s16] =	ssyncadd.s32 $0xFFFFF000  }
0x14f: {  	_ =	swait.ge [sflag:s20], $0x1000  }
0x150: {  	[sflag:s20] =	ssyncset.done $0x0;
	s15 =	rddreg [dreg:$0xe]  }
0x151: {  	[sflag:s20] =	ssyncadd.s32 $0xFFFFF000;
	s9 =	sand.u32 $0x7F, s15  }
0x152: {  	s15 =	rddreg [dreg:$0x13];
	v53 =	vor.u32 s9, v4;
	v27 =	vld @!p0 [tilespmem:s4+$0x10]  }
0x153: {  	s15 =	sand.u32 $0x7F, s15;
	v54 =	vor.u32 s9, v5  }
0x154: {  	v55 =	vor.u32 s15, v4  }
0x155: {  	v56 =	vor.u32 s15, v5  }
0x156: {  	v31 =	vld @!p0 [tilespmem:s4+$0x210]  }
0x157: {  	v26 =	vld.idx.msk [tilespmem:v53+s13+$0x0], $0xffff;
	(v2sf) =	vpush @!p0 v27, $0x2  }
0x158: {  	v57 =	vld.idx.msk [tilespmem:v54+s13+$0x0], $0xffff  }
0x159: {  	v58 =	vld.idx.msk [tilespmem:v55+s14+$0x0], $0xffff  }
0x15a: {  	v59 =	vld.idx.msk [tilespmem:v56+s14+$0x0], $0xffff  }
0x15b: {  	(v2sf) =	vpush @!p0 v31, $0x2;
	_ =	sdelay $0x3  }
0x15c: {  	v26 =	vmul.f32 v58, v26;
	v27 =	vmul.f32 v59, v57;
	_ =	sdelay $0x1  }
0x15d: {  	v26 =	vadd.f32 v27, v26;
	_ =	sdelay $0x1  }
0x15e: {  	(xrf2) =	vadd.scan.msk.f32 $0xffff, v26;
	_ =	sdelay $0x2  }
0x15f: {  	s9 =	spop @!p0 (v2sf)  }
0x160: {  	s9 =	sand.u32 @!p0 $0xFFFFF80, s9  }
0x161: {  	s15 =	simm.s32 @!p0 $0x2600;
	s9 =	sadd.s32 @!p0 s1, s9  }
0x162: {  	[tilespmem:s15], [sflag:$0x3] =	stream.strided.gather @!p0 [hbm4b:s9+s5], $0x1000, s6, s5, $0x38;
	[tilespmem:$0x10600] =	vst v63  }
0x163: {  	s9 =	spop @!p0 (v2sf)  }
0x164: {  	s9 =	sand.u32 @!p0 $0xFFFFF80, s9  }
0x165: {  	s15 =	simm.s32 @!p0 $0xA600;
	s9 =	sadd.s32 @!p0 s2, s9  }
0x166: {  	v26, _, _ =	vpop (xrf2);
	[tilespmem:s15], [sflag:$0xB] =	stream.strided.gather @!p0 [hbm4b:s9+s5], $0x1000, s6, s5, $0x38;
	[tilespmem:$0x10600] =	vst v63  }
0x167: {  	_ =	swait.ge [sflag:s25], $0x1000  }
0x168: {  	[sflag:s25] =	ssyncset.done $0x0  }
0x169: {  	[sflag:s25] =	ssyncadd.s32 $0xFFFFF000  }
0x16a: {  	_ =	swait.ge [sflag:s8], $0x1000  }
0x16b: {  	[sflag:s8] =	ssyncset.done $0x0  }
0x16c: {  	s15 =	sand.u32 $0x7F, s31;
	[sflag:s8] =	ssyncadd.s32 $0xFFFFF000  }
0x16d: {  	v60 =	vor.u32 s15, v6;
	s31 =	rddreg [dreg:$0x14];
	v28 =	vld @!p0 [tilespmem:s4+$0x10]  }
0x16e: {  	v61 =	vor.u32 s15, v7;
	s8 =	sand.u32 $0x7F, s31  }
0x16f: {  	v62 =	vor.u32 s8, v6  }
0x170: {  	v63 =	vor.u32 s8, v7  }
0x171: {  	v32 =	vld @!p0 [tilespmem:s4+$0x210]  }
0x172: {  	v27 =	vld.idx.msk [tilespmem:v60+s13+$0x0], $0xffff;
	(v2sf) =	vpush @!p0 v28, $0x3  }
0x173: {  	v35 =	vld.idx.msk [tilespmem:v61+s13+$0x0], $0xffff  }
0x174: {  	v36 =	vld.idx.msk [tilespmem:v62+s14+$0x0], $0xffff  }
0x175: {  	v37 =	vld.idx.msk [tilespmem:v63+s14+$0x0], $0xffff  }
0x176: {  	(v2sf) =	vpush @!p0 v32, $0x3;
	_ =	sdelay $0x3  }
0x177: {  	v27 =	vmul.f32 v36, v27;
	v28 =	vmul.f32 v37, v35;
	_ =	sdelay $0x1  }
0x178: {  	v27 =	vadd.f32 v28, v27;
	_ =	sdelay $0x1  }
0x179: {  	(xrf2) =	vadd.scan.msk.f32 $0xffff, v27;
	_ =	sdelay $0x2  }
0x17a: {  	s9 =	spop @!p0 (v2sf)  }
0x17b: {  	s9 =	sand.u32 @!p0 $0xFFFFF80, s9  }
0x17c: {  	s15 =	simm.s32 @!p0 $0x3600;
	s9 =	sadd.s32 @!p0 s1, s9  }
0x17d: {  	[tilespmem:s15], [sflag:$0x4] =	stream.strided.gather @!p0 [hbm4b:s9+s5], $0x1000, s6, s5, $0x38;
	[tilespmem:$0x10600] =	vst v63  }
0x17e: {  	s9 =	spop @!p0 (v2sf)  }
0x17f: {  	s9 =	sand.u32 @!p0 $0xFFFFF80, s9  }
0x180: {  	s15 =	simm.s32 @!p0 $0xB600;
	s9 =	sadd.s32 @!p0 s2, s9  }
0x181: {  	v27, _, _ =	vpop (xrf2);
	[tilespmem:s15], [sflag:$0xC] =	stream.strided.gather @!p0 [hbm4b:s9+s5], $0x1000, s6, s5, $0x38;
	[tilespmem:$0x10600] =	vst v63  }
0x182: {  	_ =	swait.ge [sflag:s22], $0x1000  }
0x183: {  	[sflag:s22] =	ssyncset.done $0x0  }
0x184: {  	[sflag:s22] =	ssyncadd.s32 $0xFFFFF000  }
0x185: {  	_ =	swait.ge [sflag:s0], $0x1000  }
0x186: {  	[sflag:s0] =	ssyncset.done $0x0;
	s9 =	rddreg [dreg:$0xf]  }
0x187: {  	[sflag:s0] =	ssyncadd.s32 $0xFFFFF000;
	s0 =	sand.u32 $0x7F, s9  }
0x188: {  	s15 =	rddreg [dreg:$0x15];
	v38 =	vor.u32 s0, v8;
	v29 =	vld @!p0 [tilespmem:s4+$0x10]  }
0x189: {  	s31 =	sand.u32 $0x7F, s15;
	v39 =	vor.u32 s0, v9  }
0x18a: {  	v40 =	vor.u32 s31, v8  }
0x18b: {  	v41 =	vor.u32 s31, v9  }
0x18c: {  	v33 =	vld @!p0 [tilespmem:s4+$0x210]  }
0x18d: {  	v28 =	vld.idx.msk [tilespmem:v38+s13+$0x0], $0xffff;
	(v2sf) =	vpush @!p0 v29, $0x4  }
0x18e: {  	v42 =	vld.idx.msk [tilespmem:v39+s13+$0x0], $0xffff  }
0x18f: {  	v43 =	vld.idx.msk [tilespmem:v40+s14+$0x0], $0xffff  }
0x190: {  	v44 =	vld.idx.msk [tilespmem:v41+s14+$0x0], $0xffff  }
0x191: {  	(v2sf) =	vpush @!p0 v33, $0x4;
	_ =	sdelay $0x3  }
0x192: {  	v28 =	vmul.f32 v43, v28;
	v29 =	vmul.f32 v44, v42;
	_ =	sdelay $0x1  }
0x193: {  	v28 =	vadd.f32 v29, v28;
	_ =	sdelay $0x1  }
0x194: {  	(xrf2) =	vadd.scan.msk.f32 $0xffff, v28;
	_ =	sdelay $0x2  }
0x195: {  	s0 =	spop @!p0 (v2sf)  }
0x196: {  	s0 =	sand.u32 @!p0 $0xFFFFF80, s0  }
0x197: {  	s9 =	simm.s32 @!p0 $0x4600;
	s0 =	sadd.s32 @!p0 s1, s0  }
0x198: {  	[tilespmem:s9], [sflag:$0x5] =	stream.strided.gather @!p0 [hbm4b:s0+s5], $0x1000, s6, s5, $0x38;
	[tilespmem:$0x10600] =	vst v63  }
0x199: {  	s0 =	spop @!p0 (v2sf)  }
0x19a: {  	s0 =	sand.u32 @!p0 $0xFFFFF80, s0  }
0x19b: {  	s9 =	simm.s32 @!p0 $0xC600;
	s0 =	sadd.s32 @!p0 s2, s0  }
0x19c: {  	v28, _, _ =	vpop (xrf2);
	[tilespmem:s9], [sflag:$0xD] =	stream.strided.gather @!p0 [hbm4b:s0+s5], $0x1000, s6, s5, $0x38;
	[tilespmem:$0x10600] =	vst v63  }
0x19d: {  	_ =	swait.ge [sflag:s23], $0x1000  }
0x19e: {  	[sflag:s23] =	ssyncset.done $0x0  }
0x19f: {  	[sflag:s23] =	ssyncadd.s32 $0xFFFFF000  }
0x1a0: {  	_ =	swait.ge [sflag:s3], $0x1000  }
0x1a1: {  	[sflag:s3] =	ssyncset.done $0x0  }
0x1a2: {  	[sflag:s3] =	ssyncadd.s32 $0xFFFFF000;
	s3 =	rddreg [dreg:$0x10]  }
0x1a3: {  	s0 =	sand.u32 $0x7F, s3  }
0x1a4: {  	s8 =	rddreg [dreg:$0x16];
	v30 =	vld @!p0 [tilespmem:s4+$0x10];
	v45 =	vor.u32 s0, v10  }
0x1a5: {  	s3 =	sand.u32 $0x7F, s8;
	v46 =	vor.u32 s0, v11  }
0x1a6: {  	v47 =	vor.u32 s3, v10  }
0x1a7: {  	v48 =	vor.u32 s3, v11  }
0x1a8: {  	v34 =	vld @!p0 [tilespmem:s4+$0x210]  }
0x1a9: {  	(v2sf) =	vpush @!p0 v30, $0x5;
	v29 =	vld.idx.msk [tilespmem:v45+s13+$0x0], $0xffff  }
0x1aa: {  	v49 =	vld.idx.msk [tilespmem:v46+s13+$0x0], $0xffff  }
0x1ab: {  	v50 =	vld.idx.msk [tilespmem:v47+s14+$0x0], $0xffff  }
0x1ac: {  	v51 =	vld.idx.msk [tilespmem:v48+s14+$0x0], $0xffff  }
0x1ad: {  	(v2sf) =	vpush @!p0 v34, $0x5;
	_ =	sdelay $0x3  }
0x1ae: {  	v29 =	vmul.f32 v50, v29;
	v30 =	vmul.f32 v51, v49;
	_ =	sdelay $0x1  }
0x1af: {  	v29 =	vadd.f32 v30, v29;
	_ =	sdelay $0x1  }
0x1b0: {  	(xrf2) =	vadd.scan.msk.f32 $0xffff, v29;
	_ =	sdelay $0x2  }
0x1b1: {  	s0 =	spop @!p0 (v2sf)  }
0x1b2: {  	s0 =	sand.u32 @!p0 $0xFFFFF80, s0  }
0x1b3: {  	s3 =	simm.s32 @!p0 $0x5600;
	s0 =	sadd.s32 @!p0 s1, s0  }
0x1b4: {  	[tilespmem:s3], [sflag:$0x6] =	stream.strided.gather @!p0 [hbm4b:s0+s5], $0x1000, s6, s5, $0x38;
	[tilespmem:$0x10600] =	vst v63  }
0x1b5: {  	s0 =	spop @!p0 (v2sf)  }
0x1b6: {  	s0 =	sand.u32 @!p0 $0xFFFFF80, s0  }
0x1b7: {  	s3 =	simm.s32 @!p0 $0xD600;
	s0 =	sadd.s32 @!p0 s2, s0  }
0x1b8: {  	v29, _, _ =	vpop (xrf2);
	[tilespmem:s3], [sflag:$0xE] =	stream.strided.gather @!p0 [hbm4b:s0+s5], $0x1000, s6, s5, $0x38;
	[tilespmem:$0x10600] =	vst v63  }
0x1b9: {  	_ =	swait.ge [sflag:s24], $0x1000  }
0x1ba: {  	[sflag:s24] =	ssyncset.done $0x0  }
0x1bb: {  	[sflag:s24] =	ssyncadd.s32 $0xFFFFF000  }
0x1bc: {  	_ =	swait.ge [sflag:s10], $0x1000  }
0x1bd: {  	[sflag:s10] =	ssyncset.done $0x0;
	s9 =	rddreg [dreg:$0x11]  }
0x1be: {  	[sflag:s10] =	ssyncadd.s32 $0xFFFFF000;
	s0 =	sand.u32 $0x7F, s9  }
0x1bf: {  	s10 =	rddreg [dreg:$0xc];
	v52 =	vor.u32 s0, v12;
	v31 =	vld @!p0 [tilespmem:s4+$0x10]  }
0x1c0: {  	v53 =	vor.u32 s0, v13;
	s0 =	sand.u32 $0x7F, s10  }
0x1c1: {  	v54 =	vor.u32 s0, v12  }
0x1c2: {  	v55 =	vor.u32 s0, v13  }
0x1c3: {  	v35 =	vld @!p0 [tilespmem:s4+$0x210]  }
0x1c4: {  	(v2sf) =	vpush @!p0 v31, $0x6;
	v30 =	vld.idx.msk [tilespmem:v52+s13+$0x0], $0xffff  }
0x1c5: {  	v56 =	vld.idx.msk [tilespmem:v53+s13+$0x0], $0xffff  }
0x1c6: {  	v57 =	vld.idx.msk [tilespmem:v54+s14+$0x0], $0xffff  }
0x1c7: {  	v58 =	vld.idx.msk [tilespmem:v55+s14+$0x0], $0xffff  }
0x1c8: {  	(v2sf) =	vpush @!p0 v35, $0x6;
	_ =	sdelay $0x3  }
0x1c9: {  	v30 =	vmul.f32 v57, v30;
	v31 =	vmul.f32 v58, v56;
	_ =	sdelay $0x1  }
0x1ca: {  	v30 =	vadd.f32 v31, v30;
	_ =	sdelay $0x1  }
0x1cb: {  	(xrf2) =	vadd.scan.msk.f32 $0xffff, v30;
	_ =	sdelay $0x2  }
0x1cc: {  	s0 =	spop @!p0 (v2sf)  }
0x1cd: {  	s0 =	sand.u32 @!p0 $0xFFFFF80, s0  }
0x1ce: {  	s3 =	simm.s32 @!p0 $0x6600;
	s0 =	sadd.s32 @!p0 s1, s0  }
0x1cf: {  	[tilespmem:s3], [sflag:$0x7] =	stream.strided.gather @!p0 [hbm4b:s0+s5], $0x1000, s6, s5, $0x38;
	[tilespmem:$0x10600] =	vst v63  }
0x1d0: {  	s0 =	spop @!p0 (v2sf)  }
0x1d1: {  	s0 =	sand.u32 @!p0 $0xFFFFF80, s0  }
0x1d2: {  	s3 =	simm.s32 @!p0 $0xE600;
	s0 =	sadd.s32 @!p0 s2, s0  }
0x1d3: {  	v30, _, _ =	vpop (xrf2);
	[tilespmem:s3], [sflag:$0xF] =	stream.strided.gather @!p0 [hbm4b:s0+s5], $0x1000, s6, s5, $0x38;
	[tilespmem:$0x10600] =	vst v63  }
0x1d4: {  	s15 =	sand.u32 $0x7F, s7;
	_ =	swait.ge [sflag:s28], $0x1000  }
0x1d5: {  	s31 =	sand.u32 $0x7F, s29;
	v59 =	vor.u32 s15, v14;
	[sflag:s28] =	ssyncset.done $0x0  }
0x1d6: {  	v60 =	vor.u32 s31, v14;
	[sflag:s28] =	ssyncadd.s32 $0xFFFFF000  }
0x1d7: {  	v61 =	vor.u32 s15, v15;
	_ =	swait.ge [sflag:s26], $0x1000  }
0x1d8: {  	v62 =	vor.u32 s31, v15;
	[sflag:s26] =	ssyncset.done $0x0  }
0x1d9: {  	[sflag:s26] =	ssyncadd.s32 $0xFFFFF000  }
0x1da: {  	v31 =	vld.idx.msk [tilespmem:v59+s13+$0x0], $0xffff  }
0x1db: {  	v32 =	vld.idx.msk [tilespmem:v60+s14+$0x0], $0xffff  }
0x1dc: {  	v33 =	vld.idx.msk [tilespmem:v61+s13+$0x0], $0xffff  }
0x1dd: {  	v34 =	vld.idx.msk [tilespmem:v62+s14+$0x0], $0xffff;
	_ =	sdelay $0x2  }
0x1de: {  	v16 =	vbroadcast v16, $0xF  }
0x1df: {  	v17 =	vbroadcast v17, $0xF;
	v18 =	vbroadcast v18, $0xF  }
0x1e0: {  	v31 =	vmul.f32 v32, v31;
	v63 =	vmul.f32 v34, v33  }
0x1e1: {  	v16 =	vsel vm0, v16, v17;
	v17 =	vbroadcast v19, $0xF  }
0x1e2: {  	v16 =	vsel vm1, v16, v18;
	v19 =	vbroadcast v20, $0xF;
	v18 =	vadd.f32 v63, v31  }
0x1e3: {  	v16 =	vsel vm2, v16, v17;
	v17 =	vbroadcast v21, $0xF  }
0x1e4: {  	v16 =	vsel vm3, v16, v19;
	(xrf2) =	vadd.scan.msk.f32 $0xffff, v18;
	v18 =	vbroadcast v22, $0xF  }
0x1e5: {  	v16 =	vsel vm4, v16, v17;
	v17 =	vbroadcast v23, $0xF  }
0x1e6: {  	v16 =	vsel vm5, v16, v18;
	v18 =	vbroadcast v24, $0xF  }
0x1e7: {  	v16 =	vsel vm6, v16, v17;
	v17 =	vbroadcast v25, $0xF  }
0x1e8: {  	v16 =	vsel vm7, v16, v18;
	v18 =	vbroadcast v26, $0xF  }
0x1e9: {  	v16 =	vsel vm8, v17, v16;
	v17 =	vbroadcast v27, $0xF  }
0x1ea: {  	v16 =	vsel vm9, v18, v16  }
0x1eb: {  	v18 =	vbroadcast v28, $0xF;
	v16 =	vsel vm10, v17, v16;
	v17 =	vbroadcast v29, $0xF  }
.Ltmp2:
0x1ec: {  	_ = 	snop;
	(pc) =	sbr.rel @p0 .LBB2_4-.Ltmp2, $4  }
0x1ed: {  	v16 =	vsel vm11, v18, v16;
	v18 =	vbroadcast v30, $0xF  }
0x1ee: {  	v16 =	vsel vm12, v17, v16  }
0x1ef: {  	v16 =	vsel vm13, v18, v16;
	v17, _, _ =	vpop (xrf2)  }
0x1f0: {  	s30 =	simm.s32 $0xF600;
	s17 =	simm.s32 $0x7600;
	v16 =	vsel vm14, v16, v17  }
0x1f1: {  	v17 =	vld [tilespmem:s21+$0x10];
	_ =	sdelay $0x1  }
0x1f2: {  	v18 =	vld [tilespmem:s21+$0x210];
	_ =	sdelay $0x2  }
0x1f3: {  	(v2sf) =	vpush v17, $0x7;
	_ =	sdelay $0x1  }
0x1f4: {  	(v2sf) =	vpush v18, $0x7;
	_ =	sdelay $0xc  }
0x1f5: {  	s0 =	spop (v2sf)  }
0x1f6: {  	s0 =	sand.u32 $0xFFFFF80, s0  }
0x1f7: {  	s29 =	spop (v2sf);
	s0 =	sadd.s32 s1, s0  }
0x1f8: {  	[tilespmem:s17], [sflag:$0x8] =	stream.strided.gather [hbm4b:s0+s11], $0x1000, s12, s11, $0x38;
	[tilespmem:$0x10600] =	vst v63  }
.Ltmp3:
0x1f9: {  	s0 =	sand.u32 $0xFFFFF80, s29;
	(pc) =	sbr.rel .LBB2_2-.Ltmp3, $4  }
0x1fa: {  	s31 =	rddreg [dreg:$0xb];
	s0 =	sadd.s32 s2, s0  }
0x1fb: {  	[tilespmem:s30], [sflag:$0x10] =	stream.strided.gather [hbm4b:s0+s11], $0x1000, s12, s11, $0x38;
	[tilespmem:$0x10600] =	vst v63  }
0x1fc: {  	s0 =	sadd.s32 $0x40, s31  }
0x1fd: {  	[tilespmem:s21+$0x400] =	vst v16;
	[dreg:$0xb] =	wrdreg s0  }
.LBB2_5:
0x1fe: {  	_ =	sfence.sel $0x180000  }
0x1ff: {  	[bflag:$0x0] =	sbarrier.arrive $0xFFFF  }
0x200: {  	_ =	strace $0x90000047  }
0x201: {  	s0 =	stileid.u32;
	[bflag:$0x2] =	sbarrier.arrive $0xFFFF  }
0x202: {  	p0 =	sne.s32 s0, $0x0;
	s0 =	rddreg [dreg:$0x5]  }
0x203: {  	s0 =	sadd.s32 @!p0 $0x100000, s0  }
0x204: {  	[sflag:s0] =	ssyncadd.tile.s32 @!p0 $0x1;
	_ =	shalt  }
.Lfunc_end2:
_tile_overlayer_lowered:
.L_overlay_start_2:
0x205: {  	(tag) =	ssettag $0x2  }
0x206: {  	s0 =	rddreg [dreg:$0x0];
	s2 =	stileid.u32  }
0x207: {  	s1 =	rddreg [dreg:$0x1];
	p0 =	sne.s32 s2, $0x0  }
0x208: {  	s3 =	rddreg [dreg:$0x2];
	[bflag:$0x3] =	sbarrier.arrive $0xFFFF;
	s2 =	simm.s32 @!p0 $0x1C11  }
0x209: {  	[timem:s3], [sflag:s2] =	dma.local @!p0 [hbm:s0], s1  }
0x20a: {  	s0 =	simm.s32 @!p0 $0x11  }
0x20b: {  	_ =	swait.ge @!p0 [sflag:s0], s1  }
0x20c: {  	s1 =	ssub.s32 @!p0 $0x0, s1;
	[sflag:s0] =	ssyncset.done @!p0 $0x0  }
0x20d: {  	[sflag:s0] =	ssyncadd.s32 @!p0 s1  }
0x20e: {  	[bflag:$0x3] =	sbarrier.arrive $0xFFFF  }
0x20f: {  	_ =	shalt  }

</sc_bundles>
